<compile_context>
chip_gen: v7x
topology: tpu7x:2x2x1
jax: 0.10.2.dev20260603
libtpu: 0.0.44.dev20260713+nightly
codegen_flags: <defaults>
</compile_context>

<pallas_src>
import functools

import jax
import jax.numpy as jnp
from jax import lax
from jax.experimental import pallas as pl
from jax.experimental.pallas import tpu as pltpu
from jax.experimental.pallas import tpu_sc as plsc

BATCH = 1024
MAXLEN = 200
EMBED = 64
EW = 32
LANES = 16

NUM_CORES = 2
NUM_SUBCORES = 16
NW = NUM_CORES * NUM_SUBCORES

NBG = BATCH // 128
NLQ = NW // NBG
LQ = MAXLEN // NLQ
LPG = 2
NG = LQ // LPG
TSTRIDE = 136
TMINOR = 273


def _make_body(eh0):
  nj = EW // LANES
  neh = EW // 8

  def _body(xt_hbm, tok_hbm, pos_hbm, t5_hbm,
            idx_v, pos_v, grows0, grows1, tbuf0, tbuf1,
            g0, g1, s0, s1):
    wid = lax.axis_index("s") * NUM_CORES + lax.axis_index("c")
    bg = wid % NBG
    lq = wid // NBG
    l0 = lq * LQ

    pltpu.sync_copy(xt_hbm.at[pl.ds(l0, LQ), pl.ds(bg * 128, 128)], idx_v)
    pltpu.sync_copy(pos_hbm.at[pl.ds(l0, LQ)], pos_v)

    grows = (grows0, grows1)
    tbufs = (tbuf0, tbuf1)
    gsem = (g0, g1)
    ssem = (s0, s1)

    iota = lax.iota(jnp.int32, LANES)
    e_idx = [iota + LANES * j for j in range(nj)]

    def start_gather(g, p):
      for s in range(LPG):
        pltpu.async_copy(
            tok_hbm.at[idx_v.at[g * LPG + s]],
            grows[p].at[pl.ds(128 * s, 128)], gsem[p])

    def wait_gather(p):
      pltpu.make_async_copy(
          tok_hbm.at[pl.ds(0, LPG * 128)], grows[p], gsem[p]).wait()

    def drain_stores(p):
      pltpu.make_async_copy(
          tok_hbm.at[pl.ds(0, LPG * 128)], grows[p], ssem[p]).wait()

    start_gather(0, 0)
    start_gather(1, 1)

    def step(g, p):
      wait_gather(p)

      @pl.when(g + 2 < NG)
      def _():
        start_gather(g + 2, p)

      @pl.when(g >= 2)
      def _():
        drain_stores(p)

      for s in range(LPG):
        i = g * LPG + s
        pvec = [pos_v[i, pl.ds(EW * eh0 // 8 + LANES * j, LANES)]
                for j in range(nj)]

        @plsc.parallel_loop(0, 128, 1, unroll=4)
        def _(b):
          bvec = jnp.full((LANES,), b, jnp.int32)
          for j in range(nj):
            val = grows[p][128 * s + b, pl.ds(LANES * j, LANES)] + pvec[j]
            plsc.store_scatter(tbufs[p], [e_idx[j], s * TSTRIDE + bvec], val)

        for eh in range(neh):
          pltpu.async_copy(
              tbufs[p].at[pl.ds(8 * eh, 8), pl.ds(TSTRIDE * s, 128)],
              t5_hbm.at[l0 + i, eh0 + eh, bg], ssem[p])

    def pair(gg, _):
      step(gg, 0)
      step(gg + 1, 1)
      return 0

    lax.fori_loop(0, NG // 2, lambda k, st: pair(k * 2, st), 0, unroll=False)
    step(NG - 1, 0)
    drain_stores(1)
    drain_stores(0)

  return _body


def _scratch_types():
  return [
      pltpu.VMEM((LQ, 128), jnp.int32),
      pltpu.VMEM((LQ, EMBED), jnp.float32),
      pltpu.VMEM((LPG * 128, EW), jnp.float32),
      pltpu.VMEM((LPG * 128, EW), jnp.float32),
      pltpu.VMEM((EW, TMINOR), jnp.float32),
      pltpu.VMEM((EW, TMINOR), jnp.float32),
      pltpu.SemaphoreType.DMA,
      pltpu.SemaphoreType.DMA,
      pltpu.SemaphoreType.DMA,
      pltpu.SemaphoreType.DMA,
  ]


_PARAMS = pltpu.CompilerParams(
    use_tc_tiling_on_sc=False, needs_layout_passes=False)


@jax.jit
def _tok_pos_embed(xt, token_table, pos_table):
  mesh = plsc.VectorSubcoreMesh(core_axis_name="c", subcore_axis_name="s")
  kern_lo = functools.partial(
      pl.kernel,
      out_type=jax.ShapeDtypeStruct((MAXLEN, 8, NBG, 8, 128), jnp.float32),
      mesh=mesh, scratch_types=_scratch_types(), compiler_params=_PARAMS,
  )(_make_body(0))
  kern_hi = functools.partial(
      pl.kernel,
      out_type=(),
      mesh=mesh, scratch_types=_scratch_types(), compiler_params=_PARAMS,
  )(_make_body(EW // 8))

  tok_lo = token_table[:, :EW]
  tok_hi = token_table[:, EW:]
  t5 = kern_lo(xt, tok_lo, pos_table)
  t5_ref = jax.new_ref(t5)
  kern_hi(xt, tok_hi, pos_table, t5_ref)
  return t5_ref[...]


def kernel(x, token_table, pos_table):
  t5 = _tok_pos_embed(x.T.astype(jnp.int32), token_table, pos_table)
  return t5.transpose(2, 4, 0, 1, 3).reshape(BATCH, MAXLEN, EMBED)

# --- scband reference (transcript-rebuilt; emitter-appended) ---
"""Pipeline reference for scband-token-and-position-embedding-69406671504017 (READ-ONLY COPY).

The authoritative reference and input builder live on the scoring server;
editing this copy changes nothing except your own understanding.
"""

import jax, jax.numpy as jnp
import numpy as np

MAXLEN = 200
VOCAB_SIZE = 100000
EMBED_DIM = 64
BATCH = 1024

def setup_inputs(seed: int = 0) -> dict:
    key = jax.random.key(seed)
    k1, k2, k3 = jax.random.split(key, 3)
    x = jax.random.randint(k1, (BATCH, MAXLEN), 0, VOCAB_SIZE, dtype=jnp.int64 if jax.config.jax_enable_x64 else jnp.int32)
    token_table = jax.random.normal(k2, (VOCAB_SIZE, EMBED_DIM), dtype=jnp.float32) * 0.05
    pos_table = jax.random.normal(k3, (MAXLEN, EMBED_DIM), dtype=jnp.float32) * 0.05
    return {"x": x, "token_table": token_table, "pos_table": pos_table}

def reference(x, token_table, pos_table):
    # token embedding lookup: gather rows from the token table
    tok = jnp.take(token_table, x, axis=0)            # [B, L, D]
    # position embedding: positions 0..L-1 gathered from pos table
    positions = jnp.arange(x.shape[-1])
    pos = jnp.take(pos_table, positions, axis=0)      # [L, D]
    return tok + pos[None, :, :]

if __name__ == "__main__":
    import jax
    _d = setup_inputs()
    print(jax.jit(kernel)(*tuple(_d.values())))

</pallas_src>

<mosaic_0001>
#map = affine_map<(d0, d1) -> (0, 0)>
#map1 = affine_map<(d0, d1) -> (0, 0, 0, 0, 0)>
module attributes {stable_mosaic.version = 14 : i64} {
  func.func @_body(%arg0: i32, %arg1: i32, %arg2: memref<200x1024xi32, #tpu.memory_space<hbm>>, %arg3: memref<100000x32xf32, #tpu.memory_space<hbm>>, %arg4: memref<200x64xf32, #tpu.memory_space<hbm>>, %arg5: memref<200x8x8x8x128xf32, #tpu.memory_space<hbm>>, %arg6: memref<50x128xi32, #tpu.memory_space<vmem>>, %arg7: memref<50x64xf32, #tpu.memory_space<vmem>>, %arg8: memref<256x32xf32, #tpu.memory_space<vmem>>, %arg9: memref<256x32xf32, #tpu.memory_space<vmem>>, %arg10: memref<32x273xf32, #tpu.memory_space<vmem>>, %arg11: memref<32x273xf32, #tpu.memory_space<vmem>>, %arg12: memref<!tpu.dma_semaphore, #tpu.memory_space<semaphore_mem>>, %arg13: memref<!tpu.dma_semaphore, #tpu.memory_space<semaphore_mem>>, %arg14: memref<!tpu.dma_semaphore, #tpu.memory_space<semaphore_mem>>, %arg15: memref<!tpu.dma_semaphore, #tpu.memory_space<semaphore_mem>>) attributes {dimension_semantics = [#tpu.dimension_semantics<core_parallel>, #tpu.dimension_semantics<subcore_parallel>], iteration_bounds = array<i64: 2, 16>, scalar_prefetch = 0 : i64, scratch_operands = 10 : i64, tpu.core_type = #tpu.core_type<sc_vector_subcore>, window_params = [{transform_indices = #map}, {transform_indices = #map}, {transform_indices = #map}, {transform_indices = #map1}]} {
    %mul3A = arith.constant 2 : i32
    %mul3A_0 = arith.muli %arg1, %mul3A : i32
    %add3A = arith.addi %mul3A_0, %arg0 : i32
    %jit3A = arith.constant 8 : i32
    %eq3A = arith.constant 0 : i32
    %eq3A_1 = arith.cmpi eq, %jit3A, %eq3A : i32
    %jit3A_2 = arith.constant 1 : i32
    %select_n3A = arith.select %eq3A_1, %jit3A_2, %jit3A : i32
    %rem3A = arith.remsi %add3A, %select_n3A : i32
    %ne3A = arith.constant 0 : i32
    %ne3A_3 = arith.cmpi ne, %rem3A, %ne3A : i32
    %lt3A = arith.constant 0 : i32
    %lt3A_4 = arith.cmpi slt, %rem3A, %lt3A : i32
    %lt3A_5 = arith.constant 0 : i32
    %lt3A_6 = arith.cmpi slt, %select_n3A, %lt3A_5 : i32
    %ne3A_7 = arith.xori %lt3A_4, %lt3A_6 : i1
    %and3A = arith.andi %ne3A_7, %ne3A_3 : i1
    %add3A_8 = arith.addi %rem3A, %select_n3A : i32
    %select_n3A_9 = arith.select %and3A, %add3A_8, %rem3A : i32
    %jit3A_10 = arith.constant 8 : i32
    %div3A = arith.divsi %add3A, %jit3A_10 : i32
    %sign3A = arith.constant 0 : i32
    %sign3A_11 = arith.cmpi sgt, %add3A, %sign3A : i32
    %sign3A_12 = arith.extui %sign3A_11 : i1 to i32
    %sign3A_13 = arith.constant 0 : i32
    %sign3A_14 = arith.cmpi slt, %add3A, %sign3A_13 : i32
    %sign3A_15 = arith.extui %sign3A_14 : i1 to i32
    %sign3A_16 = arith.subi %sign3A_12, %sign3A_15 : i32
    %sign3A_17 = arith.constant 0 : i32
    %sign3A_18 = arith.cmpi sgt, %jit3A_10, %sign3A_17 : i32
    %sign3A_19 = arith.extui %sign3A_18 : i1 to i32
    %sign3A_20 = arith.constant 0 : i32
    %sign3A_21 = arith.cmpi slt, %jit3A_10, %sign3A_20 : i32
    %sign3A_22 = arith.extui %sign3A_21 : i1 to i32
    %sign3A_23 = arith.subi %sign3A_19, %sign3A_22 : i32
    %ne3A_24 = arith.cmpi ne, %sign3A_16, %sign3A_23 : i32
    %rem3A_25 = arith.remsi %add3A, %jit3A_10 : i32
    %ne3A_26 = arith.constant 0 : i32
    %ne3A_27 = arith.cmpi ne, %rem3A_25, %ne3A_26 : i32
    %and3A_28 = arith.andi %ne3A_24, %ne3A_27 : i1
    %sub3A = arith.constant 1 : i32
    %sub3A_29 = arith.subi %div3A, %sub3A : i32
    %select_n3A_30 = arith.select %and3A_28, %sub3A_29, %div3A : i32
    %mul3A_31 = arith.constant 50 : i32
    %mul3A_32 = arith.muli %select_n3A_30, %mul3A_31 : i32
    %mul3A_33 = arith.constant 128 : i32
    %mul3A_34 = arith.muli %select_n3A_9, %mul3A_33 : i32
    "tpu.region"() ({
      %run_scoped3A = tpu.sem_alloc : memref<!tpu.dma_semaphore, #tpu.memory_space<semaphore_mem>>
      %dma_start3A_265 = tpu.memref_slice %arg2[%mul3A_32, %mul3A_34] : memref<200x1024xi32, #tpu.memory_space<hbm>> -> memref<50x128xi32, #tpu.memory_space<hbm>>
      %dma_start3A_266 = tpu.memref_slice %arg2[%mul3A_32, %mul3A_34] : memref<200x1024xi32, #tpu.memory_space<hbm>> -> memref<50x128xi32, #tpu.memory_space<hbm>>
      tpu.enqueue_dma source(%dma_start3A_266 : memref<50x128xi32, #tpu.memory_space<hbm>>) target(%arg6 : memref<50x128xi32, #tpu.memory_space<vmem>>) target_semaphore(%run_scoped3A : memref<!tpu.dma_semaphore, #tpu.memory_space<semaphore_mem>>)
      %dma_wait3A_267 = tpu.memref_slice %arg2[%mul3A_32, %mul3A_34] : memref<200x1024xi32, #tpu.memory_space<hbm>> -> memref<50x128xi32, #tpu.memory_space<hbm>>
      %dma_wait3A_268 = tpu.memref_slice %arg2[%mul3A_32, %mul3A_34] : memref<200x1024xi32, #tpu.memory_space<hbm>> -> memref<50x128xi32, #tpu.memory_space<hbm>>
      tpu.wait_dma2 semaphore(%run_scoped3A : memref<!tpu.dma_semaphore, #tpu.memory_space<semaphore_mem>>) src(%dma_wait3A_268 : memref<50x128xi32, #tpu.memory_space<hbm>>) dst(%arg6 : memref<50x128xi32, #tpu.memory_space<vmem>>)
      tpu.yield
    }) : () -> ()
    "tpu.region"() ({
      %run_scoped3A = tpu.sem_alloc : memref<!tpu.dma_semaphore, #tpu.memory_space<semaphore_mem>>
      %dma_start3A_265 = arith.constant 0 : i32
      %dma_start3A_266 = tpu.memref_slice %arg4[%mul3A_32, %dma_start3A_265] : memref<200x64xf32, #tpu.memory_space<hbm>> -> memref<50x64xf32, #tpu.memory_space<hbm>>
      %dma_start3A_267 = arith.constant 0 : i32
      %dma_start3A_268 = tpu.memref_slice %arg4[%mul3A_32, %dma_start3A_267] : memref<200x64xf32, #tpu.memory_space<hbm>> -> memref<50x64xf32, #tpu.memory_space<hbm>>
      tpu.enqueue_dma source(%dma_start3A_268 : memref<50x64xf32, #tpu.memory_space<hbm>>) target(%arg7 : memref<50x64xf32, #tpu.memory_space<vmem>>) target_semaphore(%run_scoped3A : memref<!tpu.dma_semaphore, #tpu.memory_space<semaphore_mem>>)
      %dma_wait3A_269 = arith.constant 0 : i32
      %dma_wait3A_270 = tpu.memref_slice %arg4[%mul3A_32, %dma_wait3A_269] : memref<200x64xf32, #tpu.memory_space<hbm>> -> memref<50x64xf32, #tpu.memory_space<hbm>>
      %dma_wait3A_271 = arith.constant 0 : i32
      %dma_wait3A_272 = tpu.memref_slice %arg4[%mul3A_32, %dma_wait3A_271] : memref<200x64xf32, #tpu.memory_space<hbm>> -> memref<50x64xf32, #tpu.memory_space<hbm>>
      tpu.wait_dma2 semaphore(%run_scoped3A : memref<!tpu.dma_semaphore, #tpu.memory_space<semaphore_mem>>) src(%dma_wait3A_272 : memref<50x64xf32, #tpu.memory_space<hbm>>) dst(%arg7 : memref<50x64xf32, #tpu.memory_space<vmem>>)
      tpu.yield
    }) : () -> ()
    %iota3A = tpu.iota {dimensions = array<i32: 0>} : vector<16xi32>
    %add3A_35 = arith.constant 0 : i32
    %add3A_36 = vector.broadcast %add3A_35 : i32 to vector<16xi32>
    %add3A_37 = arith.addi %iota3A, %add3A_36 : vector<16xi32>
    %add3A_38 = arith.constant 16 : i32
    %add3A_39 = vector.broadcast %add3A_38 : i32 to vector<16xi32>
    %add3A_40 = arith.addi %iota3A, %add3A_39 : vector<16xi32>
    %dma_start3A = arith.constant 0 : i32
    %dma_start3A_41 = arith.constant 0 : i32
    %dma_start3A_42 = arith.constant 0 : i32
    %dma_start3A_43 = tpu.memref_slice %arg8[%dma_start3A_41, %dma_start3A_42] : memref<256x32xf32, #tpu.memory_space<vmem>> -> memref<128x32xf32, #tpu.memory_space<vmem>>
    %dma_start3A_44 = arith.constant 0 : i32
    %dma_start3A_45 = tpu.memref_slice %arg6[%dma_start3A, %dma_start3A_44] : memref<50x128xi32, #tpu.memory_space<vmem>> -> memref<1x128xi32, #tpu.memory_space<vmem>>
    %dma_start3A_46 = tpu.memref_squeeze %dma_start3A_45 : memref<1x128xi32, #tpu.memory_space<vmem>> -> memref<128xi32, #tpu.memory_space<vmem>>
    %dma_start3A_47 = arith.constant 0 : i32
    %dma_start3A_48 = arith.constant 0 : i32
    %dma_start3A_49 = tpu.memref_slice %arg3[%dma_start3A_47, %dma_start3A_48] : memref<100000x32xf32, #tpu.memory_space<hbm>> -> memref<100000x32xf32, #tpu.memory_space<hbm>>
    tpu.enqueue_indirect_dma source(%dma_start3A_49 : memref<100000x32xf32, #tpu.memory_space<hbm>>) target(%dma_start3A_43 : memref<128x32xf32, #tpu.memory_space<vmem>>) offsets(%dma_start3A_46 : memref<128xi32, #tpu.memory_space<vmem>>) semaphore(%arg12 : memref<!tpu.dma_semaphore, #tpu.memory_space<semaphore_mem>>)
    %dma_start3A_50 = arith.constant 1 : i32
    %dma_start3A_51 = arith.constant 128 : i32
    %dma_start3A_52 = arith.constant 0 : i32
    %dma_start3A_53 = tpu.memref_slice %arg8[%dma_start3A_51, %dma_start3A_52] : memref<256x32xf32, #tpu.memory_space<vmem>> -> memref<128x32xf32, #tpu.memory_space<vmem>>
    %dma_start3A_54 = arith.constant 0 : i32
    %dma_start3A_55 = tpu.memref_slice %arg6[%dma_start3A_50, %dma_start3A_54] : memref<50x128xi32, #tpu.memory_space<vmem>> -> memref<1x128xi32, #tpu.memory_space<vmem>>
    %dma_start3A_56 = tpu.memref_squeeze %dma_start3A_55 : memref<1x128xi32, #tpu.memory_space<vmem>> -> memref<128xi32, #tpu.memory_space<vmem>>
    %dma_start3A_57 = arith.constant 0 : i32
    %dma_start3A_58 = arith.constant 0 : i32
    %dma_start3A_59 = tpu.memref_slice %arg3[%dma_start3A_57, %dma_start3A_58] : memref<100000x32xf32, #tpu.memory_space<hbm>> -> memref<100000x32xf32, #tpu.memory_space<hbm>>
    tpu.enqueue_indirect_dma source(%dma_start3A_59 : memref<100000x32xf32, #tpu.memory_space<hbm>>) target(%dma_start3A_53 : memref<128x32xf32, #tpu.memory_space<vmem>>) offsets(%dma_start3A_56 : memref<128xi32, #tpu.memory_space<vmem>>) semaphore(%arg12 : memref<!tpu.dma_semaphore, #tpu.memory_space<semaphore_mem>>)
    %dma_start3A_60 = arith.constant 2 : i32
    %dma_start3A_61 = arith.constant 0 : i32
    %dma_start3A_62 = arith.constant 0 : i32
    %dma_start3A_63 = tpu.memref_slice %arg9[%dma_start3A_61, %dma_start3A_62] : memref<256x32xf32, #tpu.memory_space<vmem>> -> memref<128x32xf32, #tpu.memory_space<vmem>>
    %dma_start3A_64 = arith.constant 0 : i32
    %dma_start3A_65 = tpu.memref_slice %arg6[%dma_start3A_60, %dma_start3A_64] : memref<50x128xi32, #tpu.memory_space<vmem>> -> memref<1x128xi32, #tpu.memory_space<vmem>>
    %dma_start3A_66 = tpu.memref_squeeze %dma_start3A_65 : memref<1x128xi32, #tpu.memory_space<vmem>> -> memref<128xi32, #tpu.memory_space<vmem>>
    %dma_start3A_67 = arith.constant 0 : i32
    %dma_start3A_68 = arith.constant 0 : i32
    %dma_start3A_69 = tpu.memref_slice %arg3[%dma_start3A_67, %dma_start3A_68] : memref<100000x32xf32, #tpu.memory_space<hbm>> -> memref<100000x32xf32, #tpu.memory_space<hbm>>
    tpu.enqueue_indirect_dma source(%dma_start3A_69 : memref<100000x32xf32, #tpu.memory_space<hbm>>) target(%dma_start3A_63 : memref<128x32xf32, #tpu.memory_space<vmem>>) offsets(%dma_start3A_66 : memref<128xi32, #tpu.memory_space<vmem>>) semaphore(%arg13 : memref<!tpu.dma_semaphore, #tpu.memory_space<semaphore_mem>>)
    %dma_start3A_70 = arith.constant 3 : i32
    %dma_start3A_71 = arith.constant 128 : i32
    %dma_start3A_72 = arith.constant 0 : i32
    %dma_start3A_73 = tpu.memref_slice %arg9[%dma_start3A_71, %dma_start3A_72] : memref<256x32xf32, #tpu.memory_space<vmem>> -> memref<128x32xf32, #tpu.memory_space<vmem>>
    %dma_start3A_74 = arith.constant 0 : i32
    %dma_start3A_75 = tpu.memref_slice %arg6[%dma_start3A_70, %dma_start3A_74] : memref<50x128xi32, #tpu.memory_space<vmem>> -> memref<1x128xi32, #tpu.memory_space<vmem>>
    %dma_start3A_76 = tpu.memref_squeeze %dma_start3A_75 : memref<1x128xi32, #tpu.memory_space<vmem>> -> memref<128xi32, #tpu.memory_space<vmem>>
    %dma_start3A_77 = arith.constant 0 : i32
    %dma_start3A_78 = arith.constant 0 : i32
    %dma_start3A_79 = tpu.memref_slice %arg3[%dma_start3A_77, %dma_start3A_78] : memref<100000x32xf32, #tpu.memory_space<hbm>> -> memref<100000x32xf32, #tpu.memory_space<hbm>>
    tpu.enqueue_indirect_dma source(%dma_start3A_79 : memref<100000x32xf32, #tpu.memory_space<hbm>>) target(%dma_start3A_73 : memref<128x32xf32, #tpu.memory_space<vmem>>) offsets(%dma_start3A_76 : memref<128xi32, #tpu.memory_space<vmem>>) semaphore(%arg13 : memref<!tpu.dma_semaphore, #tpu.memory_space<semaphore_mem>>)
    %scan3A = arith.constant 0 : i32
    %scan3A_80 = arith.constant 0 : i32
    %scan3A_81 = arith.constant 12 : i32
    %scan3A_82 = arith.addi %scan3A_80, %scan3A_81 : i32
    %scan3A_83 = arith.constant 1 : i32
    %scan3A_84 = scf.for %scan3A_265 = %scan3A_80 to %scan3A_82 step %scan3A_83 iter_args(%scan3A_266 = %scan3A) -> (i32)  : i32 {
      %mul3A_267 = arith.constant 2 : i32
      %mul3A_268 = arith.muli %scan3A_265, %mul3A_267 : i32
      %dma_wait3A_269 = arith.constant 0 : i32
      %dma_wait3A_270 = arith.constant 0 : i32
      %dma_wait3A_271 = tpu.memref_slice %arg3[%dma_wait3A_269, %dma_wait3A_270] : memref<100000x32xf32, #tpu.memory_space<hbm>> -> memref<256x32xf32, #tpu.memory_space<hbm>>
      %dma_wait3A_272 = arith.constant 0 : i32
      %dma_wait3A_273 = arith.constant 0 : i32
      %dma_wait3A_274 = tpu.memref_slice %arg3[%dma_wait3A_272, %dma_wait3A_273] : memref<100000x32xf32, #tpu.memory_space<hbm>> -> memref<256x32xf32, #tpu.memory_space<hbm>>
      tpu.wait_dma2 semaphore(%arg12 : memref<!tpu.dma_semaphore, #tpu.memory_space<semaphore_mem>>) src(%dma_wait3A_274 : memref<256x32xf32, #tpu.memory_space<hbm>>) dst(%arg8 : memref<256x32xf32, #tpu.memory_space<vmem>>)
      %add3A_275 = arith.constant 2 : i32
      %add3A_276 = arith.addi %mul3A_268, %add3A_275 : i32
      %lt3A_277 = arith.constant 25 : i32
      %lt3A_278 = arith.cmpi slt, %add3A_276, %lt3A_277 : i32
      %convert_element_type3A = arith.extui %lt3A_278 : i1 to i32
      %cond3A = arith.constant 0 : i32
      %cond3A_279 = arith.cmpi ne, %convert_element_type3A, %cond3A : i32
      scf.if %cond3A_279 {
        %add3A_613 = arith.constant 2 : i32
        %add3A_614 = arith.addi %mul3A_268, %add3A_613 : i32
        %mul3A_615 = arith.constant 2 : i32
        %mul3A_616 = arith.muli %add3A_614, %mul3A_615 : i32
        %add3A_617 = arith.constant 0 : i32
        %add3A_618 = arith.addi %mul3A_616, %add3A_617 : i32
        %dma_start3A_619 = arith.constant 0 : i32
        %dma_start3A_620 = arith.constant 0 : i32
        %dma_start3A_621 = tpu.memref_slice %arg8[%dma_start3A_619, %dma_start3A_620] : memref<256x32xf32, #tpu.memory_space<vmem>> -> memref<128x32xf32, #tpu.memory_space<vmem>>
        %dma_start3A_622 = arith.constant 0 : i32
        %dma_start3A_623 = tpu.memref_slice %arg6[%add3A_618, %dma_start3A_622] : memref<50x128xi32, #tpu.memory_space<vmem>> -> memref<1x128xi32, #tpu.memory_space<vmem>>
        %dma_start3A_624 = tpu.memref_squeeze %dma_start3A_623 : memref<1x128xi32, #tpu.memory_space<vmem>> -> memref<128xi32, #tpu.memory_space<vmem>>
        %dma_start3A_625 = arith.constant 0 : i32
        %dma_start3A_626 = arith.constant 0 : i32
        %dma_start3A_627 = tpu.memref_slice %arg3[%dma_start3A_625, %dma_start3A_626] : memref<100000x32xf32, #tpu.memory_space<hbm>> -> memref<100000x32xf32, #tpu.memory_space<hbm>>
        tpu.enqueue_indirect_dma source(%dma_start3A_627 : memref<100000x32xf32, #tpu.memory_space<hbm>>) target(%dma_start3A_621 : memref<128x32xf32, #tpu.memory_space<vmem>>) offsets(%dma_start3A_624 : memref<128xi32, #tpu.memory_space<vmem>>) semaphore(%arg12 : memref<!tpu.dma_semaphore, #tpu.memory_space<semaphore_mem>>)
        %mul3A_628 = arith.constant 2 : i32
        %mul3A_629 = arith.muli %add3A_614, %mul3A_628 : i32
        %add3A_630 = arith.constant 1 : i32
        %add3A_631 = arith.addi %mul3A_629, %add3A_630 : i32
        %dma_start3A_632 = arith.constant 128 : i32
        %dma_start3A_633 = arith.constant 0 : i32
        %dma_start3A_634 = tpu.memref_slice %arg8[%dma_start3A_632, %dma_start3A_633] : memref<256x32xf32, #tpu.memory_space<vmem>> -> memref<128x32xf32, #tpu.memory_space<vmem>>
        %dma_start3A_635 = arith.constant 0 : i32
        %dma_start3A_636 = tpu.memref_slice %arg6[%add3A_631, %dma_start3A_635] : memref<50x128xi32, #tpu.memory_space<vmem>> -> memref<1x128xi32, #tpu.memory_space<vmem>>
        %dma_start3A_637 = tpu.memref_squeeze %dma_start3A_636 : memref<1x128xi32, #tpu.memory_space<vmem>> -> memref<128xi32, #tpu.memory_space<vmem>>
        %dma_start3A_638 = arith.constant 0 : i32
        %dma_start3A_639 = arith.constant 0 : i32
        %dma_start3A_640 = tpu.memref_slice %arg3[%dma_start3A_638, %dma_start3A_639] : memref<100000x32xf32, #tpu.memory_space<hbm>> -> memref<100000x32xf32, #tpu.memory_space<hbm>>
        tpu.enqueue_indirect_dma source(%dma_start3A_640 : memref<100000x32xf32, #tpu.memory_space<hbm>>) target(%dma_start3A_634 : memref<128x32xf32, #tpu.memory_space<vmem>>) offsets(%dma_start3A_637 : memref<128xi32, #tpu.memory_space<vmem>>) semaphore(%arg12 : memref<!tpu.dma_semaphore, #tpu.memory_space<semaphore_mem>>)
      } else {
      }
      %ge3A = arith.constant 2 : i32
      %ge3A_280 = arith.cmpi sge, %mul3A_268, %ge3A : i32
      %convert_element_type3A_281 = arith.extui %ge3A_280 : i1 to i32
      %cond3A_282 = arith.constant 0 : i32
      %cond3A_283 = arith.cmpi ne, %convert_element_type3A_281, %cond3A_282 : i32
      scf.if %cond3A_283 {
        %dma_wait3A_613 = arith.constant 0 : i32
        %dma_wait3A_614 = arith.constant 0 : i32
        %dma_wait3A_615 = tpu.memref_slice %arg3[%dma_wait3A_613, %dma_wait3A_614] : memref<100000x32xf32, #tpu.memory_space<hbm>> -> memref<256x32xf32, #tpu.memory_space<hbm>>
        %dma_wait3A_616 = arith.constant 0 : i32
        %dma_wait3A_617 = arith.constant 0 : i32
        %dma_wait3A_618 = tpu.memref_slice %arg3[%dma_wait3A_616, %dma_wait3A_617] : memref<100000x32xf32, #tpu.memory_space<hbm>> -> memref<256x32xf32, #tpu.memory_space<hbm>>
        tpu.wait_dma2 semaphore(%arg14 : memref<!tpu.dma_semaphore, #tpu.memory_space<semaphore_mem>>) src(%dma_wait3A_618 : memref<256x32xf32, #tpu.memory_space<hbm>>) dst(%arg8 : memref<256x32xf32, #tpu.memory_space<vmem>>)
      } else {
      }
      %mul3A_284 = arith.constant 2 : i32
      %mul3A_285 = arith.muli %mul3A_268, %mul3A_284 : i32
      %add3A_286 = arith.constant 0 : i32
      %add3A_287 = arith.addi %mul3A_285, %add3A_286 : i32
      %get3A_288 = arith.index_cast %add3A_287 : i32 to index
      %get3A_289 = arith.constant 0 : index
      %get3A_290 = tpu.vector_load %arg7[%get3A_288, %get3A_289] {strides = array<i32>} : memref<50x64xf32, #tpu.memory_space<vmem>>, vector<16xf32>,
      %get3A_291 = arith.index_cast %add3A_287 : i32 to index
      %get3A_292 = arith.constant 16 : index
      %get3A_293 = tpu.vector_load %arg7[%get3A_291, %get3A_292] {strides = array<i32>} : memref<50x64xf32, #tpu.memory_space<vmem>>, vector<16xf32>,
      %parallel_loop3A_294 = arith.constant 0 : i32
      %parallel_loop3A_295 = arith.constant 128 : i32
      %parallel_loop3A_296 = arith.constant 1 : i32
      scf.for %parallel_loop3A_613 = %parallel_loop3A_294 to %parallel_loop3A_295 step %parallel_loop3A_296  : i32 {
        %parallel_loop3A_614 = vector.broadcast %parallel_loop3A_613 : i32 to vector<16xi32>
        %parallel_loop3A_615 = arith.constant 0 : i32
        %parallel_loop3A_616 = arith.addi %parallel_loop3A_615, %parallel_loop3A_613 : i32
        %parallel_loop3A_617 = arith.index_cast %parallel_loop3A_616 : i32 to index
        %parallel_loop3A_618 = arith.constant 0 : index
        %parallel_loop3A_619 = tpu.vector_load %arg8[%parallel_loop3A_617, %parallel_loop3A_618] {strides = array<i32>} : memref<256x32xf32, #tpu.memory_space<vmem>>, vector<16xf32>,
        %parallel_loop3A_620 = arith.addf %parallel_loop3A_619, %get3A_290 : vector<16xf32>
        %parallel_loop3A_621 = arith.constant 0 : i32
        %parallel_loop3A_622 = vector.broadcast %parallel_loop3A_621 : i32 to vector<16xi32>
        %parallel_loop3A_623 = arith.addi %parallel_loop3A_622, %parallel_loop3A_614 : vector<16xi32>
        tpu.vector_store_idx %arg10[%add3A_37, %parallel_loop3A_623], %parallel_loop3A_620 : memref<32x273xf32, #tpu.memory_space<vmem>>[vector<16xi32>, vector<16xi32>], vector<16xf32>,
        %parallel_loop3A_624 = arith.constant 0 : i32
        %parallel_loop3A_625 = arith.addi %parallel_loop3A_624, %parallel_loop3A_613 : i32
        %parallel_loop3A_626 = arith.index_cast %parallel_loop3A_625 : i32 to index
        %parallel_loop3A_627 = arith.constant 16 : index
        %parallel_loop3A_628 = tpu.vector_load %arg8[%parallel_loop3A_626, %parallel_loop3A_627] {strides = array<i32>} : memref<256x32xf32, #tpu.memory_space<vmem>>, vector<16xf32>,
        %parallel_loop3A_629 = arith.addf %parallel_loop3A_628, %get3A_293 : vector<16xf32>
        %parallel_loop3A_630 = arith.constant 0 : i32
        %parallel_loop3A_631 = vector.broadcast %parallel_loop3A_630 : i32 to vector<16xi32>
        %parallel_loop3A_632 = arith.addi %parallel_loop3A_631, %parallel_loop3A_614 : vector<16xi32>
        tpu.vector_store_idx %arg10[%add3A_40, %parallel_loop3A_632], %parallel_loop3A_629 : memref<32x273xf32, #tpu.memory_space<vmem>>[vector<16xi32>, vector<16xi32>], vector<16xf32>,
      } {sc.loop_unroll_factor = 4 : i64, sc.parallel_access}
      %add3A_297 = arith.addi %mul3A_32, %add3A_287 : i32
      %dma_start3A_298 = arith.constant 0 : i32
      %dma_start3A_299 = arith.constant 0 : i32
      %dma_start3A_300 = arith.constant 0 : i32
      %dma_start3A_301 = tpu.memref_slice %arg10[%dma_start3A_299, %dma_start3A_300] : memref<32x273xf32, #tpu.memory_space<vmem>> -> memref<8x128xf32, #tpu.memory_space<vmem>>
      %dma_start3A_302 = arith.constant 0 : i32
      %dma_start3A_303 = arith.constant 0 : i32
      %dma_start3A_304 = tpu.memref_slice %arg5[%add3A_297, %dma_start3A_298, %select_n3A_9, %dma_start3A_302, %dma_start3A_303] : memref<200x8x8x8x128xf32, #tpu.memory_space<hbm>> -> memref<1x1x1x8x128xf32, #tpu.memory_space<hbm>>
      %dma_start3A_305 = tpu.memref_squeeze %dma_start3A_304 : memref<1x1x1x8x128xf32, #tpu.memory_space<hbm>> -> memref<8x128xf32, #tpu.memory_space<hbm>>
      %dma_start3A_306 = arith.constant 0 : i32
      %dma_start3A_307 = arith.constant 0 : i32
      %dma_start3A_308 = tpu.memref_slice %arg5[%add3A_297, %dma_start3A_298, %select_n3A_9, %dma_start3A_306, %dma_start3A_307] : memref<200x8x8x8x128xf32, #tpu.memory_space<hbm>> -> memref<1x1x1x8x128xf32, #tpu.memory_space<hbm>>
      %dma_start3A_309 = tpu.memref_squeeze %dma_start3A_308 : memref<1x1x1x8x128xf32, #tpu.memory_space<hbm>> -> memref<8x128xf32, #tpu.memory_space<hbm>>
      %dma_start3A_310 = arith.constant 0 : i32
      %dma_start3A_311 = arith.constant 0 : i32
      %dma_start3A_312 = tpu.memref_slice %arg10[%dma_start3A_310, %dma_start3A_311] : memref<32x273xf32, #tpu.memory_space<vmem>> -> memref<8x128xf32, #tpu.memory_space<vmem>>
      tpu.enqueue_dma source(%dma_start3A_312 : memref<8x128xf32, #tpu.memory_space<vmem>>) target(%dma_start3A_309 : memref<8x128xf32, #tpu.memory_space<hbm>>) target_semaphore(%arg14 : memref<!tpu.dma_semaphore, #tpu.memory_space<semaphore_mem>>)
      %add3A_313 = arith.addi %mul3A_32, %add3A_287 : i32
      %dma_start3A_314 = arith.constant 1 : i32
      %dma_start3A_315 = arith.constant 8 : i32
      %dma_start3A_316 = arith.constant 0 : i32
      %dma_start3A_317 = tpu.memref_slice %arg10[%dma_start3A_315, %dma_start3A_316] : memref<32x273xf32, #tpu.memory_space<vmem>> -> memref<8x128xf32, #tpu.memory_space<vmem>>
      %dma_start3A_318 = arith.constant 0 : i32
      %dma_start3A_319 = arith.constant 0 : i32
      %dma_start3A_320 = tpu.memref_slice %arg5[%add3A_313, %dma_start3A_314, %select_n3A_9, %dma_start3A_318, %dma_start3A_319] : memref<200x8x8x8x128xf32, #tpu.memory_space<hbm>> -> memref<1x1x1x8x128xf32, #tpu.memory_space<hbm>>
      %dma_start3A_321 = tpu.memref_squeeze %dma_start3A_320 : memref<1x1x1x8x128xf32, #tpu.memory_space<hbm>> -> memref<8x128xf32, #tpu.memory_space<hbm>>
      %dma_start3A_322 = arith.constant 0 : i32
      %dma_start3A_323 = arith.constant 0 : i32
      %dma_start3A_324 = tpu.memref_slice %arg5[%add3A_313, %dma_start3A_314, %select_n3A_9, %dma_start3A_322, %dma_start3A_323] : memref<200x8x8x8x128xf32, #tpu.memory_space<hbm>> -> memref<1x1x1x8x128xf32, #tpu.memory_space<hbm>>
      %dma_start3A_325 = tpu.memref_squeeze %dma_start3A_324 : memref<1x1x1x8x128xf32, #tpu.memory_space<hbm>> -> memref<8x128xf32, #tpu.memory_space<hbm>>
      %dma_start3A_326 = arith.constant 8 : i32
      %dma_start3A_327 = arith.constant 0 : i32
      %dma_start3A_328 = tpu.memref_slice %arg10[%dma_start3A_326, %dma_start3A_327] : memref<32x273xf32, #tpu.memory_space<vmem>> -> memref<8x128xf32, #tpu.memory_space<vmem>>
      tpu.enqueue_dma source(%dma_start3A_328 : memref<8x128xf32, #tpu.memory_space<vmem>>) target(%dma_start3A_325 : memref<8x128xf32, #tpu.memory_space<hbm>>) target_semaphore(%arg14 : memref<!tpu.dma_semaphore, #tpu.memory_space<semaphore_mem>>)
      %add3A_329 = arith.addi %mul3A_32, %add3A_287 : i32
      %dma_start3A_330 = arith.constant 2 : i32
      %dma_start3A_331 = arith.constant 16 : i32
      %dma_start3A_332 = arith.constant 0 : i32
      %dma_start3A_333 = tpu.memref_slice %arg10[%dma_start3A_331, %dma_start3A_332] : memref<32x273xf32, #tpu.memory_space<vmem>> -> memref<8x128xf32, #tpu.memory_space<vmem>>
      %dma_start3A_334 = arith.constant 0 : i32
      %dma_start3A_335 = arith.constant 0 : i32
      %dma_start3A_336 = tpu.memref_slice %arg5[%add3A_329, %dma_start3A_330, %select_n3A_9, %dma_start3A_334, %dma_start3A_335] : memref<200x8x8x8x128xf32, #tpu.memory_space<hbm>> -> memref<1x1x1x8x128xf32, #tpu.memory_space<hbm>>
      %dma_start3A_337 = tpu.memref_squeeze %dma_start3A_336 : memref<1x1x1x8x128xf32, #tpu.memory_space<hbm>> -> memref<8x128xf32, #tpu.memory_space<hbm>>
      %dma_start3A_338 = arith.constant 0 : i32
      %dma_start3A_339 = arith.constant 0 : i32
      %dma_start3A_340 = tpu.memref_slice %arg5[%add3A_329, %dma_start3A_330, %select_n3A_9, %dma_start3A_338, %dma_start3A_339] : memref<200x8x8x8x128xf32, #tpu.memory_space<hbm>> -> memref<1x1x1x8x128xf32, #tpu.memory_space<hbm>>
      %dma_start3A_341 = tpu.memref_squeeze %dma_start3A_340 : memref<1x1x1x8x128xf32, #tpu.memory_space<hbm>> -> memref<8x128xf32, #tpu.memory_space<hbm>>
      %dma_start3A_342 = arith.constant 16 : i32
      %dma_start3A_343 = arith.constant 0 : i32
      %dma_start3A_344 = tpu.memref_slice %arg10[%dma_start3A_342, %dma_start3A_343] : memref<32x273xf32, #tpu.memory_space<vmem>> -> memref<8x128xf32, #tpu.memory_space<vmem>>
      tpu.enqueue_dma source(%dma_start3A_344 : memref<8x128xf32, #tpu.memory_space<vmem>>) target(%dma_start3A_341 : memref<8x128xf32, #tpu.memory_space<hbm>>) target_semaphore(%arg14 : memref<!tpu.dma_semaphore, #tpu.memory_space<semaphore_mem>>)
      %add3A_345 = arith.addi %mul3A_32, %add3A_287 : i32
      %dma_start3A_346 = arith.constant 3 : i32
      %dma_start3A_347 = arith.constant 24 : i32
      %dma_start3A_348 = arith.constant 0 : i32
      %dma_start3A_349 = tpu.memref_slice %arg10[%dma_start3A_347, %dma_start3A_348] : memref<32x273xf32, #tpu.memory_space<vmem>> -> memref<8x128xf32, #tpu.memory_space<vmem>>
      %dma_start3A_350 = arith.constant 0 : i32
      %dma_start3A_351 = arith.constant 0 : i32
      %dma_start3A_352 = tpu.memref_slice %arg5[%add3A_345, %dma_start3A_346, %select_n3A_9, %dma_start3A_350, %dma_start3A_351] : memref<200x8x8x8x128xf32, #tpu.memory_space<hbm>> -> memref<1x1x1x8x128xf32, #tpu.memory_space<hbm>>
      %dma_start3A_353 = tpu.memref_squeeze %dma_start3A_352 : memref<1x1x1x8x128xf32, #tpu.memory_space<hbm>> -> memref<8x128xf32, #tpu.memory_space<hbm>>
      %dma_start3A_354 = arith.constant 0 : i32
      %dma_start3A_355 = arith.constant 0 : i32
      %dma_start3A_356 = tpu.memref_slice %arg5[%add3A_345, %dma_start3A_346, %select_n3A_9, %dma_start3A_354, %dma_start3A_355] : memref<200x8x8x8x128xf32, #tpu.memory_space<hbm>> -> memref<1x1x1x8x128xf32, #tpu.memory_space<hbm>>
      %dma_start3A_357 = tpu.memref_squeeze %dma_start3A_356 : memref<1x1x1x8x128xf32, #tpu.memory_space<hbm>> -> memref<8x128xf32, #tpu.memory_space<hbm>>
      %dma_start3A_358 = arith.constant 24 : i32
      %dma_start3A_359 = arith.constant 0 : i32
      %dma_start3A_360 = tpu.memref_slice %arg10[%dma_start3A_358, %dma_start3A_359] : memref<32x273xf32, #tpu.memory_space<vmem>> -> memref<8x128xf32, #tpu.memory_space<vmem>>
      tpu.enqueue_dma source(%dma_start3A_360 : memref<8x128xf32, #tpu.memory_space<vmem>>) target(%dma_start3A_357 : memref<8x128xf32, #tpu.memory_space<hbm>>) target_semaphore(%arg14 : memref<!tpu.dma_semaphore, #tpu.memory_space<semaphore_mem>>)
      %mul3A_361 = arith.constant 2 : i32
      %mul3A_362 = arith.muli %mul3A_268, %mul3A_361 : i32
      %add3A_363 = arith.constant 1 : i32
      %add3A_364 = arith.addi %mul3A_362, %add3A_363 : i32
      %get3A_365 = arith.index_cast %add3A_364 : i32 to index
      %get3A_366 = arith.constant 0 : index
      %get3A_367 = tpu.vector_load %arg7[%get3A_365, %get3A_366] {strides = array<i32>} : memref<50x64xf32, #tpu.memory_space<vmem>>, vector<16xf32>,
      %get3A_368 = arith.index_cast %add3A_364 : i32 to index
      %get3A_369 = arith.constant 16 : index
      %get3A_370 = tpu.vector_load %arg7[%get3A_368, %get3A_369] {strides = array<i32>} : memref<50x64xf32, #tpu.memory_space<vmem>>, vector<16xf32>,
      %parallel_loop3A_371 = arith.constant 0 : i32
      %parallel_loop3A_372 = arith.constant 128 : i32
      %parallel_loop3A_373 = arith.constant 1 : i32
      scf.for %parallel_loop3A_613 = %parallel_loop3A_371 to %parallel_loop3A_372 step %parallel_loop3A_373  : i32 {
        %parallel_loop3A_614 = vector.broadcast %parallel_loop3A_613 : i32 to vector<16xi32>
        %parallel_loop3A_615 = arith.constant 128 : i32
        %parallel_loop3A_616 = arith.addi %parallel_loop3A_615, %parallel_loop3A_613 : i32
        %parallel_loop3A_617 = arith.index_cast %parallel_loop3A_616 : i32 to index
        %parallel_loop3A_618 = arith.constant 0 : index
        %parallel_loop3A_619 = tpu.vector_load %arg8[%parallel_loop3A_617, %parallel_loop3A_618] {strides = array<i32>} : memref<256x32xf32, #tpu.memory_space<vmem>>, vector<16xf32>,
        %parallel_loop3A_620 = arith.addf %parallel_loop3A_619, %get3A_367 : vector<16xf32>
        %parallel_loop3A_621 = arith.constant 136 : i32
        %parallel_loop3A_622 = vector.broadcast %parallel_loop3A_621 : i32 to vector<16xi32>
        %parallel_loop3A_623 = arith.addi %parallel_loop3A_622, %parallel_loop3A_614 : vector<16xi32>
        tpu.vector_store_idx %arg10[%add3A_37, %parallel_loop3A_623], %parallel_loop3A_620 : memref<32x273xf32, #tpu.memory_space<vmem>>[vector<16xi32>, vector<16xi32>], vector<16xf32>,
        %parallel_loop3A_624 = arith.constant 128 : i32
        %parallel_loop3A_625 = arith.addi %parallel_loop3A_624, %parallel_loop3A_613 : i32
        %parallel_loop3A_626 = arith.index_cast %parallel_loop3A_625 : i32 to index
        %parallel_loop3A_627 = arith.constant 16 : index
        %parallel_loop3A_628 = tpu.vector_load %arg8[%parallel_loop3A_626, %parallel_loop3A_627] {strides = array<i32>} : memref<256x32xf32, #tpu.memory_space<vmem>>, vector<16xf32>,
        %parallel_loop3A_629 = arith.addf %parallel_loop3A_628, %get3A_370 : vector<16xf32>
        %parallel_loop3A_630 = arith.constant 136 : i32
        %parallel_loop3A_631 = vector.broadcast %parallel_loop3A_630 : i32 to vector<16xi32>
        %parallel_loop3A_632 = arith.addi %parallel_loop3A_631, %parallel_loop3A_614 : vector<16xi32>
        tpu.vector_store_idx %arg10[%add3A_40, %parallel_loop3A_632], %parallel_loop3A_629 : memref<32x273xf32, #tpu.memory_space<vmem>>[vector<16xi32>, vector<16xi32>], vector<16xf32>,
      } {sc.loop_unroll_factor = 4 : i64, sc.parallel_access}
      %add3A_374 = arith.addi %mul3A_32, %add3A_364 : i32
      %dma_start3A_375 = arith.constant 0 : i32
      %dma_start3A_376 = arith.constant 0 : i32
      %dma_start3A_377 = arith.constant 136 : i32
      %dma_start3A_378 = tpu.memref_slice %arg10[%dma_start3A_376, %dma_start3A_377] : memref<32x273xf32, #tpu.memory_space<vmem>> -> memref<8x128xf32, #tpu.memory_space<vmem>>
      %dma_start3A_379 = arith.constant 0 : i32
      %dma_start3A_380 = arith.constant 0 : i32
      %dma_start3A_381 = tpu.memref_slice %arg5[%add3A_374, %dma_start3A_375, %select_n3A_9, %dma_start3A_379, %dma_start3A_380] : memref<200x8x8x8x128xf32, #tpu.memory_space<hbm>> -> memref<1x1x1x8x128xf32, #tpu.memory_space<hbm>>
      %dma_start3A_382 = tpu.memref_squeeze %dma_start3A_381 : memref<1x1x1x8x128xf32, #tpu.memory_space<hbm>> -> memref<8x128xf32, #tpu.memory_space<hbm>>
      %dma_start3A_383 = arith.constant 0 : i32
      %dma_start3A_384 = arith.constant 0 : i32
      %dma_start3A_385 = tpu.memref_slice %arg5[%add3A_374, %dma_start3A_375, %select_n3A_9, %dma_start3A_383, %dma_start3A_384] : memref<200x8x8x8x128xf32, #tpu.memory_space<hbm>> -> memref<1x1x1x8x128xf32, #tpu.memory_space<hbm>>
      %dma_start3A_386 = tpu.memref_squeeze %dma_start3A_385 : memref<1x1x1x8x128xf32, #tpu.memory_space<hbm>> -> memref<8x128xf32, #tpu.memory_space<hbm>>
      %dma_start3A_387 = arith.constant 0 : i32
      %dma_start3A_388 = arith.constant 136 : i32
      %dma_start3A_389 = tpu.memref_slice %arg10[%dma_start3A_387, %dma_start3A_388] : memref<32x273xf32, #tpu.memory_space<vmem>> -> memref<8x128xf32, #tpu.memory_space<vmem>>
      tpu.enqueue_dma source(%dma_start3A_389 : memref<8x128xf32, #tpu.memory_space<vmem>>) target(%dma_start3A_386 : memref<8x128xf32, #tpu.memory_space<hbm>>) target_semaphore(%arg14 : memref<!tpu.dma_semaphore, #tpu.memory_space<semaphore_mem>>)
      %add3A_390 = arith.addi %mul3A_32, %add3A_364 : i32
      %dma_start3A_391 = arith.constant 1 : i32
      %dma_start3A_392 = arith.constant 8 : i32
      %dma_start3A_393 = arith.constant 136 : i32
      %dma_start3A_394 = tpu.memref_slice %arg10[%dma_start3A_392, %dma_start3A_393] : memref<32x273xf32, #tpu.memory_space<vmem>> -> memref<8x128xf32, #tpu.memory_space<vmem>>
      %dma_start3A_395 = arith.constant 0 : i32
      %dma_start3A_396 = arith.constant 0 : i32
      %dma_start3A_397 = tpu.memref_slice %arg5[%add3A_390, %dma_start3A_391, %select_n3A_9, %dma_start3A_395, %dma_start3A_396] : memref<200x8x8x8x128xf32, #tpu.memory_space<hbm>> -> memref<1x1x1x8x128xf32, #tpu.memory_space<hbm>>
      %dma_start3A_398 = tpu.memref_squeeze %dma_start3A_397 : memref<1x1x1x8x128xf32, #tpu.memory_space<hbm>> -> memref<8x128xf32, #tpu.memory_space<hbm>>
      %dma_start3A_399 = arith.constant 0 : i32
      %dma_start3A_400 = arith.constant 0 : i32
      %dma_start3A_401 = tpu.memref_slice %arg5[%add3A_390, %dma_start3A_391, %select_n3A_9, %dma_start3A_399, %dma_start3A_400] : memref<200x8x8x8x128xf32, #tpu.memory_space<hbm>> -> memref<1x1x1x8x128xf32, #tpu.memory_space<hbm>>
      %dma_start3A_402 = tpu.memref_squeeze %dma_start3A_401 : memref<1x1x1x8x128xf32, #tpu.memory_space<hbm>> -> memref<8x128xf32, #tpu.memory_space<hbm>>
      %dma_start3A_403 = arith.constant 8 : i32
      %dma_start3A_404 = arith.constant 136 : i32
      %dma_start3A_405 = tpu.memref_slice %arg10[%dma_start3A_403, %dma_start3A_404] : memref<32x273xf32, #tpu.memory_space<vmem>> -> memref<8x128xf32, #tpu.memory_space<vmem>>
      tpu.enqueue_dma source(%dma_start3A_405 : memref<8x128xf32, #tpu.memory_space<vmem>>) target(%dma_start3A_402 : memref<8x128xf32, #tpu.memory_space<hbm>>) target_semaphore(%arg14 : memref<!tpu.dma_semaphore, #tpu.memory_space<semaphore_mem>>)
      %add3A_406 = arith.addi %mul3A_32, %add3A_364 : i32
      %dma_start3A_407 = arith.constant 2 : i32
      %dma_start3A_408 = arith.constant 16 : i32
      %dma_start3A_409 = arith.constant 136 : i32
      %dma_start3A_410 = tpu.memref_slice %arg10[%dma_start3A_408, %dma_start3A_409] : memref<32x273xf32, #tpu.memory_space<vmem>> -> memref<8x128xf32, #tpu.memory_space<vmem>>
      %dma_start3A_411 = arith.constant 0 : i32
      %dma_start3A_412 = arith.constant 0 : i32
      %dma_start3A_413 = tpu.memref_slice %arg5[%add3A_406, %dma_start3A_407, %select_n3A_9, %dma_start3A_411, %dma_start3A_412] : memref<200x8x8x8x128xf32, #tpu.memory_space<hbm>> -> memref<1x1x1x8x128xf32, #tpu.memory_space<hbm>>
      %dma_start3A_414 = tpu.memref_squeeze %dma_start3A_413 : memref<1x1x1x8x128xf32, #tpu.memory_space<hbm>> -> memref<8x128xf32, #tpu.memory_space<hbm>>
      %dma_start3A_415 = arith.constant 0 : i32
      %dma_start3A_416 = arith.constant 0 : i32
      %dma_start3A_417 = tpu.memref_slice %arg5[%add3A_406, %dma_start3A_407, %select_n3A_9, %dma_start3A_415, %dma_start3A_416] : memref<200x8x8x8x128xf32, #tpu.memory_space<hbm>> -> memref<1x1x1x8x128xf32, #tpu.memory_space<hbm>>
      %dma_start3A_418 = tpu.memref_squeeze %dma_start3A_417 : memref<1x1x1x8x128xf32, #tpu.memory_space<hbm>> -> memref<8x128xf32, #tpu.memory_space<hbm>>
      %dma_start3A_419 = arith.constant 16 : i32
      %dma_start3A_420 = arith.constant 136 : i32
      %dma_start3A_421 = tpu.memref_slice %arg10[%dma_start3A_419, %dma_start3A_420] : memref<32x273xf32, #tpu.memory_space<vmem>> -> memref<8x128xf32, #tpu.memory_space<vmem>>
      tpu.enqueue_dma source(%dma_start3A_421 : memref<8x128xf32, #tpu.memory_space<vmem>>) target(%dma_start3A_418 : memref<8x128xf32, #tpu.memory_space<hbm>>) target_semaphore(%arg14 : memref<!tpu.dma_semaphore, #tpu.memory_space<semaphore_mem>>)
      %add3A_422 = arith.addi %mul3A_32, %add3A_364 : i32
      %dma_start3A_423 = arith.constant 3 : i32
      %dma_start3A_424 = arith.constant 24 : i32
      %dma_start3A_425 = arith.constant 136 : i32
      %dma_start3A_426 = tpu.memref_slice %arg10[%dma_start3A_424, %dma_start3A_425] : memref<32x273xf32, #tpu.memory_space<vmem>> -> memref<8x128xf32, #tpu.memory_space<vmem>>
      %dma_start3A_427 = arith.constant 0 : i32
      %dma_start3A_428 = arith.constant 0 : i32
      %dma_start3A_429 = tpu.memref_slice %arg5[%add3A_422, %dma_start3A_423, %select_n3A_9, %dma_start3A_427, %dma_start3A_428] : memref<200x8x8x8x128xf32, #tpu.memory_space<hbm>> -> memref<1x1x1x8x128xf32, #tpu.memory_space<hbm>>
      %dma_start3A_430 = tpu.memref_squeeze %dma_start3A_429 : memref<1x1x1x8x128xf32, #tpu.memory_space<hbm>> -> memref<8x128xf32, #tpu.memory_space<hbm>>
      %dma_start3A_431 = arith.constant 0 : i32
      %dma_start3A_432 = arith.constant 0 : i32
      %dma_start3A_433 = tpu.memref_slice %arg5[%add3A_422, %dma_start3A_423, %select_n3A_9, %dma_start3A_431, %dma_start3A_432] : memref<200x8x8x8x128xf32, #tpu.memory_space<hbm>> -> memref<1x1x1x8x128xf32, #tpu.memory_space<hbm>>
      %dma_start3A_434 = tpu.memref_squeeze %dma_start3A_433 : memref<1x1x1x8x128xf32, #tpu.memory_space<hbm>> -> memref<8x128xf32, #tpu.memory_space<hbm>>
      %dma_start3A_435 = arith.constant 24 : i32
      %dma_start3A_436 = arith.constant 136 : i32
      %dma_start3A_437 = tpu.memref_slice %arg10[%dma_start3A_435, %dma_start3A_436] : memref<32x273xf32, #tpu.memory_space<vmem>> -> memref<8x128xf32, #tpu.memory_space<vmem>>
      tpu.enqueue_dma source(%dma_start3A_437 : memref<8x128xf32, #tpu.memory_space<vmem>>) target(%dma_start3A_434 : memref<8x128xf32, #tpu.memory_space<hbm>>) target_semaphore(%arg14 : memref<!tpu.dma_semaphore, #tpu.memory_space<semaphore_mem>>)
      %add3A_438 = arith.constant 1 : i32
      %add3A_439 = arith.addi %mul3A_268, %add3A_438 : i32
      %dma_wait3A_440 = arith.constant 0 : i32
      %dma_wait3A_441 = arith.constant 0 : i32
      %dma_wait3A_442 = tpu.memref_slice %arg3[%dma_wait3A_440, %dma_wait3A_441] : memref<100000x32xf32, #tpu.memory_space<hbm>> -> memref<256x32xf32, #tpu.memory_space<hbm>>
      %dma_wait3A_443 = arith.constant 0 : i32
      %dma_wait3A_444 = arith.constant 0 : i32
      %dma_wait3A_445 = tpu.memref_slice %arg3[%dma_wait3A_443, %dma_wait3A_444] : memref<100000x32xf32, #tpu.memory_space<hbm>> -> memref<256x32xf32, #tpu.memory_space<hbm>>
      tpu.wait_dma2 semaphore(%arg13 : memref<!tpu.dma_semaphore, #tpu.memory_space<semaphore_mem>>) src(%dma_wait3A_445 : memref<256x32xf32, #tpu.memory_space<hbm>>) dst(%arg9 : memref<256x32xf32, #tpu.memory_space<vmem>>)
      %add3A_446 = arith.constant 2 : i32
      %add3A_447 = arith.addi %add3A_439, %add3A_446 : i32
      %lt3A_448 = arith.constant 25 : i32
      %lt3A_449 = arith.cmpi slt, %add3A_447, %lt3A_448 : i32
      %convert_element_type3A_450 = arith.extui %lt3A_449 : i1 to i32
      %cond3A_451 = arith.constant 0 : i32
      %cond3A_452 = arith.cmpi ne, %convert_element_type3A_450, %cond3A_451 : i32
      scf.if %cond3A_452 {
        %add3A_613 = arith.constant 2 : i32
        %add3A_614 = arith.addi %add3A_439, %add3A_613 : i32
        %mul3A_615 = arith.constant 2 : i32
        %mul3A_616 = arith.muli %add3A_614, %mul3A_615 : i32
        %add3A_617 = arith.constant 0 : i32
        %add3A_618 = arith.addi %mul3A_616, %add3A_617 : i32
        %dma_start3A_619 = arith.constant 0 : i32
        %dma_start3A_620 = arith.constant 0 : i32
        %dma_start3A_621 = tpu.memref_slice %arg9[%dma_start3A_619, %dma_start3A_620] : memref<256x32xf32, #tpu.memory_space<vmem>> -> memref<128x32xf32, #tpu.memory_space<vmem>>
        %dma_start3A_622 = arith.constant 0 : i32
        %dma_start3A_623 = tpu.memref_slice %arg6[%add3A_618, %dma_start3A_622] : memref<50x128xi32, #tpu.memory_space<vmem>> -> memref<1x128xi32, #tpu.memory_space<vmem>>
        %dma_start3A_624 = tpu.memref_squeeze %dma_start3A_623 : memref<1x128xi32, #tpu.memory_space<vmem>> -> memref<128xi32, #tpu.memory_space<vmem>>
        %dma_start3A_625 = arith.constant 0 : i32
        %dma_start3A_626 = arith.constant 0 : i32
        %dma_start3A_627 = tpu.memref_slice %arg3[%dma_start3A_625, %dma_start3A_626] : memref<100000x32xf32, #tpu.memory_space<hbm>> -> memref<100000x32xf32, #tpu.memory_space<hbm>>
        tpu.enqueue_indirect_dma source(%dma_start3A_627 : memref<100000x32xf32, #tpu.memory_space<hbm>>) target(%dma_start3A_621 : memref<128x32xf32, #tpu.memory_space<vmem>>) offsets(%dma_start3A_624 : memref<128xi32, #tpu.memory_space<vmem>>) semaphore(%arg13 : memref<!tpu.dma_semaphore, #tpu.memory_space<semaphore_mem>>)
        %mul3A_628 = arith.constant 2 : i32
        %mul3A_629 = arith.muli %add3A_614, %mul3A_628 : i32
        %add3A_630 = arith.constant 1 : i32
        %add3A_631 = arith.addi %mul3A_629, %add3A_630 : i32
        %dma_start3A_632 = arith.constant 128 : i32
        %dma_start3A_633 = arith.constant 0 : i32
        %dma_start3A_634 = tpu.memref_slice %arg9[%dma_start3A_632, %dma_start3A_633] : memref<256x32xf32, #tpu.memory_space<vmem>> -> memref<128x32xf32, #tpu.memory_space<vmem>>
        %dma_start3A_635 = arith.constant 0 : i32
        %dma_start3A_636 = tpu.memref_slice %arg6[%add3A_631, %dma_start3A_635] : memref<50x128xi32, #tpu.memory_space<vmem>> -> memref<1x128xi32, #tpu.memory_space<vmem>>
        %dma_start3A_637 = tpu.memref_squeeze %dma_start3A_636 : memref<1x128xi32, #tpu.memory_space<vmem>> -> memref<128xi32, #tpu.memory_space<vmem>>
        %dma_start3A_638 = arith.constant 0 : i32
        %dma_start3A_639 = arith.constant 0 : i32
        %dma_start3A_640 = tpu.memref_slice %arg3[%dma_start3A_638, %dma_start3A_639] : memref<100000x32xf32, #tpu.memory_space<hbm>> -> memref<100000x32xf32, #tpu.memory_space<hbm>>
        tpu.enqueue_indirect_dma source(%dma_start3A_640 : memref<100000x32xf32, #tpu.memory_space<hbm>>) target(%dma_start3A_634 : memref<128x32xf32, #tpu.memory_space<vmem>>) offsets(%dma_start3A_637 : memref<128xi32, #tpu.memory_space<vmem>>) semaphore(%arg13 : memref<!tpu.dma_semaphore, #tpu.memory_space<semaphore_mem>>)
      } else {
      }
      %ge3A_453 = arith.constant 2 : i32
      %ge3A_454 = arith.cmpi sge, %add3A_439, %ge3A_453 : i32
      %convert_element_type3A_455 = arith.extui %ge3A_454 : i1 to i32
      %cond3A_456 = arith.constant 0 : i32
      %cond3A_457 = arith.cmpi ne, %convert_element_type3A_455, %cond3A_456 : i32
      scf.if %cond3A_457 {
        %dma_wait3A_613 = arith.constant 0 : i32
        %dma_wait3A_614 = arith.constant 0 : i32
        %dma_wait3A_615 = tpu.memref_slice %arg3[%dma_wait3A_613, %dma_wait3A_614] : memref<100000x32xf32, #tpu.memory_space<hbm>> -> memref<256x32xf32, #tpu.memory_space<hbm>>
        %dma_wait3A_616 = arith.constant 0 : i32
        %dma_wait3A_617 = arith.constant 0 : i32
        %dma_wait3A_618 = tpu.memref_slice %arg3[%dma_wait3A_616, %dma_wait3A_617] : memref<100000x32xf32, #tpu.memory_space<hbm>> -> memref<256x32xf32, #tpu.memory_space<hbm>>
        tpu.wait_dma2 semaphore(%arg15 : memref<!tpu.dma_semaphore, #tpu.memory_space<semaphore_mem>>) src(%dma_wait3A_618 : memref<256x32xf32, #tpu.memory_space<hbm>>) dst(%arg9 : memref<256x32xf32, #tpu.memory_space<vmem>>)
      } else {
      }
      %mul3A_458 = arith.constant 2 : i32
      %mul3A_459 = arith.muli %add3A_439, %mul3A_458 : i32
      %add3A_460 = arith.constant 0 : i32
      %add3A_461 = arith.addi %mul3A_459, %add3A_460 : i32
      %get3A_462 = arith.index_cast %add3A_461 : i32 to index
      %get3A_463 = arith.constant 0 : index
      %get3A_464 = tpu.vector_load %arg7[%get3A_462, %get3A_463] {strides = array<i32>} : memref<50x64xf32, #tpu.memory_space<vmem>>, vector<16xf32>,
      %get3A_465 = arith.index_cast %add3A_461 : i32 to index
      %get3A_466 = arith.constant 16 : index
      %get3A_467 = tpu.vector_load %arg7[%get3A_465, %get3A_466] {strides = array<i32>} : memref<50x64xf32, #tpu.memory_space<vmem>>, vector<16xf32>,
      %parallel_loop3A_468 = arith.constant 0 : i32
      %parallel_loop3A_469 = arith.constant 128 : i32
      %parallel_loop3A_470 = arith.constant 1 : i32
      scf.for %parallel_loop3A_613 = %parallel_loop3A_468 to %parallel_loop3A_469 step %parallel_loop3A_470  : i32 {
        %parallel_loop3A_614 = vector.broadcast %parallel_loop3A_613 : i32 to vector<16xi32>
        %parallel_loop3A_615 = arith.constant 0 : i32
        %parallel_loop3A_616 = arith.addi %parallel_loop3A_615, %parallel_loop3A_613 : i32
        %parallel_loop3A_617 = arith.index_cast %parallel_loop3A_616 : i32 to index
        %parallel_loop3A_618 = arith.constant 0 : index
        %parallel_loop3A_619 = tpu.vector_load %arg9[%parallel_loop3A_617, %parallel_loop3A_618] {strides = array<i32>} : memref<256x32xf32, #tpu.memory_space<vmem>>, vector<16xf32>,
        %parallel_loop3A_620 = arith.addf %parallel_loop3A_619, %get3A_464 : vector<16xf32>
        %parallel_loop3A_621 = arith.constant 0 : i32
        %parallel_loop3A_622 = vector.broadcast %parallel_loop3A_621 : i32 to vector<16xi32>
        %parallel_loop3A_623 = arith.addi %parallel_loop3A_622, %parallel_loop3A_614 : vector<16xi32>
        tpu.vector_store_idx %arg11[%add3A_37, %parallel_loop3A_623], %parallel_loop3A_620 : memref<32x273xf32, #tpu.memory_space<vmem>>[vector<16xi32>, vector<16xi32>], vector<16xf32>,
        %parallel_loop3A_624 = arith.constant 0 : i32
        %parallel_loop3A_625 = arith.addi %parallel_loop3A_624, %parallel_loop3A_613 : i32
        %parallel_loop3A_626 = arith.index_cast %parallel_loop3A_625 : i32 to index
        %parallel_loop3A_627 = arith.constant 16 : index
        %parallel_loop3A_628 = tpu.vector_load %arg9[%parallel_loop3A_626, %parallel_loop3A_627] {strides = array<i32>} : memref<256x32xf32, #tpu.memory_space<vmem>>, vector<16xf32>,
        %parallel_loop3A_629 = arith.addf %parallel_loop3A_628, %get3A_467 : vector<16xf32>
        %parallel_loop3A_630 = arith.constant 0 : i32
        %parallel_loop3A_631 = vector.broadcast %parallel_loop3A_630 : i32 to vector<16xi32>
        %parallel_loop3A_632 = arith.addi %parallel_loop3A_631, %parallel_loop3A_614 : vector<16xi32>
        tpu.vector_store_idx %arg11[%add3A_40, %parallel_loop3A_632], %parallel_loop3A_629 : memref<32x273xf32, #tpu.memory_space<vmem>>[vector<16xi32>, vector<16xi32>], vector<16xf32>,
      } {sc.loop_unroll_factor = 4 : i64, sc.parallel_access}
      %add3A_471 = arith.addi %mul3A_32, %add3A_461 : i32
      %dma_start3A_472 = arith.constant 0 : i32
      %dma_start3A_473 = arith.constant 0 : i32
      %dma_start3A_474 = arith.constant 0 : i32
      %dma_start3A_475 = tpu.memref_slice %arg11[%dma_start3A_473, %dma_start3A_474] : memref<32x273xf32, #tpu.memory_space<vmem>> -> memref<8x128xf32, #tpu.memory_space<vmem>>
      %dma_start3A_476 = arith.constant 0 : i32
      %dma_start3A_477 = arith.constant 0 : i32
      %dma_start3A_478 = tpu.memref_slice %arg5[%add3A_471, %dma_start3A_472, %select_n3A_9, %dma_start3A_476, %dma_start3A_477] : memref<200x8x8x8x128xf32, #tpu.memory_space<hbm>> -> memref<1x1x1x8x128xf32, #tpu.memory_space<hbm>>
      %dma_start3A_479 = tpu.memref_squeeze %dma_start3A_478 : memref<1x1x1x8x128xf32, #tpu.memory_space<hbm>> -> memref<8x128xf32, #tpu.memory_space<hbm>>
      %dma_start3A_480 = arith.constant 0 : i32
      %dma_start3A_481 = arith.constant 0 : i32
      %dma_start3A_482 = tpu.memref_slice %arg5[%add3A_471, %dma_start3A_472, %select_n3A_9, %dma_start3A_480, %dma_start3A_481] : memref<200x8x8x8x128xf32, #tpu.memory_space<hbm>> -> memref<1x1x1x8x128xf32, #tpu.memory_space<hbm>>
      %dma_start3A_483 = tpu.memref_squeeze %dma_start3A_482 : memref<1x1x1x8x128xf32, #tpu.memory_space<hbm>> -> memref<8x128xf32, #tpu.memory_space<hbm>>
      %dma_start3A_484 = arith.constant 0 : i32
      %dma_start3A_485 = arith.constant 0 : i32
      %dma_start3A_486 = tpu.memref_slice %arg11[%dma_start3A_484, %dma_start3A_485] : memref<32x273xf32, #tpu.memory_space<vmem>> -> memref<8x128xf32, #tpu.memory_space<vmem>>
      tpu.enqueue_dma source(%dma_start3A_486 : memref<8x128xf32, #tpu.memory_space<vmem>>) target(%dma_start3A_483 : memref<8x128xf32, #tpu.memory_space<hbm>>) target_semaphore(%arg15 : memref<!tpu.dma_semaphore, #tpu.memory_space<semaphore_mem>>)
      %add3A_487 = arith.addi %mul3A_32, %add3A_461 : i32
      %dma_start3A_488 = arith.constant 1 : i32
      %dma_start3A_489 = arith.constant 8 : i32
      %dma_start3A_490 = arith.constant 0 : i32
      %dma_start3A_491 = tpu.memref_slice %arg11[%dma_start3A_489, %dma_start3A_490] : memref<32x273xf32, #tpu.memory_space<vmem>> -> memref<8x128xf32, #tpu.memory_space<vmem>>
      %dma_start3A_492 = arith.constant 0 : i32
      %dma_start3A_493 = arith.constant 0 : i32
      %dma_start3A_494 = tpu.memref_slice %arg5[%add3A_487, %dma_start3A_488, %select_n3A_9, %dma_start3A_492, %dma_start3A_493] : memref<200x8x8x8x128xf32, #tpu.memory_space<hbm>> -> memref<1x1x1x8x128xf32, #tpu.memory_space<hbm>>
      %dma_start3A_495 = tpu.memref_squeeze %dma_start3A_494 : memref<1x1x1x8x128xf32, #tpu.memory_space<hbm>> -> memref<8x128xf32, #tpu.memory_space<hbm>>
      %dma_start3A_496 = arith.constant 0 : i32
      %dma_start3A_497 = arith.constant 0 : i32
      %dma_start3A_498 = tpu.memref_slice %arg5[%add3A_487, %dma_start3A_488, %select_n3A_9, %dma_start3A_496, %dma_start3A_497] : memref<200x8x8x8x128xf32, #tpu.memory_space<hbm>> -> memref<1x1x1x8x128xf32, #tpu.memory_space<hbm>>
      %dma_start3A_499 = tpu.memref_squeeze %dma_start3A_498 : memref<1x1x1x8x128xf32, #tpu.memory_space<hbm>> -> memref<8x128xf32, #tpu.memory_space<hbm>>
      %dma_start3A_500 = arith.constant 8 : i32
      %dma_start3A_501 = arith.constant 0 : i32
      %dma_start3A_502 = tpu.memref_slice %arg11[%dma_start3A_500, %dma_start3A_501] : memref<32x273xf32, #tpu.memory_space<vmem>> -> memref<8x128xf32, #tpu.memory_space<vmem>>
      tpu.enqueue_dma source(%dma_start3A_502 : memref<8x128xf32, #tpu.memory_space<vmem>>) target(%dma_start3A_499 : memref<8x128xf32, #tpu.memory_space<hbm>>) target_semaphore(%arg15 : memref<!tpu.dma_semaphore, #tpu.memory_space<semaphore_mem>>)
      %add3A_503 = arith.addi %mul3A_32, %add3A_461 : i32
      %dma_start3A_504 = arith.constant 2 : i32
      %dma_start3A_505 = arith.constant 16 : i32
      %dma_start3A_506 = arith.constant 0 : i32
      %dma_start3A_507 = tpu.memref_slice %arg11[%dma_start3A_505, %dma_start3A_506] : memref<32x273xf32, #tpu.memory_space<vmem>> -> memref<8x128xf32, #tpu.memory_space<vmem>>
      %dma_start3A_508 = arith.constant 0 : i32
      %dma_start3A_509 = arith.constant 0 : i32
      %dma_start3A_510 = tpu.memref_slice %arg5[%add3A_503, %dma_start3A_504, %select_n3A_9, %dma_start3A_508, %dma_start3A_509] : memref<200x8x8x8x128xf32, #tpu.memory_space<hbm>> -> memref<1x1x1x8x128xf32, #tpu.memory_space<hbm>>
      %dma_start3A_511 = tpu.memref_squeeze %dma_start3A_510 : memref<1x1x1x8x128xf32, #tpu.memory_space<hbm>> -> memref<8x128xf32, #tpu.memory_space<hbm>>
      %dma_start3A_512 = arith.constant 0 : i32
      %dma_start3A_513 = arith.constant 0 : i32
      %dma_start3A_514 = tpu.memref_slice %arg5[%add3A_503, %dma_start3A_504, %select_n3A_9, %dma_start3A_512, %dma_start3A_513] : memref<200x8x8x8x128xf32, #tpu.memory_space<hbm>> -> memref<1x1x1x8x128xf32, #tpu.memory_space<hbm>>
      %dma_start3A_515 = tpu.memref_squeeze %dma_start3A_514 : memref<1x1x1x8x128xf32, #tpu.memory_space<hbm>> -> memref<8x128xf32, #tpu.memory_space<hbm>>
      %dma_start3A_516 = arith.constant 16 : i32
      %dma_start3A_517 = arith.constant 0 : i32
      %dma_start3A_518 = tpu.memref_slice %arg11[%dma_start3A_516, %dma_start3A_517] : memref<32x273xf32, #tpu.memory_space<vmem>> -> memref<8x128xf32, #tpu.memory_space<vmem>>
      tpu.enqueue_dma source(%dma_start3A_518 : memref<8x128xf32, #tpu.memory_space<vmem>>) target(%dma_start3A_515 : memref<8x128xf32, #tpu.memory_space<hbm>>) target_semaphore(%arg15 : memref<!tpu.dma_semaphore, #tpu.memory_space<semaphore_mem>>)
      %add3A_519 = arith.addi %mul3A_32, %add3A_461 : i32
      %dma_start3A_520 = arith.constant 3 : i32
      %dma_start3A_521 = arith.constant 24 : i32
      %dma_start3A_522 = arith.constant 0 : i32
      %dma_start3A_523 = tpu.memref_slice %arg11[%dma_start3A_521, %dma_start3A_522] : memref<32x273xf32, #tpu.memory_space<vmem>> -> memref<8x128xf32, #tpu.memory_space<vmem>>
      %dma_start3A_524 = arith.constant 0 : i32
      %dma_start3A_525 = arith.constant 0 : i32
      %dma_start3A_526 = tpu.memref_slice %arg5[%add3A_519, %dma_start3A_520, %select_n3A_9, %dma_start3A_524, %dma_start3A_525] : memref<200x8x8x8x128xf32, #tpu.memory_space<hbm>> -> memref<1x1x1x8x128xf32, #tpu.memory_space<hbm>>
      %dma_start3A_527 = tpu.memref_squeeze %dma_start3A_526 : memref<1x1x1x8x128xf32, #tpu.memory_space<hbm>> -> memref<8x128xf32, #tpu.memory_space<hbm>>
      %dma_start3A_528 = arith.constant 0 : i32
      %dma_start3A_529 = arith.constant 0 : i32
      %dma_start3A_530 = tpu.memref_slice %arg5[%add3A_519, %dma_start3A_520, %select_n3A_9, %dma_start3A_528, %dma_start3A_529] : memref<200x8x8x8x128xf32, #tpu.memory_space<hbm>> -> memref<1x1x1x8x128xf32, #tpu.memory_space<hbm>>
      %dma_start3A_531 = tpu.memref_squeeze %dma_start3A_530 : memref<1x1x1x8x128xf32, #tpu.memory_space<hbm>> -> memref<8x128xf32, #tpu.memory_space<hbm>>
      %dma_start3A_532 = arith.constant 24 : i32
      %dma_start3A_533 = arith.constant 0 : i32
      %dma_start3A_534 = tpu.memref_slice %arg11[%dma_start3A_532, %dma_start3A_533] : memref<32x273xf32, #tpu.memory_space<vmem>> -> memref<8x128xf32, #tpu.memory_space<vmem>>
      tpu.enqueue_dma source(%dma_start3A_534 : memref<8x128xf32, #tpu.memory_space<vmem>>) target(%dma_start3A_531 : memref<8x128xf32, #tpu.memory_space<hbm>>) target_semaphore(%arg15 : memref<!tpu.dma_semaphore, #tpu.memory_space<semaphore_mem>>)
      %mul3A_535 = arith.constant 2 : i32
      %mul3A_536 = arith.muli %add3A_439, %mul3A_535 : i32
      %add3A_537 = arith.constant 1 : i32
      %add3A_538 = arith.addi %mul3A_536, %add3A_537 : i32
      %get3A_539 = arith.index_cast %add3A_538 : i32 to index
      %get3A_540 = arith.constant 0 : index
      %get3A_541 = tpu.vector_load %arg7[%get3A_539, %get3A_540] {strides = array<i32>} : memref<50x64xf32, #tpu.memory_space<vmem>>, vector<16xf32>,
      %get3A_542 = arith.index_cast %add3A_538 : i32 to index
      %get3A_543 = arith.constant 16 : index
      %get3A_544 = tpu.vector_load %arg7[%get3A_542, %get3A_543] {strides = array<i32>} : memref<50x64xf32, #tpu.memory_space<vmem>>, vector<16xf32>,
      %parallel_loop3A_545 = arith.constant 0 : i32
      %parallel_loop3A_546 = arith.constant 128 : i32
      %parallel_loop3A_547 = arith.constant 1 : i32
      scf.for %parallel_loop3A_613 = %parallel_loop3A_545 to %parallel_loop3A_546 step %parallel_loop3A_547  : i32 {
        %parallel_loop3A_614 = vector.broadcast %parallel_loop3A_613 : i32 to vector<16xi32>
        %parallel_loop3A_615 = arith.constant 128 : i32
        %parallel_loop3A_616 = arith.addi %parallel_loop3A_615, %parallel_loop3A_613 : i32
        %parallel_loop3A_617 = arith.index_cast %parallel_loop3A_616 : i32 to index
        %parallel_loop3A_618 = arith.constant 0 : index
        %parallel_loop3A_619 = tpu.vector_load %arg9[%parallel_loop3A_617, %parallel_loop3A_618] {strides = array<i32>} : memref<256x32xf32, #tpu.memory_space<vmem>>, vector<16xf32>,
        %parallel_loop3A_620 = arith.addf %parallel_loop3A_619, %get3A_541 : vector<16xf32>
        %parallel_loop3A_621 = arith.constant 136 : i32
        %parallel_loop3A_622 = vector.broadcast %parallel_loop3A_621 : i32 to vector<16xi32>
        %parallel_loop3A_623 = arith.addi %parallel_loop3A_622, %parallel_loop3A_614 : vector<16xi32>
        tpu.vector_store_idx %arg11[%add3A_37, %parallel_loop3A_623], %parallel_loop3A_620 : memref<32x273xf32, #tpu.memory_space<vmem>>[vector<16xi32>, vector<16xi32>], vector<16xf32>,
        %parallel_loop3A_624 = arith.constant 128 : i32
        %parallel_loop3A_625 = arith.addi %parallel_loop3A_624, %parallel_loop3A_613 : i32
        %parallel_loop3A_626 = arith.index_cast %parallel_loop3A_625 : i32 to index
        %parallel_loop3A_627 = arith.constant 16 : index
        %parallel_loop3A_628 = tpu.vector_load %arg9[%parallel_loop3A_626, %parallel_loop3A_627] {strides = array<i32>} : memref<256x32xf32, #tpu.memory_space<vmem>>, vector<16xf32>,
        %parallel_loop3A_629 = arith.addf %parallel_loop3A_628, %get3A_544 : vector<16xf32>
        %parallel_loop3A_630 = arith.constant 136 : i32
        %parallel_loop3A_631 = vector.broadcast %parallel_loop3A_630 : i32 to vector<16xi32>
        %parallel_loop3A_632 = arith.addi %parallel_loop3A_631, %parallel_loop3A_614 : vector<16xi32>
        tpu.vector_store_idx %arg11[%add3A_40, %parallel_loop3A_632], %parallel_loop3A_629 : memref<32x273xf32, #tpu.memory_space<vmem>>[vector<16xi32>, vector<16xi32>], vector<16xf32>,
      } {sc.loop_unroll_factor = 4 : i64, sc.parallel_access}
      %add3A_548 = arith.addi %mul3A_32, %add3A_538 : i32
      %dma_start3A_549 = arith.constant 0 : i32
      %dma_start3A_550 = arith.constant 0 : i32
      %dma_start3A_551 = arith.constant 136 : i32
      %dma_start3A_552 = tpu.memref_slice %arg11[%dma_start3A_550, %dma_start3A_551] : memref<32x273xf32, #tpu.memory_space<vmem>> -> memref<8x128xf32, #tpu.memory_space<vmem>>
      %dma_start3A_553 = arith.constant 0 : i32
      %dma_start3A_554 = arith.constant 0 : i32
      %dma_start3A_555 = tpu.memref_slice %arg5[%add3A_548, %dma_start3A_549, %select_n3A_9, %dma_start3A_553, %dma_start3A_554] : memref<200x8x8x8x128xf32, #tpu.memory_space<hbm>> -> memref<1x1x1x8x128xf32, #tpu.memory_space<hbm>>
      %dma_start3A_556 = tpu.memref_squeeze %dma_start3A_555 : memref<1x1x1x8x128xf32, #tpu.memory_space<hbm>> -> memref<8x128xf32, #tpu.memory_space<hbm>>
      %dma_start3A_557 = arith.constant 0 : i32
      %dma_start3A_558 = arith.constant 0 : i32
      %dma_start3A_559 = tpu.memref_slice %arg5[%add3A_548, %dma_start3A_549, %select_n3A_9, %dma_start3A_557, %dma_start3A_558] : memref<200x8x8x8x128xf32, #tpu.memory_space<hbm>> -> memref<1x1x1x8x128xf32, #tpu.memory_space<hbm>>
      %dma_start3A_560 = tpu.memref_squeeze %dma_start3A_559 : memref<1x1x1x8x128xf32, #tpu.memory_space<hbm>> -> memref<8x128xf32, #tpu.memory_space<hbm>>
      %dma_start3A_561 = arith.constant 0 : i32
      %dma_start3A_562 = arith.constant 136 : i32
      %dma_start3A_563 = tpu.memref_slice %arg11[%dma_start3A_561, %dma_start3A_562] : memref<32x273xf32, #tpu.memory_space<vmem>> -> memref<8x128xf32, #tpu.memory_space<vmem>>
      tpu.enqueue_dma source(%dma_start3A_563 : memref<8x128xf32, #tpu.memory_space<vmem>>) target(%dma_start3A_560 : memref<8x128xf32, #tpu.memory_space<hbm>>) target_semaphore(%arg15 : memref<!tpu.dma_semaphore, #tpu.memory_space<semaphore_mem>>)
      %add3A_564 = arith.addi %mul3A_32, %add3A_538 : i32
      %dma_start3A_565 = arith.constant 1 : i32
      %dma_start3A_566 = arith.constant 8 : i32
      %dma_start3A_567 = arith.constant 136 : i32
      %dma_start3A_568 = tpu.memref_slice %arg11[%dma_start3A_566, %dma_start3A_567] : memref<32x273xf32, #tpu.memory_space<vmem>> -> memref<8x128xf32, #tpu.memory_space<vmem>>
      %dma_start3A_569 = arith.constant 0 : i32
      %dma_start3A_570 = arith.constant 0 : i32
      %dma_start3A_571 = tpu.memref_slice %arg5[%add3A_564, %dma_start3A_565, %select_n3A_9, %dma_start3A_569, %dma_start3A_570] : memref<200x8x8x8x128xf32, #tpu.memory_space<hbm>> -> memref<1x1x1x8x128xf32, #tpu.memory_space<hbm>>
      %dma_start3A_572 = tpu.memref_squeeze %dma_start3A_571 : memref<1x1x1x8x128xf32, #tpu.memory_space<hbm>> -> memref<8x128xf32, #tpu.memory_space<hbm>>
      %dma_start3A_573 = arith.constant 0 : i32
      %dma_start3A_574 = arith.constant 0 : i32
      %dma_start3A_575 = tpu.memref_slice %arg5[%add3A_564, %dma_start3A_565, %select_n3A_9, %dma_start3A_573, %dma_start3A_574] : memref<200x8x8x8x128xf32, #tpu.memory_space<hbm>> -> memref<1x1x1x8x128xf32, #tpu.memory_space<hbm>>
      %dma_start3A_576 = tpu.memref_squeeze %dma_start3A_575 : memref<1x1x1x8x128xf32, #tpu.memory_space<hbm>> -> memref<8x128xf32, #tpu.memory_space<hbm>>
      %dma_start3A_577 = arith.constant 8 : i32
      %dma_start3A_578 = arith.constant 136 : i32
      %dma_start3A_579 = tpu.memref_slice %arg11[%dma_start3A_577, %dma_start3A_578] : memref<32x273xf32, #tpu.memory_space<vmem>> -> memref<8x128xf32, #tpu.memory_space<vmem>>
      tpu.enqueue_dma source(%dma_start3A_579 : memref<8x128xf32, #tpu.memory_space<vmem>>) target(%dma_start3A_576 : memref<8x128xf32, #tpu.memory_space<hbm>>) target_semaphore(%arg15 : memref<!tpu.dma_semaphore, #tpu.memory_space<semaphore_mem>>)
      %add3A_580 = arith.addi %mul3A_32, %add3A_538 : i32
      %dma_start3A_581 = arith.constant 2 : i32
      %dma_start3A_582 = arith.constant 16 : i32
      %dma_start3A_583 = arith.constant 136 : i32
      %dma_start3A_584 = tpu.memref_slice %arg11[%dma_start3A_582, %dma_start3A_583] : memref<32x273xf32, #tpu.memory_space<vmem>> -> memref<8x128xf32, #tpu.memory_space<vmem>>
      %dma_start3A_585 = arith.constant 0 : i32
      %dma_start3A_586 = arith.constant 0 : i32
      %dma_start3A_587 = tpu.memref_slice %arg5[%add3A_580, %dma_start3A_581, %select_n3A_9, %dma_start3A_585, %dma_start3A_586] : memref<200x8x8x8x128xf32, #tpu.memory_space<hbm>> -> memref<1x1x1x8x128xf32, #tpu.memory_space<hbm>>
      %dma_start3A_588 = tpu.memref_squeeze %dma_start3A_587 : memref<1x1x1x8x128xf32, #tpu.memory_space<hbm>> -> memref<8x128xf32, #tpu.memory_space<hbm>>
      %dma_start3A_589 = arith.constant 0 : i32
      %dma_start3A_590 = arith.constant 0 : i32
      %dma_start3A_591 = tpu.memref_slice %arg5[%add3A_580, %dma_start3A_581, %select_n3A_9, %dma_start3A_589, %dma_start3A_590] : memref<200x8x8x8x128xf32, #tpu.memory_space<hbm>> -> memref<1x1x1x8x128xf32, #tpu.memory_space<hbm>>
      %dma_start3A_592 = tpu.memref_squeeze %dma_start3A_591 : memref<1x1x1x8x128xf32, #tpu.memory_space<hbm>> -> memref<8x128xf32, #tpu.memory_space<hbm>>
      %dma_start3A_593 = arith.constant 16 : i32
      %dma_start3A_594 = arith.constant 136 : i32
      %dma_start3A_595 = tpu.memref_slice %arg11[%dma_start3A_593, %dma_start3A_594] : memref<32x273xf32, #tpu.memory_space<vmem>> -> memref<8x128xf32, #tpu.memory_space<vmem>>
      tpu.enqueue_dma source(%dma_start3A_595 : memref<8x128xf32, #tpu.memory_space<vmem>>) target(%dma_start3A_592 : memref<8x128xf32, #tpu.memory_space<hbm>>) target_semaphore(%arg15 : memref<!tpu.dma_semaphore, #tpu.memory_space<semaphore_mem>>)
      %add3A_596 = arith.addi %mul3A_32, %add3A_538 : i32
      %dma_start3A_597 = arith.constant 3 : i32
      %dma_start3A_598 = arith.constant 24 : i32
      %dma_start3A_599 = arith.constant 136 : i32
      %dma_start3A_600 = tpu.memref_slice %arg11[%dma_start3A_598, %dma_start3A_599] : memref<32x273xf32, #tpu.memory_space<vmem>> -> memref<8x128xf32, #tpu.memory_space<vmem>>
      %dma_start3A_601 = arith.constant 0 : i32
      %dma_start3A_602 = arith.constant 0 : i32
      %dma_start3A_603 = tpu.memref_slice %arg5[%add3A_596, %dma_start3A_597, %select_n3A_9, %dma_start3A_601, %dma_start3A_602] : memref<200x8x8x8x128xf32, #tpu.memory_space<hbm>> -> memref<1x1x1x8x128xf32, #tpu.memory_space<hbm>>
      %dma_start3A_604 = tpu.memref_squeeze %dma_start3A_603 : memref<1x1x1x8x128xf32, #tpu.memory_space<hbm>> -> memref<8x128xf32, #tpu.memory_space<hbm>>
      %dma_start3A_605 = arith.constant 0 : i32
      %dma_start3A_606 = arith.constant 0 : i32
      %dma_start3A_607 = tpu.memref_slice %arg5[%add3A_596, %dma_start3A_597, %select_n3A_9, %dma_start3A_605, %dma_start3A_606] : memref<200x8x8x8x128xf32, #tpu.memory_space<hbm>> -> memref<1x1x1x8x128xf32, #tpu.memory_space<hbm>>
      %dma_start3A_608 = tpu.memref_squeeze %dma_start3A_607 : memref<1x1x1x8x128xf32, #tpu.memory_space<hbm>> -> memref<8x128xf32, #tpu.memory_space<hbm>>
      %dma_start3A_609 = arith.constant 24 : i32
      %dma_start3A_610 = arith.constant 136 : i32
      %dma_start3A_611 = tpu.memref_slice %arg11[%dma_start3A_609, %dma_start3A_610] : memref<32x273xf32, #tpu.memory_space<vmem>> -> memref<8x128xf32, #tpu.memory_space<vmem>>
      tpu.enqueue_dma source(%dma_start3A_611 : memref<8x128xf32, #tpu.memory_space<vmem>>) target(%dma_start3A_608 : memref<8x128xf32, #tpu.memory_space<hbm>>) target_semaphore(%arg15 : memref<!tpu.dma_semaphore, #tpu.memory_space<semaphore_mem>>)
      %scan3A_612 = arith.constant 0 : i32
      scf.yield %scan3A_612 : i32
    }
    %scan3A_85 = arith.constant 12 : i32
    %dma_wait3A = arith.constant 0 : i32
    %dma_wait3A_86 = arith.constant 0 : i32
    %dma_wait3A_87 = tpu.memref_slice %arg3[%dma_wait3A, %dma_wait3A_86] : memref<100000x32xf32, #tpu.memory_space<hbm>> -> memref<256x32xf32, #tpu.memory_space<hbm>>
    %dma_wait3A_88 = arith.constant 0 : i32
    %dma_wait3A_89 = arith.constant 0 : i32
    %dma_wait3A_90 = tpu.memref_slice %arg3[%dma_wait3A_88, %dma_wait3A_89] : memref<100000x32xf32, #tpu.memory_space<hbm>> -> memref<256x32xf32, #tpu.memory_space<hbm>>
    tpu.wait_dma2 semaphore(%arg12 : memref<!tpu.dma_semaphore, #tpu.memory_space<semaphore_mem>>) src(%dma_wait3A_90 : memref<256x32xf32, #tpu.memory_space<hbm>>) dst(%arg8 : memref<256x32xf32, #tpu.memory_space<vmem>>)
    %dma_wait3A_91 = arith.constant 0 : i32
    %dma_wait3A_92 = arith.constant 0 : i32
    %dma_wait3A_93 = tpu.memref_slice %arg3[%dma_wait3A_91, %dma_wait3A_92] : memref<100000x32xf32, #tpu.memory_space<hbm>> -> memref<256x32xf32, #tpu.memory_space<hbm>>
    %dma_wait3A_94 = arith.constant 0 : i32
    %dma_wait3A_95 = arith.constant 0 : i32
    %dma_wait3A_96 = tpu.memref_slice %arg3[%dma_wait3A_94, %dma_wait3A_95] : memref<100000x32xf32, #tpu.memory_space<hbm>> -> memref<256x32xf32, #tpu.memory_space<hbm>>
    tpu.wait_dma2 semaphore(%arg14 : memref<!tpu.dma_semaphore, #tpu.memory_space<semaphore_mem>>) src(%dma_wait3A_96 : memref<256x32xf32, #tpu.memory_space<hbm>>) dst(%arg8 : memref<256x32xf32, #tpu.memory_space<vmem>>)
    %get3A = arith.constant 48 : i32
    %get3A_97 = arith.index_cast %get3A : i32 to index
    %get3A_98 = arith.constant 0 : index
    %get3A_99 = tpu.vector_load %arg7[%get3A_97, %get3A_98] {strides = array<i32>} : memref<50x64xf32, #tpu.memory_space<vmem>>, vector<16xf32>,
    %get3A_100 = arith.constant 48 : i32
    %get3A_101 = arith.index_cast %get3A_100 : i32 to index
    %get3A_102 = arith.constant 16 : index
    %get3A_103 = tpu.vector_load %arg7[%get3A_101, %get3A_102] {strides = array<i32>} : memref<50x64xf32, #tpu.memory_space<vmem>>, vector<16xf32>,
    %parallel_loop3A = arith.constant 0 : i32
    %parallel_loop3A_104 = arith.constant 128 : i32
    %parallel_loop3A_105 = arith.constant 1 : i32
    scf.for %parallel_loop3A_265 = %parallel_loop3A to %parallel_loop3A_104 step %parallel_loop3A_105  : i32 {
      %parallel_loop3A_266 = vector.broadcast %parallel_loop3A_265 : i32 to vector<16xi32>
      %parallel_loop3A_267 = arith.constant 0 : i32
      %parallel_loop3A_268 = arith.addi %parallel_loop3A_267, %parallel_loop3A_265 : i32
      %parallel_loop3A_269 = arith.index_cast %parallel_loop3A_268 : i32 to index
      %parallel_loop3A_270 = arith.constant 0 : index
      %parallel_loop3A_271 = tpu.vector_load %arg8[%parallel_loop3A_269, %parallel_loop3A_270] {strides = array<i32>} : memref<256x32xf32, #tpu.memory_space<vmem>>, vector<16xf32>,
      %parallel_loop3A_272 = arith.addf %parallel_loop3A_271, %get3A_99 : vector<16xf32>
      %parallel_loop3A_273 = arith.constant 0 : i32
      %parallel_loop3A_274 = vector.broadcast %parallel_loop3A_273 : i32 to vector<16xi32>
      %parallel_loop3A_275 = arith.addi %parallel_loop3A_274, %parallel_loop3A_266 : vector<16xi32>
      tpu.vector_store_idx %arg10[%add3A_37, %parallel_loop3A_275], %parallel_loop3A_272 : memref<32x273xf32, #tpu.memory_space<vmem>>[vector<16xi32>, vector<16xi32>], vector<16xf32>,
      %parallel_loop3A_276 = arith.constant 0 : i32
      %parallel_loop3A_277 = arith.addi %parallel_loop3A_276, %parallel_loop3A_265 : i32
      %parallel_loop3A_278 = arith.index_cast %parallel_loop3A_277 : i32 to index
      %parallel_loop3A_279 = arith.constant 16 : index
      %parallel_loop3A_280 = tpu.vector_load %arg8[%parallel_loop3A_278, %parallel_loop3A_279] {strides = array<i32>} : memref<256x32xf32, #tpu.memory_space<vmem>>, vector<16xf32>,
      %parallel_loop3A_281 = arith.addf %parallel_loop3A_280, %get3A_103 : vector<16xf32>
      %parallel_loop3A_282 = arith.constant 0 : i32
      %parallel_loop3A_283 = vector.broadcast %parallel_loop3A_282 : i32 to vector<16xi32>
      %parallel_loop3A_284 = arith.addi %parallel_loop3A_283, %parallel_loop3A_266 : vector<16xi32>
      tpu.vector_store_idx %arg10[%add3A_40, %parallel_loop3A_284], %parallel_loop3A_281 : memref<32x273xf32, #tpu.memory_space<vmem>>[vector<16xi32>, vector<16xi32>], vector<16xf32>,
    } {sc.loop_unroll_factor = 4 : i64, sc.parallel_access}
    %add3A_106 = arith.constant 48 : i32
    %add3A_107 = arith.addi %mul3A_32, %add3A_106 : i32
    %dma_start3A_108 = arith.constant 0 : i32
    %dma_start3A_109 = arith.constant 0 : i32
    %dma_start3A_110 = arith.constant 0 : i32
    %dma_start3A_111 = tpu.memref_slice %arg10[%dma_start3A_109, %dma_start3A_110] : memref<32x273xf32, #tpu.memory_space<vmem>> -> memref<8x128xf32, #tpu.memory_space<vmem>>
    %dma_start3A_112 = arith.constant 0 : i32
    %dma_start3A_113 = arith.constant 0 : i32
    %dma_start3A_114 = tpu.memref_slice %arg5[%add3A_107, %dma_start3A_108, %select_n3A_9, %dma_start3A_112, %dma_start3A_113] : memref<200x8x8x8x128xf32, #tpu.memory_space<hbm>> -> memref<1x1x1x8x128xf32, #tpu.memory_space<hbm>>
    %dma_start3A_115 = tpu.memref_squeeze %dma_start3A_114 : memref<1x1x1x8x128xf32, #tpu.memory_space<hbm>> -> memref<8x128xf32, #tpu.memory_space<hbm>>
    %dma_start3A_116 = arith.constant 0 : i32
    %dma_start3A_117 = arith.constant 0 : i32
    %dma_start3A_118 = tpu.memref_slice %arg5[%add3A_107, %dma_start3A_108, %select_n3A_9, %dma_start3A_116, %dma_start3A_117] : memref<200x8x8x8x128xf32, #tpu.memory_space<hbm>> -> memref<1x1x1x8x128xf32, #tpu.memory_space<hbm>>
    %dma_start3A_119 = tpu.memref_squeeze %dma_start3A_118 : memref<1x1x1x8x128xf32, #tpu.memory_space<hbm>> -> memref<8x128xf32, #tpu.memory_space<hbm>>
    %dma_start3A_120 = arith.constant 0 : i32
    %dma_start3A_121 = arith.constant 0 : i32
    %dma_start3A_122 = tpu.memref_slice %arg10[%dma_start3A_120, %dma_start3A_121] : memref<32x273xf32, #tpu.memory_space<vmem>> -> memref<8x128xf32, #tpu.memory_space<vmem>>
    tpu.enqueue_dma source(%dma_start3A_122 : memref<8x128xf32, #tpu.memory_space<vmem>>) target(%dma_start3A_119 : memref<8x128xf32, #tpu.memory_space<hbm>>) target_semaphore(%arg14 : memref<!tpu.dma_semaphore, #tpu.memory_space<semaphore_mem>>)
    %add3A_123 = arith.constant 48 : i32
    %add3A_124 = arith.addi %mul3A_32, %add3A_123 : i32
    %dma_start3A_125 = arith.constant 1 : i32
    %dma_start3A_126 = arith.constant 8 : i32
    %dma_start3A_127 = arith.constant 0 : i32
    %dma_start3A_128 = tpu.memref_slice %arg10[%dma_start3A_126, %dma_start3A_127] : memref<32x273xf32, #tpu.memory_space<vmem>> -> memref<8x128xf32, #tpu.memory_space<vmem>>
    %dma_start3A_129 = arith.constant 0 : i32
    %dma_start3A_130 = arith.constant 0 : i32
    %dma_start3A_131 = tpu.memref_slice %arg5[%add3A_124, %dma_start3A_125, %select_n3A_9, %dma_start3A_129, %dma_start3A_130] : memref<200x8x8x8x128xf32, #tpu.memory_space<hbm>> -> memref<1x1x1x8x128xf32, #tpu.memory_space<hbm>>
    %dma_start3A_132 = tpu.memref_squeeze %dma_start3A_131 : memref<1x1x1x8x128xf32, #tpu.memory_space<hbm>> -> memref<8x128xf32, #tpu.memory_space<hbm>>
    %dma_start3A_133 = arith.constant 0 : i32
    %dma_start3A_134 = arith.constant 0 : i32
    %dma_start3A_135 = tpu.memref_slice %arg5[%add3A_124, %dma_start3A_125, %select_n3A_9, %dma_start3A_133, %dma_start3A_134] : memref<200x8x8x8x128xf32, #tpu.memory_space<hbm>> -> memref<1x1x1x8x128xf32, #tpu.memory_space<hbm>>
    %dma_start3A_136 = tpu.memref_squeeze %dma_start3A_135 : memref<1x1x1x8x128xf32, #tpu.memory_space<hbm>> -> memref<8x128xf32, #tpu.memory_space<hbm>>
    %dma_start3A_137 = arith.constant 8 : i32
    %dma_start3A_138 = arith.constant 0 : i32
    %dma_start3A_139 = tpu.memref_slice %arg10[%dma_start3A_137, %dma_start3A_138] : memref<32x273xf32, #tpu.memory_space<vmem>> -> memref<8x128xf32, #tpu.memory_space<vmem>>
    tpu.enqueue_dma source(%dma_start3A_139 : memref<8x128xf32, #tpu.memory_space<vmem>>) target(%dma_start3A_136 : memref<8x128xf32, #tpu.memory_space<hbm>>) target_semaphore(%arg14 : memref<!tpu.dma_semaphore, #tpu.memory_space<semaphore_mem>>)
    %add3A_140 = arith.constant 48 : i32
    %add3A_141 = arith.addi %mul3A_32, %add3A_140 : i32
    %dma_start3A_142 = arith.constant 2 : i32
    %dma_start3A_143 = arith.constant 16 : i32
    %dma_start3A_144 = arith.constant 0 : i32
    %dma_start3A_145 = tpu.memref_slice %arg10[%dma_start3A_143, %dma_start3A_144] : memref<32x273xf32, #tpu.memory_space<vmem>> -> memref<8x128xf32, #tpu.memory_space<vmem>>
    %dma_start3A_146 = arith.constant 0 : i32
    %dma_start3A_147 = arith.constant 0 : i32
    %dma_start3A_148 = tpu.memref_slice %arg5[%add3A_141, %dma_start3A_142, %select_n3A_9, %dma_start3A_146, %dma_start3A_147] : memref<200x8x8x8x128xf32, #tpu.memory_space<hbm>> -> memref<1x1x1x8x128xf32, #tpu.memory_space<hbm>>
    %dma_start3A_149 = tpu.memref_squeeze %dma_start3A_148 : memref<1x1x1x8x128xf32, #tpu.memory_space<hbm>> -> memref<8x128xf32, #tpu.memory_space<hbm>>
    %dma_start3A_150 = arith.constant 0 : i32
    %dma_start3A_151 = arith.constant 0 : i32
    %dma_start3A_152 = tpu.memref_slice %arg5[%add3A_141, %dma_start3A_142, %select_n3A_9, %dma_start3A_150, %dma_start3A_151] : memref<200x8x8x8x128xf32, #tpu.memory_space<hbm>> -> memref<1x1x1x8x128xf32, #tpu.memory_space<hbm>>
    %dma_start3A_153 = tpu.memref_squeeze %dma_start3A_152 : memref<1x1x1x8x128xf32, #tpu.memory_space<hbm>> -> memref<8x128xf32, #tpu.memory_space<hbm>>
    %dma_start3A_154 = arith.constant 16 : i32
    %dma_start3A_155 = arith.constant 0 : i32
    %dma_start3A_156 = tpu.memref_slice %arg10[%dma_start3A_154, %dma_start3A_155] : memref<32x273xf32, #tpu.memory_space<vmem>> -> memref<8x128xf32, #tpu.memory_space<vmem>>
    tpu.enqueue_dma source(%dma_start3A_156 : memref<8x128xf32, #tpu.memory_space<vmem>>) target(%dma_start3A_153 : memref<8x128xf32, #tpu.memory_space<hbm>>) target_semaphore(%arg14 : memref<!tpu.dma_semaphore, #tpu.memory_space<semaphore_mem>>)
    %add3A_157 = arith.constant 48 : i32
    %add3A_158 = arith.addi %mul3A_32, %add3A_157 : i32
    %dma_start3A_159 = arith.constant 3 : i32
    %dma_start3A_160 = arith.constant 24 : i32
    %dma_start3A_161 = arith.constant 0 : i32
    %dma_start3A_162 = tpu.memref_slice %arg10[%dma_start3A_160, %dma_start3A_161] : memref<32x273xf32, #tpu.memory_space<vmem>> -> memref<8x128xf32, #tpu.memory_space<vmem>>
    %dma_start3A_163 = arith.constant 0 : i32
    %dma_start3A_164 = arith.constant 0 : i32
    %dma_start3A_165 = tpu.memref_slice %arg5[%add3A_158, %dma_start3A_159, %select_n3A_9, %dma_start3A_163, %dma_start3A_164] : memref<200x8x8x8x128xf32, #tpu.memory_space<hbm>> -> memref<1x1x1x8x128xf32, #tpu.memory_space<hbm>>
    %dma_start3A_166 = tpu.memref_squeeze %dma_start3A_165 : memref<1x1x1x8x128xf32, #tpu.memory_space<hbm>> -> memref<8x128xf32, #tpu.memory_space<hbm>>
    %dma_start3A_167 = arith.constant 0 : i32
    %dma_start3A_168 = arith.constant 0 : i32
    %dma_start3A_169 = tpu.memref_slice %arg5[%add3A_158, %dma_start3A_159, %select_n3A_9, %dma_start3A_167, %dma_start3A_168] : memref<200x8x8x8x128xf32, #tpu.memory_space<hbm>> -> memref<1x1x1x8x128xf32, #tpu.memory_space<hbm>>
    %dma_start3A_170 = tpu.memref_squeeze %dma_start3A_169 : memref<1x1x1x8x128xf32, #tpu.memory_space<hbm>> -> memref<8x128xf32, #tpu.memory_space<hbm>>
    %dma_start3A_171 = arith.constant 24 : i32
    %dma_start3A_172 = arith.constant 0 : i32
    %dma_start3A_173 = tpu.memref_slice %arg10[%dma_start3A_171, %dma_start3A_172] : memref<32x273xf32, #tpu.memory_space<vmem>> -> memref<8x128xf32, #tpu.memory_space<vmem>>
    tpu.enqueue_dma source(%dma_start3A_173 : memref<8x128xf32, #tpu.memory_space<vmem>>) target(%dma_start3A_170 : memref<8x128xf32, #tpu.memory_space<hbm>>) target_semaphore(%arg14 : memref<!tpu.dma_semaphore, #tpu.memory_space<semaphore_mem>>)
    %get3A_174 = arith.constant 49 : i32
    %get3A_175 = arith.index_cast %get3A_174 : i32 to index
    %get3A_176 = arith.constant 0 : index
    %get3A_177 = tpu.vector_load %arg7[%get3A_175, %get3A_176] {strides = array<i32>} : memref<50x64xf32, #tpu.memory_space<vmem>>, vector<16xf32>,
    %get3A_178 = arith.constant 49 : i32
    %get3A_179 = arith.index_cast %get3A_178 : i32 to index
    %get3A_180 = arith.constant 16 : index
    %get3A_181 = tpu.vector_load %arg7[%get3A_179, %get3A_180] {strides = array<i32>} : memref<50x64xf32, #tpu.memory_space<vmem>>, vector<16xf32>,
    %parallel_loop3A_182 = arith.constant 0 : i32
    %parallel_loop3A_183 = arith.constant 128 : i32
    %parallel_loop3A_184 = arith.constant 1 : i32
    scf.for %parallel_loop3A_265 = %parallel_loop3A_182 to %parallel_loop3A_183 step %parallel_loop3A_184  : i32 {
      %parallel_loop3A_266 = vector.broadcast %parallel_loop3A_265 : i32 to vector<16xi32>
      %parallel_loop3A_267 = arith.constant 128 : i32
      %parallel_loop3A_268 = arith.addi %parallel_loop3A_267, %parallel_loop3A_265 : i32
      %parallel_loop3A_269 = arith.index_cast %parallel_loop3A_268 : i32 to index
      %parallel_loop3A_270 = arith.constant 0 : index
      %parallel_loop3A_271 = tpu.vector_load %arg8[%parallel_loop3A_269, %parallel_loop3A_270] {strides = array<i32>} : memref<256x32xf32, #tpu.memory_space<vmem>>, vector<16xf32>,
      %parallel_loop3A_272 = arith.addf %parallel_loop3A_271, %get3A_177 : vector<16xf32>
      %parallel_loop3A_273 = arith.constant 136 : i32
      %parallel_loop3A_274 = vector.broadcast %parallel_loop3A_273 : i32 to vector<16xi32>
      %parallel_loop3A_275 = arith.addi %parallel_loop3A_274, %parallel_loop3A_266 : vector<16xi32>
      tpu.vector_store_idx %arg10[%add3A_37, %parallel_loop3A_275], %parallel_loop3A_272 : memref<32x273xf32, #tpu.memory_space<vmem>>[vector<16xi32>, vector<16xi32>], vector<16xf32>,
      %parallel_loop3A_276 = arith.constant 128 : i32
      %parallel_loop3A_277 = arith.addi %parallel_loop3A_276, %parallel_loop3A_265 : i32
      %parallel_loop3A_278 = arith.index_cast %parallel_loop3A_277 : i32 to index
      %parallel_loop3A_279 = arith.constant 16 : index
      %parallel_loop3A_280 = tpu.vector_load %arg8[%parallel_loop3A_278, %parallel_loop3A_279] {strides = array<i32>} : memref<256x32xf32, #tpu.memory_space<vmem>>, vector<16xf32>,
      %parallel_loop3A_281 = arith.addf %parallel_loop3A_280, %get3A_181 : vector<16xf32>
      %parallel_loop3A_282 = arith.constant 136 : i32
      %parallel_loop3A_283 = vector.broadcast %parallel_loop3A_282 : i32 to vector<16xi32>
      %parallel_loop3A_284 = arith.addi %parallel_loop3A_283, %parallel_loop3A_266 : vector<16xi32>
      tpu.vector_store_idx %arg10[%add3A_40, %parallel_loop3A_284], %parallel_loop3A_281 : memref<32x273xf32, #tpu.memory_space<vmem>>[vector<16xi32>, vector<16xi32>], vector<16xf32>,
    } {sc.loop_unroll_factor = 4 : i64, sc.parallel_access}
    %add3A_185 = arith.constant 49 : i32
    %add3A_186 = arith.addi %mul3A_32, %add3A_185 : i32
    %dma_start3A_187 = arith.constant 0 : i32
    %dma_start3A_188 = arith.constant 0 : i32
    %dma_start3A_189 = arith.constant 136 : i32
    %dma_start3A_190 = tpu.memref_slice %arg10[%dma_start3A_188, %dma_start3A_189] : memref<32x273xf32, #tpu.memory_space<vmem>> -> memref<8x128xf32, #tpu.memory_space<vmem>>
    %dma_start3A_191 = arith.constant 0 : i32
    %dma_start3A_192 = arith.constant 0 : i32
    %dma_start3A_193 = tpu.memref_slice %arg5[%add3A_186, %dma_start3A_187, %select_n3A_9, %dma_start3A_191, %dma_start3A_192] : memref<200x8x8x8x128xf32, #tpu.memory_space<hbm>> -> memref<1x1x1x8x128xf32, #tpu.memory_space<hbm>>
    %dma_start3A_194 = tpu.memref_squeeze %dma_start3A_193 : memref<1x1x1x8x128xf32, #tpu.memory_space<hbm>> -> memref<8x128xf32, #tpu.memory_space<hbm>>
    %dma_start3A_195 = arith.constant 0 : i32
    %dma_start3A_196 = arith.constant 0 : i32
    %dma_start3A_197 = tpu.memref_slice %arg5[%add3A_186, %dma_start3A_187, %select_n3A_9, %dma_start3A_195, %dma_start3A_196] : memref<200x8x8x8x128xf32, #tpu.memory_space<hbm>> -> memref<1x1x1x8x128xf32, #tpu.memory_space<hbm>>
    %dma_start3A_198 = tpu.memref_squeeze %dma_start3A_197 : memref<1x1x1x8x128xf32, #tpu.memory_space<hbm>> -> memref<8x128xf32, #tpu.memory_space<hbm>>
    %dma_start3A_199 = arith.constant 0 : i32
    %dma_start3A_200 = arith.constant 136 : i32
    %dma_start3A_201 = tpu.memref_slice %arg10[%dma_start3A_199, %dma_start3A_200] : memref<32x273xf32, #tpu.memory_space<vmem>> -> memref<8x128xf32, #tpu.memory_space<vmem>>
    tpu.enqueue_dma source(%dma_start3A_201 : memref<8x128xf32, #tpu.memory_space<vmem>>) target(%dma_start3A_198 : memref<8x128xf32, #tpu.memory_space<hbm>>) target_semaphore(%arg14 : memref<!tpu.dma_semaphore, #tpu.memory_space<semaphore_mem>>)
    %add3A_202 = arith.constant 49 : i32
    %add3A_203 = arith.addi %mul3A_32, %add3A_202 : i32
    %dma_start3A_204 = arith.constant 1 : i32
    %dma_start3A_205 = arith.constant 8 : i32
    %dma_start3A_206 = arith.constant 136 : i32
    %dma_start3A_207 = tpu.memref_slice %arg10[%dma_start3A_205, %dma_start3A_206] : memref<32x273xf32, #tpu.memory_space<vmem>> -> memref<8x128xf32, #tpu.memory_space<vmem>>
    %dma_start3A_208 = arith.constant 0 : i32
    %dma_start3A_209 = arith.constant 0 : i32
    %dma_start3A_210 = tpu.memref_slice %arg5[%add3A_203, %dma_start3A_204, %select_n3A_9, %dma_start3A_208, %dma_start3A_209] : memref<200x8x8x8x128xf32, #tpu.memory_space<hbm>> -> memref<1x1x1x8x128xf32, #tpu.memory_space<hbm>>
    %dma_start3A_211 = tpu.memref_squeeze %dma_start3A_210 : memref<1x1x1x8x128xf32, #tpu.memory_space<hbm>> -> memref<8x128xf32, #tpu.memory_space<hbm>>
    %dma_start3A_212 = arith.constant 0 : i32
    %dma_start3A_213 = arith.constant 0 : i32
    %dma_start3A_214 = tpu.memref_slice %arg5[%add3A_203, %dma_start3A_204, %select_n3A_9, %dma_start3A_212, %dma_start3A_213] : memref<200x8x8x8x128xf32, #tpu.memory_space<hbm>> -> memref<1x1x1x8x128xf32, #tpu.memory_space<hbm>>
    %dma_start3A_215 = tpu.memref_squeeze %dma_start3A_214 : memref<1x1x1x8x128xf32, #tpu.memory_space<hbm>> -> memref<8x128xf32, #tpu.memory_space<hbm>>
    %dma_start3A_216 = arith.constant 8 : i32
    %dma_start3A_217 = arith.constant 136 : i32
    %dma_start3A_218 = tpu.memref_slice %arg10[%dma_start3A_216, %dma_start3A_217] : memref<32x273xf32, #tpu.memory_space<vmem>> -> memref<8x128xf32, #tpu.memory_space<vmem>>
    tpu.enqueue_dma source(%dma_start3A_218 : memref<8x128xf32, #tpu.memory_space<vmem>>) target(%dma_start3A_215 : memref<8x128xf32, #tpu.memory_space<hbm>>) target_semaphore(%arg14 : memref<!tpu.dma_semaphore, #tpu.memory_space<semaphore_mem>>)
    %add3A_219 = arith.constant 49 : i32
    %add3A_220 = arith.addi %mul3A_32, %add3A_219 : i32
    %dma_start3A_221 = arith.constant 2 : i32
    %dma_start3A_222 = arith.constant 16 : i32
    %dma_start3A_223 = arith.constant 136 : i32
    %dma_start3A_224 = tpu.memref_slice %arg10[%dma_start3A_222, %dma_start3A_223] : memref<32x273xf32, #tpu.memory_space<vmem>> -> memref<8x128xf32, #tpu.memory_space<vmem>>
    %dma_start3A_225 = arith.constant 0 : i32
    %dma_start3A_226 = arith.constant 0 : i32
    %dma_start3A_227 = tpu.memref_slice %arg5[%add3A_220, %dma_start3A_221, %select_n3A_9, %dma_start3A_225, %dma_start3A_226] : memref<200x8x8x8x128xf32, #tpu.memory_space<hbm>> -> memref<1x1x1x8x128xf32, #tpu.memory_space<hbm>>
    %dma_start3A_228 = tpu.memref_squeeze %dma_start3A_227 : memref<1x1x1x8x128xf32, #tpu.memory_space<hbm>> -> memref<8x128xf32, #tpu.memory_space<hbm>>
    %dma_start3A_229 = arith.constant 0 : i32
    %dma_start3A_230 = arith.constant 0 : i32
    %dma_start3A_231 = tpu.memref_slice %arg5[%add3A_220, %dma_start3A_221, %select_n3A_9, %dma_start3A_229, %dma_start3A_230] : memref<200x8x8x8x128xf32, #tpu.memory_space<hbm>> -> memref<1x1x1x8x128xf32, #tpu.memory_space<hbm>>
    %dma_start3A_232 = tpu.memref_squeeze %dma_start3A_231 : memref<1x1x1x8x128xf32, #tpu.memory_space<hbm>> -> memref<8x128xf32, #tpu.memory_space<hbm>>
    %dma_start3A_233 = arith.constant 16 : i32
    %dma_start3A_234 = arith.constant 136 : i32
    %dma_start3A_235 = tpu.memref_slice %arg10[%dma_start3A_233, %dma_start3A_234] : memref<32x273xf32, #tpu.memory_space<vmem>> -> memref<8x128xf32, #tpu.memory_space<vmem>>
    tpu.enqueue_dma source(%dma_start3A_235 : memref<8x128xf32, #tpu.memory_space<vmem>>) target(%dma_start3A_232 : memref<8x128xf32, #tpu.memory_space<hbm>>) target_semaphore(%arg14 : memref<!tpu.dma_semaphore, #tpu.memory_space<semaphore_mem>>)
    %add3A_236 = arith.constant 49 : i32
    %add3A_237 = arith.addi %mul3A_32, %add3A_236 : i32
    %dma_start3A_238 = arith.constant 3 : i32
    %dma_start3A_239 = arith.constant 24 : i32
    %dma_start3A_240 = arith.constant 136 : i32
    %dma_start3A_241 = tpu.memref_slice %arg10[%dma_start3A_239, %dma_start3A_240] : memref<32x273xf32, #tpu.memory_space<vmem>> -> memref<8x128xf32, #tpu.memory_space<vmem>>
    %dma_start3A_242 = arith.constant 0 : i32
    %dma_start3A_243 = arith.constant 0 : i32
    %dma_start3A_244 = tpu.memref_slice %arg5[%add3A_237, %dma_start3A_238, %select_n3A_9, %dma_start3A_242, %dma_start3A_243] : memref<200x8x8x8x128xf32, #tpu.memory_space<hbm>> -> memref<1x1x1x8x128xf32, #tpu.memory_space<hbm>>
    %dma_start3A_245 = tpu.memref_squeeze %dma_start3A_244 : memref<1x1x1x8x128xf32, #tpu.memory_space<hbm>> -> memref<8x128xf32, #tpu.memory_space<hbm>>
    %dma_start3A_246 = arith.constant 0 : i32
    %dma_start3A_247 = arith.constant 0 : i32
    %dma_start3A_248 = tpu.memref_slice %arg5[%add3A_237, %dma_start3A_238, %select_n3A_9, %dma_start3A_246, %dma_start3A_247] : memref<200x8x8x8x128xf32, #tpu.memory_space<hbm>> -> memref<1x1x1x8x128xf32, #tpu.memory_space<hbm>>
    %dma_start3A_249 = tpu.memref_squeeze %dma_start3A_248 : memref<1x1x1x8x128xf32, #tpu.memory_space<hbm>> -> memref<8x128xf32, #tpu.memory_space<hbm>>
    %dma_start3A_250 = arith.constant 24 : i32
    %dma_start3A_251 = arith.constant 136 : i32
    %dma_start3A_252 = tpu.memref_slice %arg10[%dma_start3A_250, %dma_start3A_251] : memref<32x273xf32, #tpu.memory_space<vmem>> -> memref<8x128xf32, #tpu.memory_space<vmem>>
    tpu.enqueue_dma source(%dma_start3A_252 : memref<8x128xf32, #tpu.memory_space<vmem>>) target(%dma_start3A_249 : memref<8x128xf32, #tpu.memory_space<hbm>>) target_semaphore(%arg14 : memref<!tpu.dma_semaphore, #tpu.memory_space<semaphore_mem>>)
    %dma_wait3A_253 = arith.constant 0 : i32
    %dma_wait3A_254 = arith.constant 0 : i32
    %dma_wait3A_255 = tpu.memref_slice %arg3[%dma_wait3A_253, %dma_wait3A_254] : memref<100000x32xf32, #tpu.memory_space<hbm>> -> memref<256x32xf32, #tpu.memory_space<hbm>>
    %dma_wait3A_256 = arith.constant 0 : i32
    %dma_wait3A_257 = arith.constant 0 : i32
    %dma_wait3A_258 = tpu.memref_slice %arg3[%dma_wait3A_256, %dma_wait3A_257] : memref<100000x32xf32, #tpu.memory_space<hbm>> -> memref<256x32xf32, #tpu.memory_space<hbm>>
    tpu.wait_dma2 semaphore(%arg15 : memref<!tpu.dma_semaphore, #tpu.memory_space<semaphore_mem>>) src(%dma_wait3A_258 : memref<256x32xf32, #tpu.memory_space<hbm>>) dst(%arg9 : memref<256x32xf32, #tpu.memory_space<vmem>>)
    %dma_wait3A_259 = arith.constant 0 : i32
    %dma_wait3A_260 = arith.constant 0 : i32
    %dma_wait3A_261 = tpu.memref_slice %arg3[%dma_wait3A_259, %dma_wait3A_260] : memref<100000x32xf32, #tpu.memory_space<hbm>> -> memref<256x32xf32, #tpu.memory_space<hbm>>
    %dma_wait3A_262 = arith.constant 0 : i32
    %dma_wait3A_263 = arith.constant 0 : i32
    %dma_wait3A_264 = tpu.memref_slice %arg3[%dma_wait3A_262, %dma_wait3A_263] : memref<100000x32xf32, #tpu.memory_space<hbm>> -> memref<256x32xf32, #tpu.memory_space<hbm>>
    tpu.wait_dma2 semaphore(%arg14 : memref<!tpu.dma_semaphore, #tpu.memory_space<semaphore_mem>>) src(%dma_wait3A_264 : memref<256x32xf32, #tpu.memory_space<hbm>>) dst(%arg8 : memref<256x32xf32, #tpu.memory_space<vmem>>)
    return
  }
}

#map = affine_map<(d0, d1) -> (0, 0)>
#map1 = affine_map<(d0, d1) -> (0, 0, 0, 0, 0)>
module attributes {stable_mosaic.version = 14 : i64} {
  func.func @new_body(%arg0: i32, %arg1: i32, %arg2: memref<200x1024xi32, #tpu.memory_space<hbm>>, %arg3: memref<100000x32xf32, #tpu.memory_space<hbm>>, %arg4: memref<200x64xf32, #tpu.memory_space<hbm>>, %arg5: memref<200x8x8x8x128xf32, #tpu.memory_space<hbm>>, %arg6: memref<200x8x8x8x128xf32, #tpu.memory_space<hbm>>, %arg7: memref<50x128xi32, #tpu.memory_space<vmem>>, %arg8: memref<50x64xf32, #tpu.memory_space<vmem>>, %arg9: memref<256x32xf32, #tpu.memory_space<vmem>>, %arg10: memref<256x32xf32, #tpu.memory_space<vmem>>, %arg11: memref<32x273xf32, #tpu.memory_space<vmem>>, %arg12: memref<32x273xf32, #tpu.memory_space<vmem>>, %arg13: memref<!tpu.dma_semaphore, #tpu.memory_space<semaphore_mem>>, %arg14: memref<!tpu.dma_semaphore, #tpu.memory_space<semaphore_mem>>, %arg15: memref<!tpu.dma_semaphore, #tpu.memory_space<semaphore_mem>>, %arg16: memref<!tpu.dma_semaphore, #tpu.memory_space<semaphore_mem>>) attributes {dimension_semantics = [#tpu.dimension_semantics<core_parallel>, #tpu.dimension_semantics<subcore_parallel>], iteration_bounds = array<i64: 2, 16>, scalar_prefetch = 0 : i64, scratch_operands = 10 : i64, tpu.core_type = #tpu.core_type<sc_vector_subcore>, window_params = [{transform_indices = #map}, {transform_indices = #map}, {transform_indices = #map}, {transform_indices = #map1}, {transform_indices = #map1}]} {
    %mul3A = arith.constant 2 : i32
    %mul3A_0 = arith.muli %arg1, %mul3A : i32
    %add3A = arith.addi %mul3A_0, %arg0 : i32
    %jit3A = arith.constant 8 : i32
    %eq3A = arith.constant 0 : i32
    %eq3A_1 = arith.cmpi eq, %jit3A, %eq3A : i32
    %jit3A_2 = arith.constant 1 : i32
    %select_n3A = arith.select %eq3A_1, %jit3A_2, %jit3A : i32
    %rem3A = arith.remsi %add3A, %select_n3A : i32
    %ne3A = arith.constant 0 : i32
    %ne3A_3 = arith.cmpi ne, %rem3A, %ne3A : i32
    %lt3A = arith.constant 0 : i32
    %lt3A_4 = arith.cmpi slt, %rem3A, %lt3A : i32
    %lt3A_5 = arith.constant 0 : i32
    %lt3A_6 = arith.cmpi slt, %select_n3A, %lt3A_5 : i32
    %ne3A_7 = arith.xori %lt3A_4, %lt3A_6 : i1
    %and3A = arith.andi %ne3A_7, %ne3A_3 : i1
    %add3A_8 = arith.addi %rem3A, %select_n3A : i32
    %select_n3A_9 = arith.select %and3A, %add3A_8, %rem3A : i32
    %jit3A_10 = arith.constant 8 : i32
    %div3A = arith.divsi %add3A, %jit3A_10 : i32
    %sign3A = arith.constant 0 : i32
    %sign3A_11 = arith.cmpi sgt, %add3A, %sign3A : i32
    %sign3A_12 = arith.extui %sign3A_11 : i1 to i32
    %sign3A_13 = arith.constant 0 : i32
    %sign3A_14 = arith.cmpi slt, %add3A, %sign3A_13 : i32
    %sign3A_15 = arith.extui %sign3A_14 : i1 to i32
    %sign3A_16 = arith.subi %sign3A_12, %sign3A_15 : i32
    %sign3A_17 = arith.constant 0 : i32
    %sign3A_18 = arith.cmpi sgt, %jit3A_10, %sign3A_17 : i32
    %sign3A_19 = arith.extui %sign3A_18 : i1 to i32
    %sign3A_20 = arith.constant 0 : i32
    %sign3A_21 = arith.cmpi slt, %jit3A_10, %sign3A_20 : i32
    %sign3A_22 = arith.extui %sign3A_21 : i1 to i32
    %sign3A_23 = arith.subi %sign3A_19, %sign3A_22 : i32
    %ne3A_24 = arith.cmpi ne, %sign3A_16, %sign3A_23 : i32
    %rem3A_25 = arith.remsi %add3A, %jit3A_10 : i32
    %ne3A_26 = arith.constant 0 : i32
    %ne3A_27 = arith.cmpi ne, %rem3A_25, %ne3A_26 : i32
    %and3A_28 = arith.andi %ne3A_24, %ne3A_27 : i1
    %sub3A = arith.constant 1 : i32
    %sub3A_29 = arith.subi %div3A, %sub3A : i32
    %select_n3A_30 = arith.select %and3A_28, %sub3A_29, %div3A : i32
    %mul3A_31 = arith.constant 50 : i32
    %mul3A_32 = arith.muli %select_n3A_30, %mul3A_31 : i32
    %mul3A_33 = arith.constant 128 : i32
    %mul3A_34 = arith.muli %select_n3A_9, %mul3A_33 : i32
    "tpu.region"() ({
      %run_scoped3A = tpu.sem_alloc : memref<!tpu.dma_semaphore, #tpu.memory_space<semaphore_mem>>
      %dma_start3A_265 = tpu.memref_slice %arg2[%mul3A_32, %mul3A_34] : memref<200x1024xi32, #tpu.memory_space<hbm>> -> memref<50x128xi32, #tpu.memory_space<hbm>>
      %dma_start3A_266 = tpu.memref_slice %arg2[%mul3A_32, %mul3A_34] : memref<200x1024xi32, #tpu.memory_space<hbm>> -> memref<50x128xi32, #tpu.memory_space<hbm>>
      tpu.enqueue_dma source(%dma_start3A_266 : memref<50x128xi32, #tpu.memory_space<hbm>>) target(%arg7 : memref<50x128xi32, #tpu.memory_space<vmem>>) target_semaphore(%run_scoped3A : memref<!tpu.dma_semaphore, #tpu.memory_space<semaphore_mem>>)
      %dma_wait3A_267 = tpu.memref_slice %arg2[%mul3A_32, %mul3A_34] : memref<200x1024xi32, #tpu.memory_space<hbm>> -> memref<50x128xi32, #tpu.memory_space<hbm>>
      %dma_wait3A_268 = tpu.memref_slice %arg2[%mul3A_32, %mul3A_34] : memref<200x1024xi32, #tpu.memory_space<hbm>> -> memref<50x128xi32, #tpu.memory_space<hbm>>
      tpu.wait_dma2 semaphore(%run_scoped3A : memref<!tpu.dma_semaphore, #tpu.memory_space<semaphore_mem>>) src(%dma_wait3A_268 : memref<50x128xi32, #tpu.memory_space<hbm>>) dst(%arg7 : memref<50x128xi32, #tpu.memory_space<vmem>>)
      tpu.yield
    }) : () -> ()
    "tpu.region"() ({
      %run_scoped3A = tpu.sem_alloc : memref<!tpu.dma_semaphore, #tpu.memory_space<semaphore_mem>>
      %dma_start3A_265 = arith.constant 0 : i32
      %dma_start3A_266 = tpu.memref_slice %arg4[%mul3A_32, %dma_start3A_265] : memref<200x64xf32, #tpu.memory_space<hbm>> -> memref<50x64xf32, #tpu.memory_space<hbm>>
      %dma_start3A_267 = arith.constant 0 : i32
      %dma_start3A_268 = tpu.memref_slice %arg4[%mul3A_32, %dma_start3A_267] : memref<200x64xf32, #tpu.memory_space<hbm>> -> memref<50x64xf32, #tpu.memory_space<hbm>>
      tpu.enqueue_dma source(%dma_start3A_268 : memref<50x64xf32, #tpu.memory_space<hbm>>) target(%arg8 : memref<50x64xf32, #tpu.memory_space<vmem>>) target_semaphore(%run_scoped3A : memref<!tpu.dma_semaphore, #tpu.memory_space<semaphore_mem>>)
      %dma_wait3A_269 = arith.constant 0 : i32
      %dma_wait3A_270 = tpu.memref_slice %arg4[%mul3A_32, %dma_wait3A_269] : memref<200x64xf32, #tpu.memory_space<hbm>> -> memref<50x64xf32, #tpu.memory_space<hbm>>
      %dma_wait3A_271 = arith.constant 0 : i32
      %dma_wait3A_272 = tpu.memref_slice %arg4[%mul3A_32, %dma_wait3A_271] : memref<200x64xf32, #tpu.memory_space<hbm>> -> memref<50x64xf32, #tpu.memory_space<hbm>>
      tpu.wait_dma2 semaphore(%run_scoped3A : memref<!tpu.dma_semaphore, #tpu.memory_space<semaphore_mem>>) src(%dma_wait3A_272 : memref<50x64xf32, #tpu.memory_space<hbm>>) dst(%arg8 : memref<50x64xf32, #tpu.memory_space<vmem>>)
      tpu.yield
    }) : () -> ()
    %iota3A = tpu.iota {dimensions = array<i32: 0>} : vector<16xi32>
    %add3A_35 = arith.constant 0 : i32
    %add3A_36 = vector.broadcast %add3A_35 : i32 to vector<16xi32>
    %add3A_37 = arith.addi %iota3A, %add3A_36 : vector<16xi32>
    %add3A_38 = arith.constant 16 : i32
    %add3A_39 = vector.broadcast %add3A_38 : i32 to vector<16xi32>
    %add3A_40 = arith.addi %iota3A, %add3A_39 : vector<16xi32>
    %dma_start3A = arith.constant 0 : i32
    %dma_start3A_41 = arith.constant 0 : i32
    %dma_start3A_42 = arith.constant 0 : i32
    %dma_start3A_43 = tpu.memref_slice %arg9[%dma_start3A_41, %dma_start3A_42] : memref<256x32xf32, #tpu.memory_space<vmem>> -> memref<128x32xf32, #tpu.memory_space<vmem>>
    %dma_start3A_44 = arith.constant 0 : i32
    %dma_start3A_45 = tpu.memref_slice %arg7[%dma_start3A, %dma_start3A_44] : memref<50x128xi32, #tpu.memory_space<vmem>> -> memref<1x128xi32, #tpu.memory_space<vmem>>
    %dma_start3A_46 = tpu.memref_squeeze %dma_start3A_45 : memref<1x128xi32, #tpu.memory_space<vmem>> -> memref<128xi32, #tpu.memory_space<vmem>>
    %dma_start3A_47 = arith.constant 0 : i32
    %dma_start3A_48 = arith.constant 0 : i32
    %dma_start3A_49 = tpu.memref_slice %arg3[%dma_start3A_47, %dma_start3A_48] : memref<100000x32xf32, #tpu.memory_space<hbm>> -> memref<100000x32xf32, #tpu.memory_space<hbm>>
    tpu.enqueue_indirect_dma source(%dma_start3A_49 : memref<100000x32xf32, #tpu.memory_space<hbm>>) target(%dma_start3A_43 : memref<128x32xf32, #tpu.memory_space<vmem>>) offsets(%dma_start3A_46 : memref<128xi32, #tpu.memory_space<vmem>>) semaphore(%arg13 : memref<!tpu.dma_semaphore, #tpu.memory_space<semaphore_mem>>)
    %dma_start3A_50 = arith.constant 1 : i32
    %dma_start3A_51 = arith.constant 128 : i32
    %dma_start3A_52 = arith.constant 0 : i32
    %dma_start3A_53 = tpu.memref_slice %arg9[%dma_start3A_51, %dma_start3A_52] : memref<256x32xf32, #tpu.memory_space<vmem>> -> memref<128x32xf32, #tpu.memory_space<vmem>>
    %dma_start3A_54 = arith.constant 0 : i32
    %dma_start3A_55 = tpu.memref_slice %arg7[%dma_start3A_50, %dma_start3A_54] : memref<50x128xi32, #tpu.memory_space<vmem>> -> memref<1x128xi32, #tpu.memory_space<vmem>>
    %dma_start3A_56 = tpu.memref_squeeze %dma_start3A_55 : memref<1x128xi32, #tpu.memory_space<vmem>> -> memref<128xi32, #tpu.memory_space<vmem>>
    %dma_start3A_57 = arith.constant 0 : i32
    %dma_start3A_58 = arith.constant 0 : i32
    %dma_start3A_59 = tpu.memref_slice %arg3[%dma_start3A_57, %dma_start3A_58] : memref<100000x32xf32, #tpu.memory_space<hbm>> -> memref<100000x32xf32, #tpu.memory_space<hbm>>
    tpu.enqueue_indirect_dma source(%dma_start3A_59 : memref<100000x32xf32, #tpu.memory_space<hbm>>) target(%dma_start3A_53 : memref<128x32xf32, #tpu.memory_space<vmem>>) offsets(%dma_start3A_56 : memref<128xi32, #tpu.memory_space<vmem>>) semaphore(%arg13 : memref<!tpu.dma_semaphore, #tpu.memory_space<semaphore_mem>>)
    %dma_start3A_60 = arith.constant 2 : i32
    %dma_start3A_61 = arith.constant 0 : i32
    %dma_start3A_62 = arith.constant 0 : i32
    %dma_start3A_63 = tpu.memref_slice %arg10[%dma_start3A_61, %dma_start3A_62] : memref<256x32xf32, #tpu.memory_space<vmem>> -> memref<128x32xf32, #tpu.memory_space<vmem>>
    %dma_start3A_64 = arith.constant 0 : i32
    %dma_start3A_65 = tpu.memref_slice %arg7[%dma_start3A_60, %dma_start3A_64] : memref<50x128xi32, #tpu.memory_space<vmem>> -> memref<1x128xi32, #tpu.memory_space<vmem>>
    %dma_start3A_66 = tpu.memref_squeeze %dma_start3A_65 : memref<1x128xi32, #tpu.memory_space<vmem>> -> memref<128xi32, #tpu.memory_space<vmem>>
    %dma_start3A_67 = arith.constant 0 : i32
    %dma_start3A_68 = arith.constant 0 : i32
    %dma_start3A_69 = tpu.memref_slice %arg3[%dma_start3A_67, %dma_start3A_68] : memref<100000x32xf32, #tpu.memory_space<hbm>> -> memref<100000x32xf32, #tpu.memory_space<hbm>>
    tpu.enqueue_indirect_dma source(%dma_start3A_69 : memref<100000x32xf32, #tpu.memory_space<hbm>>) target(%dma_start3A_63 : memref<128x32xf32, #tpu.memory_space<vmem>>) offsets(%dma_start3A_66 : memref<128xi32, #tpu.memory_space<vmem>>) semaphore(%arg14 : memref<!tpu.dma_semaphore, #tpu.memory_space<semaphore_mem>>)
    %dma_start3A_70 = arith.constant 3 : i32
    %dma_start3A_71 = arith.constant 128 : i32
    %dma_start3A_72 = arith.constant 0 : i32
    %dma_start3A_73 = tpu.memref_slice %arg10[%dma_start3A_71, %dma_start3A_72] : memref<256x32xf32, #tpu.memory_space<vmem>> -> memref<128x32xf32, #tpu.memory_space<vmem>>
    %dma_start3A_74 = arith.constant 0 : i32
    %dma_start3A_75 = tpu.memref_slice %arg7[%dma_start3A_70, %dma_start3A_74] : memref<50x128xi32, #tpu.memory_space<vmem>> -> memref<1x128xi32, #tpu.memory_space<vmem>>
    %dma_start3A_76 = tpu.memref_squeeze %dma_start3A_75 : memref<1x128xi32, #tpu.memory_space<vmem>> -> memref<128xi32, #tpu.memory_space<vmem>>
    %dma_start3A_77 = arith.constant 0 : i32
    %dma_start3A_78 = arith.constant 0 : i32
    %dma_start3A_79 = tpu.memref_slice %arg3[%dma_start3A_77, %dma_start3A_78] : memref<100000x32xf32, #tpu.memory_space<hbm>> -> memref<100000x32xf32, #tpu.memory_space<hbm>>
    tpu.enqueue_indirect_dma source(%dma_start3A_79 : memref<100000x32xf32, #tpu.memory_space<hbm>>) target(%dma_start3A_73 : memref<128x32xf32, #tpu.memory_space<vmem>>) offsets(%dma_start3A_76 : memref<128xi32, #tpu.memory_space<vmem>>) semaphore(%arg14 : memref<!tpu.dma_semaphore, #tpu.memory_space<semaphore_mem>>)
    %scan3A = arith.constant 0 : i32
    %scan3A_80 = arith.constant 0 : i32
    %scan3A_81 = arith.constant 12 : i32
    %scan3A_82 = arith.addi %scan3A_80, %scan3A_81 : i32
    %scan3A_83 = arith.constant 1 : i32
    %scan3A_84 = scf.for %scan3A_265 = %scan3A_80 to %scan3A_82 step %scan3A_83 iter_args(%scan3A_266 = %scan3A) -> (i32)  : i32 {
      %mul3A_267 = arith.constant 2 : i32
      %mul3A_268 = arith.muli %scan3A_265, %mul3A_267 : i32
      %dma_wait3A_269 = arith.constant 0 : i32
      %dma_wait3A_270 = arith.constant 0 : i32
      %dma_wait3A_271 = tpu.memref_slice %arg3[%dma_wait3A_269, %dma_wait3A_270] : memref<100000x32xf32, #tpu.memory_space<hbm>> -> memref<256x32xf32, #tpu.memory_space<hbm>>
      %dma_wait3A_272 = arith.constant 0 : i32
      %dma_wait3A_273 = arith.constant 0 : i32
      %dma_wait3A_274 = tpu.memref_slice %arg3[%dma_wait3A_272, %dma_wait3A_273] : memref<100000x32xf32, #tpu.memory_space<hbm>> -> memref<256x32xf32, #tpu.memory_space<hbm>>
      tpu.wait_dma2 semaphore(%arg13 : memref<!tpu.dma_semaphore, #tpu.memory_space<semaphore_mem>>) src(%dma_wait3A_274 : memref<256x32xf32, #tpu.memory_space<hbm>>) dst(%arg9 : memref<256x32xf32, #tpu.memory_space<vmem>>)
      %add3A_275 = arith.constant 2 : i32
      %add3A_276 = arith.addi %mul3A_268, %add3A_275 : i32
      %lt3A_277 = arith.constant 25 : i32
      %lt3A_278 = arith.cmpi slt, %add3A_276, %lt3A_277 : i32
      %convert_element_type3A = arith.extui %lt3A_278 : i1 to i32
      %cond3A = arith.constant 0 : i32
      %cond3A_279 = arith.cmpi ne, %convert_element_type3A, %cond3A : i32
      scf.if %cond3A_279 {
        %add3A_613 = arith.constant 2 : i32
        %add3A_614 = arith.addi %mul3A_268, %add3A_613 : i32
        %mul3A_615 = arith.constant 2 : i32
        %mul3A_616 = arith.muli %add3A_614, %mul3A_615 : i32
        %add3A_617 = arith.constant 0 : i32
        %add3A_618 = arith.addi %mul3A_616, %add3A_617 : i32
        %dma_start3A_619 = arith.constant 0 : i32
        %dma_start3A_620 = arith.constant 0 : i32
        %dma_start3A_621 = tpu.memref_slice %arg9[%dma_start3A_619, %dma_start3A_620] : memref<256x32xf32, #tpu.memory_space<vmem>> -> memref<128x32xf32, #tpu.memory_space<vmem>>
        %dma_start3A_622 = arith.constant 0 : i32
        %dma_start3A_623 = tpu.memref_slice %arg7[%add3A_618, %dma_start3A_622] : memref<50x128xi32, #tpu.memory_space<vmem>> -> memref<1x128xi32, #tpu.memory_space<vmem>>
        %dma_start3A_624 = tpu.memref_squeeze %dma_start3A_623 : memref<1x128xi32, #tpu.memory_space<vmem>> -> memref<128xi32, #tpu.memory_space<vmem>>
        %dma_start3A_625 = arith.constant 0 : i32
        %dma_start3A_626 = arith.constant 0 : i32
        %dma_start3A_627 = tpu.memref_slice %arg3[%dma_start3A_625, %dma_start3A_626] : memref<100000x32xf32, #tpu.memory_space<hbm>> -> memref<100000x32xf32, #tpu.memory_space<hbm>>
        tpu.enqueue_indirect_dma source(%dma_start3A_627 : memref<100000x32xf32, #tpu.memory_space<hbm>>) target(%dma_start3A_621 : memref<128x32xf32, #tpu.memory_space<vmem>>) offsets(%dma_start3A_624 : memref<128xi32, #tpu.memory_space<vmem>>) semaphore(%arg13 : memref<!tpu.dma_semaphore, #tpu.memory_space<semaphore_mem>>)
        %mul3A_628 = arith.constant 2 : i32
        %mul3A_629 = arith.muli %add3A_614, %mul3A_628 : i32
        %add3A_630 = arith.constant 1 : i32
        %add3A_631 = arith.addi %mul3A_629, %add3A_630 : i32
        %dma_start3A_632 = arith.constant 128 : i32
        %dma_start3A_633 = arith.constant 0 : i32
        %dma_start3A_634 = tpu.memref_slice %arg9[%dma_start3A_632, %dma_start3A_633] : memref<256x32xf32, #tpu.memory_space<vmem>> -> memref<128x32xf32, #tpu.memory_space<vmem>>
        %dma_start3A_635 = arith.constant 0 : i32
        %dma_start3A_636 = tpu.memref_slice %arg7[%add3A_631, %dma_start3A_635] : memref<50x128xi32, #tpu.memory_space<vmem>> -> memref<1x128xi32, #tpu.memory_space<vmem>>
        %dma_start3A_637 = tpu.memref_squeeze %dma_start3A_636 : memref<1x128xi32, #tpu.memory_space<vmem>> -> memref<128xi32, #tpu.memory_space<vmem>>
        %dma_start3A_638 = arith.constant 0 : i32
        %dma_start3A_639 = arith.constant 0 : i32
        %dma_start3A_640 = tpu.memref_slice %arg3[%dma_start3A_638, %dma_start3A_639] : memref<100000x32xf32, #tpu.memory_space<hbm>> -> memref<100000x32xf32, #tpu.memory_space<hbm>>
        tpu.enqueue_indirect_dma source(%dma_start3A_640 : memref<100000x32xf32, #tpu.memory_space<hbm>>) target(%dma_start3A_634 : memref<128x32xf32, #tpu.memory_space<vmem>>) offsets(%dma_start3A_637 : memref<128xi32, #tpu.memory_space<vmem>>) semaphore(%arg13 : memref<!tpu.dma_semaphore, #tpu.memory_space<semaphore_mem>>)
      } else {
      }
      %ge3A = arith.constant 2 : i32
      %ge3A_280 = arith.cmpi sge, %mul3A_268, %ge3A : i32
      %convert_element_type3A_281 = arith.extui %ge3A_280 : i1 to i32
      %cond3A_282 = arith.constant 0 : i32
      %cond3A_283 = arith.cmpi ne, %convert_element_type3A_281, %cond3A_282 : i32
      scf.if %cond3A_283 {
        %dma_wait3A_613 = arith.constant 0 : i32
        %dma_wait3A_614 = arith.constant 0 : i32
        %dma_wait3A_615 = tpu.memref_slice %arg3[%dma_wait3A_613, %dma_wait3A_614] : memref<100000x32xf32, #tpu.memory_space<hbm>> -> memref<256x32xf32, #tpu.memory_space<hbm>>
        %dma_wait3A_616 = arith.constant 0 : i32
        %dma_wait3A_617 = arith.constant 0 : i32
        %dma_wait3A_618 = tpu.memref_slice %arg3[%dma_wait3A_616, %dma_wait3A_617] : memref<100000x32xf32, #tpu.memory_space<hbm>> -> memref<256x32xf32, #tpu.memory_space<hbm>>
        tpu.wait_dma2 semaphore(%arg15 : memref<!tpu.dma_semaphore, #tpu.memory_space<semaphore_mem>>) src(%dma_wait3A_618 : memref<256x32xf32, #tpu.memory_space<hbm>>) dst(%arg9 : memref<256x32xf32, #tpu.memory_space<vmem>>)
      } else {
      }
      %mul3A_284 = arith.constant 2 : i32
      %mul3A_285 = arith.muli %mul3A_268, %mul3A_284 : i32
      %add3A_286 = arith.constant 0 : i32
      %add3A_287 = arith.addi %mul3A_285, %add3A_286 : i32
      %get3A_288 = arith.index_cast %add3A_287 : i32 to index
      %get3A_289 = arith.constant 16 : index
      %get3A_290 = tpu.vector_load %arg8[%get3A_288, %get3A_289] {strides = array<i32>} : memref<50x64xf32, #tpu.memory_space<vmem>>, vector<16xf32>,
      %get3A_291 = arith.index_cast %add3A_287 : i32 to index
      %get3A_292 = arith.constant 32 : index
      %get3A_293 = tpu.vector_load %arg8[%get3A_291, %get3A_292] {strides = array<i32>} : memref<50x64xf32, #tpu.memory_space<vmem>>, vector<16xf32>,
      %parallel_loop3A_294 = arith.constant 0 : i32
      %parallel_loop3A_295 = arith.constant 128 : i32
      %parallel_loop3A_296 = arith.constant 1 : i32
      scf.for %parallel_loop3A_613 = %parallel_loop3A_294 to %parallel_loop3A_295 step %parallel_loop3A_296  : i32 {
        %parallel_loop3A_614 = vector.broadcast %parallel_loop3A_613 : i32 to vector<16xi32>
        %parallel_loop3A_615 = arith.constant 0 : i32
        %parallel_loop3A_616 = arith.addi %parallel_loop3A_615, %parallel_loop3A_613 : i32
        %parallel_loop3A_617 = arith.index_cast %parallel_loop3A_616 : i32 to index
        %parallel_loop3A_618 = arith.constant 0 : index
        %parallel_loop3A_619 = tpu.vector_load %arg9[%parallel_loop3A_617, %parallel_loop3A_618] {strides = array<i32>} : memref<256x32xf32, #tpu.memory_space<vmem>>, vector<16xf32>,
        %parallel_loop3A_620 = arith.addf %parallel_loop3A_619, %get3A_290 : vector<16xf32>
        %parallel_loop3A_621 = arith.constant 0 : i32
        %parallel_loop3A_622 = vector.broadcast %parallel_loop3A_621 : i32 to vector<16xi32>
        %parallel_loop3A_623 = arith.addi %parallel_loop3A_622, %parallel_loop3A_614 : vector<16xi32>
        tpu.vector_store_idx %arg11[%add3A_37, %parallel_loop3A_623], %parallel_loop3A_620 : memref<32x273xf32, #tpu.memory_space<vmem>>[vector<16xi32>, vector<16xi32>], vector<16xf32>,
        %parallel_loop3A_624 = arith.constant 0 : i32
        %parallel_loop3A_625 = arith.addi %parallel_loop3A_624, %parallel_loop3A_613 : i32
        %parallel_loop3A_626 = arith.index_cast %parallel_loop3A_625 : i32 to index
        %parallel_loop3A_627 = arith.constant 16 : index
        %parallel_loop3A_628 = tpu.vector_load %arg9[%parallel_loop3A_626, %parallel_loop3A_627] {strides = array<i32>} : memref<256x32xf32, #tpu.memory_space<vmem>>, vector<16xf32>,
        %parallel_loop3A_629 = arith.addf %parallel_loop3A_628, %get3A_293 : vector<16xf32>
        %parallel_loop3A_630 = arith.constant 0 : i32
        %parallel_loop3A_631 = vector.broadcast %parallel_loop3A_630 : i32 to vector<16xi32>
        %parallel_loop3A_632 = arith.addi %parallel_loop3A_631, %parallel_loop3A_614 : vector<16xi32>
        tpu.vector_store_idx %arg11[%add3A_40, %parallel_loop3A_632], %parallel_loop3A_629 : memref<32x273xf32, #tpu.memory_space<vmem>>[vector<16xi32>, vector<16xi32>], vector<16xf32>,
      } {sc.loop_unroll_factor = 4 : i64, sc.parallel_access}
      %add3A_297 = arith.addi %mul3A_32, %add3A_287 : i32
      %dma_start3A_298 = arith.constant 4 : i32
      %dma_start3A_299 = arith.constant 0 : i32
      %dma_start3A_300 = arith.constant 0 : i32
      %dma_start3A_301 = tpu.memref_slice %arg11[%dma_start3A_299, %dma_start3A_300] : memref<32x273xf32, #tpu.memory_space<vmem>> -> memref<8x128xf32, #tpu.memory_space<vmem>>
      %dma_start3A_302 = arith.constant 0 : i32
      %dma_start3A_303 = arith.constant 0 : i32
      %dma_start3A_304 = tpu.memref_slice %arg5[%add3A_297, %dma_start3A_298, %select_n3A_9, %dma_start3A_302, %dma_start3A_303] : memref<200x8x8x8x128xf32, #tpu.memory_space<hbm>> -> memref<1x1x1x8x128xf32, #tpu.memory_space<hbm>>
      %dma_start3A_305 = tpu.memref_squeeze %dma_start3A_304 : memref<1x1x1x8x128xf32, #tpu.memory_space<hbm>> -> memref<8x128xf32, #tpu.memory_space<hbm>>
      %dma_start3A_306 = arith.constant 0 : i32
      %dma_start3A_307 = arith.constant 0 : i32
      %dma_start3A_308 = tpu.memref_slice %arg5[%add3A_297, %dma_start3A_298, %select_n3A_9, %dma_start3A_306, %dma_start3A_307] : memref<200x8x8x8x128xf32, #tpu.memory_space<hbm>> -> memref<1x1x1x8x128xf32, #tpu.memory_space<hbm>>
      %dma_start3A_309 = tpu.memref_squeeze %dma_start3A_308 : memref<1x1x1x8x128xf32, #tpu.memory_space<hbm>> -> memref<8x128xf32, #tpu.memory_space<hbm>>
      %dma_start3A_310 = arith.constant 0 : i32
      %dma_start3A_311 = arith.constant 0 : i32
      %dma_start3A_312 = tpu.memref_slice %arg11[%dma_start3A_310, %dma_start3A_311] : memref<32x273xf32, #tpu.memory_space<vmem>> -> memref<8x128xf32, #tpu.memory_space<vmem>>
      tpu.enqueue_dma source(%dma_start3A_312 : memref<8x128xf32, #tpu.memory_space<vmem>>) target(%dma_start3A_309 : memref<8x128xf32, #tpu.memory_space<hbm>>) target_semaphore(%arg15 : memref<!tpu.dma_semaphore, #tpu.memory_space<semaphore_mem>>)
      %add3A_313 = arith.addi %mul3A_32, %add3A_287 : i32
      %dma_start3A_314 = arith.constant 5 : i32
      %dma_start3A_315 = arith.constant 8 : i32
      %dma_start3A_316 = arith.constant 0 : i32
      %dma_start3A_317 = tpu.memref_slice %arg11[%dma_start3A_315, %dma_start3A_316] : memref<32x273xf32, #tpu.memory_space<vmem>> -> memref<8x128xf32, #tpu.memory_space<vmem>>
      %dma_start3A_318 = arith.constant 0 : i32
      %dma_start3A_319 = arith.constant 0 : i32
      %dma_start3A_320 = tpu.memref_slice %arg5[%add3A_313, %dma_start3A_314, %select_n3A_9, %dma_start3A_318, %dma_start3A_319] : memref<200x8x8x8x128xf32, #tpu.memory_space<hbm>> -> memref<1x1x1x8x128xf32, #tpu.memory_space<hbm>>
      %dma_start3A_321 = tpu.memref_squeeze %dma_start3A_320 : memref<1x1x1x8x128xf32, #tpu.memory_space<hbm>> -> memref<8x128xf32, #tpu.memory_space<hbm>>
      %dma_start3A_322 = arith.constant 0 : i32
      %dma_start3A_323 = arith.constant 0 : i32
      %dma_start3A_324 = tpu.memref_slice %arg5[%add3A_313, %dma_start3A_314, %select_n3A_9, %dma_start3A_322, %dma_start3A_323] : memref<200x8x8x8x128xf32, #tpu.memory_space<hbm>> -> memref<1x1x1x8x128xf32, #tpu.memory_space<hbm>>
      %dma_start3A_325 = tpu.memref_squeeze %dma_start3A_324 : memref<1x1x1x8x128xf32, #tpu.memory_space<hbm>> -> memref<8x128xf32, #tpu.memory_space<hbm>>
      %dma_start3A_326 = arith.constant 8 : i32
      %dma_start3A_327 = arith.constant 0 : i32
      %dma_start3A_328 = tpu.memref_slice %arg11[%dma_start3A_326, %dma_start3A_327] : memref<32x273xf32, #tpu.memory_space<vmem>> -> memref<8x128xf32, #tpu.memory_space<vmem>>
      tpu.enqueue_dma source(%dma_start3A_328 : memref<8x128xf32, #tpu.memory_space<vmem>>) target(%dma_start3A_325 : memref<8x128xf32, #tpu.memory_space<hbm>>) target_semaphore(%arg15 : memref<!tpu.dma_semaphore, #tpu.memory_space<semaphore_mem>>)
      %add3A_329 = arith.addi %mul3A_32, %add3A_287 : i32
      %dma_start3A_330 = arith.constant 6 : i32
      %dma_start3A_331 = arith.constant 16 : i32
      %dma_start3A_332 = arith.constant 0 : i32
      %dma_start3A_333 = tpu.memref_slice %arg11[%dma_start3A_331, %dma_start3A_332] : memref<32x273xf32, #tpu.memory_space<vmem>> -> memref<8x128xf32, #tpu.memory_space<vmem>>
      %dma_start3A_334 = arith.constant 0 : i32
      %dma_start3A_335 = arith.constant 0 : i32
      %dma_start3A_336 = tpu.memref_slice %arg5[%add3A_329, %dma_start3A_330, %select_n3A_9, %dma_start3A_334, %dma_start3A_335] : memref<200x8x8x8x128xf32, #tpu.memory_space<hbm>> -> memref<1x1x1x8x128xf32, #tpu.memory_space<hbm>>
      %dma_start3A_337 = tpu.memref_squeeze %dma_start3A_336 : memref<1x1x1x8x128xf32, #tpu.memory_space<hbm>> -> memref<8x128xf32, #tpu.memory_space<hbm>>
      %dma_start3A_338 = arith.constant 0 : i32
      %dma_start3A_339 = arith.constant 0 : i32
      %dma_start3A_340 = tpu.memref_slice %arg5[%add3A_329, %dma_start3A_330, %select_n3A_9, %dma_start3A_338, %dma_start3A_339] : memref<200x8x8x8x128xf32, #tpu.memory_space<hbm>> -> memref<1x1x1x8x128xf32, #tpu.memory_space<hbm>>
      %dma_start3A_341 = tpu.memref_squeeze %dma_start3A_340 : memref<1x1x1x8x128xf32, #tpu.memory_space<hbm>> -> memref<8x128xf32, #tpu.memory_space<hbm>>
      %dma_start3A_342 = arith.constant 16 : i32
      %dma_start3A_343 = arith.constant 0 : i32
      %dma_start3A_344 = tpu.memref_slice %arg11[%dma_start3A_342, %dma_start3A_343] : memref<32x273xf32, #tpu.memory_space<vmem>> -> memref<8x128xf32, #tpu.memory_space<vmem>>
      tpu.enqueue_dma source(%dma_start3A_344 : memref<8x128xf32, #tpu.memory_space<vmem>>) target(%dma_start3A_341 : memref<8x128xf32, #tpu.memory_space<hbm>>) target_semaphore(%arg15 : memref<!tpu.dma_semaphore, #tpu.memory_space<semaphore_mem>>)
      %add3A_345 = arith.addi %mul3A_32, %add3A_287 : i32
      %dma_start3A_346 = arith.constant 7 : i32
      %dma_start3A_347 = arith.constant 24 : i32
      %dma_start3A_348 = arith.constant 0 : i32
      %dma_start3A_349 = tpu.memref_slice %arg11[%dma_start3A_347, %dma_start3A_348] : memref<32x273xf32, #tpu.memory_space<vmem>> -> memref<8x128xf32, #tpu.memory_space<vmem>>
      %dma_start3A_350 = arith.constant 0 : i32
      %dma_start3A_351 = arith.constant 0 : i32
      %dma_start3A_352 = tpu.memref_slice %arg5[%add3A_345, %dma_start3A_346, %select_n3A_9, %dma_start3A_350, %dma_start3A_351] : memref<200x8x8x8x128xf32, #tpu.memory_space<hbm>> -> memref<1x1x1x8x128xf32, #tpu.memory_space<hbm>>
      %dma_start3A_353 = tpu.memref_squeeze %dma_start3A_352 : memref<1x1x1x8x128xf32, #tpu.memory_space<hbm>> -> memref<8x128xf32, #tpu.memory_space<hbm>>
      %dma_start3A_354 = arith.constant 0 : i32
      %dma_start3A_355 = arith.constant 0 : i32
      %dma_start3A_356 = tpu.memref_slice %arg5[%add3A_345, %dma_start3A_346, %select_n3A_9, %dma_start3A_354, %dma_start3A_355] : memref<200x8x8x8x128xf32, #tpu.memory_space<hbm>> -> memref<1x1x1x8x128xf32, #tpu.memory_space<hbm>>
      %dma_start3A_357 = tpu.memref_squeeze %dma_start3A_356 : memref<1x1x1x8x128xf32, #tpu.memory_space<hbm>> -> memref<8x128xf32, #tpu.memory_space<hbm>>
      %dma_start3A_358 = arith.constant 24 : i32
      %dma_start3A_359 = arith.constant 0 : i32
      %dma_start3A_360 = tpu.memref_slice %arg11[%dma_start3A_358, %dma_start3A_359] : memref<32x273xf32, #tpu.memory_space<vmem>> -> memref<8x128xf32, #tpu.memory_space<vmem>>
      tpu.enqueue_dma source(%dma_start3A_360 : memref<8x128xf32, #tpu.memory_space<vmem>>) target(%dma_start3A_357 : memref<8x128xf32, #tpu.memory_space<hbm>>) target_semaphore(%arg15 : memref<!tpu.dma_semaphore, #tpu.memory_space<semaphore_mem>>)
      %mul3A_361 = arith.constant 2 : i32
      %mul3A_362 = arith.muli %mul3A_268, %mul3A_361 : i32
      %add3A_363 = arith.constant 1 : i32
      %add3A_364 = arith.addi %mul3A_362, %add3A_363 : i32
      %get3A_365 = arith.index_cast %add3A_364 : i32 to index
      %get3A_366 = arith.constant 16 : index
      %get3A_367 = tpu.vector_load %arg8[%get3A_365, %get3A_366] {strides = array<i32>} : memref<50x64xf32, #tpu.memory_space<vmem>>, vector<16xf32>,
      %get3A_368 = arith.index_cast %add3A_364 : i32 to index
      %get3A_369 = arith.constant 32 : index
      %get3A_370 = tpu.vector_load %arg8[%get3A_368, %get3A_369] {strides = array<i32>} : memref<50x64xf32, #tpu.memory_space<vmem>>, vector<16xf32>,
      %parallel_loop3A_371 = arith.constant 0 : i32
      %parallel_loop3A_372 = arith.constant 128 : i32
      %parallel_loop3A_373 = arith.constant 1 : i32
      scf.for %parallel_loop3A_613 = %parallel_loop3A_371 to %parallel_loop3A_372 step %parallel_loop3A_373  : i32 {
        %parallel_loop3A_614 = vector.broadcast %parallel_loop3A_613 : i32 to vector<16xi32>
        %parallel_loop3A_615 = arith.constant 128 : i32
        %parallel_loop3A_616 = arith.addi %parallel_loop3A_615, %parallel_loop3A_613 : i32
        %parallel_loop3A_617 = arith.index_cast %parallel_loop3A_616 : i32 to index
        %parallel_loop3A_618 = arith.constant 0 : index
        %parallel_loop3A_619 = tpu.vector_load %arg9[%parallel_loop3A_617, %parallel_loop3A_618] {strides = array<i32>} : memref<256x32xf32, #tpu.memory_space<vmem>>, vector<16xf32>,
        %parallel_loop3A_620 = arith.addf %parallel_loop3A_619, %get3A_367 : vector<16xf32>
        %parallel_loop3A_621 = arith.constant 136 : i32
        %parallel_loop3A_622 = vector.broadcast %parallel_loop3A_621 : i32 to vector<16xi32>
        %parallel_loop3A_623 = arith.addi %parallel_loop3A_622, %parallel_loop3A_614 : vector<16xi32>
        tpu.vector_store_idx %arg11[%add3A_37, %parallel_loop3A_623], %parallel_loop3A_620 : memref<32x273xf32, #tpu.memory_space<vmem>>[vector<16xi32>, vector<16xi32>], vector<16xf32>,
        %parallel_loop3A_624 = arith.constant 128 : i32
        %parallel_loop3A_625 = arith.addi %parallel_loop3A_624, %parallel_loop3A_613 : i32
        %parallel_loop3A_626 = arith.index_cast %parallel_loop3A_625 : i32 to index
        %parallel_loop3A_627 = arith.constant 16 : index
        %parallel_loop3A_628 = tpu.vector_load %arg9[%parallel_loop3A_626, %parallel_loop3A_627] {strides = array<i32>} : memref<256x32xf32, #tpu.memory_space<vmem>>, vector<16xf32>,
        %parallel_loop3A_629 = arith.addf %parallel_loop3A_628, %get3A_370 : vector<16xf32>
        %parallel_loop3A_630 = arith.constant 136 : i32
        %parallel_loop3A_631 = vector.broadcast %parallel_loop3A_630 : i32 to vector<16xi32>
        %parallel_loop3A_632 = arith.addi %parallel_loop3A_631, %parallel_loop3A_614 : vector<16xi32>
        tpu.vector_store_idx %arg11[%add3A_40, %parallel_loop3A_632], %parallel_loop3A_629 : memref<32x273xf32, #tpu.memory_space<vmem>>[vector<16xi32>, vector<16xi32>], vector<16xf32>,
      } {sc.loop_unroll_factor = 4 : i64, sc.parallel_access}
      %add3A_374 = arith.addi %mul3A_32, %add3A_364 : i32
      %dma_start3A_375 = arith.constant 4 : i32
      %dma_start3A_376 = arith.constant 0 : i32
      %dma_start3A_377 = arith.constant 136 : i32
      %dma_start3A_378 = tpu.memref_slice %arg11[%dma_start3A_376, %dma_start3A_377] : memref<32x273xf32, #tpu.memory_space<vmem>> -> memref<8x128xf32, #tpu.memory_space<vmem>>
      %dma_start3A_379 = arith.constant 0 : i32
      %dma_start3A_380 = arith.constant 0 : i32
      %dma_start3A_381 = tpu.memref_slice %arg5[%add3A_374, %dma_start3A_375, %select_n3A_9, %dma_start3A_379, %dma_start3A_380] : memref<200x8x8x8x128xf32, #tpu.memory_space<hbm>> -> memref<1x1x1x8x128xf32, #tpu.memory_space<hbm>>
      %dma_start3A_382 = tpu.memref_squeeze %dma_start3A_381 : memref<1x1x1x8x128xf32, #tpu.memory_space<hbm>> -> memref<8x128xf32, #tpu.memory_space<hbm>>
      %dma_start3A_383 = arith.constant 0 : i32
      %dma_start3A_384 = arith.constant 0 : i32
      %dma_start3A_385 = tpu.memref_slice %arg5[%add3A_374, %dma_start3A_375, %select_n3A_9, %dma_start3A_383, %dma_start3A_384] : memref<200x8x8x8x128xf32, #tpu.memory_space<hbm>> -> memref<1x1x1x8x128xf32, #tpu.memory_space<hbm>>
      %dma_start3A_386 = tpu.memref_squeeze %dma_start3A_385 : memref<1x1x1x8x128xf32, #tpu.memory_space<hbm>> -> memref<8x128xf32, #tpu.memory_space<hbm>>
      %dma_start3A_387 = arith.constant 0 : i32
      %dma_start3A_388 = arith.constant 136 : i32
      %dma_start3A_389 = tpu.memref_slice %arg11[%dma_start3A_387, %dma_start3A_388] : memref<32x273xf32, #tpu.memory_space<vmem>> -> memref<8x128xf32, #tpu.memory_space<vmem>>
      tpu.enqueue_dma source(%dma_start3A_389 : memref<8x128xf32, #tpu.memory_space<vmem>>) target(%dma_start3A_386 : memref<8x128xf32, #tpu.memory_space<hbm>>) target_semaphore(%arg15 : memref<!tpu.dma_semaphore, #tpu.memory_space<semaphore_mem>>)
      %add3A_390 = arith.addi %mul3A_32, %add3A_364 : i32
      %dma_start3A_391 = arith.constant 5 : i32
      %dma_start3A_392 = arith.constant 8 : i32
      %dma_start3A_393 = arith.constant 136 : i32
      %dma_start3A_394 = tpu.memref_slice %arg11[%dma_start3A_392, %dma_start3A_393] : memref<32x273xf32, #tpu.memory_space<vmem>> -> memref<8x128xf32, #tpu.memory_space<vmem>>
      %dma_start3A_395 = arith.constant 0 : i32
      %dma_start3A_396 = arith.constant 0 : i32
      %dma_start3A_397 = tpu.memref_slice %arg5[%add3A_390, %dma_start3A_391, %select_n3A_9, %dma_start3A_395, %dma_start3A_396] : memref<200x8x8x8x128xf32, #tpu.memory_space<hbm>> -> memref<1x1x1x8x128xf32, #tpu.memory_space<hbm>>
      %dma_start3A_398 = tpu.memref_squeeze %dma_start3A_397 : memref<1x1x1x8x128xf32, #tpu.memory_space<hbm>> -> memref<8x128xf32, #tpu.memory_space<hbm>>
      %dma_start3A_399 = arith.constant 0 : i32
      %dma_start3A_400 = arith.constant 0 : i32
      %dma_start3A_401 = tpu.memref_slice %arg5[%add3A_390, %dma_start3A_391, %select_n3A_9, %dma_start3A_399, %dma_start3A_400] : memref<200x8x8x8x128xf32, #tpu.memory_space<hbm>> -> memref<1x1x1x8x128xf32, #tpu.memory_space<hbm>>
      %dma_start3A_402 = tpu.memref_squeeze %dma_start3A_401 : memref<1x1x1x8x128xf32, #tpu.memory_space<hbm>> -> memref<8x128xf32, #tpu.memory_space<hbm>>
      %dma_start3A_403 = arith.constant 8 : i32
      %dma_start3A_404 = arith.constant 136 : i32
      %dma_start3A_405 = tpu.memref_slice %arg11[%dma_start3A_403, %dma_start3A_404] : memref<32x273xf32, #tpu.memory_space<vmem>> -> memref<8x128xf32, #tpu.memory_space<vmem>>
      tpu.enqueue_dma source(%dma_start3A_405 : memref<8x128xf32, #tpu.memory_space<vmem>>) target(%dma_start3A_402 : memref<8x128xf32, #tpu.memory_space<hbm>>) target_semaphore(%arg15 : memref<!tpu.dma_semaphore, #tpu.memory_space<semaphore_mem>>)
      %add3A_406 = arith.addi %mul3A_32, %add3A_364 : i32
      %dma_start3A_407 = arith.constant 6 : i32
      %dma_start3A_408 = arith.constant 16 : i32
      %dma_start3A_409 = arith.constant 136 : i32
      %dma_start3A_410 = tpu.memref_slice %arg11[%dma_start3A_408, %dma_start3A_409] : memref<32x273xf32, #tpu.memory_space<vmem>> -> memref<8x128xf32, #tpu.memory_space<vmem>>
      %dma_start3A_411 = arith.constant 0 : i32
      %dma_start3A_412 = arith.constant 0 : i32
      %dma_start3A_413 = tpu.memref_slice %arg5[%add3A_406, %dma_start3A_407, %select_n3A_9, %dma_start3A_411, %dma_start3A_412] : memref<200x8x8x8x128xf32, #tpu.memory_space<hbm>> -> memref<1x1x1x8x128xf32, #tpu.memory_space<hbm>>
      %dma_start3A_414 = tpu.memref_squeeze %dma_start3A_413 : memref<1x1x1x8x128xf32, #tpu.memory_space<hbm>> -> memref<8x128xf32, #tpu.memory_space<hbm>>
      %dma_start3A_415 = arith.constant 0 : i32
      %dma_start3A_416 = arith.constant 0 : i32
      %dma_start3A_417 = tpu.memref_slice %arg5[%add3A_406, %dma_start3A_407, %select_n3A_9, %dma_start3A_415, %dma_start3A_416] : memref<200x8x8x8x128xf32, #tpu.memory_space<hbm>> -> memref<1x1x1x8x128xf32, #tpu.memory_space<hbm>>
      %dma_start3A_418 = tpu.memref_squeeze %dma_start3A_417 : memref<1x1x1x8x128xf32, #tpu.memory_space<hbm>> -> memref<8x128xf32, #tpu.memory_space<hbm>>
      %dma_start3A_419 = arith.constant 16 : i32
      %dma_start3A_420 = arith.constant 136 : i32
      %dma_start3A_421 = tpu.memref_slice %arg11[%dma_start3A_419, %dma_start3A_420] : memref<32x273xf32, #tpu.memory_space<vmem>> -> memref<8x128xf32, #tpu.memory_space<vmem>>
      tpu.enqueue_dma source(%dma_start3A_421 : memref<8x128xf32, #tpu.memory_space<vmem>>) target(%dma_start3A_418 : memref<8x128xf32, #tpu.memory_space<hbm>>) target_semaphore(%arg15 : memref<!tpu.dma_semaphore, #tpu.memory_space<semaphore_mem>>)
      %add3A_422 = arith.addi %mul3A_32, %add3A_364 : i32
      %dma_start3A_423 = arith.constant 7 : i32
      %dma_start3A_424 = arith.constant 24 : i32
      %dma_start3A_425 = arith.constant 136 : i32
      %dma_start3A_426 = tpu.memref_slice %arg11[%dma_start3A_424, %dma_start3A_425] : memref<32x273xf32, #tpu.memory_space<vmem>> -> memref<8x128xf32, #tpu.memory_space<vmem>>
      %dma_start3A_427 = arith.constant 0 : i32
      %dma_start3A_428 = arith.constant 0 : i32
      %dma_start3A_429 = tpu.memref_slice %arg5[%add3A_422, %dma_start3A_423, %select_n3A_9, %dma_start3A_427, %dma_start3A_428] : memref<200x8x8x8x128xf32, #tpu.memory_space<hbm>> -> memref<1x1x1x8x128xf32, #tpu.memory_space<hbm>>
      %dma_start3A_430 = tpu.memref_squeeze %dma_start3A_429 : memref<1x1x1x8x128xf32, #tpu.memory_space<hbm>> -> memref<8x128xf32, #tpu.memory_space<hbm>>
      %dma_start3A_431 = arith.constant 0 : i32
      %dma_start3A_432 = arith.constant 0 : i32
      %dma_start3A_433 = tpu.memref_slice %arg5[%add3A_422, %dma_start3A_423, %select_n3A_9, %dma_start3A_431, %dma_start3A_432] : memref<200x8x8x8x128xf32, #tpu.memory_space<hbm>> -> memref<1x1x1x8x128xf32, #tpu.memory_space<hbm>>
      %dma_start3A_434 = tpu.memref_squeeze %dma_start3A_433 : memref<1x1x1x8x128xf32, #tpu.memory_space<hbm>> -> memref<8x128xf32, #tpu.memory_space<hbm>>
      %dma_start3A_435 = arith.constant 24 : i32
      %dma_start3A_436 = arith.constant 136 : i32
      %dma_start3A_437 = tpu.memref_slice %arg11[%dma_start3A_435, %dma_start3A_436] : memref<32x273xf32, #tpu.memory_space<vmem>> -> memref<8x128xf32, #tpu.memory_space<vmem>>
      tpu.enqueue_dma source(%dma_start3A_437 : memref<8x128xf32, #tpu.memory_space<vmem>>) target(%dma_start3A_434 : memref<8x128xf32, #tpu.memory_space<hbm>>) target_semaphore(%arg15 : memref<!tpu.dma_semaphore, #tpu.memory_space<semaphore_mem>>)
      %add3A_438 = arith.constant 1 : i32
      %add3A_439 = arith.addi %mul3A_268, %add3A_438 : i32
      %dma_wait3A_440 = arith.constant 0 : i32
      %dma_wait3A_441 = arith.constant 0 : i32
      %dma_wait3A_442 = tpu.memref_slice %arg3[%dma_wait3A_440, %dma_wait3A_441] : memref<100000x32xf32, #tpu.memory_space<hbm>> -> memref<256x32xf32, #tpu.memory_space<hbm>>
      %dma_wait3A_443 = arith.constant 0 : i32
      %dma_wait3A_444 = arith.constant 0 : i32
      %dma_wait3A_445 = tpu.memref_slice %arg3[%dma_wait3A_443, %dma_wait3A_444] : memref<100000x32xf32, #tpu.memory_space<hbm>> -> memref<256x32xf32, #tpu.memory_space<hbm>>
      tpu.wait_dma2 semaphore(%arg14 : memref<!tpu.dma_semaphore, #tpu.memory_space<semaphore_mem>>) src(%dma_wait3A_445 : memref<256x32xf32, #tpu.memory_space<hbm>>) dst(%arg10 : memref<256x32xf32, #tpu.memory_space<vmem>>)
      %add3A_446 = arith.constant 2 : i32
      %add3A_447 = arith.addi %add3A_439, %add3A_446 : i32
      %lt3A_448 = arith.constant 25 : i32
      %lt3A_449 = arith.cmpi slt, %add3A_447, %lt3A_448 : i32
      %convert_element_type3A_450 = arith.extui %lt3A_449 : i1 to i32
      %cond3A_451 = arith.constant 0 : i32
      %cond3A_452 = arith.cmpi ne, %convert_element_type3A_450, %cond3A_451 : i32
      scf.if %cond3A_452 {
        %add3A_613 = arith.constant 2 : i32
        %add3A_614 = arith.addi %add3A_439, %add3A_613 : i32
        %mul3A_615 = arith.constant 2 : i32
        %mul3A_616 = arith.muli %add3A_614, %mul3A_615 : i32
        %add3A_617 = arith.constant 0 : i32
        %add3A_618 = arith.addi %mul3A_616, %add3A_617 : i32
        %dma_start3A_619 = arith.constant 0 : i32
        %dma_start3A_620 = arith.constant 0 : i32
        %dma_start3A_621 = tpu.memref_slice %arg10[%dma_start3A_619, %dma_start3A_620] : memref<256x32xf32, #tpu.memory_space<vmem>> -> memref<128x32xf32, #tpu.memory_space<vmem>>
        %dma_start3A_622 = arith.constant 0 : i32
        %dma_start3A_623 = tpu.memref_slice %arg7[%add3A_618, %dma_start3A_622] : memref<50x128xi32, #tpu.memory_space<vmem>> -> memref<1x128xi32, #tpu.memory_space<vmem>>
        %dma_start3A_624 = tpu.memref_squeeze %dma_start3A_623 : memref<1x128xi32, #tpu.memory_space<vmem>> -> memref<128xi32, #tpu.memory_space<vmem>>
        %dma_start3A_625 = arith.constant 0 : i32
        %dma_start3A_626 = arith.constant 0 : i32
        %dma_start3A_627 = tpu.memref_slice %arg3[%dma_start3A_625, %dma_start3A_626] : memref<100000x32xf32, #tpu.memory_space<hbm>> -> memref<100000x32xf32, #tpu.memory_space<hbm>>
        tpu.enqueue_indirect_dma source(%dma_start3A_627 : memref<100000x32xf32, #tpu.memory_space<hbm>>) target(%dma_start3A_621 : memref<128x32xf32, #tpu.memory_space<vmem>>) offsets(%dma_start3A_624 : memref<128xi32, #tpu.memory_space<vmem>>) semaphore(%arg14 : memref<!tpu.dma_semaphore, #tpu.memory_space<semaphore_mem>>)
        %mul3A_628 = arith.constant 2 : i32
        %mul3A_629 = arith.muli %add3A_614, %mul3A_628 : i32
        %add3A_630 = arith.constant 1 : i32
        %add3A_631 = arith.addi %mul3A_629, %add3A_630 : i32
        %dma_start3A_632 = arith.constant 128 : i32
        %dma_start3A_633 = arith.constant 0 : i32
        %dma_start3A_634 = tpu.memref_slice %arg10[%dma_start3A_632, %dma_start3A_633] : memref<256x32xf32, #tpu.memory_space<vmem>> -> memref<128x32xf32, #tpu.memory_space<vmem>>
        %dma_start3A_635 = arith.constant 0 : i32
        %dma_start3A_636 = tpu.memref_slice %arg7[%add3A_631, %dma_start3A_635] : memref<50x128xi32, #tpu.memory_space<vmem>> -> memref<1x128xi32, #tpu.memory_space<vmem>>
        %dma_start3A_637 = tpu.memref_squeeze %dma_start3A_636 : memref<1x128xi32, #tpu.memory_space<vmem>> -> memref<128xi32, #tpu.memory_space<vmem>>
        %dma_start3A_638 = arith.constant 0 : i32
        %dma_start3A_639 = arith.constant 0 : i32
        %dma_start3A_640 = tpu.memref_slice %arg3[%dma_start3A_638, %dma_start3A_639] : memref<100000x32xf32, #tpu.memory_space<hbm>> -> memref<100000x32xf32, #tpu.memory_space<hbm>>
        tpu.enqueue_indirect_dma source(%dma_start3A_640 : memref<100000x32xf32, #tpu.memory_space<hbm>>) target(%dma_start3A_634 : memref<128x32xf32, #tpu.memory_space<vmem>>) offsets(%dma_start3A_637 : memref<128xi32, #tpu.memory_space<vmem>>) semaphore(%arg14 : memref<!tpu.dma_semaphore, #tpu.memory_space<semaphore_mem>>)
      } else {
      }
      %ge3A_453 = arith.constant 2 : i32
      %ge3A_454 = arith.cmpi sge, %add3A_439, %ge3A_453 : i32
      %convert_element_type3A_455 = arith.extui %ge3A_454 : i1 to i32
      %cond3A_456 = arith.constant 0 : i32
      %cond3A_457 = arith.cmpi ne, %convert_element_type3A_455, %cond3A_456 : i32
      scf.if %cond3A_457 {
        %dma_wait3A_613 = arith.constant 0 : i32
        %dma_wait3A_614 = arith.constant 0 : i32
        %dma_wait3A_615 = tpu.memref_slice %arg3[%dma_wait3A_613, %dma_wait3A_614] : memref<100000x32xf32, #tpu.memory_space<hbm>> -> memref<256x32xf32, #tpu.memory_space<hbm>>
        %dma_wait3A_616 = arith.constant 0 : i32
        %dma_wait3A_617 = arith.constant 0 : i32
        %dma_wait3A_618 = tpu.memref_slice %arg3[%dma_wait3A_616, %dma_wait3A_617] : memref<100000x32xf32, #tpu.memory_space<hbm>> -> memref<256x32xf32, #tpu.memory_space<hbm>>
        tpu.wait_dma2 semaphore(%arg16 : memref<!tpu.dma_semaphore, #tpu.memory_space<semaphore_mem>>) src(%dma_wait3A_618 : memref<256x32xf32, #tpu.memory_space<hbm>>) dst(%arg10 : memref<256x32xf32, #tpu.memory_space<vmem>>)
      } else {
      }
      %mul3A_458 = arith.constant 2 : i32
      %mul3A_459 = arith.muli %add3A_439, %mul3A_458 : i32
      %add3A_460 = arith.constant 0 : i32
      %add3A_461 = arith.addi %mul3A_459, %add3A_460 : i32
      %get3A_462 = arith.index_cast %add3A_461 : i32 to index
      %get3A_463 = arith.constant 16 : index
      %get3A_464 = tpu.vector_load %arg8[%get3A_462, %get3A_463] {strides = array<i32>} : memref<50x64xf32, #tpu.memory_space<vmem>>, vector<16xf32>,
      %get3A_465 = arith.index_cast %add3A_461 : i32 to index
      %get3A_466 = arith.constant 32 : index
      %get3A_467 = tpu.vector_load %arg8[%get3A_465, %get3A_466] {strides = array<i32>} : memref<50x64xf32, #tpu.memory_space<vmem>>, vector<16xf32>,
      %parallel_loop3A_468 = arith.constant 0 : i32
      %parallel_loop3A_469 = arith.constant 128 : i32
      %parallel_loop3A_470 = arith.constant 1 : i32
      scf.for %parallel_loop3A_613 = %parallel_loop3A_468 to %parallel_loop3A_469 step %parallel_loop3A_470  : i32 {
        %parallel_loop3A_614 = vector.broadcast %parallel_loop3A_613 : i32 to vector<16xi32>
        %parallel_loop3A_615 = arith.constant 0 : i32
        %parallel_loop3A_616 = arith.addi %parallel_loop3A_615, %parallel_loop3A_613 : i32
        %parallel_loop3A_617 = arith.index_cast %parallel_loop3A_616 : i32 to index
        %parallel_loop3A_618 = arith.constant 0 : index
        %parallel_loop3A_619 = tpu.vector_load %arg10[%parallel_loop3A_617, %parallel_loop3A_618] {strides = array<i32>} : memref<256x32xf32, #tpu.memory_space<vmem>>, vector<16xf32>,
        %parallel_loop3A_620 = arith.addf %parallel_loop3A_619, %get3A_464 : vector<16xf32>
        %parallel_loop3A_621 = arith.constant 0 : i32
        %parallel_loop3A_622 = vector.broadcast %parallel_loop3A_621 : i32 to vector<16xi32>
        %parallel_loop3A_623 = arith.addi %parallel_loop3A_622, %parallel_loop3A_614 : vector<16xi32>
        tpu.vector_store_idx %arg12[%add3A_37, %parallel_loop3A_623], %parallel_loop3A_620 : memref<32x273xf32, #tpu.memory_space<vmem>>[vector<16xi32>, vector<16xi32>], vector<16xf32>,
        %parallel_loop3A_624 = arith.constant 0 : i32
        %parallel_loop3A_625 = arith.addi %parallel_loop3A_624, %parallel_loop3A_613 : i32
        %parallel_loop3A_626 = arith.index_cast %parallel_loop3A_625 : i32 to index
        %parallel_loop3A_627 = arith.constant 16 : index
        %parallel_loop3A_628 = tpu.vector_load %arg10[%parallel_loop3A_626, %parallel_loop3A_627] {strides = array<i32>} : memref<256x32xf32, #tpu.memory_space<vmem>>, vector<16xf32>,
        %parallel_loop3A_629 = arith.addf %parallel_loop3A_628, %get3A_467 : vector<16xf32>
        %parallel_loop3A_630 = arith.constant 0 : i32
        %parallel_loop3A_631 = vector.broadcast %parallel_loop3A_630 : i32 to vector<16xi32>
        %parallel_loop3A_632 = arith.addi %parallel_loop3A_631, %parallel_loop3A_614 : vector<16xi32>
        tpu.vector_store_idx %arg12[%add3A_40, %parallel_loop3A_632], %parallel_loop3A_629 : memref<32x273xf32, #tpu.memory_space<vmem>>[vector<16xi32>, vector<16xi32>], vector<16xf32>,
      } {sc.loop_unroll_factor = 4 : i64, sc.parallel_access}
      %add3A_471 = arith.addi %mul3A_32, %add3A_461 : i32
      %dma_start3A_472 = arith.constant 4 : i32
      %dma_start3A_473 = arith.constant 0 : i32
      %dma_start3A_474 = arith.constant 0 : i32
      %dma_start3A_475 = tpu.memref_slice %arg12[%dma_start3A_473, %dma_start3A_474] : memref<32x273xf32, #tpu.memory_space<vmem>> -> memref<8x128xf32, #tpu.memory_space<vmem>>
      %dma_start3A_476 = arith.constant 0 : i32
      %dma_start3A_477 = arith.constant 0 : i32
      %dma_start3A_478 = tpu.memref_slice %arg5[%add3A_471, %dma_start3A_472, %select_n3A_9, %dma_start3A_476, %dma_start3A_477] : memref<200x8x8x8x128xf32, #tpu.memory_space<hbm>> -> memref<1x1x1x8x128xf32, #tpu.memory_space<hbm>>
      %dma_start3A_479 = tpu.memref_squeeze %dma_start3A_478 : memref<1x1x1x8x128xf32, #tpu.memory_space<hbm>> -> memref<8x128xf32, #tpu.memory_space<hbm>>
      %dma_start3A_480 = arith.constant 0 : i32
      %dma_start3A_481 = arith.constant 0 : i32
      %dma_start3A_482 = tpu.memref_slice %arg5[%add3A_471, %dma_start3A_472, %select_n3A_9, %dma_start3A_480, %dma_start3A_481] : memref<200x8x8x8x128xf32, #tpu.memory_space<hbm>> -> memref<1x1x1x8x128xf32, #tpu.memory_space<hbm>>
      %dma_start3A_483 = tpu.memref_squeeze %dma_start3A_482 : memref<1x1x1x8x128xf32, #tpu.memory_space<hbm>> -> memref<8x128xf32, #tpu.memory_space<hbm>>
      %dma_start3A_484 = arith.constant 0 : i32
      %dma_start3A_485 = arith.constant 0 : i32
      %dma_start3A_486 = tpu.memref_slice %arg12[%dma_start3A_484, %dma_start3A_485] : memref<32x273xf32, #tpu.memory_space<vmem>> -> memref<8x128xf32, #tpu.memory_space<vmem>>
      tpu.enqueue_dma source(%dma_start3A_486 : memref<8x128xf32, #tpu.memory_space<vmem>>) target(%dma_start3A_483 : memref<8x128xf32, #tpu.memory_space<hbm>>) target_semaphore(%arg16 : memref<!tpu.dma_semaphore, #tpu.memory_space<semaphore_mem>>)
      %add3A_487 = arith.addi %mul3A_32, %add3A_461 : i32
      %dma_start3A_488 = arith.constant 5 : i32
      %dma_start3A_489 = arith.constant 8 : i32
      %dma_start3A_490 = arith.constant 0 : i32
      %dma_start3A_491 = tpu.memref_slice %arg12[%dma_start3A_489, %dma_start3A_490] : memref<32x273xf32, #tpu.memory_space<vmem>> -> memref<8x128xf32, #tpu.memory_space<vmem>>
      %dma_start3A_492 = arith.constant 0 : i32
      %dma_start3A_493 = arith.constant 0 : i32
      %dma_start3A_494 = tpu.memref_slice %arg5[%add3A_487, %dma_start3A_488, %select_n3A_9, %dma_start3A_492, %dma_start3A_493] : memref<200x8x8x8x128xf32, #tpu.memory_space<hbm>> -> memref<1x1x1x8x128xf32, #tpu.memory_space<hbm>>
      %dma_start3A_495 = tpu.memref_squeeze %dma_start3A_494 : memref<1x1x1x8x128xf32, #tpu.memory_space<hbm>> -> memref<8x128xf32, #tpu.memory_space<hbm>>
      %dma_start3A_496 = arith.constant 0 : i32
      %dma_start3A_497 = arith.constant 0 : i32
      %dma_start3A_498 = tpu.memref_slice %arg5[%add3A_487, %dma_start3A_488, %select_n3A_9, %dma_start3A_496, %dma_start3A_497] : memref<200x8x8x8x128xf32, #tpu.memory_space<hbm>> -> memref<1x1x1x8x128xf32, #tpu.memory_space<hbm>>
      %dma_start3A_499 = tpu.memref_squeeze %dma_start3A_498 : memref<1x1x1x8x128xf32, #tpu.memory_space<hbm>> -> memref<8x128xf32, #tpu.memory_space<hbm>>
      %dma_start3A_500 = arith.constant 8 : i32
      %dma_start3A_501 = arith.constant 0 : i32
      %dma_start3A_502 = tpu.memref_slice %arg12[%dma_start3A_500, %dma_start3A_501] : memref<32x273xf32, #tpu.memory_space<vmem>> -> memref<8x128xf32, #tpu.memory_space<vmem>>
      tpu.enqueue_dma source(%dma_start3A_502 : memref<8x128xf32, #tpu.memory_space<vmem>>) target(%dma_start3A_499 : memref<8x128xf32, #tpu.memory_space<hbm>>) target_semaphore(%arg16 : memref<!tpu.dma_semaphore, #tpu.memory_space<semaphore_mem>>)
      %add3A_503 = arith.addi %mul3A_32, %add3A_461 : i32
      %dma_start3A_504 = arith.constant 6 : i32
      %dma_start3A_505 = arith.constant 16 : i32
      %dma_start3A_506 = arith.constant 0 : i32
      %dma_start3A_507 = tpu.memref_slice %arg12[%dma_start3A_505, %dma_start3A_506] : memref<32x273xf32, #tpu.memory_space<vmem>> -> memref<8x128xf32, #tpu.memory_space<vmem>>
      %dma_start3A_508 = arith.constant 0 : i32
      %dma_start3A_509 = arith.constant 0 : i32
      %dma_start3A_510 = tpu.memref_slice %arg5[%add3A_503, %dma_start3A_504, %select_n3A_9, %dma_start3A_508, %dma_start3A_509] : memref<200x8x8x8x128xf32, #tpu.memory_space<hbm>> -> memref<1x1x1x8x128xf32, #tpu.memory_space<hbm>>
      %dma_start3A_511 = tpu.memref_squeeze %dma_start3A_510 : memref<1x1x1x8x128xf32, #tpu.memory_space<hbm>> -> memref<8x128xf32, #tpu.memory_space<hbm>>
      %dma_start3A_512 = arith.constant 0 : i32
      %dma_start3A_513 = arith.constant 0 : i32
      %dma_start3A_514 = tpu.memref_slice %arg5[%add3A_503, %dma_start3A_504, %select_n3A_9, %dma_start3A_512, %dma_start3A_513] : memref<200x8x8x8x128xf32, #tpu.memory_space<hbm>> -> memref<1x1x1x8x128xf32, #tpu.memory_space<hbm>>
      %dma_start3A_515 = tpu.memref_squeeze %dma_start3A_514 : memref<1x1x1x8x128xf32, #tpu.memory_space<hbm>> -> memref<8x128xf32, #tpu.memory_space<hbm>>
      %dma_start3A_516 = arith.constant 16 : i32
      %dma_start3A_517 = arith.constant 0 : i32
      %dma_start3A_518 = tpu.memref_slice %arg12[%dma_start3A_516, %dma_start3A_517] : memref<32x273xf32, #tpu.memory_space<vmem>> -> memref<8x128xf32, #tpu.memory_space<vmem>>
      tpu.enqueue_dma source(%dma_start3A_518 : memref<8x128xf32, #tpu.memory_space<vmem>>) target(%dma_start3A_515 : memref<8x128xf32, #tpu.memory_space<hbm>>) target_semaphore(%arg16 : memref<!tpu.dma_semaphore, #tpu.memory_space<semaphore_mem>>)
      %add3A_519 = arith.addi %mul3A_32, %add3A_461 : i32
      %dma_start3A_520 = arith.constant 7 : i32
      %dma_start3A_521 = arith.constant 24 : i32
      %dma_start3A_522 = arith.constant 0 : i32
      %dma_start3A_523 = tpu.memref_slice %arg12[%dma_start3A_521, %dma_start3A_522] : memref<32x273xf32, #tpu.memory_space<vmem>> -> memref<8x128xf32, #tpu.memory_space<vmem>>
      %dma_start3A_524 = arith.constant 0 : i32
      %dma_start3A_525 = arith.constant 0 : i32
      %dma_start3A_526 = tpu.memref_slice %arg5[%add3A_519, %dma_start3A_520, %select_n3A_9, %dma_start3A_524, %dma_start3A_525] : memref<200x8x8x8x128xf32, #tpu.memory_space<hbm>> -> memref<1x1x1x8x128xf32, #tpu.memory_space<hbm>>
      %dma_start3A_527 = tpu.memref_squeeze %dma_start3A_526 : memref<1x1x1x8x128xf32, #tpu.memory_space<hbm>> -> memref<8x128xf32, #tpu.memory_space<hbm>>
      %dma_start3A_528 = arith.constant 0 : i32
      %dma_start3A_529 = arith.constant 0 : i32
      %dma_start3A_530 = tpu.memref_slice %arg5[%add3A_519, %dma_start3A_520, %select_n3A_9, %dma_start3A_528, %dma_start3A_529] : memref<200x8x8x8x128xf32, #tpu.memory_space<hbm>> -> memref<1x1x1x8x128xf32, #tpu.memory_space<hbm>>
      %dma_start3A_531 = tpu.memref_squeeze %dma_start3A_530 : memref<1x1x1x8x128xf32, #tpu.memory_space<hbm>> -> memref<8x128xf32, #tpu.memory_space<hbm>>
      %dma_start3A_532 = arith.constant 24 : i32
      %dma_start3A_533 = arith.constant 0 : i32
      %dma_start3A_534 = tpu.memref_slice %arg12[%dma_start3A_532, %dma_start3A_533] : memref<32x273xf32, #tpu.memory_space<vmem>> -> memref<8x128xf32, #tpu.memory_space<vmem>>
      tpu.enqueue_dma source(%dma_start3A_534 : memref<8x128xf32, #tpu.memory_space<vmem>>) target(%dma_start3A_531 : memref<8x128xf32, #tpu.memory_space<hbm>>) target_semaphore(%arg16 : memref<!tpu.dma_semaphore, #tpu.memory_space<semaphore_mem>>)
      %mul3A_535 = arith.constant 2 : i32
      %mul3A_536 = arith.muli %add3A_439, %mul3A_535 : i32
      %add3A_537 = arith.constant 1 : i32
      %add3A_538 = arith.addi %mul3A_536, %add3A_537 : i32
      %get3A_539 = arith.index_cast %add3A_538 : i32 to index
      %get3A_540 = arith.constant 16 : index
      %get3A_541 = tpu.vector_load %arg8[%get3A_539, %get3A_540] {strides = array<i32>} : memref<50x64xf32, #tpu.memory_space<vmem>>, vector<16xf32>,
      %get3A_542 = arith.index_cast %add3A_538 : i32 to index
      %get3A_543 = arith.constant 32 : index
      %get3A_544 = tpu.vector_load %arg8[%get3A_542, %get3A_543] {strides = array<i32>} : memref<50x64xf32, #tpu.memory_space<vmem>>, vector<16xf32>,
      %parallel_loop3A_545 = arith.constant 0 : i32
      %parallel_loop3A_546 = arith.constant 128 : i32
      %parallel_loop3A_547 = arith.constant 1 : i32
      scf.for %parallel_loop3A_613 = %parallel_loop3A_545 to %parallel_loop3A_546 step %parallel_loop3A_547  : i32 {
        %parallel_loop3A_614 = vector.broadcast %parallel_loop3A_613 : i32 to vector<16xi32>
        %parallel_loop3A_615 = arith.constant 128 : i32
        %parallel_loop3A_616 = arith.addi %parallel_loop3A_615, %parallel_loop3A_613 : i32
        %parallel_loop3A_617 = arith.index_cast %parallel_loop3A_616 : i32 to index
        %parallel_loop3A_618 = arith.constant 0 : index
        %parallel_loop3A_619 = tpu.vector_load %arg10[%parallel_loop3A_617, %parallel_loop3A_618] {strides = array<i32>} : memref<256x32xf32, #tpu.memory_space<vmem>>, vector<16xf32>,
        %parallel_loop3A_620 = arith.addf %parallel_loop3A_619, %get3A_541 : vector<16xf32>
        %parallel_loop3A_621 = arith.constant 136 : i32
        %parallel_loop3A_622 = vector.broadcast %parallel_loop3A_621 : i32 to vector<16xi32>
        %parallel_loop3A_623 = arith.addi %parallel_loop3A_622, %parallel_loop3A_614 : vector<16xi32>
        tpu.vector_store_idx %arg12[%add3A_37, %parallel_loop3A_623], %parallel_loop3A_620 : memref<32x273xf32, #tpu.memory_space<vmem>>[vector<16xi32>, vector<16xi32>], vector<16xf32>,
        %parallel_loop3A_624 = arith.constant 128 : i32
        %parallel_loop3A_625 = arith.addi %parallel_loop3A_624, %parallel_loop3A_613 : i32
        %parallel_loop3A_626 = arith.index_cast %parallel_loop3A_625 : i32 to index
        %parallel_loop3A_627 = arith.constant 16 : index
        %parallel_loop3A_628 = tpu.vector_load %arg10[%parallel_loop3A_626, %parallel_loop3A_627] {strides = array<i32>} : memref<256x32xf32, #tpu.memory_space<vmem>>, vector<16xf32>,
        %parallel_loop3A_629 = arith.addf %parallel_loop3A_628, %get3A_544 : vector<16xf32>
        %parallel_loop3A_630 = arith.constant 136 : i32
        %parallel_loop3A_631 = vector.broadcast %parallel_loop3A_630 : i32 to vector<16xi32>
        %parallel_loop3A_632 = arith.addi %parallel_loop3A_631, %parallel_loop3A_614 : vector<16xi32>
        tpu.vector_store_idx %arg12[%add3A_40, %parallel_loop3A_632], %parallel_loop3A_629 : memref<32x273xf32, #tpu.memory_space<vmem>>[vector<16xi32>, vector<16xi32>], vector<16xf32>,
      } {sc.loop_unroll_factor = 4 : i64, sc.parallel_access}
      %add3A_548 = arith.addi %mul3A_32, %add3A_538 : i32
      %dma_start3A_549 = arith.constant 4 : i32
      %dma_start3A_550 = arith.constant 0 : i32
      %dma_start3A_551 = arith.constant 136 : i32
      %dma_start3A_552 = tpu.memref_slice %arg12[%dma_start3A_550, %dma_start3A_551] : memref<32x273xf32, #tpu.memory_space<vmem>> -> memref<8x128xf32, #tpu.memory_space<vmem>>
      %dma_start3A_553 = arith.constant 0 : i32
      %dma_start3A_554 = arith.constant 0 : i32
      %dma_start3A_555 = tpu.memref_slice %arg5[%add3A_548, %dma_start3A_549, %select_n3A_9, %dma_start3A_553, %dma_start3A_554] : memref<200x8x8x8x128xf32, #tpu.memory_space<hbm>> -> memref<1x1x1x8x128xf32, #tpu.memory_space<hbm>>
      %dma_start3A_556 = tpu.memref_squeeze %dma_start3A_555 : memref<1x1x1x8x128xf32, #tpu.memory_space<hbm>> -> memref<8x128xf32, #tpu.memory_space<hbm>>
      %dma_start3A_557 = arith.constant 0 : i32
      %dma_start3A_558 = arith.constant 0 : i32
      %dma_start3A_559 = tpu.memref_slice %arg5[%add3A_548, %dma_start3A_549, %select_n3A_9, %dma_start3A_557, %dma_start3A_558] : memref<200x8x8x8x128xf32, #tpu.memory_space<hbm>> -> memref<1x1x1x8x128xf32, #tpu.memory_space<hbm>>
      %dma_start3A_560 = tpu.memref_squeeze %dma_start3A_559 : memref<1x1x1x8x128xf32, #tpu.memory_space<hbm>> -> memref<8x128xf32, #tpu.memory_space<hbm>>
      %dma_start3A_561 = arith.constant 0 : i32
      %dma_start3A_562 = arith.constant 136 : i32
      %dma_start3A_563 = tpu.memref_slice %arg12[%dma_start3A_561, %dma_start3A_562] : memref<32x273xf32, #tpu.memory_space<vmem>> -> memref<8x128xf32, #tpu.memory_space<vmem>>
      tpu.enqueue_dma source(%dma_start3A_563 : memref<8x128xf32, #tpu.memory_space<vmem>>) target(%dma_start3A_560 : memref<8x128xf32, #tpu.memory_space<hbm>>) target_semaphore(%arg16 : memref<!tpu.dma_semaphore, #tpu.memory_space<semaphore_mem>>)
      %add3A_564 = arith.addi %mul3A_32, %add3A_538 : i32
      %dma_start3A_565 = arith.constant 5 : i32
      %dma_start3A_566 = arith.constant 8 : i32
      %dma_start3A_567 = arith.constant 136 : i32
      %dma_start3A_568 = tpu.memref_slice %arg12[%dma_start3A_566, %dma_start3A_567] : memref<32x273xf32, #tpu.memory_space<vmem>> -> memref<8x128xf32, #tpu.memory_space<vmem>>
      %dma_start3A_569 = arith.constant 0 : i32
      %dma_start3A_570 = arith.constant 0 : i32
      %dma_start3A_571 = tpu.memref_slice %arg5[%add3A_564, %dma_start3A_565, %select_n3A_9, %dma_start3A_569, %dma_start3A_570] : memref<200x8x8x8x128xf32, #tpu.memory_space<hbm>> -> memref<1x1x1x8x128xf32, #tpu.memory_space<hbm>>
      %dma_start3A_572 = tpu.memref_squeeze %dma_start3A_571 : memref<1x1x1x8x128xf32, #tpu.memory_space<hbm>> -> memref<8x128xf32, #tpu.memory_space<hbm>>
      %dma_start3A_573 = arith.constant 0 : i32
      %dma_start3A_574 = arith.constant 0 : i32
      %dma_start3A_575 = tpu.memref_slice %arg5[%add3A_564, %dma_start3A_565, %select_n3A_9, %dma_start3A_573, %dma_start3A_574] : memref<200x8x8x8x128xf32, #tpu.memory_space<hbm>> -> memref<1x1x1x8x128xf32, #tpu.memory_space<hbm>>
      %dma_start3A_576 = tpu.memref_squeeze %dma_start3A_575 : memref<1x1x1x8x128xf32, #tpu.memory_space<hbm>> -> memref<8x128xf32, #tpu.memory_space<hbm>>
      %dma_start3A_577 = arith.constant 8 : i32
      %dma_start3A_578 = arith.constant 136 : i32
      %dma_start3A_579 = tpu.memref_slice %arg12[%dma_start3A_577, %dma_start3A_578] : memref<32x273xf32, #tpu.memory_space<vmem>> -> memref<8x128xf32, #tpu.memory_space<vmem>>
      tpu.enqueue_dma source(%dma_start3A_579 : memref<8x128xf32, #tpu.memory_space<vmem>>) target(%dma_start3A_576 : memref<8x128xf32, #tpu.memory_space<hbm>>) target_semaphore(%arg16 : memref<!tpu.dma_semaphore, #tpu.memory_space<semaphore_mem>>)
      %add3A_580 = arith.addi %mul3A_32, %add3A_538 : i32
      %dma_start3A_581 = arith.constant 6 : i32
      %dma_start3A_582 = arith.constant 16 : i32
      %dma_start3A_583 = arith.constant 136 : i32
      %dma_start3A_584 = tpu.memref_slice %arg12[%dma_start3A_582, %dma_start3A_583] : memref<32x273xf32, #tpu.memory_space<vmem>> -> memref<8x128xf32, #tpu.memory_space<vmem>>
      %dma_start3A_585 = arith.constant 0 : i32
      %dma_start3A_586 = arith.constant 0 : i32
      %dma_start3A_587 = tpu.memref_slice %arg5[%add3A_580, %dma_start3A_581, %select_n3A_9, %dma_start3A_585, %dma_start3A_586] : memref<200x8x8x8x128xf32, #tpu.memory_space<hbm>> -> memref<1x1x1x8x128xf32, #tpu.memory_space<hbm>>
      %dma_start3A_588 = tpu.memref_squeeze %dma_start3A_587 : memref<1x1x1x8x128xf32, #tpu.memory_space<hbm>> -> memref<8x128xf32, #tpu.memory_space<hbm>>
      %dma_start3A_589 = arith.constant 0 : i32
      %dma_start3A_590 = arith.constant 0 : i32
      %dma_start3A_591 = tpu.memref_slice %arg5[%add3A_580, %dma_start3A_581, %select_n3A_9, %dma_start3A_589, %dma_start3A_590] : memref<200x8x8x8x128xf32, #tpu.memory_space<hbm>> -> memref<1x1x1x8x128xf32, #tpu.memory_space<hbm>>
      %dma_start3A_592 = tpu.memref_squeeze %dma_start3A_591 : memref<1x1x1x8x128xf32, #tpu.memory_space<hbm>> -> memref<8x128xf32, #tpu.memory_space<hbm>>
      %dma_start3A_593 = arith.constant 16 : i32
      %dma_start3A_594 = arith.constant 136 : i32
      %dma_start3A_595 = tpu.memref_slice %arg12[%dma_start3A_593, %dma_start3A_594] : memref<32x273xf32, #tpu.memory_space<vmem>> -> memref<8x128xf32, #tpu.memory_space<vmem>>
      tpu.enqueue_dma source(%dma_start3A_595 : memref<8x128xf32, #tpu.memory_space<vmem>>) target(%dma_start3A_592 : memref<8x128xf32, #tpu.memory_space<hbm>>) target_semaphore(%arg16 : memref<!tpu.dma_semaphore, #tpu.memory_space<semaphore_mem>>)
      %add3A_596 = arith.addi %mul3A_32, %add3A_538 : i32
      %dma_start3A_597 = arith.constant 7 : i32
      %dma_start3A_598 = arith.constant 24 : i32
      %dma_start3A_599 = arith.constant 136 : i32
      %dma_start3A_600 = tpu.memref_slice %arg12[%dma_start3A_598, %dma_start3A_599] : memref<32x273xf32, #tpu.memory_space<vmem>> -> memref<8x128xf32, #tpu.memory_space<vmem>>
      %dma_start3A_601 = arith.constant 0 : i32
      %dma_start3A_602 = arith.constant 0 : i32
      %dma_start3A_603 = tpu.memref_slice %arg5[%add3A_596, %dma_start3A_597, %select_n3A_9, %dma_start3A_601, %dma_start3A_602] : memref<200x8x8x8x128xf32, #tpu.memory_space<hbm>> -> memref<1x1x1x8x128xf32, #tpu.memory_space<hbm>>
      %dma_start3A_604 = tpu.memref_squeeze %dma_start3A_603 : memref<1x1x1x8x128xf32, #tpu.memory_space<hbm>> -> memref<8x128xf32, #tpu.memory_space<hbm>>
      %dma_start3A_605 = arith.constant 0 : i32
      %dma_start3A_606 = arith.constant 0 : i32
      %dma_start3A_607 = tpu.memref_slice %arg5[%add3A_596, %dma_start3A_597, %select_n3A_9, %dma_start3A_605, %dma_start3A_606] : memref<200x8x8x8x128xf32, #tpu.memory_space<hbm>> -> memref<1x1x1x8x128xf32, #tpu.memory_space<hbm>>
      %dma_start3A_608 = tpu.memref_squeeze %dma_start3A_607 : memref<1x1x1x8x128xf32, #tpu.memory_space<hbm>> -> memref<8x128xf32, #tpu.memory_space<hbm>>
      %dma_start3A_609 = arith.constant 24 : i32
      %dma_start3A_610 = arith.constant 136 : i32
      %dma_start3A_611 = tpu.memref_slice %arg12[%dma_start3A_609, %dma_start3A_610] : memref<32x273xf32, #tpu.memory_space<vmem>> -> memref<8x128xf32, #tpu.memory_space<vmem>>
      tpu.enqueue_dma source(%dma_start3A_611 : memref<8x128xf32, #tpu.memory_space<vmem>>) target(%dma_start3A_608 : memref<8x128xf32, #tpu.memory_space<hbm>>) target_semaphore(%arg16 : memref<!tpu.dma_semaphore, #tpu.memory_space<semaphore_mem>>)
      %scan3A_612 = arith.constant 0 : i32
      scf.yield %scan3A_612 : i32
    }
    %scan3A_85 = arith.constant 12 : i32
    %dma_wait3A = arith.constant 0 : i32
    %dma_wait3A_86 = arith.constant 0 : i32
    %dma_wait3A_87 = tpu.memref_slice %arg3[%dma_wait3A, %dma_wait3A_86] : memref<100000x32xf32, #tpu.memory_space<hbm>> -> memref<256x32xf32, #tpu.memory_space<hbm>>
    %dma_wait3A_88 = arith.constant 0 : i32
    %dma_wait3A_89 = arith.constant 0 : i32
    %dma_wait3A_90 = tpu.memref_slice %arg3[%dma_wait3A_88, %dma_wait3A_89] : memref<100000x32xf32, #tpu.memory_space<hbm>> -> memref<256x32xf32, #tpu.memory_space<hbm>>
    tpu.wait_dma2 semaphore(%arg13 : memref<!tpu.dma_semaphore, #tpu.memory_space<semaphore_mem>>) src(%dma_wait3A_90 : memref<256x32xf32, #tpu.memory_space<hbm>>) dst(%arg9 : memref<256x32xf32, #tpu.memory_space<vmem>>)
    %dma_wait3A_91 = arith.constant 0 : i32
    %dma_wait3A_92 = arith.constant 0 : i32
    %dma_wait3A_93 = tpu.memref_slice %arg3[%dma_wait3A_91, %dma_wait3A_92] : memref<100000x32xf32, #tpu.memory_space<hbm>> -> memref<256x32xf32, #tpu.memory_space<hbm>>
    %dma_wait3A_94 = arith.constant 0 : i32
    %dma_wait3A_95 = arith.constant 0 : i32
    %dma_wait3A_96 = tpu.memref_slice %arg3[%dma_wait3A_94, %dma_wait3A_95] : memref<100000x32xf32, #tpu.memory_space<hbm>> -> memref<256x32xf32, #tpu.memory_space<hbm>>
    tpu.wait_dma2 semaphore(%arg15 : memref<!tpu.dma_semaphore, #tpu.memory_space<semaphore_mem>>) src(%dma_wait3A_96 : memref<256x32xf32, #tpu.memory_space<hbm>>) dst(%arg9 : memref<256x32xf32, #tpu.memory_space<vmem>>)
    %get3A = arith.constant 48 : i32
    %get3A_97 = arith.index_cast %get3A : i32 to index
    %get3A_98 = arith.constant 16 : index
    %get3A_99 = tpu.vector_load %arg8[%get3A_97, %get3A_98] {strides = array<i32>} : memref<50x64xf32, #tpu.memory_space<vmem>>, vector<16xf32>,
    %get3A_100 = arith.constant 48 : i32
    %get3A_101 = arith.index_cast %get3A_100 : i32 to index
    %get3A_102 = arith.constant 32 : index
    %get3A_103 = tpu.vector_load %arg8[%get3A_101, %get3A_102] {strides = array<i32>} : memref<50x64xf32, #tpu.memory_space<vmem>>, vector<16xf32>,
    %parallel_loop3A = arith.constant 0 : i32
    %parallel_loop3A_104 = arith.constant 128 : i32
    %parallel_loop3A_105 = arith.constant 1 : i32
    scf.for %parallel_loop3A_265 = %parallel_loop3A to %parallel_loop3A_104 step %parallel_loop3A_105  : i32 {
      %parallel_loop3A_266 = vector.broadcast %parallel_loop3A_265 : i32 to vector<16xi32>
      %parallel_loop3A_267 = arith.constant 0 : i32
      %parallel_loop3A_268 = arith.addi %parallel_loop3A_267, %parallel_loop3A_265 : i32
      %parallel_loop3A_269 = arith.index_cast %parallel_loop3A_268 : i32 to index
      %parallel_loop3A_270 = arith.constant 0 : index
      %parallel_loop3A_271 = tpu.vector_load %arg9[%parallel_loop3A_269, %parallel_loop3A_270] {strides = array<i32>} : memref<256x32xf32, #tpu.memory_space<vmem>>, vector<16xf32>,
      %parallel_loop3A_272 = arith.addf %parallel_loop3A_271, %get3A_99 : vector<16xf32>
      %parallel_loop3A_273 = arith.constant 0 : i32
      %parallel_loop3A_274 = vector.broadcast %parallel_loop3A_273 : i32 to vector<16xi32>
      %parallel_loop3A_275 = arith.addi %parallel_loop3A_274, %parallel_loop3A_266 : vector<16xi32>
      tpu.vector_store_idx %arg11[%add3A_37, %parallel_loop3A_275], %parallel_loop3A_272 : memref<32x273xf32, #tpu.memory_space<vmem>>[vector<16xi32>, vector<16xi32>], vector<16xf32>,
      %parallel_loop3A_276 = arith.constant 0 : i32
      %parallel_loop3A_277 = arith.addi %parallel_loop3A_276, %parallel_loop3A_265 : i32
      %parallel_loop3A_278 = arith.index_cast %parallel_loop3A_277 : i32 to index
      %parallel_loop3A_279 = arith.constant 16 : index
      %parallel_loop3A_280 = tpu.vector_load %arg9[%parallel_loop3A_278, %parallel_loop3A_279] {strides = array<i32>} : memref<256x32xf32, #tpu.memory_space<vmem>>, vector<16xf32>,
      %parallel_loop3A_281 = arith.addf %parallel_loop3A_280, %get3A_103 : vector<16xf32>
      %parallel_loop3A_282 = arith.constant 0 : i32
      %parallel_loop3A_283 = vector.broadcast %parallel_loop3A_282 : i32 to vector<16xi32>
      %parallel_loop3A_284 = arith.addi %parallel_loop3A_283, %parallel_loop3A_266 : vector<16xi32>
      tpu.vector_store_idx %arg11[%add3A_40, %parallel_loop3A_284], %parallel_loop3A_281 : memref<32x273xf32, #tpu.memory_space<vmem>>[vector<16xi32>, vector<16xi32>], vector<16xf32>,
    } {sc.loop_unroll_factor = 4 : i64, sc.parallel_access}
    %add3A_106 = arith.constant 48 : i32
    %add3A_107 = arith.addi %mul3A_32, %add3A_106 : i32
    %dma_start3A_108 = arith.constant 4 : i32
    %dma_start3A_109 = arith.constant 0 : i32
    %dma_start3A_110 = arith.constant 0 : i32
    %dma_start3A_111 = tpu.memref_slice %arg11[%dma_start3A_109, %dma_start3A_110] : memref<32x273xf32, #tpu.memory_space<vmem>> -> memref<8x128xf32, #tpu.memory_space<vmem>>
    %dma_start3A_112 = arith.constant 0 : i32
    %dma_start3A_113 = arith.constant 0 : i32
    %dma_start3A_114 = tpu.memref_slice %arg5[%add3A_107, %dma_start3A_108, %select_n3A_9, %dma_start3A_112, %dma_start3A_113] : memref<200x8x8x8x128xf32, #tpu.memory_space<hbm>> -> memref<1x1x1x8x128xf32, #tpu.memory_space<hbm>>
    %dma_start3A_115 = tpu.memref_squeeze %dma_start3A_114 : memref<1x1x1x8x128xf32, #tpu.memory_space<hbm>> -> memref<8x128xf32, #tpu.memory_space<hbm>>
    %dma_start3A_116 = arith.constant 0 : i32
    %dma_start3A_117 = arith.constant 0 : i32
    %dma_start3A_118 = tpu.memref_slice %arg5[%add3A_107, %dma_start3A_108, %select_n3A_9, %dma_start3A_116, %dma_start3A_117] : memref<200x8x8x8x128xf32, #tpu.memory_space<hbm>> -> memref<1x1x1x8x128xf32, #tpu.memory_space<hbm>>
    %dma_start3A_119 = tpu.memref_squeeze %dma_start3A_118 : memref<1x1x1x8x128xf32, #tpu.memory_space<hbm>> -> memref<8x128xf32, #tpu.memory_space<hbm>>
    %dma_start3A_120 = arith.constant 0 : i32
    %dma_start3A_121 = arith.constant 0 : i32
    %dma_start3A_122 = tpu.memref_slice %arg11[%dma_start3A_120, %dma_start3A_121] : memref<32x273xf32, #tpu.memory_space<vmem>> -> memref<8x128xf32, #tpu.memory_space<vmem>>
    tpu.enqueue_dma source(%dma_start3A_122 : memref<8x128xf32, #tpu.memory_space<vmem>>) target(%dma_start3A_119 : memref<8x128xf32, #tpu.memory_space<hbm>>) target_semaphore(%arg15 : memref<!tpu.dma_semaphore, #tpu.memory_space<semaphore_mem>>)
    %add3A_123 = arith.constant 48 : i32
    %add3A_124 = arith.addi %mul3A_32, %add3A_123 : i32
    %dma_start3A_125 = arith.constant 5 : i32
    %dma_start3A_126 = arith.constant 8 : i32
    %dma_start3A_127 = arith.constant 0 : i32
    %dma_start3A_128 = tpu.memref_slice %arg11[%dma_start3A_126, %dma_start3A_127] : memref<32x273xf32, #tpu.memory_space<vmem>> -> memref<8x128xf32, #tpu.memory_space<vmem>>
    %dma_start3A_129 = arith.constant 0 : i32
    %dma_start3A_130 = arith.constant 0 : i32
    %dma_start3A_131 = tpu.memref_slice %arg5[%add3A_124, %dma_start3A_125, %select_n3A_9, %dma_start3A_129, %dma_start3A_130] : memref<200x8x8x8x128xf32, #tpu.memory_space<hbm>> -> memref<1x1x1x8x128xf32, #tpu.memory_space<hbm>>
    %dma_start3A_132 = tpu.memref_squeeze %dma_start3A_131 : memref<1x1x1x8x128xf32, #tpu.memory_space<hbm>> -> memref<8x128xf32, #tpu.memory_space<hbm>>
    %dma_start3A_133 = arith.constant 0 : i32
    %dma_start3A_134 = arith.constant 0 : i32
    %dma_start3A_135 = tpu.memref_slice %arg5[%add3A_124, %dma_start3A_125, %select_n3A_9, %dma_start3A_133, %dma_start3A_134] : memref<200x8x8x8x128xf32, #tpu.memory_space<hbm>> -> memref<1x1x1x8x128xf32, #tpu.memory_space<hbm>>
    %dma_start3A_136 = tpu.memref_squeeze %dma_start3A_135 : memref<1x1x1x8x128xf32, #tpu.memory_space<hbm>> -> memref<8x128xf32, #tpu.memory_space<hbm>>
    %dma_start3A_137 = arith.constant 8 : i32
    %dma_start3A_138 = arith.constant 0 : i32
    %dma_start3A_139 = tpu.memref_slice %arg11[%dma_start3A_137, %dma_start3A_138] : memref<32x273xf32, #tpu.memory_space<vmem>> -> memref<8x128xf32, #tpu.memory_space<vmem>>
    tpu.enqueue_dma source(%dma_start3A_139 : memref<8x128xf32, #tpu.memory_space<vmem>>) target(%dma_start3A_136 : memref<8x128xf32, #tpu.memory_space<hbm>>) target_semaphore(%arg15 : memref<!tpu.dma_semaphore, #tpu.memory_space<semaphore_mem>>)
    %add3A_140 = arith.constant 48 : i32
    %add3A_141 = arith.addi %mul3A_32, %add3A_140 : i32
    %dma_start3A_142 = arith.constant 6 : i32
    %dma_start3A_143 = arith.constant 16 : i32
    %dma_start3A_144 = arith.constant 0 : i32
    %dma_start3A_145 = tpu.memref_slice %arg11[%dma_start3A_143, %dma_start3A_144] : memref<32x273xf32, #tpu.memory_space<vmem>> -> memref<8x128xf32, #tpu.memory_space<vmem>>
    %dma_start3A_146 = arith.constant 0 : i32
    %dma_start3A_147 = arith.constant 0 : i32
    %dma_start3A_148 = tpu.memref_slice %arg5[%add3A_141, %dma_start3A_142, %select_n3A_9, %dma_start3A_146, %dma_start3A_147] : memref<200x8x8x8x128xf32, #tpu.memory_space<hbm>> -> memref<1x1x1x8x128xf32, #tpu.memory_space<hbm>>
    %dma_start3A_149 = tpu.memref_squeeze %dma_start3A_148 : memref<1x1x1x8x128xf32, #tpu.memory_space<hbm>> -> memref<8x128xf32, #tpu.memory_space<hbm>>
    %dma_start3A_150 = arith.constant 0 : i32
    %dma_start3A_151 = arith.constant 0 : i32
    %dma_start3A_152 = tpu.memref_slice %arg5[%add3A_141, %dma_start3A_142, %select_n3A_9, %dma_start3A_150, %dma_start3A_151] : memref<200x8x8x8x128xf32, #tpu.memory_space<hbm>> -> memref<1x1x1x8x128xf32, #tpu.memory_space<hbm>>
    %dma_start3A_153 = tpu.memref_squeeze %dma_start3A_152 : memref<1x1x1x8x128xf32, #tpu.memory_space<hbm>> -> memref<8x128xf32, #tpu.memory_space<hbm>>
    %dma_start3A_154 = arith.constant 16 : i32
    %dma_start3A_155 = arith.constant 0 : i32
    %dma_start3A_156 = tpu.memref_slice %arg11[%dma_start3A_154, %dma_start3A_155] : memref<32x273xf32, #tpu.memory_space<vmem>> -> memref<8x128xf32, #tpu.memory_space<vmem>>
    tpu.enqueue_dma source(%dma_start3A_156 : memref<8x128xf32, #tpu.memory_space<vmem>>) target(%dma_start3A_153 : memref<8x128xf32, #tpu.memory_space<hbm>>) target_semaphore(%arg15 : memref<!tpu.dma_semaphore, #tpu.memory_space<semaphore_mem>>)
    %add3A_157 = arith.constant 48 : i32
    %add3A_158 = arith.addi %mul3A_32, %add3A_157 : i32
    %dma_start3A_159 = arith.constant 7 : i32
    %dma_start3A_160 = arith.constant 24 : i32
    %dma_start3A_161 = arith.constant 0 : i32
    %dma_start3A_162 = tpu.memref_slice %arg11[%dma_start3A_160, %dma_start3A_161] : memref<32x273xf32, #tpu.memory_space<vmem>> -> memref<8x128xf32, #tpu.memory_space<vmem>>
    %dma_start3A_163 = arith.constant 0 : i32
    %dma_start3A_164 = arith.constant 0 : i32
    %dma_start3A_165 = tpu.memref_slice %arg5[%add3A_158, %dma_start3A_159, %select_n3A_9, %dma_start3A_163, %dma_start3A_164] : memref<200x8x8x8x128xf32, #tpu.memory_space<hbm>> -> memref<1x1x1x8x128xf32, #tpu.memory_space<hbm>>
    %dma_start3A_166 = tpu.memref_squeeze %dma_start3A_165 : memref<1x1x1x8x128xf32, #tpu.memory_space<hbm>> -> memref<8x128xf32, #tpu.memory_space<hbm>>
    %dma_start3A_167 = arith.constant 0 : i32
    %dma_start3A_168 = arith.constant 0 : i32
    %dma_start3A_169 = tpu.memref_slice %arg5[%add3A_158, %dma_start3A_159, %select_n3A_9, %dma_start3A_167, %dma_start3A_168] : memref<200x8x8x8x128xf32, #tpu.memory_space<hbm>> -> memref<1x1x1x8x128xf32, #tpu.memory_space<hbm>>
    %dma_start3A_170 = tpu.memref_squeeze %dma_start3A_169 : memref<1x1x1x8x128xf32, #tpu.memory_space<hbm>> -> memref<8x128xf32, #tpu.memory_space<hbm>>
    %dma_start3A_171 = arith.constant 24 : i32
    %dma_start3A_172 = arith.constant 0 : i32
    %dma_start3A_173 = tpu.memref_slice %arg11[%dma_start3A_171, %dma_start3A_172] : memref<32x273xf32, #tpu.memory_space<vmem>> -> memref<8x128xf32, #tpu.memory_space<vmem>>
    tpu.enqueue_dma source(%dma_start3A_173 : memref<8x128xf32, #tpu.memory_space<vmem>>) target(%dma_start3A_170 : memref<8x128xf32, #tpu.memory_space<hbm>>) target_semaphore(%arg15 : memref<!tpu.dma_semaphore, #tpu.memory_space<semaphore_mem>>)
    %get3A_174 = arith.constant 49 : i32
    %get3A_175 = arith.index_cast %get3A_174 : i32 to index
    %get3A_176 = arith.constant 16 : index
    %get3A_177 = tpu.vector_load %arg8[%get3A_175, %get3A_176] {strides = array<i32>} : memref<50x64xf32, #tpu.memory_space<vmem>>, vector<16xf32>,
    %get3A_178 = arith.constant 49 : i32
    %get3A_179 = arith.index_cast %get3A_178 : i32 to index
    %get3A_180 = arith.constant 32 : index
    %get3A_181 = tpu.vector_load %arg8[%get3A_179, %get3A_180] {strides = array<i32>} : memref<50x64xf32, #tpu.memory_space<vmem>>, vector<16xf32>,
    %parallel_loop3A_182 = arith.constant 0 : i32
    %parallel_loop3A_183 = arith.constant 128 : i32
    %parallel_loop3A_184 = arith.constant 1 : i32
    scf.for %parallel_loop3A_265 = %parallel_loop3A_182 to %parallel_loop3A_183 step %parallel_loop3A_184  : i32 {
      %parallel_loop3A_266 = vector.broadcast %parallel_loop3A_265 : i32 to vector<16xi32>
      %parallel_loop3A_267 = arith.constant 128 : i32
      %parallel_loop3A_268 = arith.addi %parallel_loop3A_267, %parallel_loop3A_265 : i32
      %parallel_loop3A_269 = arith.index_cast %parallel_loop3A_268 : i32 to index
      %parallel_loop3A_270 = arith.constant 0 : index
      %parallel_loop3A_271 = tpu.vector_load %arg9[%parallel_loop3A_269, %parallel_loop3A_270] {strides = array<i32>} : memref<256x32xf32, #tpu.memory_space<vmem>>, vector<16xf32>,
      %parallel_loop3A_272 = arith.addf %parallel_loop3A_271, %get3A_177 : vector<16xf32>
      %parallel_loop3A_273 = arith.constant 136 : i32
      %parallel_loop3A_274 = vector.broadcast %parallel_loop3A_273 : i32 to vector<16xi32>
      %parallel_loop3A_275 = arith.addi %parallel_loop3A_274, %parallel_loop3A_266 : vector<16xi32>
      tpu.vector_store_idx %arg11[%add3A_37, %parallel_loop3A_275], %parallel_loop3A_272 : memref<32x273xf32, #tpu.memory_space<vmem>>[vector<16xi32>, vector<16xi32>], vector<16xf32>,
      %parallel_loop3A_276 = arith.constant 128 : i32
      %parallel_loop3A_277 = arith.addi %parallel_loop3A_276, %parallel_loop3A_265 : i32
      %parallel_loop3A_278 = arith.index_cast %parallel_loop3A_277 : i32 to index
      %parallel_loop3A_279 = arith.constant 16 : index
      %parallel_loop3A_280 = tpu.vector_load %arg9[%parallel_loop3A_278, %parallel_loop3A_279] {strides = array<i32>} : memref<256x32xf32, #tpu.memory_space<vmem>>, vector<16xf32>,
      %parallel_loop3A_281 = arith.addf %parallel_loop3A_280, %get3A_181 : vector<16xf32>
      %parallel_loop3A_282 = arith.constant 136 : i32
      %parallel_loop3A_283 = vector.broadcast %parallel_loop3A_282 : i32 to vector<16xi32>
      %parallel_loop3A_284 = arith.addi %parallel_loop3A_283, %parallel_loop3A_266 : vector<16xi32>
      tpu.vector_store_idx %arg11[%add3A_40, %parallel_loop3A_284], %parallel_loop3A_281 : memref<32x273xf32, #tpu.memory_space<vmem>>[vector<16xi32>, vector<16xi32>], vector<16xf32>,
    } {sc.loop_unroll_factor = 4 : i64, sc.parallel_access}
    %add3A_185 = arith.constant 49 : i32
    %add3A_186 = arith.addi %mul3A_32, %add3A_185 : i32
    %dma_start3A_187 = arith.constant 4 : i32
    %dma_start3A_188 = arith.constant 0 : i32
    %dma_start3A_189 = arith.constant 136 : i32
    %dma_start3A_190 = tpu.memref_slice %arg11[%dma_start3A_188, %dma_start3A_189] : memref<32x273xf32, #tpu.memory_space<vmem>> -> memref<8x128xf32, #tpu.memory_space<vmem>>
    %dma_start3A_191 = arith.constant 0 : i32
    %dma_start3A_192 = arith.constant 0 : i32
    %dma_start3A_193 = tpu.memref_slice %arg5[%add3A_186, %dma_start3A_187, %select_n3A_9, %dma_start3A_191, %dma_start3A_192] : memref<200x8x8x8x128xf32, #tpu.memory_space<hbm>> -> memref<1x1x1x8x128xf32, #tpu.memory_space<hbm>>
    %dma_start3A_194 = tpu.memref_squeeze %dma_start3A_193 : memref<1x1x1x8x128xf32, #tpu.memory_space<hbm>> -> memref<8x128xf32, #tpu.memory_space<hbm>>
    %dma_start3A_195 = arith.constant 0 : i32
    %dma_start3A_196 = arith.constant 0 : i32
    %dma_start3A_197 = tpu.memref_slice %arg5[%add3A_186, %dma_start3A_187, %select_n3A_9, %dma_start3A_195, %dma_start3A_196] : memref<200x8x8x8x128xf32, #tpu.memory_space<hbm>> -> memref<1x1x1x8x128xf32, #tpu.memory_space<hbm>>
    %dma_start3A_198 = tpu.memref_squeeze %dma_start3A_197 : memref<1x1x1x8x128xf32, #tpu.memory_space<hbm>> -> memref<8x128xf32, #tpu.memory_space<hbm>>
    %dma_start3A_199 = arith.constant 0 : i32
    %dma_start3A_200 = arith.constant 136 : i32
    %dma_start3A_201 = tpu.memref_slice %arg11[%dma_start3A_199, %dma_start3A_200] : memref<32x273xf32, #tpu.memory_space<vmem>> -> memref<8x128xf32, #tpu.memory_space<vmem>>
    tpu.enqueue_dma source(%dma_start3A_201 : memref<8x128xf32, #tpu.memory_space<vmem>>) target(%dma_start3A_198 : memref<8x128xf32, #tpu.memory_space<hbm>>) target_semaphore(%arg15 : memref<!tpu.dma_semaphore, #tpu.memory_space<semaphore_mem>>)
    %add3A_202 = arith.constant 49 : i32
    %add3A_203 = arith.addi %mul3A_32, %add3A_202 : i32
    %dma_start3A_204 = arith.constant 5 : i32
    %dma_start3A_205 = arith.constant 8 : i32
    %dma_start3A_206 = arith.constant 136 : i32
    %dma_start3A_207 = tpu.memref_slice %arg11[%dma_start3A_205, %dma_start3A_206] : memref<32x273xf32, #tpu.memory_space<vmem>> -> memref<8x128xf32, #tpu.memory_space<vmem>>
    %dma_start3A_208 = arith.constant 0 : i32
    %dma_start3A_209 = arith.constant 0 : i32
    %dma_start3A_210 = tpu.memref_slice %arg5[%add3A_203, %dma_start3A_204, %select_n3A_9, %dma_start3A_208, %dma_start3A_209] : memref<200x8x8x8x128xf32, #tpu.memory_space<hbm>> -> memref<1x1x1x8x128xf32, #tpu.memory_space<hbm>>
    %dma_start3A_211 = tpu.memref_squeeze %dma_start3A_210 : memref<1x1x1x8x128xf32, #tpu.memory_space<hbm>> -> memref<8x128xf32, #tpu.memory_space<hbm>>
    %dma_start3A_212 = arith.constant 0 : i32
    %dma_start3A_213 = arith.constant 0 : i32
    %dma_start3A_214 = tpu.memref_slice %arg5[%add3A_203, %dma_start3A_204, %select_n3A_9, %dma_start3A_212, %dma_start3A_213] : memref<200x8x8x8x128xf32, #tpu.memory_space<hbm>> -> memref<1x1x1x8x128xf32, #tpu.memory_space<hbm>>
    %dma_start3A_215 = tpu.memref_squeeze %dma_start3A_214 : memref<1x1x1x8x128xf32, #tpu.memory_space<hbm>> -> memref<8x128xf32, #tpu.memory_space<hbm>>
    %dma_start3A_216 = arith.constant 8 : i32
    %dma_start3A_217 = arith.constant 136 : i32
    %dma_start3A_218 = tpu.memref_slice %arg11[%dma_start3A_216, %dma_start3A_217] : memref<32x273xf32, #tpu.memory_space<vmem>> -> memref<8x128xf32, #tpu.memory_space<vmem>>
    tpu.enqueue_dma source(%dma_start3A_218 : memref<8x128xf32, #tpu.memory_space<vmem>>) target(%dma_start3A_215 : memref<8x128xf32, #tpu.memory_space<hbm>>) target_semaphore(%arg15 : memref<!tpu.dma_semaphore, #tpu.memory_space<semaphore_mem>>)
    %add3A_219 = arith.constant 49 : i32
    %add3A_220 = arith.addi %mul3A_32, %add3A_219 : i32
    %dma_start3A_221 = arith.constant 6 : i32
    %dma_start3A_222 = arith.constant 16 : i32
    %dma_start3A_223 = arith.constant 136 : i32
    %dma_start3A_224 = tpu.memref_slice %arg11[%dma_start3A_222, %dma_start3A_223] : memref<32x273xf32, #tpu.memory_space<vmem>> -> memref<8x128xf32, #tpu.memory_space<vmem>>
    %dma_start3A_225 = arith.constant 0 : i32
    %dma_start3A_226 = arith.constant 0 : i32
    %dma_start3A_227 = tpu.memref_slice %arg5[%add3A_220, %dma_start3A_221, %select_n3A_9, %dma_start3A_225, %dma_start3A_226] : memref<200x8x8x8x128xf32, #tpu.memory_space<hbm>> -> memref<1x1x1x8x128xf32, #tpu.memory_space<hbm>>
    %dma_start3A_228 = tpu.memref_squeeze %dma_start3A_227 : memref<1x1x1x8x128xf32, #tpu.memory_space<hbm>> -> memref<8x128xf32, #tpu.memory_space<hbm>>
    %dma_start3A_229 = arith.constant 0 : i32
    %dma_start3A_230 = arith.constant 0 : i32
    %dma_start3A_231 = tpu.memref_slice %arg5[%add3A_220, %dma_start3A_221, %select_n3A_9, %dma_start3A_229, %dma_start3A_230] : memref<200x8x8x8x128xf32, #tpu.memory_space<hbm>> -> memref<1x1x1x8x128xf32, #tpu.memory_space<hbm>>
    %dma_start3A_232 = tpu.memref_squeeze %dma_start3A_231 : memref<1x1x1x8x128xf32, #tpu.memory_space<hbm>> -> memref<8x128xf32, #tpu.memory_space<hbm>>
    %dma_start3A_233 = arith.constant 16 : i32
    %dma_start3A_234 = arith.constant 136 : i32
    %dma_start3A_235 = tpu.memref_slice %arg11[%dma_start3A_233, %dma_start3A_234] : memref<32x273xf32, #tpu.memory_space<vmem>> -> memref<8x128xf32, #tpu.memory_space<vmem>>
    tpu.enqueue_dma source(%dma_start3A_235 : memref<8x128xf32, #tpu.memory_space<vmem>>) target(%dma_start3A_232 : memref<8x128xf32, #tpu.memory_space<hbm>>) target_semaphore(%arg15 : memref<!tpu.dma_semaphore, #tpu.memory_space<semaphore_mem>>)
    %add3A_236 = arith.constant 49 : i32
    %add3A_237 = arith.addi %mul3A_32, %add3A_236 : i32
    %dma_start3A_238 = arith.constant 7 : i32
    %dma_start3A_239 = arith.constant 24 : i32
    %dma_start3A_240 = arith.constant 136 : i32
    %dma_start3A_241 = tpu.memref_slice %arg11[%dma_start3A_239, %dma_start3A_240] : memref<32x273xf32, #tpu.memory_space<vmem>> -> memref<8x128xf32, #tpu.memory_space<vmem>>
    %dma_start3A_242 = arith.constant 0 : i32
    %dma_start3A_243 = arith.constant 0 : i32
    %dma_start3A_244 = tpu.memref_slice %arg5[%add3A_237, %dma_start3A_238, %select_n3A_9, %dma_start3A_242, %dma_start3A_243] : memref<200x8x8x8x128xf32, #tpu.memory_space<hbm>> -> memref<1x1x1x8x128xf32, #tpu.memory_space<hbm>>
    %dma_start3A_245 = tpu.memref_squeeze %dma_start3A_244 : memref<1x1x1x8x128xf32, #tpu.memory_space<hbm>> -> memref<8x128xf32, #tpu.memory_space<hbm>>
    %dma_start3A_246 = arith.constant 0 : i32
    %dma_start3A_247 = arith.constant 0 : i32
    %dma_start3A_248 = tpu.memref_slice %arg5[%add3A_237, %dma_start3A_238, %select_n3A_9, %dma_start3A_246, %dma_start3A_247] : memref<200x8x8x8x128xf32, #tpu.memory_space<hbm>> -> memref<1x1x1x8x128xf32, #tpu.memory_space<hbm>>
    %dma_start3A_249 = tpu.memref_squeeze %dma_start3A_248 : memref<1x1x1x8x128xf32, #tpu.memory_space<hbm>> -> memref<8x128xf32, #tpu.memory_space<hbm>>
    %dma_start3A_250 = arith.constant 24 : i32
    %dma_start3A_251 = arith.constant 136 : i32
    %dma_start3A_252 = tpu.memref_slice %arg11[%dma_start3A_250, %dma_start3A_251] : memref<32x273xf32, #tpu.memory_space<vmem>> -> memref<8x128xf32, #tpu.memory_space<vmem>>
    tpu.enqueue_dma source(%dma_start3A_252 : memref<8x128xf32, #tpu.memory_space<vmem>>) target(%dma_start3A_249 : memref<8x128xf32, #tpu.memory_space<hbm>>) target_semaphore(%arg15 : memref<!tpu.dma_semaphore, #tpu.memory_space<semaphore_mem>>)
    %dma_wait3A_253 = arith.constant 0 : i32
    %dma_wait3A_254 = arith.constant 0 : i32
    %dma_wait3A_255 = tpu.memref_slice %arg3[%dma_wait3A_253, %dma_wait3A_254] : memref<100000x32xf32, #tpu.memory_space<hbm>> -> memref<256x32xf32, #tpu.memory_space<hbm>>
    %dma_wait3A_256 = arith.constant 0 : i32
    %dma_wait3A_257 = arith.constant 0 : i32
    %dma_wait3A_258 = tpu.memref_slice %arg3[%dma_wait3A_256, %dma_wait3A_257] : memref<100000x32xf32, #tpu.memory_space<hbm>> -> memref<256x32xf32, #tpu.memory_space<hbm>>
    tpu.wait_dma2 semaphore(%arg16 : memref<!tpu.dma_semaphore, #tpu.memory_space<semaphore_mem>>) src(%dma_wait3A_258 : memref<256x32xf32, #tpu.memory_space<hbm>>) dst(%arg10 : memref<256x32xf32, #tpu.memory_space<vmem>>)
    %dma_wait3A_259 = arith.constant 0 : i32
    %dma_wait3A_260 = arith.constant 0 : i32
    %dma_wait3A_261 = tpu.memref_slice %arg3[%dma_wait3A_259, %dma_wait3A_260] : memref<100000x32xf32, #tpu.memory_space<hbm>> -> memref<256x32xf32, #tpu.memory_space<hbm>>
    %dma_wait3A_262 = arith.constant 0 : i32
    %dma_wait3A_263 = arith.constant 0 : i32
    %dma_wait3A_264 = tpu.memref_slice %arg3[%dma_wait3A_262, %dma_wait3A_263] : memref<100000x32xf32, #tpu.memory_space<hbm>> -> memref<256x32xf32, #tpu.memory_space<hbm>>
    tpu.wait_dma2 semaphore(%arg15 : memref<!tpu.dma_semaphore, #tpu.memory_space<semaphore_mem>>) src(%dma_wait3A_264 : memref<256x32xf32, #tpu.memory_space<hbm>>) dst(%arg9 : memref<256x32xf32, #tpu.memory_space<vmem>>)
    return
  }
}

</mosaic_0001>

<sc_bundles>
// kernel: _tok_pos_embed.4.cloned.1.call-start
scs
__scs_entry_jumppad:
0x0: {  	(pc) =	sbr.rel $0x88, $3  }
0x1: {  	(tag) =	ssettag $0x0;
	lr =	simm.s32 $0x1  }
0x2: {  	[smem:$0x3F9E] =	sst lr;
	_ =	strace $0xD0000000  }
0x3: {  	_ = 	snop  }
0x4: {  	_ = 	snop  }
0x5: {  	_ = 	snop  }
0x6: {  	_ = 	snop  }
0x7: {  	_ = 	snop  }
__scs_overlays_trampoline_lowered:
0x8: {  	[smem:$0x3FAD] =	sst s0  }
0x9: {  	[smem:$0x3FAE] =	sst s1  }
0xa: {  	[smem:$0x3FAF] =	sst s2  }
0xb: {  	[smem:$0x3FB0] =	sst s3  }
0xc: {  	[smem:$0x3FB1] =	sst s4  }
0xd: {  	[smem:$0x3FB2] =	sst s5  }
0xe: {  	[smem:$0x3FB3] =	sst s6  }
0xf: {  	[smem:$0x3FB4] =	sst s7  }
0x10: {  	[smem:$0x3FB5] =	sst s8  }
0x11: {  	[smem:$0x3FB6] =	sst s9;
	s0 =	simm.s32 @!p0 $0x0  }
0x12: {  	s1 =	sld [smem:$0x3F9C];
	s0 =	simm.s32 @p0 $0x1  }
0x13: {  	[smem:$0x3FB7] =	sst s0;
	s0 =	simm.s32 @!p1 $0x0  }
0x14: {  	s2 =	sld [smem:$0x3F9B];
	s0 =	simm.s32 @p1 $0x1  }
0x15: {  	[smem:$0x3FB8] =	sst s0;
	s0 =	simm.s32 @!p2 $0x0  }
0x16: {  	s3 =	sld [smem:$0x3FDB];
	s0 =	simm.s32 @p2 $0x1  }
0x17: {  	s4 =	simm.s32 $0x1BF5;
	[smem:$0x3FBA] =	sst s0  }
0x18: {  	s0 =	sld [smem:$0x3F9D];
	_ =	swait.ge [sflag:s4], $0x0  }
0x19: {  	s7 =	sld [smem:$0x3F9E]  }
0x1a: {  	s8 =	sadd.s32 $0xFFFFE003, lr  }
0x1b: {  	s9 =	sadd.s32 $0xFFFFFEF7, lr;
	s5 =	simm.s32 $0xFFFFFFFF;
	p2 =	slt.u32 s8, $0xFFFFF086  }
0x1c: {  	p1 =	slt.u32 s9, $0xF7A;
	s5 =	simm.s32 @!p2 $0x0  }
0x1d: {  	s5 =	simm.s32 @p1 $0x1;
	p0 =	seq.s32 s7, s2  }
0x1e: {  	s7 =	smul.u32 @!p0 $0xF7A, s2;
	p2 =	seq.s32 @!p0 s5, $0x0  }
0x1f: {  	s9 =	smul.u32 $0xF7A, s1;
	s8 =	simm.s32 @!p0 $0x1BF5;
	p2 =	por !p2, p0  }
0x20: {  	[sflag:s8] =	ssyncset.s32 @!p0 $0xFFFFF086;
	s6 =	sadd.s32 @!p0 s3, s7;
	s7 =	simm.s32 @!p0 $0x108  }
0x21: {  	s3 =	sadd.s32 s3, s9;
	s6 =	sadd.s32 @!p0 $0x88, s6;
	s7 =	simm.s32 @p2 $0x1082  }
0x22: {  	[simem:s7], [sflag:s8] =	dma.local @!p0 [hbm:s6], $0xF7A  }
0x23: {  	s9 =	sor.u32 $0xD0000000, s2;
	s6 =	simm.s32 $0x108;
	_ =	swait.ge @!p0 [sflag:s8], $0x0  }
0x24: {  	s3 =	sadd.s32 $0x88, s3;
	s6 =	simm.s32 @!p1 $0x1082;
	[sflag:s4] =	ssyncset.s32 $0xFFFFF086  }
0x25: {  	[simem:s6], [sflag:s4] =	dma.local [hbm:s3], $0xF7A  }
0x26: {  	[smem:$0x3F9E] =	sst s1;
	(tag) =	ssettag s2;
	_ =	strace s9  }
0x27: {  	s1 =	sld [smem:$0x3FAE]  }
0x28: {  	s2 =	sld [smem:$0x3FAF]  }
0x29: {  	s4 =	sld [smem:$0x3FB1]  }
0x2a: {  	p0 =	seq.s32 s5, $0x0;
	s5 =	sld [smem:$0x3FB2]  }
0x2b: {  	s6 =	sld [smem:$0x3FB3]  }
0x2c: {  	s7 =	sld [smem:$0x3FB4]  }
0x2d: {  	s3 =	simm.s32 $0x108;
	s8 =	sld [smem:$0x3FB5]  }
0x2e: {  	s3 =	simm.s32 @!p0 $0x1082;
	s9 =	sld [smem:$0x3FB6]  }
0x2f: {  	lr =	sadd.s32 s0, s3;
	s0 =	sld [smem:$0x3FAD]  }
0x30: {  	s3 =	sld [smem:$0x3FB0]  }
0x31: {  	[smem:$0x3FB9] =	sst s10  }
0x32: {  	s10 =	sld [smem:$0x3FB7];
	_ =	sdelay $0x3  }
0x33: {  	p0 =	seq.s32 s10, $0x1;
	s10 =	sld [smem:$0x3FB9];
	_ =	sdelay $0x3  }
0x34: {  	[smem:$0x3FB9] =	sst s10  }
0x35: {  	s10 =	sld [smem:$0x3FB8];
	_ =	sdelay $0x3  }
0x36: {  	p1 =	seq.s32 s10, $0x1;
	s10 =	sld [smem:$0x3FB9];
	_ =	sdelay $0x3  }
0x37: {  	[smem:$0x3FB9] =	sst s10  }
0x38: {  	s10 =	sld [smem:$0x3FBA]  }
0x39: {  	_ = 	snop;
	(pc) =	sbr.ind lr, $3  }
0x3a: {  	_ = 	snop  }
0x3b: {  	_ = 	snop  }
0x3c: {  	p2 =	seq.s32 s10, $0x1;
	s10 =	sld [smem:$0x3FB9]  }
0x3d: {  	_ =	shalt  }
0x3e: {  	_ =	shalt  }
0x3f: {  	_ =	shalt  }
0x40: {  	_ =	shalt  }
0x41: {  	_ =	shalt  }
0x42: {  	_ =	shalt  }
0x43: {  	_ =	shalt  }
0x44: {  	_ =	shalt  }
0x45: {  	_ =	shalt  }
0x46: {  	_ =	shalt  }
0x47: {  	_ =	shalt  }
0x48: {  	_ =	shalt  }
0x49: {  	_ =	shalt  }
0x4a: {  	_ =	shalt  }
0x4b: {  	_ =	shalt  }
0x4c: {  	_ =	shalt  }
0x4d: {  	_ =	shalt  }
0x4e: {  	_ =	shalt  }
0x4f: {  	_ =	shalt  }
0x50: {  	_ =	shalt  }
0x51: {  	_ =	shalt  }
0x52: {  	_ =	shalt  }
0x53: {  	_ =	shalt  }
0x54: {  	_ =	shalt  }
0x55: {  	_ =	shalt  }
0x56: {  	_ =	shalt  }
0x57: {  	_ =	shalt  }
0x58: {  	_ =	shalt  }
0x59: {  	_ =	shalt  }
0x5a: {  	_ =	shalt  }
0x5b: {  	_ =	shalt  }
0x5c: {  	_ =	shalt  }
0x5d: {  	_ =	shalt  }
0x5e: {  	_ =	shalt  }
0x5f: {  	_ =	shalt  }
0x60: {  	_ =	shalt  }
0x61: {  	_ =	shalt  }
0x62: {  	_ =	shalt  }
0x63: {  	_ =	shalt  }
0x64: {  	_ =	shalt  }
0x65: {  	_ =	shalt  }
0x66: {  	_ =	shalt  }
0x67: {  	_ =	shalt  }
0x68: {  	_ =	shalt  }
0x69: {  	_ =	shalt  }
0x6a: {  	_ =	shalt  }
0x6b: {  	_ =	shalt  }
0x6c: {  	_ =	shalt  }
0x6d: {  	_ =	shalt  }
0x6e: {  	_ =	shalt  }
0x6f: {  	_ =	shalt  }
0x70: {  	_ =	shalt  }
0x71: {  	_ =	shalt  }
0x72: {  	_ =	shalt  }
0x73: {  	_ =	shalt  }
0x74: {  	_ =	shalt  }
0x75: {  	_ =	shalt  }
0x76: {  	_ =	shalt  }
0x77: {  	_ =	shalt  }
0x78: {  	_ =	shalt  }
0x79: {  	_ =	shalt  }
0x7a: {  	_ =	shalt  }
0x7b: {  	_ =	shalt  }
0x7c: {  	_ =	shalt  }
0x7d: {  	_ =	shalt  }
0x7e: {  	_ =	shalt  }
0x7f: {  	_ =	shalt  }
0x80: {  	_ =	shalt  }
0x81: {  	_ =	shalt  }
0x82: {  	_ =	shalt  }
0x83: {  	_ =	shalt  }
0x84: {  	_ =	shalt  }
0x85: {  	_ =	shalt  }
0x86: {  	_ =	shalt  }
0x87: {  	_ =	shalt  }
.Lfunc_end0:
.L_simem_size_0:
called_computation_lowered:
.L_overlay_start_0:
0x88: {  	s2 =	sld [smem:$0x3FD9]  }
0x89: {  	s3 =	sld [smem:$0x3FFE];
	_ =	sdelay $0x1  }
0x8a: {  	s1 =	srdreg.scid  }
0x8b: {  	s0 =	sand.u32 $0x1, s1  }
0x8c: {  	s17 =	sshll.u32 s0, $0xA;
	s2 =	sadd.s32 s3, s2  }
0x8d: {  	s2 =	sadd.s32 s2, s17  }
0x8e: {  	[smem:$0x3FC5] =	sst s2  }
0x8f: {  	_ = 	snop  }
0x90: {  	s2 =	sld [smem:$0x3FD0];
	(tm) =	ssettm $0x1  }
0x91: {  	s18 =	sld [smem:$0x3FFB];
	_ =	sdelay $0x3  }
0x92: {  	_ =	strace s18  }
0x93: {  	s3 =	sld [smem:$0x3FFC];
	_ =	sdelay $0x3  }
0x94: {  	_ =	strace s3  }
0x95: {  	s3 =	sld [smem:$0x3FFD];
	_ =	sdelay $0x3  }
0x96: {  	_ =	strace s3  }
0x97: {  	_ =	strace $0x8FFFFFFF  }
0x98: {  	s19 =	sld [smem:$0x3FDB];
	_ =	sdelay $0x1  }
0x99: {  	s4 =	simm.s32 $_scs_section_size  }
0x9a: {  	s5 =	simm.s32 $_size__tile_overlayer_lowered;
	s6 =	simm.s32 $_tile_overlayer_lowered  }
0x9b: {  	s22 =	simm.s32 $0x1BFF;
	s21 =	sshll.u32 s6, $0x1;
	s3 =	sadd.s32 s4, s19  }
0x9c: {  	s7 =	simm.s32 $0x0;
	s20 =	sshll.u32 s5, $0x1;
	s5 =	sadd.s32 s21, s3  }
0x9d: {  	[timem:s7], [sflag:s22] =	dma.local [hbm:s5], s20  }
0x9e: {  	_ =	swait.ge [sflag:s22], s20  }
0x9f: {  	s4 =	ssub.s32 $0x0, s20;
	[sflag:s22] =	ssyncset.done $0x0  }
0xa0: {  	[sflag:s22] =	ssyncadd.s32 s4;
	_ =	sdelay $0x1  }
0xa1: {  	s23 =	simm.s32 $0x1B8B  }
0xa2: {  	_ =	swait.ge [sflag:s23], $0x1  }
0xa3: {  	[sflag:s23] =	ssyncset.done $0x0  }
0xa4: {  	s25 =	simm.s32 $0x1B8E;
	s24 =	sld [smem:$0x3FFE];
	[sflag:s23] =	ssyncadd.s32 $0xFFFFFFFF  }
0xa5: {  	s26 =	simm.s32 $execute0_lowered;
	[smem:$0x3FD2] =	sst s25  }
0xa6: {  	s5 =	sshll.u32 s26, $0x1;
	_ =	strace $0x80000046;
	[dreg:$0x1] =	wrdreg $0xFFFFFFFF  }
0xa7: {  	s28 =	simm.s32 $_size_execute0_lowered;
	s3 =	sadd.s32 s3, s5;
	[dreg:$0x0] =	wrdreg $0x0  }
0xa8: {  	s5 =	sshll.u32 s28, $0x1;
	[dreg:$0x2] =	wrdreg s3  }
0xa9: {  	[dreg:$0x3] =	wrdreg s5  }
0xaa: {  	[dreg:$0x4] =	wrdreg $0xC0  }
0xab: {  	_ =	task [dreg:s7], $0x5FFFF  }
0xac: {  	[dreg:$0x1] =	wrdreg $0xFFFFFFFF  }
0xad: {  	[dreg:$0x0] =	wrdreg $0x60  }
0xae: {  	[dreg:$0x2] =	wrdreg s24  }
0xaf: {  	[dreg:$0x3] =	wrdreg s2  }
0xb0: {  	[dreg:$0x4] =	wrdreg $0x9  }
0xb1: {  	_ =	task.clear_ibuf [dreg:s7], $0x5FFFF;
	_ =	strace $0x90000046  }
0xb2: {  	s29 =	simm.s32 $0x9;
	_ =	strace $0x80000048  }
0xb3: {  	_ =	swait.ge [sflag:s29], $0x1  }
0xb4: {  	[sflag:s29] =	ssyncadd.s32 $0xFFFFFFFF  }
0xb5: {  	_ =	strace $0x90000048  }
0xb6: {  	_ =	sfence  }
0xb7: {  	s30 =	sld [smem:$0x0];
	_ =	sdelay $0x2  }
0xb8: {  	s31 =	sshll.u32 s1, $0xD;
	s1 =	sshrl.u32 s1, $0x2  }
0xb9: {  	s3 =	sand.u32 $0x4000, s31;
	s1 =	sadd.s32 s1, s30  }
0xba: {  	s0 =	sor.u32 s3, s0;
	s1 =	sshll.u32 s1, $0x11  }
0xbb: {  	s0 =	sor.u32 s1, s0  }
0xbc: {  	s0 =	sadd.s32 $0x8F2B, s0  }
0xbd: {  	[sflag:s0] =	ssyncadd.remote.s32 $0x1  }
0xbe: {  	_ =	sfence.sel $0xFFFF  }
0xbf: {  	[dreg:$0x0] =	wrdreg $0xFFFFFFFF;
	(pc) =	sbr.abs _section_cstart, $3  }
0xc0: {  	[dreg:$0x1] =	wrdreg $0xFFFFFFFF  }
0xc1: {  	_ =	task.clear_ibuf [dreg:s7], $0x2FFFF;
	_ =	strace $0x9FFFFFFF  }
0xc2: {  	(tm) =	ssettm $0x7FFFFFFF  }
0xc3: {  	_ =	shalt  }
tec
execute0_lowered:
.L_overlay_start_1:
0x0: {  	(tag) =	ssettag $0x1  }
0x1: {  	s4 =	stileid.u32;
	s0 =	rddreg [dreg:$0x0]  }
0x2: {  	s1 =	srdreg.scid;
	s29 =	simm.s32 $0x2;
	s30 =	simm.s32 $0x8880  }
0x3: {  	s16 =	simm.s32 $0xA460;
	s12 =	simm.s32 $0xA7A8;
	s5 =	sshrl.u32 s4, $0x2  }
0x4: {  	s13 =	simm.s32 $0x4;
	s2 =	sshll.u32 s4, $0x1;
	s4 =	smul.u32 $0xC800, s5  }
0x5: {  	s15 =	simm.s32 $0x0;
	s1 =	sand.u32 $0x1, s1;
	s17 =	smul.u32 $0x190, s5  }
0x6: {  	s3 =	sand.u32 $0x6, s2;
	s2 =	rddreg [dreg:$0x1];
	s9 =	smul.u32 $0x320000, s5  }
0x7: {  	s5 =	smul.u32 $0x32, s5;
	s6 =	sor.u32 s1, s3;
	s3 =	simm.s32 $0x0  }
0x8: {  	s1 =	ssub.s32 $0x2, s1;
	s10 =	sadd.s32 $0x800, s2;
	s11 =	sadd.s32 $0xC00, s2  }
0x9: {  	s7 =	sshll.u32 s6, $0x7;
	[smem:$0x7FF] =	sst s3;
	s18 =	sshrl.u32 s1, $0x1  }
0xa: {  	s6 =	sshll.u32 s6, $0xA;
	s4 =	sor.u32 s4, s7;
	_ =	strace $0x80000047  }
0xb: {  	s1 =	ssub.s32 s1, s18;
	s20 =	sor.u32 s6, s9;
	s9 =	sadd.s32 $0x400, s2  }
0xc: {  	s18 =	simm.s32 $0xA8C0;
	s4 =	sshrl.u32 s4, $0x3;
	s21 =	sadd.s32 $0x300000, s20  }
0xd: {  	s31 =	smax.u32 s1, $0x1;
	s8 =	sadd.s32 s4, s0;
	s4 =	sadd.s32 $0x7600, s0  }
0xe: {  	s0 =	sadd.s32 s17, s0;
	[dreg:$0xd] =	wrdreg s31;
	s19 =	sadd.s32 $0x1200, s8  }
0xf: {  	s7 =	sshrl.u32 s21, $0x3;
	s0 =	sadd.s32 $0xA00, s0;
	[dreg:$0x3] =	wrdreg s19  }
0x10: {  	s1 =	simm.s32 $0x1;
	s22 =	sadd.s32 s2, s7;
	[dreg:$0x4] =	wrdreg s0  }
0x11: {  	s21 =	simm.s32 $0x80;
	s23 =	sadd.s32 s7, s9;
	[dreg:$0x5] =	wrdreg s22  }
0x12: {  	s24 =	sadd.s32 s7, s10;
	s0 =	sadd.s32 $0x310000, s20;
	[dreg:$0x6] =	wrdreg s23  }
0x13: {  	s7 =	sadd.s32 s7, s11;
	[dreg:$0x7] =	wrdreg s24;
	s0 =	sshrl.u32 s0, $0x3  }
0x14: {  	s17 =	simm.s32 $0xA690;
	[dreg:$0x8] =	wrdreg s7;
	s25 =	sadd.s32 s2, s0  }
0x15: {  	v0 =	vlaneseq.u32;
	s8 =	simm.s32 $0xA578;
	s26 =	sadd.s32 s0, s9;
	[dreg:$0x9] =	wrdreg s25  }
0x16: {  	v0 =	vmul.u32 $0x118, v0;
	s23 =	simm.s32 $0xA348;
	s28 =	sadd.s32 s0, s10;
	[dreg:$0xa] =	wrdreg s26  }
0x17: {  	s7 =	simm.s32 $0xA9D8;
	s0 =	sadd.s32 s0, s11;
	[dreg:$0xb] =	wrdreg s28  }
0x18: {  	v1 =	vadd.s32 $0x1180, v0;
	s19 =	simm.s32 $0xAAF0;
	[dreg:$0xc] =	wrdreg s0;
	s0 =	simm.s32 $0x6580  }
.LBB2_1:
0x19: {  	[dreg:$0xe] =	wrdreg s15  }
0x1a: {  	s14 =	rddreg [dreg:$0x3];
	s26 =	simm.s32 $0x400;
	s28 =	simm.s32 $0x5  }
0x1b: {  	[tilespmem:s3], [sflag:$0x5] =	stream.strided.gather [hbm4b:s14+s21], $0x1900, s26, s21, $0x38;
	[tilespmem:$0xAB80] =	vst v63  }
0x1c: {  	_ =	swait.ge [sflag:s28], $0x1900  }
0x1d: {  	[sflag:s28] =	ssyncset.done $0x0  }
0x1e: {  	s20 =	simm.s32 $0x1900;
	s31 =	rddreg [dreg:$0x4];
	[sflag:s28] =	ssyncadd.s32 $0xFFFFE700  }
0x1f: {  	[tilespmem:s20], [sflag:$0x5] =	stream.linear.gather [hbm4b:s31+s3], $0xC80, $0x38;
	[tilespmem:$0xAB80] =	vst v63  }
0x20: {  	_ =	swait.ge [sflag:s28], $0xC80  }
0x21: {  	[sflag:s28] =	ssyncset.done $0x0  }
0x22: {  	s22 =	simm.s32 $0x2580;
	[sflag:s28] =	ssyncadd.s32 $0xFFFFF380  }
0x23: {  	[tilespmem:s22], [sflag:$0x1] =	stream.indirect.gather [hbm4b:s4+s21], $0x20, s3, s21, $0xb8;
	[tilespmem:$0xAB80] =	vst v63  }
0x24: {  	s24 =	simm.s32 $0x3580  }
0x25: {  	[tilespmem:s24], [sflag:$0x1] =	stream.indirect.gather [hbm4b:s4+s21], $0x20, s21, s21, $0xb8;
	[tilespmem:$0xAB80] =	vst v63  }
0x26: {  	s25 =	simm.s32 $0x100;
	s26 =	simm.s32 $0x4580  }
0x27: {  	[tilespmem:s26], [sflag:$0x2] =	stream.indirect.gather [hbm4b:s4+s21], $0x20, s25, s21, $0xb8;
	[tilespmem:$0xAB80] =	vst v63  }
0x28: {  	s31 =	simm.s32 $0x5580;
	s28 =	simm.s32 $0x180;
	s25 =	simm.s32 $0x0  }
0x29: {  	[tilespmem:s31], [sflag:$0x2] =	stream.indirect.gather [hbm4b:s4+s21], $0x20, s28, s21, $0xb8;
	[tilespmem:$0xAB80] =	vst v63  }
.LBB2_2:
0x2a: {  	_ =	swait.ge [sflag:s1], $0x2000;
	s14 =	sshll.u32 s25, $0x9  }
0x2b: {  	s15 =	simm.s32 $0x2580;
	[sflag:s1] =	ssyncset.done $0x0;
	s26 =	sand.u32 $0x3FFFFE00, s14  }
0x2c: {  	p0 =	seq.s32 s25, $0x0;
	[sflag:s1] =	ssyncadd.s32 $0xFFFFE000;
	s14 =	sadd.s32 $0x200, s26  }
0x2d: {  	[tilespmem:s15], [sflag:$0x1] =	stream.indirect.gather [hbm4b:s4+s21], $0x20, s14, s21, $0xb8;
	[tilespmem:$0xAB80] =	vst v63  }
0x2e: {  	s28 =	simm.s32 $0x3580;
	s24 =	sadd.s32 $0x280, s26;
	s14 =	simm.s32 @!p0 $0x3  }
0x2f: {  	[tilespmem:s28], [sflag:$0x1] =	stream.indirect.gather [hbm4b:s4+s21], $0x20, s24, s21, $0xb8;
	[tilespmem:$0xAB80] =	vst v63  }
0x30: {  	_ =	swait.ge @!p0 [sflag:s14], $0x2000  }
0x31: {  	s20 =	sshll.u32 s25, $0x8;
	[sflag:s14] =	ssyncset.done @!p0 $0x0  }
0x32: {  	[sflag:s14] =	ssyncadd.s32 @!p0 $0xFFFFE000;
	s14 =	sand.u32 $0x3FFFFF00, s20  }
0x33: {  	s31 =	simm.s32 $0x3;
	s24 =	simm.s32 $0x25C0;
	v3 =	vld [tilespmem:s14+$0x1900]  }
0x34: {  	v2 =	vmov s31;
	v4 =	vld [tilespmem:s24+$0x20]  }
0x35: {  	v7 =	vand.u32 $0x7F, v2  }
0x36: {  	s22 =	simm.s32 $0x1;
	v5 =	vadd.s32 v0, v7  }
0x37: {  	v2 =	vmov s22;
	v8 =	vld [tilespmem:s24+$0xFFFFFFC0]  }
0x38: {  	s15 =	simm.s32 $0x0;
	v15 =	vand.u32 $0x7D, v2;
	v9 =	vld [tilespmem:s24+$0xFFFFFFE0]  }
0x39: {  	v24 =	vadd.s32 v1, v7;
	v6 =	vmov s15;
	s28 =	simm.s32 $0x2;
	v11 =	vld [tilespmem:s24+$0x0];
	v4 =	vadd.f32 v4, v3  }
0x3a: {  	v12 =	vadd.s32 v0, v15;
	s15 =	simm.s32 $0x7;
	v6 =	vand.u32 $0x7C, v6;
	v10 =	vmov s28;
	v2 =	vld [tilespmem:s14+$0x1910];
	s14 =	simm.s32 $0x2640  }
0x3b: {  	v16 =	vadd.s32 v0, v6;
	v18 =	vand.u32 $0x7E, v10;
	v14 =	vld [tilespmem:s14+$0x20];
	[tilespmem:v5+s0+$0x0] =	vst.idx.msk $0xffff, v4;
	v5 =	vmov s15  }
0x3c: {  	s31 =	simm.s32 $0x4;
	v15 =	vadd.s32 v1, v15;
	v13 =	vadd.s32 v0, v18;
	v5 =	vand.u32 $0x7F, v5;
	v20 =	vld [tilespmem:s24+$0x30]  }
0x3d: {  	v10 =	vmov s31;
	v21 =	vld [tilespmem:s14+$0xFFFFFFC0];
	v9 =	vadd.f32 v9, v3;
	v22 =	vadd.s32 v0, v5  }
0x3e: {  	s28 =	simm.s32 $0x5;
	v18 =	vadd.s32 v1, v18;
	v23 =	vld [tilespmem:s14+$0xFFFFFFE0];
	v8 =	vadd.f32 v8, v3;
	v4 =	vand.u32 $0x7C, v10  }
0x3f: {  	s31 =	simm.s32 $0x6;
	s20 =	simm.s32 $0x26C0;
	v19 =	vld [tilespmem:s14+$0x0];
	v10 =	vadd.f32 v11, v3;
	v11 =	vmov s28;
	[tilespmem:v12+s0+$0x0] =	vst.idx.msk $0xffff, v9;
	v17 =	vadd.s32 v0, v4  }
0x40: {  	v14 =	vadd.f32 v14, v3;
	v9 =	vmov s31;
	[tilespmem:v16+s0+$0x0] =	vst.idx.msk $0xffff, v8;
	v16 =	vld [tilespmem:s20+$0x20];
	v7 =	vand.u32 $0x7D, v11  }
0x41: {  	s22 =	simm.s32 $0x8;
	v9 =	vand.u32 $0x7E, v9;
	[tilespmem:v13+s0+$0x0] =	vst.idx.msk $0xffff, v10;
	v10 =	vadd.s32 v0, v7;
	v13 =	vld [tilespmem:s24+$0xFFFFFFF0];
	v25 =	vadd.f32 v20, v2  }
0x42: {  	v8 =	vmov s22;
	s28 =	simm.s32 $0xB;
	v12 =	vadd.s32 v0, v9;
	v11 =	vld [tilespmem:s24+$0x10];
	v20 =	vadd.f32 v21, v3;
	[tilespmem:v22+s0+$0x0] =	vst.idx.msk $0xffff, v14  }
0x43: {  	v8 =	vand.u32 $0x7C, v8;
	v21 =	vadd.f32 v23, v3;
	v14 =	vld [tilespmem:s24+$0xFFFFFFD0];
	v22 =	vmov s28;
	s24 =	simm.s32 $0xC;
	[tilespmem:v24+s0+$0x0] =	vst.idx.msk $0xffff, v25  }
.LBB2_3:
0x44: {  	v22 =	vand.u32 $0x7F, v22;
	[tilespmem:v17+s0+$0x0] =	vst.idx.msk $0xffff, v20  }
0x45: {  	p0 =	slt.u32 s24, $0x7C;
	s28 =	sadd.s32 $0x1, s22;
	v17 =	vadd.f32 v19, v3;
	v20 =	vld [tilespmem:s14+$0x30];
	v23 =	vadd.s32 v1, v6;
	v24 =	vmovc v9;
	v6 =	vmovc v4;
	v4 =	vmov v8  }
0x46: {  	v25 =	vld [tilespmem:s20+$0xFFFFFFC0];
	v8 =	vmov s28;
	s28 =	sadd.s32 $0x2, s22;
	v26 =	vadd.s32 v0, v22;
	[tilespmem:v10+s0+$0x0] =	vst.idx.msk $0xffff, v21;
	v9 =	vadd.f32 v13, v2;
	s22 =	smov.u32 s24  }
0x47: {  	v27 =	vadd.s32 v1, v5;
	v5 =	vmovc v22;
	v21 =	vld [tilespmem:s20+$0xFFFFFFE0];
	v13 =	vmov s28;
	[tilespmem:v12+s0+$0x0] =	vst.idx.msk $0xffff, v17;
	v11 =	vadd.f32 v11, v2  }
.Ltmp0:
0x48: {  	v17 =	vadd.s32 v0, v4;
	v28 =	vand.u32 $0x7D, v8;
	v19 =	vld [tilespmem:s20+$0x0];
	v8 =	vadd.f32 v14, v2;
	[tilespmem:v15+s0+$0x0] =	vst.idx.msk $0xffff, v9;
	(pc) =	sbr.rel @p0 .LBB2_3-.Ltmp0, $4  }
0x49: {  	v10 =	vadd.s32 v0, v28;
	v9 =	vand.u32 $0x7E, v13;
	v14 =	vadd.f32 v16, v3;
	v13 =	vld [tilespmem:s14+$0xFFFFFFF0];
	[tilespmem:v18+s0+$0x0] =	vst.idx.msk $0xffff, v11  }
0x4a: {  	v15 =	vmov s24;
	v12 =	vadd.s32 v0, v9;
	v11 =	vld [tilespmem:s14+$0x10];
	v29 =	vadd.f32 v20, v2;
	[tilespmem:v23+s0+$0x0] =	vst.idx.msk $0xffff, v8  }
0x4b: {  	s28 =	sadd.s32 $0x3, s24;
	v8 =	vand.u32 $0x7C, v15;
	v15 =	vadd.s32 v1, v7;
	v20 =	vadd.f32 v25, v3;
	[tilespmem:v26+s0+$0x0] =	vst.idx.msk $0xffff, v14;
	v14 =	vld [tilespmem:s14+$0xFFFFFFD0];
	s14 =	smov.u32 s20;
	s20 =	sadd.s32 $0x80, s20  }
0x4c: {  	v22 =	vmov s28;
	s24 =	sadd.s32 $0x4, s24;
	v18 =	vadd.s32 v1, v24;
	v7 =	vmovc v28;
	v16 =	vld [tilespmem:s20+$0x20];
	v21 =	vadd.f32 v21, v3;
	[tilespmem:v27+s0+$0x0] =	vst.idx.msk $0xffff, v29  }
0x4d: {  	_ =	sdelay $0x2  }
0x4e: {  	s24 =	sadd.s32 $0x1, s22;
	v22 =	vand.u32 $0x7F, v22;
	v19 =	vadd.f32 v19, v3  }
0x4f: {  	[tilespmem:v17+s0+$0x0] =	vst.idx.msk $0xffff, v20;
	v6 =	vadd.s32 v1, v6;
	s15 =	sadd.s32 $0x2, s22;
	v23 =	vld [tilespmem:s20+$0xFFFFFFE0];
	v17 =	vmov s24;
	v20 =	vadd.s32 v0, v22  }
0x50: {  	v60 =	vld [tilespmem:s20+$0x0];
	[tilespmem:v10+s0+$0x0] =	vst.idx.msk $0xffff, v21;
	v10 =	vadd.f32 v13, v2;
	v13 =	vmov s15;
	v17 =	vand.u32 $0x7D, v17  }
0x51: {  	v24 =	vld [tilespmem:s20+$0xFFFFFFC0];
	[tilespmem:v12+s0+$0x0] =	vst.idx.msk $0xffff, v19;
	v11 =	vadd.f32 v11, v2;
	v13 =	vand.u32 $0x7E, v13;
	v12 =	vadd.s32 v0, v17  }
0x52: {  	v19 =	vld [tilespmem:s14+$0x30];
	v14 =	vadd.f32 v14, v2;
	[tilespmem:v15+s0+$0x0] =	vst.idx.msk $0xffff, v10;
	v10 =	vadd.s32 v0, v13  }
0x53: {  	v15 =	vadd.s32 v0, v8;
	v16 =	vadd.f32 v16, v3;
	[tilespmem:v18+s0+$0x0] =	vst.idx.msk $0xffff, v11;
	v11 =	vld [tilespmem:s14+$0xFFFFFFF0]  }
0x54: {  	v5 =	vadd.s32 v1, v5;
	v18 =	vld [tilespmem:s14+$0x10];
	[tilespmem:v6+s0+$0x0] =	vst.idx.msk $0xffff, v14;
	v6 =	vadd.f32 v23, v3  }
0x55: {  	v7 =	vadd.s32 v1, v7;
	v14 =	vld [tilespmem:s14+$0xFFFFFFD0];
	[tilespmem:v20+s0+$0x0] =	vst.idx.msk $0xffff, v16;
	v16 =	vadd.f32 v60, v3  }
0x56: {  	v9 =	vadd.s32 v1, v9;
	v3 =	vadd.f32 v24, v3;
	v20 =	vld [tilespmem:s20+$0x30];
	[tilespmem:v12+s0+$0x0] =	vst.idx.msk $0xffff, v6  }
0x57: {  	v4 =	vadd.s32 v1, v4;
	v6 =	vadd.f32 v19, v2;
	[tilespmem:v10+s0+$0x0] =	vst.idx.msk $0xffff, v16;
	v10 =	vld [tilespmem:s20+$0xFFFFFFF0]  }
0x58: {  	[tilespmem:v15+s0+$0x0] =	vst.idx.msk $0xffff, v3;
	v3 =	vadd.f32 v11, v2;
	v11 =	vadd.s32 v1, v22;
	v12 =	vld [tilespmem:s20+$0x10]  }
0x59: {  	v15 =	vadd.s32 v1, v17;
	[tilespmem:v5+s0+$0x0] =	vst.idx.msk $0xffff, v6;
	v5 =	vadd.f32 v18, v2;
	v6 =	vld [tilespmem:s20+$0xFFFFFFD0]  }
0x5a: {  	v14 =	vadd.f32 v14, v2;
	[tilespmem:v7+s0+$0x0] =	vst.idx.msk $0xffff, v3;
	v3 =	vadd.s32 v1, v13  }
0x5b: {  	s20 =	sshll.u32 s25, $0x2;
	v7 =	vadd.s32 v1, v8;
	[tilespmem:v9+s0+$0x0] =	vst.idx.msk $0xffff, v5;
	v5 =	vadd.f32 v20, v2  }
0x5c: {  	s22 =	sadd.s32 s5, s20;
	[tilespmem:v4+s0+$0x0] =	vst.idx.msk $0xffff, v14;
	v4 =	vadd.f32 v10, v2  }
0x5d: {  	s14 =	sshll.u32 s22, $0x10;
	[tilespmem:v11+s0+$0x0] =	vst.idx.msk $0xffff, v5;
	v5 =	vadd.f32 v12, v2  }
0x5e: {  	s14 =	sor.u32 s6, s14;
	v2 =	vadd.f32 v6, v2;
	[tilespmem:v15+s0+$0x0] =	vst.idx.msk $0xffff, v4  }
0x5f: {  	s14 =	sshrl.u32 s14, $0x3;
	[tilespmem:v3+s0+$0x0] =	vst.idx.msk $0xffff, v5  }
0x60: {  	s22 =	simm.s32 $0x0;
	s24 =	sadd.s32 s2, s14;
	[tilespmem:v7+s0+$0x0] =	vst.idx.msk $0xffff, v2  }
0x61: {  	[hbm4b:s24+s22] =	stream.linear.scatter [tilespmem:s0], [sflag:$0x3], $0x80, $0x38;
	[tilespmem:$0xAB80] =	vst v63  }
0x62: {  	s15 =	simm.s32 $0x6698;
	s28 =	sadd.s32 $0x10, s24  }
0x63: {  	[hbm4b:s28+s22] =	stream.linear.scatter [tilespmem:s15], [sflag:$0x3], $0x80, $0x38;
	[tilespmem:$0xAB80] =	vst v63  }
0x64: {  	s28 =	sadd.s32 $0x20, s24;
	s15 =	simm.s32 $0x67B0  }
0x65: {  	[hbm4b:s28+s22] =	stream.linear.scatter [tilespmem:s15], [sflag:$0x3], $0x80, $0x38;
	[tilespmem:$0xAB80] =	vst v63  }
0x66: {  	s28 =	sadd.s32 $0x30, s24;
	s15 =	simm.s32 $0x68C8  }
0x67: {  	[hbm4b:s28+s22] =	stream.linear.scatter [tilespmem:s15], [sflag:$0x3], $0x80, $0x38;
	[tilespmem:$0xAB80] =	vst v63  }
0x68: {  	s28 =	sadd.s32 $0x40, s24;
	s15 =	simm.s32 $0x69E0  }
0x69: {  	[hbm4b:s28+s22] =	stream.linear.scatter [tilespmem:s15], [sflag:$0x3], $0x80, $0x38;
	[tilespmem:$0xAB80] =	vst v63  }
0x6a: {  	s28 =	sadd.s32 $0x50, s24;
	s15 =	simm.s32 $0x6AF8  }
0x6b: {  	[hbm4b:s28+s22] =	stream.linear.scatter [tilespmem:s15], [sflag:$0x3], $0x80, $0x38;
	[tilespmem:$0xAB80] =	vst v63  }
0x6c: {  	s28 =	sadd.s32 $0x60, s24;
	s15 =	simm.s32 $0x6C10  }
0x6d: {  	[hbm4b:s28+s22] =	stream.linear.scatter [tilespmem:s15], [sflag:$0x3], $0x80, $0x38;
	[tilespmem:$0xAB80] =	vst v63  }
0x6e: {  	s24 =	sadd.s32 $0x70, s24;
	s15 =	simm.s32 $0x6D28  }
0x6f: {  	[hbm4b:s24+s22] =	stream.linear.scatter [tilespmem:s15], [sflag:$0x3], $0x80, $0x38;
	[tilespmem:$0xAB80] =	vst v63  }
0x70: {  	s24 =	sadd.s32 s14, s9;
	s15 =	simm.s32 $0x6E40  }
0x71: {  	[hbm4b:s24+s22] =	stream.linear.scatter [tilespmem:s15], [sflag:$0x3], $0x80, $0x38;
	[tilespmem:$0xAB80] =	vst v63  }
0x72: {  	s28 =	sadd.s32 $0x10, s24;
	s15 =	simm.s32 $0x6F58  }
0x73: {  	[hbm4b:s28+s22] =	stream.linear.scatter [tilespmem:s15], [sflag:$0x3], $0x80, $0x38;
	[tilespmem:$0xAB80] =	vst v63  }
0x74: {  	s28 =	sadd.s32 $0x20, s24;
	s15 =	simm.s32 $0x7070  }
0x75: {  	[hbm4b:s28+s22] =	stream.linear.scatter [tilespmem:s15], [sflag:$0x3], $0x80, $0x38;
	[tilespmem:$0xAB80] =	vst v63  }
0x76: {  	s28 =	sadd.s32 $0x30, s24;
	s15 =	simm.s32 $0x7188  }
0x77: {  	[hbm4b:s28+s22] =	stream.linear.scatter [tilespmem:s15], [sflag:$0x3], $0x80, $0x38;
	[tilespmem:$0xAB80] =	vst v63  }
0x78: {  	s28 =	sadd.s32 $0x40, s24;
	s15 =	simm.s32 $0x72A0  }
0x79: {  	[hbm4b:s28+s22] =	stream.linear.scatter [tilespmem:s15], [sflag:$0x3], $0x80, $0x38;
	[tilespmem:$0xAB80] =	vst v63  }
0x7a: {  	s28 =	sadd.s32 $0x50, s24;
	s15 =	simm.s32 $0x73B8  }
0x7b: {  	[hbm4b:s28+s22] =	stream.linear.scatter [tilespmem:s15], [sflag:$0x3], $0x80, $0x38;
	[tilespmem:$0xAB80] =	vst v63  }
0x7c: {  	s28 =	sadd.s32 $0x60, s24;
	s15 =	simm.s32 $0x74D0  }
0x7d: {  	[hbm4b:s28+s22] =	stream.linear.scatter [tilespmem:s15], [sflag:$0x3], $0x80, $0x38;
	[tilespmem:$0xAB80] =	vst v63  }
0x7e: {  	s24 =	sadd.s32 $0x70, s24;
	s15 =	simm.s32 $0x75E8  }
0x7f: {  	[hbm4b:s24+s22] =	stream.linear.scatter [tilespmem:s15], [sflag:$0x3], $0x80, $0x38;
	[tilespmem:$0xAB80] =	vst v63  }
0x80: {  	s24 =	sadd.s32 s14, s10;
	s15 =	simm.s32 $0x7700  }
0x81: {  	[hbm4b:s24+s22] =	stream.linear.scatter [tilespmem:s15], [sflag:$0x3], $0x80, $0x38;
	[tilespmem:$0xAB80] =	vst v63  }
0x82: {  	s28 =	sadd.s32 $0x10, s24;
	s15 =	simm.s32 $0x7818  }
0x83: {  	[hbm4b:s28+s22] =	stream.linear.scatter [tilespmem:s15], [sflag:$0x3], $0x80, $0x38;
	[tilespmem:$0xAB80] =	vst v63  }
0x84: {  	s28 =	sadd.s32 $0x20, s24;
	s15 =	simm.s32 $0x7930  }
0x85: {  	[hbm4b:s28+s22] =	stream.linear.scatter [tilespmem:s15], [sflag:$0x3], $0x80, $0x38;
	[tilespmem:$0xAB80] =	vst v63  }
0x86: {  	s28 =	sadd.s32 $0x30, s24;
	s15 =	simm.s32 $0x7A48  }
0x87: {  	[hbm4b:s28+s22] =	stream.linear.scatter [tilespmem:s15], [sflag:$0x3], $0x80, $0x38;
	[tilespmem:$0xAB80] =	vst v63  }
0x88: {  	s28 =	sadd.s32 $0x40, s24;
	s15 =	simm.s32 $0x7B60  }
0x89: {  	[hbm4b:s28+s22] =	stream.linear.scatter [tilespmem:s15], [sflag:$0x3], $0x80, $0x38;
	[tilespmem:$0xAB80] =	vst v63  }
0x8a: {  	s28 =	sadd.s32 $0x50, s24;
	s15 =	simm.s32 $0x7C78  }
0x8b: {  	[hbm4b:s28+s22] =	stream.linear.scatter [tilespmem:s15], [sflag:$0x3], $0x80, $0x38;
	[tilespmem:$0xAB80] =	vst v63  }
0x8c: {  	s28 =	sadd.s32 $0x60, s24;
	s15 =	simm.s32 $0x7D90  }
0x8d: {  	[hbm4b:s28+s22] =	stream.linear.scatter [tilespmem:s15], [sflag:$0x3], $0x80, $0x38;
	[tilespmem:$0xAB80] =	vst v63  }
0x8e: {  	s24 =	sadd.s32 $0x70, s24;
	s15 =	simm.s32 $0x7EA8  }
0x8f: {  	[hbm4b:s24+s22] =	stream.linear.scatter [tilespmem:s15], [sflag:$0x3], $0x80, $0x38;
	[tilespmem:$0xAB80] =	vst v63  }
0x90: {  	s14 =	sadd.s32 s14, s11;
	s24 =	simm.s32 $0x7FC0  }
0x91: {  	[hbm4b:s14+s22] =	stream.linear.scatter [tilespmem:s24], [sflag:$0x3], $0x80, $0x38;
	[tilespmem:$0xAB80] =	vst v63  }
0x92: {  	s15 =	simm.s32 $0x80D8;
	s24 =	sadd.s32 $0x10, s14  }
0x93: {  	[hbm4b:s24+s22] =	stream.linear.scatter [tilespmem:s15], [sflag:$0x3], $0x80, $0x38;
	[tilespmem:$0xAB80] =	vst v63  }
0x94: {  	s24 =	sadd.s32 $0x20, s14;
	s15 =	simm.s32 $0x81F0  }
0x95: {  	[hbm4b:s24+s22] =	stream.linear.scatter [tilespmem:s15], [sflag:$0x3], $0x80, $0x38;
	[tilespmem:$0xAB80] =	vst v63  }
0x96: {  	s24 =	sadd.s32 $0x30, s14;
	s15 =	simm.s32 $0x8308  }
0x97: {  	[hbm4b:s24+s22] =	stream.linear.scatter [tilespmem:s15], [sflag:$0x3], $0x80, $0x38;
	[tilespmem:$0xAB80] =	vst v63  }
0x98: {  	s24 =	sadd.s32 $0x40, s14;
	s15 =	simm.s32 $0x8420  }
0x99: {  	[hbm4b:s24+s22] =	stream.linear.scatter [tilespmem:s15], [sflag:$0x3], $0x80, $0x38;
	[tilespmem:$0xAB80] =	vst v63  }
0x9a: {  	s24 =	sadd.s32 $0x50, s14;
	s15 =	simm.s32 $0x8538  }
0x9b: {  	[hbm4b:s24+s22] =	stream.linear.scatter [tilespmem:s15], [sflag:$0x3], $0x80, $0x38;
	[tilespmem:$0xAB80] =	vst v63  }
0x9c: {  	s24 =	sadd.s32 $0x60, s14;
	s15 =	simm.s32 $0x8650  }
0x9d: {  	[hbm4b:s24+s22] =	stream.linear.scatter [tilespmem:s15], [sflag:$0x3], $0x80, $0x38;
	[tilespmem:$0xAB80] =	vst v63  }
0x9e: {  	s14 =	sadd.s32 $0x70, s14;
	s24 =	simm.s32 $0x8768;
	s15 =	simm.s32 $0x3  }
0x9f: {  	[hbm4b:s14+s22] =	stream.linear.scatter [tilespmem:s24], [sflag:$0x3], $0x80, $0x38;
	[tilespmem:$0xAB80] =	vst v63  }
0xa0: {  	v2 =	vmov s15;
	s14 =	sor.u32 $0x1, s20  }
0xa1: {  	s31 =	simm.s32 $0x35F0;
	v4 =	vmov s22;
	s15 =	simm.s32 $0x1;
	v2 =	vadd.s32 $0x88, v2;
	s28 =	sshll.u32 s14, $0x6  }
0xa2: {  	v4 =	vadd.s32 $0x88, v4;
	v5 =	vmov s15;
	v2 =	vand.u32 $0x1FF, v2;
	v6 =	vld [tilespmem:s31+$0xFFFFFFF0];
	s24 =	sand.u32 $0x3FFFFF40, s28  }
0xa3: {  	v4 =	vand.u32 $0x1FC, v4;
	v5 =	vadd.s32 $0x88, v5;
	v7 =	vbroadcast v2, $0x0;
	v3 =	vld [tilespmem:s24+$0x1900]  }
0xa4: {  	v8 =	vbroadcast v4, $0x0;
	v4 =	vld [tilespmem:s31+$0xFFFFFF90];
	v5 =	vand.u32 $0x1FD, v5  }
0xa5: {  	v10 =	vbroadcast v5, $0x0;
	v5 =	vadd.s32 v0, v7  }
0xa6: {  	v11 =	vadd.s32 v0, v8;
	s15 =	simm.s32 $0x2;
	v9 =	vld [tilespmem:s31+$0xFFFFFFB0]  }
0xa7: {  	v2 =	vmov s15  }
0xa8: {  	s15 =	simm.s32 $0x4;
	v2 =	vadd.s32 $0x88, v2;
	v14 =	vadd.s32 v0, v10;
	v6 =	vadd.f32 v6, v3  }
0xa9: {  	v12 =	vld [tilespmem:s31+$0xFFFFFFD0];
	v15 =	vmov s15;
	s15 =	simm.s32 $0x5;
	v2 =	vand.u32 $0x1FE, v2;
	v4 =	vadd.f32 v4, v3  }
0xaa: {  	v15 =	vadd.s32 $0x88, v15;
	v17 =	vmov s15;
	s15 =	simm.s32 $0x7;
	v13 =	vbroadcast v2, $0x0;
	v2 =	vld [tilespmem:s24+$0x1910];
	[tilespmem:v5+s0+$0x0] =	vst.idx.msk $0xffff, v6  }
0xab: {  	v9 =	vadd.f32 v9, v3;
	v6 =	vand.u32 $0x1FC, v15;
	v15 =	vmov s15;
	[tilespmem:v11+s0+$0x0] =	vst.idx.msk $0xffff, v4;
	v11 =	vld [tilespmem:s31+$0x0]  }
0xac: {  	v20 =	vadd.s32 v1, v8;
	v18 =	vadd.s32 v1, v7;
	s24 =	simm.s32 $0x6;
	v4 =	vadd.s32 $0x88, v15;
	v15 =	vld [tilespmem:s31+$0xFFFFFFA0]  }
0xad: {  	v17 =	vadd.s32 $0x88, v17;
	v16 =	vadd.s32 v0, v13;
	v5 =	vmov s24;
	[tilespmem:v14+s0+$0x0] =	vst.idx.msk $0xffff, v9  }
0xae: {  	s22 =	simm.s32 $0x3670;
	v12 =	vadd.f32 v12, v3;
	v9 =	vadd.s32 $0x88, v5;
	v14 =	vld [tilespmem:s31+$0xFFFFFFC0];
	v5 =	vand.u32 $0x1FF, v4  }
0xaf: {  	v19 =	vld [tilespmem:s22+$0xFFFFFFF0];
	v4 =	vbroadcast v6, $0x0;
	v6 =	vand.u32 $0x1FD, v17;
	v5 =	vbroadcast v5, $0x0  }
0xb0: {  	v61 =	vld [tilespmem:s22+$0xFFFFFF90];
	v7 =	vand.u32 $0x1FE, v9;
	v17 =	vadd.s32 v1, v10;
	v6 =	vbroadcast v6, $0x0  }
0xb1: {  	v62 =	vld [tilespmem:s22+$0xFFFFFFB0];
	v63 =	vadd.s32 v0, v5;
	v9 =	vadd.f32 v11, v2;
	v11 =	vadd.f32 v15, v2  }
0xb2: {  	[tilespmem:v16+s0+$0x0] =	vst.idx.msk $0xffff, v12;
	v12 =	vld [tilespmem:s22+$0xFFFFFFD0];
	v7 =	vbroadcast v7, $0x0;
	v10 =	vadd.s32 v0, v4;
	v8 =	vadd.s32 v0, v6  }
0xb3: {  	s15 =	simm.s32 $0x8;
	v15 =	vadd.f32 v14, v2;
	[tilespmem:v20+s0+$0x0] =	vst.idx.msk $0xffff, v11;
	v11 =	vadd.s32 v1, v13;
	v13 =	vld [tilespmem:s31+$0xFFFFFFE0]  }
0xb4: {  	v19 =	vadd.f32 v19, v3;
	v14 =	vmov s15;
	[tilespmem:v18+s0+$0x0] =	vst.idx.msk $0xffff, v9;
	v9 =	vadd.s32 v0, v7  }
0xb5: {  	s28 =	simm.s32 $0xA;
	s15 =	simm.s32 $0x9;
	v16 =	vadd.s32 $0x88, v14;
	v14 =	vadd.f32 v61, v3;
	[tilespmem:v17+s0+$0x0] =	vst.idx.msk $0xffff, v15  }
0xb6: {  	s24 =	simm.s32 $0xC;
	v18 =	vmov s15;
	v17 =	vmov s28;
	s28 =	simm.s32 $0xB;
	v15 =	vadd.f32 v62, v3;
	s31 =	simm.s32 $0x3670;
	[tilespmem:v63+s0+$0x0] =	vst.idx.msk $0xffff, v19  }
.LBB2_5:
0xb7: {  	p0 =	slt.u32 s24, $0x7C;
	v16 =	vand.u32 $0x1FC, v16;
	v19 =	vmov s28;
	[tilespmem:v10+s0+$0x0] =	vst.idx.msk $0xffff, v14;
	v10 =	vadd.f32 v12, v3;
	v12 =	vld [tilespmem:s22+$0x0]  }
0xb8: {  	v14 =	vadd.s32 $0x88, v18;
	v18 =	vadd.s32 $0x88, v19;
	v19 =	vld [tilespmem:s22+$0xFFFFFFA0];
	[tilespmem:v8+s0+$0x0] =	vst.idx.msk $0xffff, v15;
	v8 =	vadd.f32 v13, v2  }
0xb9: {  	v13 =	vadd.s32 $0x88, v17;
	s22 =	sadd.s32 $0x80, s22;
	v15 =	vand.u32 $0x1FF, v18;
	v17 =	vld [tilespmem:s31+$0xFFFFFFC0];
	[tilespmem:v9+s0+$0x0] =	vst.idx.msk $0xffff, v10;
	v9 =	vadd.s32 v1, v5  }
0xba: {  	v18 =	vld [tilespmem:s22+$0xFFFFFFF0];
	v5 =	vbroadcast v15, $0x0;
	v15 =	vadd.s32 v1, v4;
	v4 =	vbroadcast v16, $0x0;
	[tilespmem:v11+s0+$0x0] =	vst.idx.msk $0xffff, v8  }
0xbb: {  	v20 =	vadd.s32 v1, v6;
	v13 =	vand.u32 $0x1FE, v13;
	v8 =	vand.u32 $0x1FD, v14;
	v11 =	vld [tilespmem:s22+$0xFFFFFF90]  }
0xbc: {  	v6 =	vbroadcast v8, $0x0;
	v21 =	vld [tilespmem:s22+$0xFFFFFFB0];
	v22 =	vadd.s32 v0, v5;
	v14 =	vadd.f32 v12, v2  }
.Ltmp1:
0xbd: {  	v23 =	vbroadcast v13, $0x0;
	v10 =	vadd.s32 v0, v4;
	v12 =	vld [tilespmem:s22+$0xFFFFFFD0];
	v16 =	vadd.f32 v19, v2;
	(pc) =	sbr.rel @p0 .LBB2_5-.Ltmp1, $4  }
0xbe: {  	v8 =	vadd.s32 v0, v6;
	v17 =	vadd.f32 v17, v2;
	v13 =	vld [tilespmem:s31+$0xFFFFFFE0];
	[tilespmem:v9+s0+$0x0] =	vst.idx.msk $0xffff, v14;
	s31 =	smov.u32 s22  }
0xbf: {  	v14 =	vmov s24;
	v9 =	vadd.s32 v0, v23;
	v19 =	vadd.f32 v18, v3;
	[tilespmem:v15+s0+$0x0] =	vst.idx.msk $0xffff, v16  }
0xc0: {  	s28 =	sadd.s32 $0x1, s24;
	s15 =	sadd.s32 $0x2, s24;
	v16 =	vadd.s32 $0x88, v14;
	v14 =	vadd.f32 v11, v3;
	[tilespmem:v20+s0+$0x0] =	vst.idx.msk $0xffff, v17;
	v11 =	vadd.s32 v1, v7  }
0xc1: {  	v18 =	vmov s28;
	s28 =	sadd.s32 $0x3, s24;
	s24 =	sadd.s32 $0x4, s24;
	v17 =	vmov s15;
	v7 =	vmovc v23;
	v15 =	vadd.f32 v21, v3;
	[tilespmem:v22+s0+$0x0] =	vst.idx.msk $0xffff, v19  }
0xc2: {  	_ =	sdelay $0x1  }
0xc3: {  	v19 =	vmov s28;
	s15 =	sadd.s32 $0x80, s22;
	v16 =	vand.u32 $0x1FC, v16  }
0xc4: {  	v18 =	vadd.s32 $0x88, v18;
	v19 =	vadd.s32 $0x88, v19;
	v16 =	vbroadcast v16, $0x0;
	v21 =	vld [tilespmem:s15+$0xFFFFFF90]  }
0xc5: {  	v17 =	vadd.s32 $0x88, v17;
	[tilespmem:v10+s0+$0x0] =	vst.idx.msk $0xffff, v14;
	v10 =	vadd.f32 v12, v3;
	v20 =	vld [tilespmem:s15+$0xFFFFFFF0];
	v19 =	vand.u32 $0x1FF, v19  }
0xc6: {  	v18 =	vand.u32 $0x1FD, v18;
	v22 =	vld [tilespmem:s15+$0xFFFFFFB0];
	v19 =	vbroadcast v19, $0x0;
	v12 =	vadd.s32 v0, v16  }
0xc7: {  	v17 =	vand.u32 $0x1FE, v17;
	v14 =	vld [tilespmem:s15+$0xFFFFFFD0];
	[tilespmem:v8+s0+$0x0] =	vst.idx.msk $0xffff, v15;
	v8 =	vadd.f32 v13, v2;
	v18 =	vbroadcast v18, $0x0  }
0xc8: {  	v24 =	vld [tilespmem:s22+$0x0];
	v17 =	vbroadcast v17, $0x0;
	v23 =	vadd.s32 v0, v19  }
0xc9: {  	v15 =	vld [tilespmem:s22+$0xFFFFFFA0];
	[tilespmem:v11+s0+$0x0] =	vst.idx.msk $0xffff, v8;
	v13 =	vadd.s32 v0, v18;
	v11 =	vadd.f32 v21, v3  }
0xca: {  	[tilespmem:v9+s0+$0x0] =	vst.idx.msk $0xffff, v10;
	v8 =	vld [tilespmem:s31+$0xFFFFFFC0];
	v9 =	vadd.s32 v0, v17  }
0xcb: {  	v5 =	vadd.s32 v1, v5;
	v10 =	vadd.f32 v20, v3;
	[tilespmem:v12+s0+$0x0] =	vst.idx.msk $0xffff, v11  }
0xcc: {  	v6 =	vadd.s32 v1, v6;
	v20 =	vadd.f32 v22, v3;
	v3 =	vadd.f32 v14, v3;
	v14 =	vld [tilespmem:s15+$0xFFFFFFA0]  }
0xcd: {  	v4 =	vadd.s32 v1, v4;
	[tilespmem:v23+s0+$0x0] =	vst.idx.msk $0xffff, v10;
	v10 =	vld [tilespmem:s31+$0xFFFFFFE0]  }
0xce: {  	v7 =	vadd.s32 v1, v7;
	v12 =	vadd.f32 v24, v2;
	[tilespmem:v13+s0+$0x0] =	vst.idx.msk $0xffff, v20;
	v11 =	vld [tilespmem:s15+$0x0]  }
0xcf: {  	v8 =	vadd.f32 v8, v2;
	v13 =	vadd.f32 v15, v2;
	[tilespmem:v9+s0+$0x0] =	vst.idx.msk $0xffff, v3;
	v15 =	vld [tilespmem:s15+$0xFFFFFFC0]  }
0xd0: {  	v3 =	vadd.s32 v1, v19;
	[tilespmem:v5+s0+$0x0] =	vst.idx.msk $0xffff, v12;
	v9 =	vld [tilespmem:s15+$0xFFFFFFE0]  }
0xd1: {  	v5 =	vadd.s32 v1, v16;
	[tilespmem:v6+s0+$0x0] =	vst.idx.msk $0xffff, v8  }
0xd2: {  	v8 =	vadd.s32 v1, v17;
	[tilespmem:v4+s0+$0x0] =	vst.idx.msk $0xffff, v13;
	v4 =	vadd.f32 v10, v2  }
0xd3: {  	v10 =	vadd.s32 v1, v18;
	v6 =	vadd.f32 v11, v2  }
0xd4: {  	s14 =	sadd.s32 s5, s14;
	[tilespmem:v7+s0+$0x0] =	vst.idx.msk $0xffff, v4;
	v4 =	vadd.f32 v14, v2  }
0xd5: {  	s14 =	sshll.u32 s14, $0x10;
	v7 =	vadd.f32 v15, v2;
	v2 =	vadd.f32 v9, v2;
	[tilespmem:v3+s0+$0x0] =	vst.idx.msk $0xffff, v6  }
0xd6: {  	s14 =	sor.u32 s6, s14;
	[tilespmem:v5+s0+$0x0] =	vst.idx.msk $0xffff, v4  }
0xd7: {  	s14 =	sshrl.u32 s14, $0x3;
	[tilespmem:v8+s0+$0x0] =	vst.idx.msk $0xffff, v2  }
0xd8: {  	s24 =	simm.s32 $0x6608;
	s15 =	sadd.s32 s2, s14;
	[tilespmem:v10+s0+$0x0] =	vst.idx.msk $0xffff, v7  }
0xd9: {  	[hbm4b:s15+s3] =	stream.linear.scatter [tilespmem:s24], [sflag:$0x3], $0x80, $0x38;
	[tilespmem:$0xAB80] =	vst v63  }
0xda: {  	s28 =	sadd.s32 $0x10, s15;
	s24 =	simm.s32 $0x6720  }
0xdb: {  	[hbm4b:s28+s3] =	stream.linear.scatter [tilespmem:s24], [sflag:$0x3], $0x80, $0x38;
	[tilespmem:$0xAB80] =	vst v63  }
0xdc: {  	s24 =	sadd.s32 $0x20, s15;
	s28 =	simm.s32 $0x6838  }
0xdd: {  	[hbm4b:s24+s3] =	stream.linear.scatter [tilespmem:s28], [sflag:$0x3], $0x80, $0x38;
	[tilespmem:$0xAB80] =	vst v63  }
0xde: {  	s24 =	sadd.s32 $0x30, s15;
	s28 =	simm.s32 $0x6950  }
0xdf: {  	[hbm4b:s24+s3] =	stream.linear.scatter [tilespmem:s28], [sflag:$0x3], $0x80, $0x38;
	[tilespmem:$0xAB80] =	vst v63  }
0xe0: {  	s24 =	sadd.s32 $0x40, s15;
	s28 =	simm.s32 $0x6A68  }
0xe1: {  	[hbm4b:s24+s3] =	stream.linear.scatter [tilespmem:s28], [sflag:$0x3], $0x80, $0x38;
	[tilespmem:$0xAB80] =	vst v63  }
0xe2: {  	s24 =	sadd.s32 $0x50, s15;
	s28 =	simm.s32 $0x6B80  }
0xe3: {  	[hbm4b:s24+s3] =	stream.linear.scatter [tilespmem:s28], [sflag:$0x3], $0x80, $0x38;
	[tilespmem:$0xAB80] =	vst v63  }
0xe4: {  	s24 =	sadd.s32 $0x60, s15;
	s28 =	simm.s32 $0x6C98  }
0xe5: {  	[hbm4b:s24+s3] =	stream.linear.scatter [tilespmem:s28], [sflag:$0x3], $0x80, $0x38;
	[tilespmem:$0xAB80] =	vst v63  }
0xe6: {  	s15 =	sadd.s32 $0x70, s15;
	s24 =	simm.s32 $0x6DB0  }
0xe7: {  	[hbm4b:s15+s3] =	stream.linear.scatter [tilespmem:s24], [sflag:$0x3], $0x80, $0x38;
	[tilespmem:$0xAB80] =	vst v63  }
0xe8: {  	s28 =	simm.s32 $0x6EC8;
	s15 =	sadd.s32 s14, s9  }
0xe9: {  	[hbm4b:s15+s3] =	stream.linear.scatter [tilespmem:s28], [sflag:$0x3], $0x80, $0x38;
	[tilespmem:$0xAB80] =	vst v63  }
0xea: {  	s24 =	sadd.s32 $0x10, s15;
	s28 =	simm.s32 $0x6FE0  }
0xeb: {  	[hbm4b:s24+s3] =	stream.linear.scatter [tilespmem:s28], [sflag:$0x3], $0x80, $0x38;
	[tilespmem:$0xAB80] =	vst v63  }
0xec: {  	s24 =	sadd.s32 $0x20, s15;
	s28 =	simm.s32 $0x70F8  }
0xed: {  	[hbm4b:s24+s3] =	stream.linear.scatter [tilespmem:s28], [sflag:$0x3], $0x80, $0x38;
	[tilespmem:$0xAB80] =	vst v63  }
0xee: {  	s24 =	sadd.s32 $0x30, s15;
	s28 =	simm.s32 $0x7210  }
0xef: {  	[hbm4b:s24+s3] =	stream.linear.scatter [tilespmem:s28], [sflag:$0x3], $0x80, $0x38;
	[tilespmem:$0xAB80] =	vst v63  }
0xf0: {  	s24 =	sadd.s32 $0x40, s15;
	s28 =	simm.s32 $0x7328  }
0xf1: {  	[hbm4b:s24+s3] =	stream.linear.scatter [tilespmem:s28], [sflag:$0x3], $0x80, $0x38;
	[tilespmem:$0xAB80] =	vst v63  }
0xf2: {  	s24 =	sadd.s32 $0x50, s15;
	s28 =	simm.s32 $0x7440  }
0xf3: {  	[hbm4b:s24+s3] =	stream.linear.scatter [tilespmem:s28], [sflag:$0x3], $0x80, $0x38;
	[tilespmem:$0xAB80] =	vst v63  }
0xf4: {  	s24 =	sadd.s32 $0x60, s15;
	s28 =	simm.s32 $0x7558  }
0xf5: {  	[hbm4b:s24+s3] =	stream.linear.scatter [tilespmem:s28], [sflag:$0x3], $0x80, $0x38;
	[tilespmem:$0xAB80] =	vst v63  }
0xf6: {  	s15 =	sadd.s32 $0x70, s15;
	s24 =	simm.s32 $0x7670  }
0xf7: {  	[hbm4b:s15+s3] =	stream.linear.scatter [tilespmem:s24], [sflag:$0x3], $0x80, $0x38;
	[tilespmem:$0xAB80] =	vst v63  }
0xf8: {  	s28 =	simm.s32 $0x7788;
	s15 =	sadd.s32 s14, s10  }
0xf9: {  	[hbm4b:s15+s3] =	stream.linear.scatter [tilespmem:s28], [sflag:$0x3], $0x80, $0x38;
	[tilespmem:$0xAB80] =	vst v63  }
0xfa: {  	s24 =	sadd.s32 $0x10, s15;
	s28 =	simm.s32 $0x78A0  }
0xfb: {  	[hbm4b:s24+s3] =	stream.linear.scatter [tilespmem:s28], [sflag:$0x3], $0x80, $0x38;
	[tilespmem:$0xAB80] =	vst v63  }
0xfc: {  	s24 =	sadd.s32 $0x20, s15;
	s28 =	simm.s32 $0x79B8  }
0xfd: {  	[hbm4b:s24+s3] =	stream.linear.scatter [tilespmem:s28], [sflag:$0x3], $0x80, $0x38;
	[tilespmem:$0xAB80] =	vst v63  }
0xfe: {  	s24 =	sadd.s32 $0x30, s15;
	s28 =	simm.s32 $0x7AD0  }
0xff: {  	[hbm4b:s24+s3] =	stream.linear.scatter [tilespmem:s28], [sflag:$0x3], $0x80, $0x38;
	[tilespmem:$0xAB80] =	vst v63  }
0x100: {  	s24 =	sadd.s32 $0x40, s15;
	s28 =	simm.s32 $0x7BE8  }
0x101: {  	[hbm4b:s24+s3] =	stream.linear.scatter [tilespmem:s28], [sflag:$0x3], $0x80, $0x38;
	[tilespmem:$0xAB80] =	vst v63  }
0x102: {  	s24 =	sadd.s32 $0x50, s15;
	s28 =	simm.s32 $0x7D00  }
0x103: {  	[hbm4b:s24+s3] =	stream.linear.scatter [tilespmem:s28], [sflag:$0x3], $0x80, $0x38;
	[tilespmem:$0xAB80] =	vst v63  }
0x104: {  	s24 =	sadd.s32 $0x60, s15;
	s28 =	simm.s32 $0x7E18  }
0x105: {  	[hbm4b:s24+s3] =	stream.linear.scatter [tilespmem:s28], [sflag:$0x3], $0x80, $0x38;
	[tilespmem:$0xAB80] =	vst v63  }
0x106: {  	s15 =	sadd.s32 $0x70, s15;
	s28 =	simm.s32 $0x7F30  }
0x107: {  	[hbm4b:s15+s3] =	stream.linear.scatter [tilespmem:s28], [sflag:$0x3], $0x80, $0x38;
	[tilespmem:$0xAB80] =	vst v63  }
0x108: {  	s22 =	simm.s32 $0x8048;
	s14 =	sadd.s32 s14, s11  }
0x109: {  	[hbm4b:s14+s3] =	stream.linear.scatter [tilespmem:s22], [sflag:$0x3], $0x80, $0x38;
	[tilespmem:$0xAB80] =	vst v63  }
0x10a: {  	s24 =	sadd.s32 $0x10, s14;
	s28 =	simm.s32 $0x8160  }
0x10b: {  	[hbm4b:s24+s3] =	stream.linear.scatter [tilespmem:s28], [sflag:$0x3], $0x80, $0x38;
	[tilespmem:$0xAB80] =	vst v63  }
0x10c: {  	s24 =	sadd.s32 $0x20, s14;
	s28 =	simm.s32 $0x8278  }
0x10d: {  	[hbm4b:s24+s3] =	stream.linear.scatter [tilespmem:s28], [sflag:$0x3], $0x80, $0x38;
	[tilespmem:$0xAB80] =	vst v63  }
0x10e: {  	s24 =	sadd.s32 $0x30, s14;
	s28 =	simm.s32 $0x8390  }
0x10f: {  	[hbm4b:s24+s3] =	stream.linear.scatter [tilespmem:s28], [sflag:$0x3], $0x80, $0x38;
	[tilespmem:$0xAB80] =	vst v63  }
0x110: {  	s24 =	sadd.s32 $0x40, s14;
	s28 =	simm.s32 $0x84A8  }
0x111: {  	[hbm4b:s24+s3] =	stream.linear.scatter [tilespmem:s28], [sflag:$0x3], $0x80, $0x38;
	[tilespmem:$0xAB80] =	vst v63  }
0x112: {  	s24 =	sadd.s32 $0x50, s14;
	s28 =	simm.s32 $0x85C0  }
0x113: {  	[hbm4b:s24+s3] =	stream.linear.scatter [tilespmem:s28], [sflag:$0x3], $0x80, $0x38;
	[tilespmem:$0xAB80] =	vst v63  }
0x114: {  	s24 =	sadd.s32 $0x60, s14;
	s28 =	simm.s32 $0x86D8  }
0x115: {  	[hbm4b:s24+s3] =	stream.linear.scatter [tilespmem:s28], [sflag:$0x3], $0x80, $0x38;
	[tilespmem:$0xAB80] =	vst v63  }
0x116: {  	s14 =	sadd.s32 $0x70, s14;
	s24 =	simm.s32 $0x87F0  }
0x117: {  	[hbm4b:s14+s3] =	stream.linear.scatter [tilespmem:s24], [sflag:$0x3], $0x80, $0x38;
	[tilespmem:$0xAB80] =	vst v63  }
0x118: {  	p0 =	seq.s32 s25, $0xB;
	_ =	swait.ge [sflag:s29], $0x2000  }
0x119: {  	s15 =	simm.s32 @!p0 $0x80;
	[sflag:s29] =	ssyncset.done $0x0  }
0x11a: {  	s22 =	simm.s32 @!p0 $0x4580;
	s14 =	sadd.s32 @!p0 $0x300, s26;
	[sflag:s29] =	ssyncadd.s32 $0xFFFFE000  }
0x11b: {  	[tilespmem:s22], [sflag:$0x2] =	stream.indirect.gather @!p0 [hbm4b:s4+s15], $0x20, s14, s15, $0xb8;
	[tilespmem:$0xAB80] =	vst v63  }
0x11c: {  	p1 =	seq.s32 @!p0 s25, $0x0;
	s14 =	sadd.s32 @!p0 $0x380, s26;
	s22 =	simm.s32 @!p0 $0x5580  }
0x11d: {  	[tilespmem:s22], [sflag:$0x2] =	stream.indirect.gather @!p0 [hbm4b:s4+s15], $0x20, s14, s15, $0xb8;
	[tilespmem:$0xAB80] =	vst v63  }
0x11e: {  	p0 =	por p0, !p1  }
0x11f: {  	s14 =	sor.u32 $0x2, s20;
	_ =	swait.ge @p0 [sflag:s13], $0x2000  }
0x120: {  	s26 =	sshll.u32 s14, $0x6;
	[sflag:s13] =	ssyncset.done @p0 $0x0  }
0x121: {  	s15 =	sand.u32 $0x3FFFFFC0, s26;
	[sflag:s13] =	ssyncadd.s32 @p0 $0xFFFFE000  }
0x122: {  	s28 =	simm.s32 $0x3;
	s24 =	simm.s32 $0x45C0;
	v3 =	vld [tilespmem:s15+$0x1900]  }
0x123: {  	v2 =	vmov s28;
	v4 =	vld [tilespmem:s24+$0x20]  }
0x124: {  	v7 =	vand.u32 $0x7F, v2  }
0x125: {  	s28 =	simm.s32 $0x1;
	v5 =	vadd.s32 v0, v7  }
0x126: {  	v2 =	vmov s28;
	s28 =	simm.s32 $0x2;
	v8 =	vld [tilespmem:s24+$0xFFFFFFC0]  }
0x127: {  	v10 =	vmov s28;
	s26 =	simm.s32 $0x0;
	v9 =	vld [tilespmem:s24+$0xFFFFFFE0]  }
0x128: {  	v15 =	vand.u32 $0x7D, v2;
	v6 =	vmov s26;
	v11 =	vld [tilespmem:s24+$0x0];
	v4 =	vadd.f32 v4, v3  }
0x129: {  	s28 =	simm.s32 $0x7;
	v63 =	vadd.s32 v1, v7;
	v12 =	vadd.s32 v0, v15;
	s26 =	simm.s32 $0x4640;
	v2 =	vld [tilespmem:s15+$0x1910];
	v6 =	vand.u32 $0x7C, v6  }
0x12a: {  	v18 =	vand.u32 $0x7E, v10;
	v14 =	vld [tilespmem:s26+$0x20];
	v16 =	vadd.s32 v0, v6;
	[tilespmem:v5+s30+$0x0] =	vst.idx.msk $0xffff, v4;
	v5 =	vmov s28  }
0x12b: {  	v15 =	vadd.s32 v1, v15;
	v13 =	vadd.s32 v0, v18;
	s22 =	simm.s32 $0x4;
	v5 =	vand.u32 $0x7F, v5;
	v20 =	vld [tilespmem:s24+$0x30]  }
0x12c: {  	v10 =	vmov s22;
	v21 =	vld [tilespmem:s26+$0xFFFFFFC0];
	v9 =	vadd.f32 v9, v3;
	v22 =	vadd.s32 v0, v5  }
0x12d: {  	s22 =	simm.s32 $0x6;
	v23 =	vld [tilespmem:s26+$0xFFFFFFE0];
	v8 =	vadd.f32 v8, v3;
	v4 =	vand.u32 $0x7C, v10;
	s28 =	simm.s32 $0x5;
	v10 =	vadd.f32 v11, v3  }
0x12e: {  	v19 =	vld [tilespmem:s26+$0x0];
	[tilespmem:v12+s30+$0x0] =	vst.idx.msk $0xffff, v9;
	v9 =	vmov s22;
	s22 =	simm.s32 $0x46C0;
	v11 =	vmov s28;
	v17 =	vadd.s32 v0, v4  }
0x12f: {  	v18 =	vadd.s32 v1, v18;
	v14 =	vadd.f32 v14, v3;
	[tilespmem:v16+s30+$0x0] =	vst.idx.msk $0xffff, v8;
	v16 =	vld [tilespmem:s22+$0x20];
	v7 =	vand.u32 $0x7D, v11  }
0x130: {  	s31 =	simm.s32 $0x8;
	v9 =	vand.u32 $0x7E, v9;
	[tilespmem:v13+s30+$0x0] =	vst.idx.msk $0xffff, v10;
	v13 =	vld [tilespmem:s24+$0xFFFFFFF0];
	v10 =	vadd.s32 v0, v7;
	v25 =	vadd.f32 v20, v2  }
0x131: {  	v8 =	vmov s31;
	s28 =	simm.s32 $0xB;
	v12 =	vadd.s32 v0, v9;
	v11 =	vld [tilespmem:s24+$0x10];
	v20 =	vadd.f32 v21, v3;
	[tilespmem:v22+s30+$0x0] =	vst.idx.msk $0xffff, v14  }
0x132: {  	v8 =	vand.u32 $0x7C, v8;
	v21 =	vadd.f32 v23, v3;
	v14 =	vld [tilespmem:s24+$0xFFFFFFD0];
	v22 =	vmov s28;
	s24 =	simm.s32 $0xC;
	[tilespmem:v63+s30+$0x0] =	vst.idx.msk $0xffff, v25  }
.LBB2_7:
0x133: {  	v22 =	vand.u32 $0x7F, v22;
	[tilespmem:v17+s30+$0x0] =	vst.idx.msk $0xffff, v20  }
0x134: {  	p0 =	slt.u32 s24, $0x7C;
	s15 =	sadd.s32 $0x1, s31;
	v17 =	vadd.f32 v19, v3;
	v20 =	vld [tilespmem:s26+$0x30];
	v23 =	vadd.s32 v1, v6;
	v24 =	vmovc v9;
	v6 =	vmovc v4;
	v4 =	vmov v8  }
0x135: {  	v25 =	vld [tilespmem:s22+$0xFFFFFFC0];
	v8 =	vmov s15;
	s15 =	sadd.s32 $0x2, s31;
	v26 =	vadd.s32 v0, v22;
	[tilespmem:v10+s30+$0x0] =	vst.idx.msk $0xffff, v21;
	v9 =	vadd.f32 v13, v2;
	s31 =	smov.u32 s24  }
0x136: {  	v27 =	vadd.s32 v1, v5;
	v5 =	vmovc v22;
	v21 =	vld [tilespmem:s22+$0xFFFFFFE0];
	v13 =	vmov s15;
	[tilespmem:v12+s30+$0x0] =	vst.idx.msk $0xffff, v17;
	v11 =	vadd.f32 v11, v2  }
.Ltmp2:
0x137: {  	v17 =	vadd.s32 v0, v4;
	v28 =	vand.u32 $0x7D, v8;
	v19 =	vld [tilespmem:s22+$0x0];
	v8 =	vadd.f32 v14, v2;
	[tilespmem:v15+s30+$0x0] =	vst.idx.msk $0xffff, v9;
	(pc) =	sbr.rel @p0 .LBB2_7-.Ltmp2, $4  }
0x138: {  	v10 =	vadd.s32 v0, v28;
	v9 =	vand.u32 $0x7E, v13;
	v14 =	vadd.f32 v16, v3;
	v13 =	vld [tilespmem:s26+$0xFFFFFFF0];
	[tilespmem:v18+s30+$0x0] =	vst.idx.msk $0xffff, v11  }
0x139: {  	v15 =	vmov s24;
	v12 =	vadd.s32 v0, v9;
	v11 =	vld [tilespmem:s26+$0x10];
	v29 =	vadd.f32 v20, v2;
	[tilespmem:v23+s30+$0x0] =	vst.idx.msk $0xffff, v8  }
0x13a: {  	s15 =	sadd.s32 $0x3, s24;
	v8 =	vand.u32 $0x7C, v15;
	v15 =	vadd.s32 v1, v7;
	v20 =	vadd.f32 v25, v3;
	[tilespmem:v26+s30+$0x0] =	vst.idx.msk $0xffff, v14;
	v14 =	vld [tilespmem:s26+$0xFFFFFFD0];
	s26 =	smov.u32 s22;
	s22 =	sadd.s32 $0x80, s22  }
0x13b: {  	v22 =	vmov s15;
	s24 =	sadd.s32 $0x4, s24;
	v18 =	vadd.s32 v1, v24;
	v7 =	vmovc v28;
	v16 =	vld [tilespmem:s22+$0x20];
	v21 =	vadd.f32 v21, v3;
	[tilespmem:v27+s30+$0x0] =	vst.idx.msk $0xffff, v29  }
0x13c: {  	_ =	sdelay $0x3  }
0x13d: {  	s15 =	sadd.s32 $0x1, s31;
	v22 =	vand.u32 $0x7F, v22;
	[tilespmem:v17+s30+$0x0] =	vst.idx.msk $0xffff, v20;
	v17 =	vadd.f32 v19, v3  }
0x13e: {  	v6 =	vadd.s32 v1, v6;
	s28 =	sadd.s32 $0x2, s31;
	v20 =	vld [tilespmem:s22+$0xFFFFFFE0];
	v23 =	vmov s15;
	v19 =	vadd.s32 v0, v22  }
0x13f: {  	v60 =	vld [tilespmem:s22+$0x0];
	[tilespmem:v10+s30+$0x0] =	vst.idx.msk $0xffff, v21;
	v10 =	vadd.f32 v13, v2;
	v13 =	vmov s28;
	v59 =	vand.u32 $0x7D, v23  }
0x140: {  	v24 =	vld [tilespmem:s22+$0xFFFFFFC0];
	[tilespmem:v12+s30+$0x0] =	vst.idx.msk $0xffff, v17;
	v11 =	vadd.f32 v11, v2;
	v13 =	vand.u32 $0x7E, v13;
	v12 =	vadd.s32 v0, v59  }
0x141: {  	v17 =	vld [tilespmem:s26+$0x30];
	v14 =	vadd.f32 v14, v2;
	[tilespmem:v15+s30+$0x0] =	vst.idx.msk $0xffff, v10;
	v10 =	vadd.s32 v0, v13  }
0x142: {  	v15 =	vadd.s32 v0, v8;
	v16 =	vadd.f32 v16, v3;
	[tilespmem:v18+s30+$0x0] =	vst.idx.msk $0xffff, v11;
	v11 =	vld [tilespmem:s26+$0xFFFFFFF0]  }
0x143: {  	v5 =	vadd.s32 v1, v5;
	v18 =	vld [tilespmem:s26+$0x10];
	[tilespmem:v6+s30+$0x0] =	vst.idx.msk $0xffff, v14;
	v6 =	vadd.f32 v20, v3  }
0x144: {  	v7 =	vadd.s32 v1, v7;
	v14 =	vld [tilespmem:s26+$0xFFFFFFD0];
	[tilespmem:v19+s30+$0x0] =	vst.idx.msk $0xffff, v16;
	v16 =	vadd.f32 v60, v3  }
0x145: {  	v9 =	vadd.s32 v1, v9;
	v3 =	vadd.f32 v24, v3;
	v19 =	vld [tilespmem:s22+$0x30];
	[tilespmem:v12+s30+$0x0] =	vst.idx.msk $0xffff, v6  }
0x146: {  	v4 =	vadd.s32 v1, v4;
	v6 =	vadd.f32 v17, v2;
	[tilespmem:v10+s30+$0x0] =	vst.idx.msk $0xffff, v16;
	v10 =	vld [tilespmem:s22+$0xFFFFFFF0]  }
0x147: {  	[tilespmem:v15+s30+$0x0] =	vst.idx.msk $0xffff, v3;
	v3 =	vadd.f32 v11, v2;
	v11 =	vadd.s32 v1, v22;
	v12 =	vld [tilespmem:s22+$0x10]  }
0x148: {  	v15 =	vadd.s32 v1, v59;
	[tilespmem:v5+s30+$0x0] =	vst.idx.msk $0xffff, v6;
	v5 =	vadd.f32 v18, v2;
	v6 =	vld [tilespmem:s22+$0xFFFFFFD0]  }
0x149: {  	v14 =	vadd.f32 v14, v2;
	[tilespmem:v7+s30+$0x0] =	vst.idx.msk $0xffff, v3;
	v3 =	vadd.s32 v1, v13  }
0x14a: {  	v7 =	vadd.s32 v1, v8;
	[tilespmem:v9+s30+$0x0] =	vst.idx.msk $0xffff, v5;
	v5 =	vadd.f32 v19, v2  }
0x14b: {  	s14 =	sadd.s32 s5, s14;
	[tilespmem:v4+s30+$0x0] =	vst.idx.msk $0xffff, v14;
	v4 =	vadd.f32 v10, v2  }
0x14c: {  	s14 =	sshll.u32 s14, $0x10;
	[tilespmem:v11+s30+$0x0] =	vst.idx.msk $0xffff, v5;
	v5 =	vadd.f32 v12, v2  }
0x14d: {  	s14 =	sor.u32 s6, s14;
	v2 =	vadd.f32 v6, v2;
	[tilespmem:v15+s30+$0x0] =	vst.idx.msk $0xffff, v4  }
0x14e: {  	s14 =	sshrl.u32 s14, $0x3;
	[tilespmem:v3+s30+$0x0] =	vst.idx.msk $0xffff, v5  }
0x14f: {  	s15 =	sadd.s32 s2, s14;
	s22 =	simm.s32 $0x0;
	[tilespmem:v7+s30+$0x0] =	vst.idx.msk $0xffff, v2  }
0x150: {  	[hbm4b:s15+s22] =	stream.linear.scatter [tilespmem:s30], [sflag:$0x4], $0x80, $0x38;
	[tilespmem:$0xAB80] =	vst v63  }
0x151: {  	s31 =	simm.s32 $0x8998;
	s24 =	sadd.s32 $0x10, s15  }
0x152: {  	[hbm4b:s24+s22] =	stream.linear.scatter [tilespmem:s31], [sflag:$0x4], $0x80, $0x38;
	[tilespmem:$0xAB80] =	vst v63  }
0x153: {  	s28 =	sadd.s32 $0x20, s15;
	s31 =	simm.s32 $0x8AB0  }
0x154: {  	[hbm4b:s28+s22] =	stream.linear.scatter [tilespmem:s31], [sflag:$0x4], $0x80, $0x38;
	[tilespmem:$0xAB80] =	vst v63  }
0x155: {  	s28 =	sadd.s32 $0x30, s15;
	s31 =	simm.s32 $0x8BC8  }
0x156: {  	[hbm4b:s28+s22] =	stream.linear.scatter [tilespmem:s31], [sflag:$0x4], $0x80, $0x38;
	[tilespmem:$0xAB80] =	vst v63  }
0x157: {  	s28 =	sadd.s32 $0x40, s15;
	s31 =	simm.s32 $0x8CE0  }
0x158: {  	[hbm4b:s28+s22] =	stream.linear.scatter [tilespmem:s31], [sflag:$0x4], $0x80, $0x38;
	[tilespmem:$0xAB80] =	vst v63  }
0x159: {  	s28 =	sadd.s32 $0x50, s15;
	s31 =	simm.s32 $0x8DF8  }
0x15a: {  	[hbm4b:s28+s22] =	stream.linear.scatter [tilespmem:s31], [sflag:$0x4], $0x80, $0x38;
	[tilespmem:$0xAB80] =	vst v63  }
0x15b: {  	s26 =	sadd.s32 $0x60, s15;
	s28 =	simm.s32 $0x8F10  }
0x15c: {  	[hbm4b:s26+s22] =	stream.linear.scatter [tilespmem:s28], [sflag:$0x4], $0x80, $0x38;
	[tilespmem:$0xAB80] =	vst v63  }
0x15d: {  	s15 =	sadd.s32 $0x70, s15;
	s31 =	simm.s32 $0x9028  }
0x15e: {  	[hbm4b:s15+s22] =	stream.linear.scatter [tilespmem:s31], [sflag:$0x4], $0x80, $0x38;
	[tilespmem:$0xAB80] =	vst v63  }
0x15f: {  	s26 =	simm.s32 $0x9140;
	s15 =	sadd.s32 s14, s9  }
0x160: {  	[hbm4b:s15+s22] =	stream.linear.scatter [tilespmem:s26], [sflag:$0x4], $0x80, $0x38;
	[tilespmem:$0xAB80] =	vst v63  }
0x161: {  	s31 =	simm.s32 $0x9258;
	s28 =	sadd.s32 $0x10, s15  }
0x162: {  	[hbm4b:s28+s22] =	stream.linear.scatter [tilespmem:s31], [sflag:$0x4], $0x80, $0x38;
	[tilespmem:$0xAB80] =	vst v63  }
0x163: {  	s28 =	sadd.s32 $0x20, s15;
	s31 =	simm.s32 $0x9370  }
0x164: {  	[hbm4b:s28+s22] =	stream.linear.scatter [tilespmem:s31], [sflag:$0x4], $0x80, $0x38;
	[tilespmem:$0xAB80] =	vst v63  }
0x165: {  	s28 =	sadd.s32 $0x30, s15;
	s31 =	simm.s32 $0x9488  }
0x166: {  	[hbm4b:s28+s22] =	stream.linear.scatter [tilespmem:s31], [sflag:$0x4], $0x80, $0x38;
	[tilespmem:$0xAB80] =	vst v63  }
0x167: {  	s28 =	sadd.s32 $0x40, s15;
	s31 =	simm.s32 $0x95A0  }
0x168: {  	[hbm4b:s28+s22] =	stream.linear.scatter [tilespmem:s31], [sflag:$0x4], $0x80, $0x38;
	[tilespmem:$0xAB80] =	vst v63  }
0x169: {  	s28 =	sadd.s32 $0x50, s15;
	s31 =	simm.s32 $0x96B8  }
0x16a: {  	[hbm4b:s28+s22] =	stream.linear.scatter [tilespmem:s31], [sflag:$0x4], $0x80, $0x38;
	[tilespmem:$0xAB80] =	vst v63  }
0x16b: {  	s26 =	sadd.s32 $0x60, s15;
	s28 =	simm.s32 $0x97D0  }
0x16c: {  	[hbm4b:s26+s22] =	stream.linear.scatter [tilespmem:s28], [sflag:$0x4], $0x80, $0x38;
	[tilespmem:$0xAB80] =	vst v63  }
0x16d: {  	s15 =	sadd.s32 $0x70, s15;
	s31 =	simm.s32 $0x98E8  }
0x16e: {  	[hbm4b:s15+s22] =	stream.linear.scatter [tilespmem:s31], [sflag:$0x4], $0x80, $0x38;
	[tilespmem:$0xAB80] =	vst v63  }
0x16f: {  	s26 =	simm.s32 $0x9A00;
	s15 =	sadd.s32 s14, s10  }
0x170: {  	[hbm4b:s15+s22] =	stream.linear.scatter [tilespmem:s26], [sflag:$0x4], $0x80, $0x38;
	[tilespmem:$0xAB80] =	vst v63  }
0x171: {  	s31 =	simm.s32 $0x9B18;
	s28 =	sadd.s32 $0x10, s15  }
0x172: {  	[hbm4b:s28+s22] =	stream.linear.scatter [tilespmem:s31], [sflag:$0x4], $0x80, $0x38;
	[tilespmem:$0xAB80] =	vst v63  }
0x173: {  	s28 =	sadd.s32 $0x20, s15;
	s31 =	simm.s32 $0x9C30  }
0x174: {  	[hbm4b:s28+s22] =	stream.linear.scatter [tilespmem:s31], [sflag:$0x4], $0x80, $0x38;
	[tilespmem:$0xAB80] =	vst v63  }
0x175: {  	s28 =	sadd.s32 $0x30, s15;
	s31 =	simm.s32 $0x9D48  }
0x176: {  	[hbm4b:s28+s22] =	stream.linear.scatter [tilespmem:s31], [sflag:$0x4], $0x80, $0x38;
	[tilespmem:$0xAB80] =	vst v63  }
0x177: {  	s28 =	sadd.s32 $0x40, s15;
	s31 =	simm.s32 $0x9E60  }
0x178: {  	[hbm4b:s28+s22] =	stream.linear.scatter [tilespmem:s31], [sflag:$0x4], $0x80, $0x38;
	[tilespmem:$0xAB80] =	vst v63  }
0x179: {  	s28 =	sadd.s32 $0x50, s15;
	s31 =	simm.s32 $0x9F78  }
0x17a: {  	[hbm4b:s28+s22] =	stream.linear.scatter [tilespmem:s31], [sflag:$0x4], $0x80, $0x38;
	[tilespmem:$0xAB80] =	vst v63  }
0x17b: {  	s28 =	sadd.s32 $0x60, s15;
	s31 =	simm.s32 $0xA090  }
0x17c: {  	[hbm4b:s28+s22] =	stream.linear.scatter [tilespmem:s31], [sflag:$0x4], $0x80, $0x38;
	[tilespmem:$0xAB80] =	vst v63  }
0x17d: {  	s15 =	sadd.s32 $0x70, s15;
	s28 =	simm.s32 $0xA1A8  }
0x17e: {  	[hbm4b:s15+s22] =	stream.linear.scatter [tilespmem:s28], [sflag:$0x4], $0x80, $0x38;
	[tilespmem:$0xAB80] =	vst v63  }
0x17f: {  	s14 =	sadd.s32 s14, s11;
	s31 =	simm.s32 $0xA2C0  }
0x180: {  	[hbm4b:s14+s22] =	stream.linear.scatter [tilespmem:s31], [sflag:$0x4], $0x80, $0x38;
	[tilespmem:$0xAB80] =	vst v63  }
0x181: {  	s24 =	sadd.s32 $0x10, s14;
	s26 =	simm.s32 $0xA3D8  }
0x182: {  	[hbm4b:s24+s22] =	stream.linear.scatter [tilespmem:s26], [sflag:$0x4], $0x80, $0x38;
	[tilespmem:$0xAB80] =	vst v63  }
0x183: {  	s28 =	sadd.s32 $0x20, s14;
	s31 =	simm.s32 $0xA4F0  }
0x184: {  	[hbm4b:s28+s22] =	stream.linear.scatter [tilespmem:s31], [sflag:$0x4], $0x80, $0x38;
	[tilespmem:$0xAB80] =	vst v63  }
0x185: {  	s24 =	sadd.s32 $0x30, s14;
	s26 =	simm.s32 $0xA608  }
0x186: {  	[hbm4b:s24+s22] =	stream.linear.scatter [tilespmem:s26], [sflag:$0x4], $0x80, $0x38;
	[tilespmem:$0xAB80] =	vst v63  }
0x187: {  	s28 =	sadd.s32 $0x40, s14;
	s31 =	simm.s32 $0xA720  }
0x188: {  	[hbm4b:s28+s22] =	stream.linear.scatter [tilespmem:s31], [sflag:$0x4], $0x80, $0x38;
	[tilespmem:$0xAB80] =	vst v63  }
0x189: {  	s24 =	sadd.s32 $0x50, s14;
	s26 =	simm.s32 $0xA838  }
0x18a: {  	[hbm4b:s24+s22] =	stream.linear.scatter [tilespmem:s26], [sflag:$0x4], $0x80, $0x38;
	[tilespmem:$0xAB80] =	vst v63  }
0x18b: {  	s28 =	sadd.s32 $0x60, s14;
	s31 =	simm.s32 $0xA950  }
0x18c: {  	[hbm4b:s28+s22] =	stream.linear.scatter [tilespmem:s31], [sflag:$0x4], $0x80, $0x38;
	[tilespmem:$0xAB80] =	vst v63  }
0x18d: {  	s14 =	sadd.s32 $0x70, s14;
	s24 =	simm.s32 $0xAA68;
	s26 =	simm.s32 $0x3  }
0x18e: {  	[hbm4b:s14+s22] =	stream.linear.scatter [tilespmem:s24], [sflag:$0x4], $0x80, $0x38;
	[tilespmem:$0xAB80] =	vst v63  }
0x18f: {  	v2 =	vmov s26;
	s14 =	sor.u32 $0x3, s20  }
0x190: {  	v4 =	vmov s22;
	s31 =	simm.s32 $0x1;
	v2 =	vadd.s32 $0x88, v2;
	s22 =	simm.s32 $0x55F0;
	s20 =	sshll.u32 s14, $0x6  }
0x191: {  	v4 =	vadd.s32 $0x88, v4;
	v5 =	vmov s31;
	v2 =	vand.u32 $0x1FF, v2;
	v6 =	vld [tilespmem:s22+$0xFFFFFFF0];
	s28 =	sand.u32 $0x3FFFFFC0, s20  }
0x192: {  	v4 =	vand.u32 $0x1FC, v4;
	v5 =	vadd.s32 $0x88, v5;
	v7 =	vbroadcast v2, $0x0;
	v3 =	vld [tilespmem:s28+$0x1900]  }
0x193: {  	v8 =	vbroadcast v4, $0x0;
	v4 =	vld [tilespmem:s22+$0xFFFFFF90];
	v5 =	vand.u32 $0x1FD, v5  }
0x194: {  	v10 =	vbroadcast v5, $0x0;
	v5 =	vadd.s32 v0, v7  }
0x195: {  	v11 =	vadd.s32 v0, v8;
	s24 =	simm.s32 $0x2;
	v9 =	vld [tilespmem:s22+$0xFFFFFFB0]  }
0x196: {  	v2 =	vmov s24  }
0x197: {  	s26 =	simm.s32 $0x4;
	v2 =	vadd.s32 $0x88, v2;
	v14 =	vadd.s32 v0, v10;
	v6 =	vadd.f32 v6, v3  }
0x198: {  	v15 =	vmov s26;
	v12 =	vld [tilespmem:s22+$0xFFFFFFD0];
	v2 =	vand.u32 $0x1FE, v2;
	v4 =	vadd.f32 v4, v3  }
0x199: {  	v20 =	vadd.s32 v1, v8;
	v15 =	vadd.s32 $0x88, v15;
	s24 =	simm.s32 $0x7;
	v13 =	vbroadcast v2, $0x0;
	v2 =	vld [tilespmem:s28+$0x1910];
	[tilespmem:v5+s30+$0x0] =	vst.idx.msk $0xffff, v6  }
0x19a: {  	s28 =	simm.s32 $0x5;
	v9 =	vadd.f32 v9, v3;
	v6 =	vand.u32 $0x1FC, v15;
	v15 =	vmov s24;
	[tilespmem:v11+s30+$0x0] =	vst.idx.msk $0xffff, v4;
	v11 =	vld [tilespmem:s22+$0x0]  }
0x19b: {  	s31 =	simm.s32 $0x6;
	v18 =	vadd.s32 v1, v7;
	v17 =	vmov s28;
	v4 =	vadd.s32 $0x88, v15;
	v15 =	vld [tilespmem:s22+$0xFFFFFFA0]  }
0x19c: {  	v16 =	vadd.s32 v0, v13;
	v17 =	vadd.s32 $0x88, v17;
	v5 =	vmov s31;
	[tilespmem:v14+s30+$0x0] =	vst.idx.msk $0xffff, v9  }
0x19d: {  	s20 =	simm.s32 $0x5670;
	v12 =	vadd.f32 v12, v3;
	v9 =	vadd.s32 $0x88, v5;
	v14 =	vld [tilespmem:s22+$0xFFFFFFC0];
	v5 =	vand.u32 $0x1FF, v4  }
0x19e: {  	v19 =	vld [tilespmem:s20+$0xFFFFFFF0];
	v4 =	vbroadcast v6, $0x0;
	v6 =	vand.u32 $0x1FD, v17;
	v5 =	vbroadcast v5, $0x0  }
0x19f: {  	v61 =	vld [tilespmem:s20+$0xFFFFFF90];
	v7 =	vand.u32 $0x1FE, v9;
	v17 =	vadd.s32 v1, v10;
	v6 =	vbroadcast v6, $0x0  }
0x1a0: {  	v62 =	vld [tilespmem:s20+$0xFFFFFFB0];
	v63 =	vadd.s32 v0, v5;
	v9 =	vadd.f32 v11, v2;
	v11 =	vadd.f32 v15, v2  }
0x1a1: {  	[tilespmem:v16+s30+$0x0] =	vst.idx.msk $0xffff, v12;
	v12 =	vld [tilespmem:s20+$0xFFFFFFD0];
	v7 =	vbroadcast v7, $0x0;
	v10 =	vadd.s32 v0, v4;
	v8 =	vadd.s32 v0, v6  }
0x1a2: {  	s26 =	simm.s32 $0x8;
	v15 =	vadd.f32 v14, v2;
	[tilespmem:v20+s30+$0x0] =	vst.idx.msk $0xffff, v11;
	v11 =	vadd.s32 v1, v13;
	v13 =	vld [tilespmem:s22+$0xFFFFFFE0]  }
0x1a3: {  	v19 =	vadd.f32 v19, v3;
	v14 =	vmov s26;
	[tilespmem:v18+s30+$0x0] =	vst.idx.msk $0xffff, v9;
	v9 =	vadd.s32 v0, v7  }
0x1a4: {  	s28 =	simm.s32 $0x9;
	s31 =	simm.s32 $0xA;
	v16 =	vadd.s32 $0x88, v14;
	v14 =	vadd.f32 v61, v3;
	[tilespmem:v17+s30+$0x0] =	vst.idx.msk $0xffff, v15  }
0x1a5: {  	s24 =	simm.s32 $0xC;
	s26 =	simm.s32 $0xB;
	v18 =	vmov s28;
	v17 =	vmov s31;
	v15 =	vadd.f32 v62, v3;
	s22 =	simm.s32 $0x5670;
	[tilespmem:v63+s30+$0x0] =	vst.idx.msk $0xffff, v19  }
.LBB2_9:
0x1a6: {  	p0 =	slt.u32 s24, $0x7C;
	v16 =	vand.u32 $0x1FC, v16;
	v19 =	vmov s26;
	[tilespmem:v10+s30+$0x0] =	vst.idx.msk $0xffff, v14;
	v10 =	vadd.f32 v12, v3;
	v12 =	vld [tilespmem:s20+$0x0]  }
0x1a7: {  	v14 =	vadd.s32 $0x88, v18;
	v18 =	vadd.s32 $0x88, v19;
	v19 =	vld [tilespmem:s20+$0xFFFFFFA0];
	[tilespmem:v8+s30+$0x0] =	vst.idx.msk $0xffff, v15;
	v8 =	vadd.f32 v13, v2  }
0x1a8: {  	v13 =	vadd.s32 $0x88, v17;
	s20 =	sadd.s32 $0x80, s20;
	v15 =	vand.u32 $0x1FF, v18;
	v17 =	vld [tilespmem:s22+$0xFFFFFFC0];
	[tilespmem:v9+s30+$0x0] =	vst.idx.msk $0xffff, v10;
	v9 =	vadd.s32 v1, v5  }
0x1a9: {  	v18 =	vld [tilespmem:s20+$0xFFFFFFF0];
	v5 =	vbroadcast v15, $0x0;
	v15 =	vadd.s32 v1, v4;
	v4 =	vbroadcast v16, $0x0;
	[tilespmem:v11+s30+$0x0] =	vst.idx.msk $0xffff, v8  }
0x1aa: {  	v20 =	vadd.s32 v1, v6;
	v13 =	vand.u32 $0x1FE, v13;
	v8 =	vand.u32 $0x1FD, v14;
	v11 =	vld [tilespmem:s20+$0xFFFFFF90]  }
0x1ab: {  	v6 =	vbroadcast v8, $0x0;
	v21 =	vld [tilespmem:s20+$0xFFFFFFB0];
	v22 =	vadd.s32 v0, v5;
	v14 =	vadd.f32 v12, v2  }
.Ltmp3:
0x1ac: {  	v23 =	vbroadcast v13, $0x0;
	v10 =	vadd.s32 v0, v4;
	v12 =	vld [tilespmem:s20+$0xFFFFFFD0];
	v16 =	vadd.f32 v19, v2;
	(pc) =	sbr.rel @p0 .LBB2_9-.Ltmp3, $4  }
0x1ad: {  	v8 =	vadd.s32 v0, v6;
	v17 =	vadd.f32 v17, v2;
	v13 =	vld [tilespmem:s22+$0xFFFFFFE0];
	[tilespmem:v9+s30+$0x0] =	vst.idx.msk $0xffff, v14;
	s22 =	smov.u32 s20  }
0x1ae: {  	v14 =	vmov s24;
	v9 =	vadd.s32 v0, v23;
	v19 =	vadd.f32 v18, v3;
	[tilespmem:v15+s30+$0x0] =	vst.idx.msk $0xffff, v16  }
0x1af: {  	s15 =	sadd.s32 $0x1, s24;
	s26 =	sadd.s32 $0x2, s24;
	v16 =	vadd.s32 $0x88, v14;
	v14 =	vadd.f32 v11, v3;
	[tilespmem:v20+s30+$0x0] =	vst.idx.msk $0xffff, v17;
	v11 =	vadd.s32 v1, v7  }
0x1b0: {  	v18 =	vmov s15;
	v17 =	vmov s26;
	s26 =	sadd.s32 $0x3, s24;
	s24 =	sadd.s32 $0x4, s24;
	v7 =	vmovc v23;
	v15 =	vadd.f32 v21, v3;
	[tilespmem:v22+s30+$0x0] =	vst.idx.msk $0xffff, v19  }
0x1b1: {  	v19 =	vmov s26;
	s15 =	sadd.s32 $0x80, s20;
	v16 =	vand.u32 $0x1FC, v16;
	v18 =	vadd.s32 $0x88, v18  }
0x1b2: {  	v19 =	vadd.s32 $0x88, v19;
	v16 =	vbroadcast v16, $0x0;
	v21 =	vld [tilespmem:s15+$0xFFFFFF90];
	v18 =	vand.u32 $0x1FD, v18  }
0x1b3: {  	v17 =	vadd.s32 $0x88, v17;
	v22 =	vld [tilespmem:s15+$0xFFFFFFB0];
	v19 =	vand.u32 $0x1FF, v19;
	v18 =	vbroadcast v18, $0x0  }
0x1b4: {  	v20 =	vld [tilespmem:s15+$0xFFFFFFF0];
	v17 =	vand.u32 $0x1FE, v17;
	v19 =	vbroadcast v19, $0x0;
	v41 =	vadd.s32 v0, v16  }
0x1b5: {  	[tilespmem:v10+s30+$0x0] =	vst.idx.msk $0xffff, v14;
	v40 =	vadd.f32 v12, v3;
	v42 =	vld [tilespmem:s15+$0xFFFFFFD0];
	v17 =	vbroadcast v17, $0x0;
	v44 =	vadd.s32 v0, v18  }
0x1b6: {  	v24 =	vld [tilespmem:s20+$0x0];
	[tilespmem:v8+s30+$0x0] =	vst.idx.msk $0xffff, v15;
	v43 =	vadd.f32 v13, v2;
	v23 =	vadd.s32 v0, v19  }
0x1b7: {  	v45 =	vld [tilespmem:s20+$0xFFFFFFA0];
	[tilespmem:v9+s30+$0x0] =	vst.idx.msk $0xffff, v40;
	v46 =	vadd.s32 v0, v17;
	v49 =	vadd.f32 v21, v3  }
0x1b8: {  	v5 =	vadd.s32 v1, v5;
	v48 =	vld [tilespmem:s22+$0xFFFFFFC0];
	[tilespmem:v11+s30+$0x0] =	vst.idx.msk $0xffff, v43;
	v51 =	vadd.f32 v22, v3  }
0x1b9: {  	v4 =	vadd.s32 v1, v4;
	v50 =	vld [tilespmem:s22+$0xFFFFFFE0];
	v47 =	vadd.f32 v20, v3;
	[tilespmem:v41+s30+$0x0] =	vst.idx.msk $0xffff, v49  }
0x1ba: {  	v6 =	vadd.s32 v1, v6;
	v3 =	vadd.f32 v42, v3;
	v54 =	vld [tilespmem:s15+$0xFFFFFFA0];
	[tilespmem:v44+s30+$0x0] =	vst.idx.msk $0xffff, v51  }
0x1bb: {  	v7 =	vadd.s32 v1, v7;
	v53 =	vadd.f32 v24, v2;
	[tilespmem:v23+s30+$0x0] =	vst.idx.msk $0xffff, v47;
	v56 =	vld [tilespmem:s15+$0xFFFFFFC0]  }
0x1bc: {  	v57 =	vadd.s32 v1, v16;
	v55 =	vadd.f32 v45, v2;
	[tilespmem:v46+s30+$0x0] =	vst.idx.msk $0xffff, v3;
	v52 =	vld [tilespmem:s15+$0x0]  }
0x1bd: {  	v59 =	vadd.s32 v1, v18;
	v8 =	vadd.f32 v48, v2;
	[tilespmem:v5+s30+$0x0] =	vst.idx.msk $0xffff, v53;
	v9 =	vld [tilespmem:s15+$0xFFFFFFE0]  }
0x1be: {  	[tilespmem:v4+s30+$0x0] =	vst.idx.msk $0xffff, v55;
	v58 =	vadd.f32 v50, v2;
	v3 =	vadd.s32 v1, v19  }
0x1bf: {  	v61 =	vadd.s32 v1, v17;
	[tilespmem:v6+s30+$0x0] =	vst.idx.msk $0xffff, v8;
	v62 =	vadd.f32 v54, v2  }
0x1c0: {  	s14 =	sadd.s32 s5, s14;
	[tilespmem:v7+s30+$0x0] =	vst.idx.msk $0xffff, v58;
	v63 =	vadd.f32 v56, v2  }
0x1c1: {  	s14 =	sshll.u32 s14, $0x10;
	v60 =	vadd.f32 v52, v2;
	[tilespmem:v57+s30+$0x0] =	vst.idx.msk $0xffff, v62  }
0x1c2: {  	s14 =	sor.u32 s6, s14;
	v2 =	vadd.f32 v9, v2;
	[tilespmem:v59+s30+$0x0] =	vst.idx.msk $0xffff, v63  }
0x1c3: {  	s14 =	sshrl.u32 s14, $0x3;
	[tilespmem:v3+s30+$0x0] =	vst.idx.msk $0xffff, v60  }
0x1c4: {  	s22 =	simm.s32 $0x8908;
	s15 =	sadd.s32 s2, s14;
	[tilespmem:v61+s30+$0x0] =	vst.idx.msk $0xffff, v2  }
0x1c5: {  	[hbm4b:s15+s3] =	stream.linear.scatter [tilespmem:s22], [sflag:$0x4], $0x80, $0x38;
	[tilespmem:$0xAB80] =	vst v63  }
0x1c6: {  	s26 =	simm.s32 $0x8A20;
	s24 =	sadd.s32 $0x10, s15  }
0x1c7: {  	[hbm4b:s24+s3] =	stream.linear.scatter [tilespmem:s26], [sflag:$0x4], $0x80, $0x38;
	[tilespmem:$0xAB80] =	vst v63  }
0x1c8: {  	s31 =	simm.s32 $0x8B38;
	s28 =	sadd.s32 $0x20, s15  }
0x1c9: {  	[hbm4b:s28+s3] =	stream.linear.scatter [tilespmem:s31], [sflag:$0x4], $0x80, $0x38;
	[tilespmem:$0xAB80] =	vst v63  }
0x1ca: {  	s24 =	sadd.s32 $0x30, s15;
	s26 =	simm.s32 $0x8C50  }
0x1cb: {  	[hbm4b:s24+s3] =	stream.linear.scatter [tilespmem:s26], [sflag:$0x4], $0x80, $0x38;
	[tilespmem:$0xAB80] =	vst v63  }
0x1cc: {  	s28 =	sadd.s32 $0x40, s15;
	s31 =	simm.s32 $0x8D68  }
0x1cd: {  	[hbm4b:s28+s3] =	stream.linear.scatter [tilespmem:s31], [sflag:$0x4], $0x80, $0x38;
	[tilespmem:$0xAB80] =	vst v63  }
0x1ce: {  	s22 =	sadd.s32 $0x50, s15;
	s24 =	simm.s32 $0x8E80  }
0x1cf: {  	[hbm4b:s22+s3] =	stream.linear.scatter [tilespmem:s24], [sflag:$0x4], $0x80, $0x38;
	[tilespmem:$0xAB80] =	vst v63  }
0x1d0: {  	s26 =	sadd.s32 $0x60, s15;
	s28 =	simm.s32 $0x8F98  }
0x1d1: {  	[hbm4b:s26+s3] =	stream.linear.scatter [tilespmem:s28], [sflag:$0x4], $0x80, $0x38;
	[tilespmem:$0xAB80] =	vst v63  }
0x1d2: {  	s15 =	sadd.s32 $0x70, s15;
	s31 =	simm.s32 $0x90B0  }
0x1d3: {  	[hbm4b:s15+s3] =	stream.linear.scatter [tilespmem:s31], [sflag:$0x4], $0x80, $0x38;
	[tilespmem:$0xAB80] =	vst v63  }
0x1d4: {  	s22 =	simm.s32 $0x91C8;
	s15 =	sadd.s32 s14, s9  }
0x1d5: {  	[hbm4b:s15+s3] =	stream.linear.scatter [tilespmem:s22], [sflag:$0x4], $0x80, $0x38;
	[tilespmem:$0xAB80] =	vst v63  }
0x1d6: {  	s26 =	simm.s32 $0x92E0;
	s24 =	sadd.s32 $0x10, s15  }
0x1d7: {  	[hbm4b:s24+s3] =	stream.linear.scatter [tilespmem:s26], [sflag:$0x4], $0x80, $0x38;
	[tilespmem:$0xAB80] =	vst v63  }
0x1d8: {  	s31 =	simm.s32 $0x93F8;
	s28 =	sadd.s32 $0x20, s15  }
0x1d9: {  	[hbm4b:s28+s3] =	stream.linear.scatter [tilespmem:s31], [sflag:$0x4], $0x80, $0x38;
	[tilespmem:$0xAB80] =	vst v63  }
0x1da: {  	s24 =	sadd.s32 $0x30, s15;
	s26 =	simm.s32 $0x9510  }
0x1db: {  	[hbm4b:s24+s3] =	stream.linear.scatter [tilespmem:s26], [sflag:$0x4], $0x80, $0x38;
	[tilespmem:$0xAB80] =	vst v63  }
0x1dc: {  	s28 =	sadd.s32 $0x40, s15;
	s31 =	simm.s32 $0x9628  }
0x1dd: {  	[hbm4b:s28+s3] =	stream.linear.scatter [tilespmem:s31], [sflag:$0x4], $0x80, $0x38;
	[tilespmem:$0xAB80] =	vst v63  }
0x1de: {  	s22 =	sadd.s32 $0x50, s15;
	s24 =	simm.s32 $0x9740  }
0x1df: {  	[hbm4b:s22+s3] =	stream.linear.scatter [tilespmem:s24], [sflag:$0x4], $0x80, $0x38;
	[tilespmem:$0xAB80] =	vst v63  }
0x1e0: {  	s26 =	sadd.s32 $0x60, s15;
	s28 =	simm.s32 $0x9858  }
0x1e1: {  	[hbm4b:s26+s3] =	stream.linear.scatter [tilespmem:s28], [sflag:$0x4], $0x80, $0x38;
	[tilespmem:$0xAB80] =	vst v63  }
0x1e2: {  	s15 =	sadd.s32 $0x70, s15;
	s31 =	simm.s32 $0x9970  }
0x1e3: {  	[hbm4b:s15+s3] =	stream.linear.scatter [tilespmem:s31], [sflag:$0x4], $0x80, $0x38;
	[tilespmem:$0xAB80] =	vst v63  }
0x1e4: {  	s22 =	simm.s32 $0x9A88;
	s15 =	sadd.s32 s14, s10  }
0x1e5: {  	[hbm4b:s15+s3] =	stream.linear.scatter [tilespmem:s22], [sflag:$0x4], $0x80, $0x38;
	[tilespmem:$0xAB80] =	vst v63  }
0x1e6: {  	s26 =	simm.s32 $0x9BA0;
	s24 =	sadd.s32 $0x10, s15  }
0x1e7: {  	[hbm4b:s24+s3] =	stream.linear.scatter [tilespmem:s26], [sflag:$0x4], $0x80, $0x38;
	[tilespmem:$0xAB80] =	vst v63  }
0x1e8: {  	s31 =	simm.s32 $0x9CB8;
	s28 =	sadd.s32 $0x20, s15  }
0x1e9: {  	[hbm4b:s28+s3] =	stream.linear.scatter [tilespmem:s31], [sflag:$0x4], $0x80, $0x38;
	[tilespmem:$0xAB80] =	vst v63  }
0x1ea: {  	s24 =	sadd.s32 $0x30, s15;
	s26 =	simm.s32 $0x9DD0  }
0x1eb: {  	[hbm4b:s24+s3] =	stream.linear.scatter [tilespmem:s26], [sflag:$0x4], $0x80, $0x38;
	[tilespmem:$0xAB80] =	vst v63  }
0x1ec: {  	s28 =	sadd.s32 $0x40, s15;
	s31 =	simm.s32 $0x9EE8  }
0x1ed: {  	[hbm4b:s28+s3] =	stream.linear.scatter [tilespmem:s31], [sflag:$0x4], $0x80, $0x38;
	[tilespmem:$0xAB80] =	vst v63  }
0x1ee: {  	s22 =	sadd.s32 $0x50, s15;
	s24 =	simm.s32 $0xA000  }
0x1ef: {  	[hbm4b:s22+s3] =	stream.linear.scatter [tilespmem:s24], [sflag:$0x4], $0x80, $0x38;
	[tilespmem:$0xAB80] =	vst v63  }
0x1f0: {  	s26 =	sadd.s32 $0x60, s15;
	s28 =	simm.s32 $0xA118  }
0x1f1: {  	[hbm4b:s26+s3] =	stream.linear.scatter [tilespmem:s28], [sflag:$0x4], $0x80, $0x38;
	[tilespmem:$0xAB80] =	vst v63  }
0x1f2: {  	s15 =	sadd.s32 $0x70, s15;
	s31 =	simm.s32 $0xA230  }
0x1f3: {  	[hbm4b:s15+s3] =	stream.linear.scatter [tilespmem:s31], [sflag:$0x4], $0x80, $0x38;
	[tilespmem:$0xAB80] =	vst v63  }
0x1f4: {  	s14 =	sadd.s32 s14, s11  }
0x1f5: {  	[hbm4b:s14+s3] =	stream.linear.scatter [tilespmem:s23], [sflag:$0x4], $0x80, $0x38;
	[tilespmem:$0xAB80] =	vst v63  }
0x1f6: {  	s20 =	sadd.s32 $0x10, s14  }
0x1f7: {  	[hbm4b:s20+s3] =	stream.linear.scatter [tilespmem:s16], [sflag:$0x4], $0x80, $0x38;
	[tilespmem:$0xAB80] =	vst v63  }
0x1f8: {  	s22 =	sadd.s32 $0x20, s14  }
0x1f9: {  	[hbm4b:s22+s3] =	stream.linear.scatter [tilespmem:s8], [sflag:$0x4], $0x80, $0x38;
	[tilespmem:$0xAB80] =	vst v63  }
0x1fa: {  	s24 =	sadd.s32 $0x30, s14  }
0x1fb: {  	[hbm4b:s24+s3] =	stream.linear.scatter [tilespmem:s17], [sflag:$0x4], $0x80, $0x38;
	[tilespmem:$0xAB80] =	vst v63  }
0x1fc: {  	s25 =	sadd.s32 $0x1, s25;
	s26 =	sadd.s32 $0x40, s14  }
0x1fd: {  	[hbm4b:s26+s3] =	stream.linear.scatter [tilespmem:s12], [sflag:$0x4], $0x80, $0x38;
	[tilespmem:$0xAB80] =	vst v63  }
0x1fe: {  	p0 =	sne.s32 s25, $0xC;
	s28 =	sadd.s32 $0x50, s14  }
0x1ff: {  	[hbm4b:s28+s3] =	stream.linear.scatter [tilespmem:s18], [sflag:$0x4], $0x80, $0x38;
	[tilespmem:$0xAB80] =	vst v63  }
.Ltmp4:
0x200: {  	_ = 	snop;
	(pc) =	sbr.rel @p0 .LBB2_2-.Ltmp4, $4  }
0x201: {  	s31 =	sadd.s32 $0x60, s14  }
0x202: {  	[hbm4b:s31+s3] =	stream.linear.scatter [tilespmem:s7], [sflag:$0x4], $0x80, $0x38;
	[tilespmem:$0xAB80] =	vst v63  }
0x203: {  	s14 =	sadd.s32 $0x70, s14  }
0x204: {  	[hbm4b:s14+s3] =	stream.linear.scatter [tilespmem:s19], [sflag:$0x4], $0x80, $0x38;
	[tilespmem:$0xAB80] =	vst v63  }
0x205: {  	_ =	swait.ge [sflag:s1], $0x2000  }
0x206: {  	[sflag:s1] =	ssyncset.done $0x0  }
0x207: {  	s25 =	simm.s32 $0x3;
	[sflag:s1] =	ssyncadd.s32 $0xFFFFE000  }
0x208: {  	_ =	swait.ge [sflag:s25], $0x2000  }
0x209: {  	[sflag:s25] =	ssyncset.done $0x0  }
0x20a: {  	[sflag:s25] =	ssyncadd.s32 $0xFFFFE000  }
0x20b: {  	s24 =	simm.s32 $0x25C0;
	s14 =	simm.s32 $0x3;
	v3 =	vld [tilespmem:$0x2500]  }
0x20c: {  	v2 =	vmov s14;
	v4 =	vld [tilespmem:s24+$0x20]  }
0x20d: {  	v7 =	vand.u32 $0x7F, v2  }
0x20e: {  	v5 =	vadd.s32 v0, v7  }
0x20f: {  	s31 =	simm.s32 $0x0;
	s15 =	simm.s32 $0x1;
	v8 =	vld [tilespmem:s24+$0xFFFFFFC0]  }
0x210: {  	s20 =	simm.s32 $0x2;
	v6 =	vmov s31;
	v2 =	vmov s15;
	v9 =	vld [tilespmem:s24+$0xFFFFFFE0]  }
0x211: {  	v10 =	vmov s20;
	v15 =	vand.u32 $0x7D, v2;
	v11 =	vld [tilespmem:s24+$0x0];
	v4 =	vadd.f32 v4, v3  }
0x212: {  	s22 =	simm.s32 $0x4;
	s20 =	simm.s32 $0x7;
	s14 =	simm.s32 $0x2640;
	v6 =	vand.u32 $0x7C, v6;
	v18 =	vand.u32 $0x7E, v10;
	v12 =	vadd.s32 v0, v15;
	v2 =	vld [tilespmem:$0x2510]  }
0x213: {  	v10 =	vmov s22;
	v16 =	vadd.s32 v0, v6;
	v14 =	vld [tilespmem:s14+$0x20];
	[tilespmem:v5+s0+$0x0] =	vst.idx.msk $0xffff, v4;
	v5 =	vmov s20  }
0x214: {  	v13 =	vadd.s32 v0, v18;
	v24 =	vadd.s32 v1, v7;
	v5 =	vand.u32 $0x7F, v5;
	v20 =	vld [tilespmem:s24+$0x30]  }
0x215: {  	v18 =	vadd.s32 v1, v18;
	v21 =	vld [tilespmem:s14+$0xFFFFFFC0];
	v9 =	vadd.f32 v9, v3;
	v22 =	vadd.s32 v0, v5  }
0x216: {  	s26 =	simm.s32 $0x5;
	v15 =	vadd.s32 v1, v15;
	v23 =	vld [tilespmem:s14+$0xFFFFFFE0];
	v8 =	vadd.f32 v8, v3;
	v4 =	vand.u32 $0x7C, v10  }
0x217: {  	s28 =	simm.s32 $0x6;
	v19 =	vld [tilespmem:s14+$0x0];
	v10 =	vadd.f32 v11, v3;
	v11 =	vmov s26;
	[tilespmem:v12+s0+$0x0] =	vst.idx.msk $0xffff, v9;
	s20 =	simm.s32 $0x26C0;
	v17 =	vadd.s32 v0, v4  }
0x218: {  	v14 =	vadd.f32 v14, v3;
	v9 =	vmov s28;
	[tilespmem:v16+s0+$0x0] =	vst.idx.msk $0xffff, v8;
	v7 =	vand.u32 $0x7D, v11;
	v16 =	vld [tilespmem:s20+$0x20]  }
0x219: {  	s22 =	simm.s32 $0x8;
	v9 =	vand.u32 $0x7E, v9;
	[tilespmem:v13+s0+$0x0] =	vst.idx.msk $0xffff, v10;
	v10 =	vadd.s32 v0, v7;
	v13 =	vld [tilespmem:s24+$0xFFFFFFF0];
	v25 =	vadd.f32 v20, v2  }
0x21a: {  	s31 =	simm.s32 $0xB;
	v8 =	vmov s22;
	v12 =	vadd.s32 v0, v9;
	v11 =	vld [tilespmem:s24+$0x10];
	v20 =	vadd.f32 v21, v3;
	[tilespmem:v22+s0+$0x0] =	vst.idx.msk $0xffff, v14  }
0x21b: {  	v8 =	vand.u32 $0x7C, v8;
	v21 =	vadd.f32 v23, v3;
	v14 =	vld [tilespmem:s24+$0xFFFFFFD0];
	v22 =	vmov s31;
	s24 =	simm.s32 $0xC;
	[tilespmem:v24+s0+$0x0] =	vst.idx.msk $0xffff, v25  }
.LBB2_12:
0x21c: {  	v22 =	vand.u32 $0x7F, v22;
	[tilespmem:v17+s0+$0x0] =	vst.idx.msk $0xffff, v20  }
0x21d: {  	p0 =	slt.u32 s24, $0x7C;
	s15 =	sadd.s32 $0x1, s22;
	v17 =	vadd.f32 v19, v3;
	v20 =	vld [tilespmem:s14+$0x30];
	v23 =	vadd.s32 v1, v6;
	v24 =	vmovc v9;
	v6 =	vmovc v4;
	v4 =	vmov v8  }
0x21e: {  	v25 =	vld [tilespmem:s20+$0xFFFFFFC0];
	v8 =	vmov s15;
	s15 =	sadd.s32 $0x2, s22;
	v26 =	vadd.s32 v0, v22;
	[tilespmem:v10+s0+$0x0] =	vst.idx.msk $0xffff, v21;
	v9 =	vadd.f32 v13, v2;
	s22 =	smov.u32 s24  }
0x21f: {  	v27 =	vadd.s32 v1, v5;
	v5 =	vmovc v22;
	v21 =	vld [tilespmem:s20+$0xFFFFFFE0];
	v13 =	vmov s15;
	[tilespmem:v12+s0+$0x0] =	vst.idx.msk $0xffff, v17;
	v11 =	vadd.f32 v11, v2  }
.Ltmp5:
0x220: {  	v17 =	vadd.s32 v0, v4;
	v28 =	vand.u32 $0x7D, v8;
	v19 =	vld [tilespmem:s20+$0x0];
	v8 =	vadd.f32 v14, v2;
	[tilespmem:v15+s0+$0x0] =	vst.idx.msk $0xffff, v9;
	(pc) =	sbr.rel @p0 .LBB2_12-.Ltmp5, $4  }
0x221: {  	v10 =	vadd.s32 v0, v28;
	v9 =	vand.u32 $0x7E, v13;
	v14 =	vadd.f32 v16, v3;
	v13 =	vld [tilespmem:s14+$0xFFFFFFF0];
	[tilespmem:v18+s0+$0x0] =	vst.idx.msk $0xffff, v11  }
0x222: {  	v15 =	vmov s24;
	v12 =	vadd.s32 v0, v9;
	v11 =	vld [tilespmem:s14+$0x10];
	v29 =	vadd.f32 v20, v2;
	[tilespmem:v23+s0+$0x0] =	vst.idx.msk $0xffff, v8  }
0x223: {  	s15 =	sadd.s32 $0x3, s24;
	v8 =	vand.u32 $0x7C, v15;
	v15 =	vadd.s32 v1, v7;
	v20 =	vadd.f32 v25, v3;
	[tilespmem:v26+s0+$0x0] =	vst.idx.msk $0xffff, v14;
	v14 =	vld [tilespmem:s14+$0xFFFFFFD0];
	s14 =	smov.u32 s20;
	s20 =	sadd.s32 $0x80, s20  }
0x224: {  	v22 =	vmov s15;
	s24 =	sadd.s32 $0x4, s24;
	v18 =	vadd.s32 v1, v24;
	v7 =	vmovc v28;
	v16 =	vld [tilespmem:s20+$0x20];
	v21 =	vadd.f32 v21, v3;
	[tilespmem:v27+s0+$0x0] =	vst.idx.msk $0xffff, v29  }
0x225: {  	_ =	sdelay $0x2  }
0x226: {  	s15 =	sadd.s32 $0x1, s22;
	v22 =	vand.u32 $0x7F, v22;
	v19 =	vadd.f32 v19, v3  }
0x227: {  	[tilespmem:v17+s0+$0x0] =	vst.idx.msk $0xffff, v20;
	v6 =	vadd.s32 v1, v6;
	s22 =	sadd.s32 $0x2, s22;
	v23 =	vld [tilespmem:s20+$0xFFFFFFE0];
	v17 =	vmov s15;
	v20 =	vadd.s32 v0, v22  }
0x228: {  	v60 =	vld [tilespmem:s20+$0x0];
	[tilespmem:v10+s0+$0x0] =	vst.idx.msk $0xffff, v21;
	v10 =	vadd.f32 v13, v2;
	v13 =	vmov s22;
	v17 =	vand.u32 $0x7D, v17  }
0x229: {  	v24 =	vld [tilespmem:s20+$0xFFFFFFC0];
	[tilespmem:v12+s0+$0x0] =	vst.idx.msk $0xffff, v19;
	v11 =	vadd.f32 v11, v2;
	v13 =	vand.u32 $0x7E, v13;
	v12 =	vadd.s32 v0, v17  }
0x22a: {  	v19 =	vld [tilespmem:s14+$0x30];
	v14 =	vadd.f32 v14, v2;
	[tilespmem:v15+s0+$0x0] =	vst.idx.msk $0xffff, v10;
	v10 =	vadd.s32 v0, v13  }
0x22b: {  	v15 =	vadd.s32 v0, v8;
	v16 =	vadd.f32 v16, v3;
	[tilespmem:v18+s0+$0x0] =	vst.idx.msk $0xffff, v11;
	v11 =	vld [tilespmem:s14+$0xFFFFFFF0]  }
0x22c: {  	v5 =	vadd.s32 v1, v5;
	v18 =	vld [tilespmem:s14+$0x10];
	[tilespmem:v6+s0+$0x0] =	vst.idx.msk $0xffff, v14;
	v6 =	vadd.f32 v23, v3  }
0x22d: {  	v7 =	vadd.s32 v1, v7;
	v14 =	vld [tilespmem:s14+$0xFFFFFFD0];
	[tilespmem:v20+s0+$0x0] =	vst.idx.msk $0xffff, v16;
	v16 =	vadd.f32 v60, v3  }
0x22e: {  	v9 =	vadd.s32 v1, v9;
	v3 =	vadd.f32 v24, v3;
	v20 =	vld [tilespmem:s20+$0x30];
	[tilespmem:v12+s0+$0x0] =	vst.idx.msk $0xffff, v6  }
0x22f: {  	v4 =	vadd.s32 v1, v4;
	v6 =	vadd.f32 v19, v2;
	[tilespmem:v10+s0+$0x0] =	vst.idx.msk $0xffff, v16;
	v10 =	vld [tilespmem:s20+$0xFFFFFFF0]  }
0x230: {  	[tilespmem:v15+s0+$0x0] =	vst.idx.msk $0xffff, v3;
	v3 =	vadd.f32 v11, v2;
	v11 =	vadd.s32 v1, v22;
	v12 =	vld [tilespmem:s20+$0x10]  }
0x231: {  	v15 =	vadd.s32 v1, v17;
	[tilespmem:v5+s0+$0x0] =	vst.idx.msk $0xffff, v6;
	v5 =	vadd.f32 v18, v2;
	v6 =	vld [tilespmem:s20+$0xFFFFFFD0]  }
0x232: {  	v14 =	vadd.f32 v14, v2;
	[tilespmem:v7+s0+$0x0] =	vst.idx.msk $0xffff, v3;
	v3 =	vadd.s32 v1, v13  }
0x233: {  	v7 =	vadd.s32 v1, v8;
	[tilespmem:v9+s0+$0x0] =	vst.idx.msk $0xffff, v5;
	v5 =	vadd.f32 v20, v2  }
0x234: {  	[tilespmem:v4+s0+$0x0] =	vst.idx.msk $0xffff, v14;
	v4 =	vadd.f32 v10, v2  }
0x235: {  	[tilespmem:v11+s0+$0x0] =	vst.idx.msk $0xffff, v5;
	v5 =	vadd.f32 v12, v2  }
0x236: {  	v2 =	vadd.f32 v6, v2;
	[tilespmem:v15+s0+$0x0] =	vst.idx.msk $0xffff, v4  }
0x237: {  	[tilespmem:v3+s0+$0x0] =	vst.idx.msk $0xffff, v5  }
0x238: {  	[tilespmem:v7+s0+$0x0] =	vst.idx.msk $0xffff, v2  }
0x239: {  	s14 =	simm.s32 $0x0;
	s20 =	rddreg [dreg:$0x5]  }
0x23a: {  	[hbm4b:s20+s14] =	stream.linear.scatter [tilespmem:s0], [sflag:$0x3], $0x80, $0x38;
	[tilespmem:$0xAB80] =	vst v63  }
0x23b: {  	s26 =	simm.s32 $0x6698;
	s24 =	sadd.s32 $0x10, s20  }
0x23c: {  	[hbm4b:s24+s14] =	stream.linear.scatter [tilespmem:s26], [sflag:$0x3], $0x80, $0x38;
	[tilespmem:$0xAB80] =	vst v63  }
0x23d: {  	s31 =	simm.s32 $0x67B0;
	s28 =	sadd.s32 $0x20, s20  }
0x23e: {  	[hbm4b:s28+s14] =	stream.linear.scatter [tilespmem:s31], [sflag:$0x3], $0x80, $0x38;
	[tilespmem:$0xAB80] =	vst v63  }
0x23f: {  	s24 =	sadd.s32 $0x30, s20;
	s26 =	simm.s32 $0x68C8  }
0x240: {  	[hbm4b:s24+s14] =	stream.linear.scatter [tilespmem:s26], [sflag:$0x3], $0x80, $0x38;
	[tilespmem:$0xAB80] =	vst v63  }
0x241: {  	s28 =	sadd.s32 $0x40, s20;
	s31 =	simm.s32 $0x69E0  }
0x242: {  	[hbm4b:s28+s14] =	stream.linear.scatter [tilespmem:s31], [sflag:$0x3], $0x80, $0x38;
	[tilespmem:$0xAB80] =	vst v63  }
0x243: {  	s24 =	sadd.s32 $0x50, s20;
	s26 =	simm.s32 $0x6AF8  }
0x244: {  	[hbm4b:s24+s14] =	stream.linear.scatter [tilespmem:s26], [sflag:$0x3], $0x80, $0x38;
	[tilespmem:$0xAB80] =	vst v63  }
0x245: {  	s28 =	sadd.s32 $0x60, s20;
	s31 =	simm.s32 $0x6C10  }
0x246: {  	[hbm4b:s28+s14] =	stream.linear.scatter [tilespmem:s31], [sflag:$0x3], $0x80, $0x38;
	[tilespmem:$0xAB80] =	vst v63  }
0x247: {  	s22 =	sadd.s32 $0x70, s20;
	s24 =	simm.s32 $0x6D28  }
0x248: {  	[hbm4b:s22+s14] =	stream.linear.scatter [tilespmem:s24], [sflag:$0x3], $0x80, $0x38;
	[tilespmem:$0xAB80] =	vst v63  }
0x249: {  	s20 =	rddreg [dreg:$0x6];
	s26 =	simm.s32 $0x6E40  }
0x24a: {  	[hbm4b:s20+s14] =	stream.linear.scatter [tilespmem:s26], [sflag:$0x3], $0x80, $0x38;
	[tilespmem:$0xAB80] =	vst v63  }
0x24b: {  	s28 =	sadd.s32 $0x10, s20;
	s31 =	simm.s32 $0x6F58  }
0x24c: {  	[hbm4b:s28+s14] =	stream.linear.scatter [tilespmem:s31], [sflag:$0x3], $0x80, $0x38;
	[tilespmem:$0xAB80] =	vst v63  }
0x24d: {  	s24 =	sadd.s32 $0x20, s20;
	s26 =	simm.s32 $0x7070  }
0x24e: {  	[hbm4b:s24+s14] =	stream.linear.scatter [tilespmem:s26], [sflag:$0x3], $0x80, $0x38;
	[tilespmem:$0xAB80] =	vst v63  }
0x24f: {  	s28 =	sadd.s32 $0x30, s20;
	s31 =	simm.s32 $0x7188  }
0x250: {  	[hbm4b:s28+s14] =	stream.linear.scatter [tilespmem:s31], [sflag:$0x3], $0x80, $0x38;
	[tilespmem:$0xAB80] =	vst v63  }
0x251: {  	s24 =	sadd.s32 $0x40, s20;
	s26 =	simm.s32 $0x72A0  }
0x252: {  	[hbm4b:s24+s14] =	stream.linear.scatter [tilespmem:s26], [sflag:$0x3], $0x80, $0x38;
	[tilespmem:$0xAB80] =	vst v63  }
0x253: {  	s28 =	sadd.s32 $0x50, s20;
	s31 =	simm.s32 $0x73B8  }
0x254: {  	[hbm4b:s28+s14] =	stream.linear.scatter [tilespmem:s31], [sflag:$0x3], $0x80, $0x38;
	[tilespmem:$0xAB80] =	vst v63  }
0x255: {  	s24 =	sadd.s32 $0x60, s20;
	s26 =	simm.s32 $0x74D0  }
0x256: {  	[hbm4b:s24+s14] =	stream.linear.scatter [tilespmem:s26], [sflag:$0x3], $0x80, $0x38;
	[tilespmem:$0xAB80] =	vst v63  }
0x257: {  	s28 =	sadd.s32 $0x70, s20;
	s31 =	simm.s32 $0x75E8  }
0x258: {  	[hbm4b:s28+s14] =	stream.linear.scatter [tilespmem:s31], [sflag:$0x3], $0x80, $0x38;
	[tilespmem:$0xAB80] =	vst v63  }
0x259: {  	s22 =	simm.s32 $0x7700;
	s20 =	rddreg [dreg:$0x7]  }
0x25a: {  	[hbm4b:s20+s14] =	stream.linear.scatter [tilespmem:s22], [sflag:$0x3], $0x80, $0x38;
	[tilespmem:$0xAB80] =	vst v63  }
0x25b: {  	s24 =	sadd.s32 $0x10, s20;
	s26 =	simm.s32 $0x7818  }
0x25c: {  	[hbm4b:s24+s14] =	stream.linear.scatter [tilespmem:s26], [sflag:$0x3], $0x80, $0x38;
	[tilespmem:$0xAB80] =	vst v63  }
0x25d: {  	s28 =	sadd.s32 $0x20, s20;
	s31 =	simm.s32 $0x7930  }
0x25e: {  	[hbm4b:s28+s14] =	stream.linear.scatter [tilespmem:s31], [sflag:$0x3], $0x80, $0x38;
	[tilespmem:$0xAB80] =	vst v63  }
0x25f: {  	s24 =	sadd.s32 $0x30, s20;
	s26 =	simm.s32 $0x7A48  }
0x260: {  	[hbm4b:s24+s14] =	stream.linear.scatter [tilespmem:s26], [sflag:$0x3], $0x80, $0x38;
	[tilespmem:$0xAB80] =	vst v63  }
0x261: {  	s28 =	sadd.s32 $0x40, s20;
	s31 =	simm.s32 $0x7B60  }
0x262: {  	[hbm4b:s28+s14] =	stream.linear.scatter [tilespmem:s31], [sflag:$0x3], $0x80, $0x38;
	[tilespmem:$0xAB80] =	vst v63  }
0x263: {  	s24 =	sadd.s32 $0x50, s20;
	s26 =	simm.s32 $0x7C78  }
0x264: {  	[hbm4b:s24+s14] =	stream.linear.scatter [tilespmem:s26], [sflag:$0x3], $0x80, $0x38;
	[tilespmem:$0xAB80] =	vst v63  }
0x265: {  	s28 =	sadd.s32 $0x60, s20;
	s31 =	simm.s32 $0x7D90  }
0x266: {  	[hbm4b:s28+s14] =	stream.linear.scatter [tilespmem:s31], [sflag:$0x3], $0x80, $0x38;
	[tilespmem:$0xAB80] =	vst v63  }
0x267: {  	s22 =	sadd.s32 $0x70, s20;
	s24 =	simm.s32 $0x7EA8  }
0x268: {  	[hbm4b:s22+s14] =	stream.linear.scatter [tilespmem:s24], [sflag:$0x3], $0x80, $0x38;
	[tilespmem:$0xAB80] =	vst v63  }
0x269: {  	s20 =	rddreg [dreg:$0x8];
	s26 =	simm.s32 $0x7FC0  }
0x26a: {  	[hbm4b:s20+s14] =	stream.linear.scatter [tilespmem:s26], [sflag:$0x3], $0x80, $0x38;
	[tilespmem:$0xAB80] =	vst v63  }
0x26b: {  	s28 =	sadd.s32 $0x10, s20;
	s31 =	simm.s32 $0x80D8  }
0x26c: {  	[hbm4b:s28+s14] =	stream.linear.scatter [tilespmem:s31], [sflag:$0x3], $0x80, $0x38;
	[tilespmem:$0xAB80] =	vst v63  }
0x26d: {  	s24 =	sadd.s32 $0x20, s20;
	s26 =	simm.s32 $0x81F0  }
0x26e: {  	[hbm4b:s24+s14] =	stream.linear.scatter [tilespmem:s26], [sflag:$0x3], $0x80, $0x38;
	[tilespmem:$0xAB80] =	vst v63  }
0x26f: {  	s28 =	sadd.s32 $0x30, s20;
	s31 =	simm.s32 $0x8308  }
0x270: {  	[hbm4b:s28+s14] =	stream.linear.scatter [tilespmem:s31], [sflag:$0x3], $0x80, $0x38;
	[tilespmem:$0xAB80] =	vst v63  }
0x271: {  	s24 =	sadd.s32 $0x40, s20;
	s26 =	simm.s32 $0x8420  }
0x272: {  	[hbm4b:s24+s14] =	stream.linear.scatter [tilespmem:s26], [sflag:$0x3], $0x80, $0x38;
	[tilespmem:$0xAB80] =	vst v63  }
0x273: {  	s28 =	sadd.s32 $0x50, s20;
	s31 =	simm.s32 $0x8538  }
0x274: {  	[hbm4b:s28+s14] =	stream.linear.scatter [tilespmem:s31], [sflag:$0x3], $0x80, $0x38;
	[tilespmem:$0xAB80] =	vst v63  }
0x275: {  	s24 =	sadd.s32 $0x60, s20;
	s26 =	simm.s32 $0x8650;
	s31 =	simm.s32 $0x3  }
0x276: {  	[hbm4b:s24+s14] =	stream.linear.scatter [tilespmem:s26], [sflag:$0x3], $0x80, $0x38;
	[tilespmem:$0xAB80] =	vst v63  }
0x277: {  	s28 =	sadd.s32 $0x70, s20;
	v2 =	vmov s31;
	s24 =	simm.s32 $0x8768  }
0x278: {  	v3 =	vmov s14;
	v4 =	vadd.s32 $0x88, v2;
	[hbm4b:s28+s14] =	stream.linear.scatter [tilespmem:s24], [sflag:$0x3], $0x80, $0x38;
	[tilespmem:$0xAB80] =	vst v63  }
0x279: {  	v3 =	vadd.s32 $0x88, v3;
	s20 =	simm.s32 $0x35F0;
	s26 =	simm.s32 $0x1;
	v4 =	vand.u32 $0x1FF, v4;
	v2 =	vld [tilespmem:$0x2540]  }
0x27a: {  	v3 =	vand.u32 $0x1FC, v3;
	v5 =	vmov s26;
	s28 =	simm.s32 $0x2;
	v4 =	vbroadcast v4, $0x0;
	v6 =	vld [tilespmem:s20+$0xFFFFFFF0]  }
0x27b: {  	v8 =	vbroadcast v3, $0x0;
	v5 =	vadd.s32 $0x88, v5;
	v7 =	vmov s28;
	v9 =	vld [tilespmem:s20+$0xFFFFFF90]  }
0x27c: {  	v3 =	vand.u32 $0x1FD, v5;
	v5 =	vadd.s32 $0x88, v7;
	v11 =	vadd.s32 v0, v4  }
0x27d: {  	v10 =	vbroadcast v3, $0x0;
	v3 =	vand.u32 $0x1FE, v5;
	v5 =	vadd.s32 v0, v8  }
0x27e: {  	v7 =	vld [tilespmem:s20+$0xFFFFFFB0]  }
0x27f: {  	s31 =	simm.s32 $0x4;
	v6 =	vadd.f32 v6, v2  }
0x280: {  	v15 =	vmov s31;
	v12 =	vld [tilespmem:s20+$0xFFFFFFD0];
	v14 =	vadd.s32 v0, v10;
	v9 =	vadd.f32 v9, v2  }
0x281: {  	s15 =	simm.s32 $0x5;
	v15 =	vadd.s32 $0x88, v15;
	s24 =	simm.s32 $0x7;
	v13 =	vbroadcast v3, $0x0;
	v3 =	vld [tilespmem:$0x2550];
	[tilespmem:v11+s0+$0x0] =	vst.idx.msk $0xffff, v6  }
0x282: {  	v17 =	vmov s15;
	v11 =	vand.u32 $0x1FC, v15;
	v15 =	vmov s24;
	[tilespmem:v5+s0+$0x0] =	vst.idx.msk $0xffff, v9  }
0x283: {  	v16 =	vadd.s32 v0, v13;
	v7 =	vadd.f32 v7, v2;
	v5 =	vadd.s32 $0x88, v15;
	v15 =	vld [tilespmem:s20+$0xFFFFFFA0]  }
0x284: {  	v17 =	vadd.s32 $0x88, v17;
	v19 =	vadd.s32 v1, v8;
	s22 =	simm.s32 $0x6;
	s14 =	simm.s32 $0x3670;
	v9 =	vld [tilespmem:s20+$0x0]  }
0x285: {  	v18 =	vadd.s32 v1, v4;
	v6 =	vmov s22;
	[tilespmem:v14+s0+$0x0] =	vst.idx.msk $0xffff, v7;
	v4 =	vbroadcast v11, $0x0;
	v11 =	vld [tilespmem:s14+$0xFFFFFFF0]  }
0x286: {  	v12 =	vadd.f32 v12, v2;
	v6 =	vadd.s32 $0x88, v6;
	v5 =	vand.u32 $0x1FF, v5;
	v14 =	vld [tilespmem:s20+$0xFFFFFFC0]  }
0x287: {  	v7 =	vand.u32 $0x1FD, v17;
	v17 =	vadd.s32 v1, v10;
	v5 =	vbroadcast v5, $0x0  }
0x288: {  	v20 =	vld [tilespmem:s14+$0xFFFFFF90];
	v8 =	vand.u32 $0x1FE, v6;
	v6 =	vbroadcast v7, $0x0;
	[tilespmem:v16+s0+$0x0] =	vst.idx.msk $0xffff, v12;
	v12 =	vadd.f32 v15, v3  }
0x289: {  	v61 =	vld [tilespmem:s14+$0xFFFFFFB0];
	v10 =	vadd.s32 v0, v4;
	v62 =	vadd.s32 v0, v5  }
0x28a: {  	v7 =	vbroadcast v8, $0x0;
	v8 =	vadd.s32 v0, v6;
	v9 =	vadd.f32 v9, v3;
	[tilespmem:v19+s0+$0x0] =	vst.idx.msk $0xffff, v12;
	v12 =	vld [tilespmem:s14+$0xFFFFFFD0]  }
0x28b: {  	s26 =	simm.s32 $0x8;
	v63 =	vadd.f32 v11, v2;
	v11 =	vadd.s32 v1, v13;
	v13 =	vld [tilespmem:s20+$0xFFFFFFE0];
	v15 =	vadd.f32 v14, v3  }
0x28c: {  	v14 =	vmov s26;
	[tilespmem:v18+s0+$0x0] =	vst.idx.msk $0xffff, v9;
	v9 =	vadd.s32 v0, v7  }
0x28d: {  	s31 =	simm.s32 $0xA;
	s28 =	simm.s32 $0x9;
	v16 =	vadd.s32 $0x88, v14;
	v14 =	vadd.f32 v20, v2;
	[tilespmem:v17+s0+$0x0] =	vst.idx.msk $0xffff, v15  }
0x28e: {  	s24 =	simm.s32 $0xB;
	s22 =	simm.s32 $0xC;
	s20 =	simm.s32 $0x3670;
	v18 =	vmov s28;
	v17 =	vmov s31;
	v15 =	vadd.f32 v61, v2;
	[tilespmem:v62+s0+$0x0] =	vst.idx.msk $0xffff, v63  }
.LBB2_14:
0x28f: {  	p0 =	slt.u32 s22, $0x7C;
	v16 =	vand.u32 $0x1FC, v16;
	v19 =	vmov s24;
	[tilespmem:v10+s0+$0x0] =	vst.idx.msk $0xffff, v14;
	v10 =	vadd.f32 v12, v2;
	v12 =	vld [tilespmem:s14+$0x0]  }
0x290: {  	v14 =	vadd.s32 $0x88, v18;
	v18 =	vadd.s32 $0x88, v19;
	v19 =	vld [tilespmem:s14+$0xFFFFFFA0];
	[tilespmem:v8+s0+$0x0] =	vst.idx.msk $0xffff, v15;
	v8 =	vadd.f32 v13, v3  }
0x291: {  	v13 =	vadd.s32 $0x88, v17;
	s14 =	sadd.s32 $0x80, s14;
	v15 =	vand.u32 $0x1FF, v18;
	v17 =	vld [tilespmem:s20+$0xFFFFFFC0];
	[tilespmem:v9+s0+$0x0] =	vst.idx.msk $0xffff, v10;
	v9 =	vadd.s32 v1, v5  }
0x292: {  	v18 =	vld [tilespmem:s14+$0xFFFFFFF0];
	v5 =	vbroadcast v15, $0x0;
	v15 =	vadd.s32 v1, v4;
	v4 =	vbroadcast v16, $0x0;
	[tilespmem:v11+s0+$0x0] =	vst.idx.msk $0xffff, v8  }
0x293: {  	v20 =	vadd.s32 v1, v6;
	v13 =	vand.u32 $0x1FE, v13;
	v8 =	vand.u32 $0x1FD, v14;
	v11 =	vld [tilespmem:s14+$0xFFFFFF90]  }
0x294: {  	v6 =	vbroadcast v8, $0x0;
	v21 =	vld [tilespmem:s14+$0xFFFFFFB0];
	v22 =	vadd.s32 v0, v5;
	v14 =	vadd.f32 v12, v3  }
.Ltmp6:
0x295: {  	v23 =	vbroadcast v13, $0x0;
	v10 =	vadd.s32 v0, v4;
	v12 =	vld [tilespmem:s14+$0xFFFFFFD0];
	v16 =	vadd.f32 v19, v3;
	(pc) =	sbr.rel @p0 .LBB2_14-.Ltmp6, $4  }
0x296: {  	v8 =	vadd.s32 v0, v6;
	v17 =	vadd.f32 v17, v3;
	v13 =	vld [tilespmem:s20+$0xFFFFFFE0];
	[tilespmem:v9+s0+$0x0] =	vst.idx.msk $0xffff, v14;
	s20 =	smov.u32 s14  }
0x297: {  	v14 =	vmov s22;
	v9 =	vadd.s32 v0, v23;
	v19 =	vadd.f32 v18, v2;
	[tilespmem:v15+s0+$0x0] =	vst.idx.msk $0xffff, v16  }
0x298: {  	s15 =	sadd.s32 $0x1, s22;
	s24 =	sadd.s32 $0x2, s22;
	v16 =	vadd.s32 $0x88, v14;
	v14 =	vadd.f32 v11, v2;
	[tilespmem:v20+s0+$0x0] =	vst.idx.msk $0xffff, v17;
	v11 =	vadd.s32 v1, v7  }
0x299: {  	v18 =	vmov s15;
	v17 =	vmov s24;
	s24 =	sadd.s32 $0x3, s22;
	s22 =	sadd.s32 $0x4, s22;
	v7 =	vmovc v23;
	v15 =	vadd.f32 v21, v2;
	[tilespmem:v22+s0+$0x0] =	vst.idx.msk $0xffff, v19  }
0x29a: {  	v19 =	vmov s24  }
0x29b: {  	s15 =	sadd.s32 $0x80, s14;
	v16 =	vand.u32 $0x1FC, v16;
	v19 =	vadd.s32 $0x88, v19  }
0x29c: {  	v18 =	vadd.s32 $0x88, v18;
	v16 =	vbroadcast v16, $0x0;
	v21 =	vld [tilespmem:s15+$0xFFFFFF90];
	v19 =	vand.u32 $0x1FF, v19  }
0x29d: {  	v17 =	vadd.s32 $0x88, v17;
	v20 =	vld [tilespmem:s15+$0xFFFFFFF0];
	v18 =	vand.u32 $0x1FD, v18;
	v19 =	vbroadcast v19, $0x0  }
0x29e: {  	v17 =	vand.u32 $0x1FE, v17;
	v22 =	vld [tilespmem:s15+$0xFFFFFFB0];
	v18 =	vbroadcast v18, $0x0;
	v42 =	vadd.s32 v0, v16  }
0x29f: {  	[tilespmem:v10+s0+$0x0] =	vst.idx.msk $0xffff, v14;
	v41 =	vadd.f32 v12, v2;
	v43 =	vld [tilespmem:s15+$0xFFFFFFD0];
	v17 =	vbroadcast v17, $0x0;
	v23 =	vadd.s32 v0, v19  }
0x2a0: {  	v24 =	vld [tilespmem:s14+$0x0];
	[tilespmem:v8+s0+$0x0] =	vst.idx.msk $0xffff, v15;
	v44 =	vadd.f32 v13, v3;
	v45 =	vadd.s32 v0, v18  }
0x2a1: {  	v46 =	vld [tilespmem:s14+$0xFFFFFFA0];
	[tilespmem:v9+s0+$0x0] =	vst.idx.msk $0xffff, v41;
	v47 =	vadd.s32 v0, v17;
	v50 =	vadd.f32 v21, v2  }
0x2a2: {  	v5 =	vadd.s32 v1, v5;
	v49 =	vld [tilespmem:s20+$0xFFFFFFC0];
	[tilespmem:v11+s0+$0x0] =	vst.idx.msk $0xffff, v44;
	v48 =	vadd.f32 v20, v2  }
0x2a3: {  	v4 =	vadd.s32 v1, v4;
	v51 =	vld [tilespmem:s20+$0xFFFFFFE0];
	v52 =	vadd.f32 v22, v2;
	[tilespmem:v42+s0+$0x0] =	vst.idx.msk $0xffff, v50  }
0x2a4: {  	v6 =	vadd.s32 v1, v6;
	v2 =	vadd.f32 v43, v2;
	v55 =	vld [tilespmem:s15+$0xFFFFFFA0];
	[tilespmem:v23+s0+$0x0] =	vst.idx.msk $0xffff, v48  }
0x2a5: {  	v7 =	vadd.s32 v1, v7;
	v54 =	vadd.f32 v24, v3;
	[tilespmem:v45+s0+$0x0] =	vst.idx.msk $0xffff, v52;
	v53 =	vld [tilespmem:s15+$0x0]  }
0x2a6: {  	v57 =	vadd.s32 v1, v16;
	v56 =	vadd.f32 v46, v3;
	[tilespmem:v47+s0+$0x0] =	vst.idx.msk $0xffff, v2;
	v13 =	vld [tilespmem:s15+$0xFFFFFFC0]  }
0x2a7: {  	v8 =	vadd.f32 v49, v3;
	[tilespmem:v5+s0+$0x0] =	vst.idx.msk $0xffff, v54;
	v2 =	vadd.s32 v1, v19;
	v9 =	vld [tilespmem:s15+$0xFFFFFFE0]  }
0x2a8: {  	v59 =	vadd.s32 v1, v18;
	[tilespmem:v4+s0+$0x0] =	vst.idx.msk $0xffff, v56;
	v58 =	vadd.f32 v51, v3  }
0x2a9: {  	v61 =	vadd.s32 v1, v17;
	[tilespmem:v6+s0+$0x0] =	vst.idx.msk $0xffff, v8;
	v62 =	vadd.f32 v55, v3  }
0x2aa: {  	[tilespmem:v7+s0+$0x0] =	vst.idx.msk $0xffff, v58;
	v60 =	vadd.f32 v53, v3  }
0x2ab: {  	v63 =	vadd.f32 v13, v3;
	[tilespmem:v57+s0+$0x0] =	vst.idx.msk $0xffff, v62  }
0x2ac: {  	[tilespmem:v2+s0+$0x0] =	vst.idx.msk $0xffff, v60;
	v2 =	vadd.f32 v9, v3  }
0x2ad: {  	[tilespmem:v59+s0+$0x0] =	vst.idx.msk $0xffff, v63  }
0x2ae: {  	[tilespmem:v61+s0+$0x0] =	vst.idx.msk $0xffff, v2  }
0x2af: {  	s31 =	simm.s32 $0x6608;
	s15 =	rddreg [dreg:$0x9]  }
0x2b0: {  	[hbm4b:s15+s3] =	stream.linear.scatter [tilespmem:s31], [sflag:$0x3], $0x80, $0x38;
	[tilespmem:$0xAB80] =	vst v63  }
0x2b1: {  	s22 =	simm.s32 $0x6720;
	s20 =	sadd.s32 $0x10, s15  }
0x2b2: {  	[hbm4b:s20+s3] =	stream.linear.scatter [tilespmem:s22], [sflag:$0x3], $0x80, $0x38;
	[tilespmem:$0xAB80] =	vst v63  }
0x2b3: {  	s26 =	simm.s32 $0x6838;
	s24 =	sadd.s32 $0x20, s15  }
0x2b4: {  	[hbm4b:s24+s3] =	stream.linear.scatter [tilespmem:s26], [sflag:$0x3], $0x80, $0x38;
	[tilespmem:$0xAB80] =	vst v63  }
0x2b5: {  	s28 =	sadd.s32 $0x30, s15;
	s31 =	simm.s32 $0x6950  }
0x2b6: {  	[hbm4b:s28+s3] =	stream.linear.scatter [tilespmem:s31], [sflag:$0x3], $0x80, $0x38;
	[tilespmem:$0xAB80] =	vst v63  }
0x2b7: {  	s20 =	sadd.s32 $0x40, s15;
	s22 =	simm.s32 $0x6A68  }
0x2b8: {  	[hbm4b:s20+s3] =	stream.linear.scatter [tilespmem:s22], [sflag:$0x3], $0x80, $0x38;
	[tilespmem:$0xAB80] =	vst v63  }
0x2b9: {  	s24 =	sadd.s32 $0x50, s15;
	s26 =	simm.s32 $0x6B80  }
0x2ba: {  	[hbm4b:s24+s3] =	stream.linear.scatter [tilespmem:s26], [sflag:$0x3], $0x80, $0x38;
	[tilespmem:$0xAB80] =	vst v63  }
0x2bb: {  	s28 =	sadd.s32 $0x60, s15;
	s31 =	simm.s32 $0x6C98  }
0x2bc: {  	[hbm4b:s28+s3] =	stream.linear.scatter [tilespmem:s31], [sflag:$0x3], $0x80, $0x38;
	[tilespmem:$0xAB80] =	vst v63  }
0x2bd: {  	s15 =	sadd.s32 $0x70, s15;
	s20 =	simm.s32 $0x6DB0  }
0x2be: {  	[hbm4b:s15+s3] =	stream.linear.scatter [tilespmem:s20], [sflag:$0x3], $0x80, $0x38;
	[tilespmem:$0xAB80] =	vst v63  }
0x2bf: {  	s22 =	simm.s32 $0x6EC8;
	s15 =	rddreg [dreg:$0xa]  }
0x2c0: {  	[hbm4b:s15+s3] =	stream.linear.scatter [tilespmem:s22], [sflag:$0x3], $0x80, $0x38;
	[tilespmem:$0xAB80] =	vst v63  }
0x2c1: {  	s26 =	simm.s32 $0x6FE0;
	s24 =	sadd.s32 $0x10, s15  }
0x2c2: {  	[hbm4b:s24+s3] =	stream.linear.scatter [tilespmem:s26], [sflag:$0x3], $0x80, $0x38;
	[tilespmem:$0xAB80] =	vst v63  }
0x2c3: {  	s31 =	simm.s32 $0x70F8;
	s28 =	sadd.s32 $0x20, s15  }
0x2c4: {  	[hbm4b:s28+s3] =	stream.linear.scatter [tilespmem:s31], [sflag:$0x3], $0x80, $0x38;
	[tilespmem:$0xAB80] =	vst v63  }
0x2c5: {  	s20 =	sadd.s32 $0x30, s15;
	s22 =	simm.s32 $0x7210  }
0x2c6: {  	[hbm4b:s20+s3] =	stream.linear.scatter [tilespmem:s22], [sflag:$0x3], $0x80, $0x38;
	[tilespmem:$0xAB80] =	vst v63  }
0x2c7: {  	s24 =	sadd.s32 $0x40, s15;
	s26 =	simm.s32 $0x7328  }
0x2c8: {  	[hbm4b:s24+s3] =	stream.linear.scatter [tilespmem:s26], [sflag:$0x3], $0x80, $0x38;
	[tilespmem:$0xAB80] =	vst v63  }
0x2c9: {  	s28 =	sadd.s32 $0x50, s15;
	s31 =	simm.s32 $0x7440  }
0x2ca: {  	[hbm4b:s28+s3] =	stream.linear.scatter [tilespmem:s31], [sflag:$0x3], $0x80, $0x38;
	[tilespmem:$0xAB80] =	vst v63  }
0x2cb: {  	s22 =	sadd.s32 $0x60, s15;
	s24 =	simm.s32 $0x7558  }
0x2cc: {  	[hbm4b:s22+s3] =	stream.linear.scatter [tilespmem:s24], [sflag:$0x3], $0x80, $0x38;
	[tilespmem:$0xAB80] =	vst v63  }
0x2cd: {  	s26 =	sadd.s32 $0x70, s15;
	s28 =	simm.s32 $0x7670  }
0x2ce: {  	[hbm4b:s26+s3] =	stream.linear.scatter [tilespmem:s28], [sflag:$0x3], $0x80, $0x38;
	[tilespmem:$0xAB80] =	vst v63  }
0x2cf: {  	s15 =	rddreg [dreg:$0xb];
	s31 =	simm.s32 $0x7788  }
0x2d0: {  	[hbm4b:s15+s3] =	stream.linear.scatter [tilespmem:s31], [sflag:$0x3], $0x80, $0x38;
	[tilespmem:$0xAB80] =	vst v63  }
0x2d1: {  	s20 =	sadd.s32 $0x10, s15;
	s22 =	simm.s32 $0x78A0  }
0x2d2: {  	[hbm4b:s20+s3] =	stream.linear.scatter [tilespmem:s22], [sflag:$0x3], $0x80, $0x38;
	[tilespmem:$0xAB80] =	vst v63  }
0x2d3: {  	s24 =	sadd.s32 $0x20, s15;
	s26 =	simm.s32 $0x79B8  }
0x2d4: {  	[hbm4b:s24+s3] =	stream.linear.scatter [tilespmem:s26], [sflag:$0x3], $0x80, $0x38;
	[tilespmem:$0xAB80] =	vst v63  }
0x2d5: {  	s28 =	sadd.s32 $0x30, s15;
	s31 =	simm.s32 $0x7AD0  }
0x2d6: {  	[hbm4b:s28+s3] =	stream.linear.scatter [tilespmem:s31], [sflag:$0x3], $0x80, $0x38;
	[tilespmem:$0xAB80] =	vst v63  }
0x2d7: {  	s20 =	sadd.s32 $0x40, s15;
	s22 =	simm.s32 $0x7BE8  }
0x2d8: {  	[hbm4b:s20+s3] =	stream.linear.scatter [tilespmem:s22], [sflag:$0x3], $0x80, $0x38;
	[tilespmem:$0xAB80] =	vst v63  }
0x2d9: {  	s24 =	sadd.s32 $0x50, s15;
	s26 =	simm.s32 $0x7D00  }
0x2da: {  	[hbm4b:s24+s3] =	stream.linear.scatter [tilespmem:s26], [sflag:$0x3], $0x80, $0x38;
	[tilespmem:$0xAB80] =	vst v63  }
0x2db: {  	s28 =	sadd.s32 $0x60, s15;
	s31 =	simm.s32 $0x7E18  }
0x2dc: {  	[hbm4b:s28+s3] =	stream.linear.scatter [tilespmem:s31], [sflag:$0x3], $0x80, $0x38;
	[tilespmem:$0xAB80] =	vst v63  }
0x2dd: {  	s15 =	sadd.s32 $0x70, s15;
	s20 =	simm.s32 $0x7F30  }
0x2de: {  	[hbm4b:s15+s3] =	stream.linear.scatter [tilespmem:s20], [sflag:$0x3], $0x80, $0x38;
	[tilespmem:$0xAB80] =	vst v63  }
0x2df: {  	s22 =	simm.s32 $0x8048;
	s15 =	rddreg [dreg:$0xc]  }
0x2e0: {  	[hbm4b:s15+s3] =	stream.linear.scatter [tilespmem:s22], [sflag:$0x3], $0x80, $0x38;
	[tilespmem:$0xAB80] =	vst v63  }
0x2e1: {  	s26 =	simm.s32 $0x8160;
	s24 =	sadd.s32 $0x10, s15  }
0x2e2: {  	[hbm4b:s24+s3] =	stream.linear.scatter [tilespmem:s26], [sflag:$0x3], $0x80, $0x38;
	[tilespmem:$0xAB80] =	vst v63  }
0x2e3: {  	s31 =	simm.s32 $0x8278;
	s28 =	sadd.s32 $0x20, s15  }
0x2e4: {  	[hbm4b:s28+s3] =	stream.linear.scatter [tilespmem:s31], [sflag:$0x3], $0x80, $0x38;
	[tilespmem:$0xAB80] =	vst v63  }
0x2e5: {  	s20 =	sadd.s32 $0x30, s15;
	s22 =	simm.s32 $0x8390  }
0x2e6: {  	[hbm4b:s20+s3] =	stream.linear.scatter [tilespmem:s22], [sflag:$0x3], $0x80, $0x38;
	[tilespmem:$0xAB80] =	vst v63  }
0x2e7: {  	s24 =	sadd.s32 $0x40, s15;
	s26 =	simm.s32 $0x84A8  }
0x2e8: {  	[hbm4b:s24+s3] =	stream.linear.scatter [tilespmem:s26], [sflag:$0x3], $0x80, $0x38;
	[tilespmem:$0xAB80] =	vst v63  }
0x2e9: {  	s28 =	sadd.s32 $0x50, s15;
	s31 =	simm.s32 $0x85C0  }
0x2ea: {  	[hbm4b:s28+s3] =	stream.linear.scatter [tilespmem:s31], [sflag:$0x3], $0x80, $0x38;
	[tilespmem:$0xAB80] =	vst v63  }
0x2eb: {  	s20 =	sadd.s32 $0x60, s15;
	s22 =	simm.s32 $0x86D8  }
0x2ec: {  	[hbm4b:s20+s3] =	stream.linear.scatter [tilespmem:s22], [sflag:$0x3], $0x80, $0x38;
	[tilespmem:$0xAB80] =	vst v63  }
0x2ed: {  	s24 =	sadd.s32 $0x70, s15;
	s26 =	simm.s32 $0x87F0  }
0x2ee: {  	[hbm4b:s24+s3] =	stream.linear.scatter [tilespmem:s26], [sflag:$0x3], $0x80, $0x38;
	[tilespmem:$0xAB80] =	vst v63  }
0x2ef: {  	_ =	swait.ge [sflag:s13], $0x2000  }
0x2f0: {  	[sflag:s13] =	ssyncset.done $0x0  }
0x2f1: {  	[sflag:s13] =	ssyncadd.s32 $0xFFFFE000  }
0x2f2: {  	_ =	swait.ge [sflag:s25], $0x2000  }
0x2f3: {  	s28 =	rddreg [dreg:$0xe]  }
0x2f4: {  	s31 =	rddreg [dreg:$0xd];
	s15 =	sadd.s32 $0x1, s28  }
0x2f5: {  	p0 =	sne.s32 s15, s31  }
.Ltmp7:
0x2f6: {  	_ = 	snop;
	(pc) =	sbr.rel @p0 .LBB2_1-.Ltmp7, $3  }
0x2f7: {  	_ =	sdelay $0x1  }
0x2f8: {  	[sflag:s25] =	ssyncset.done $0x0  }
0x2f9: {  	[sflag:s25] =	ssyncadd.s32 $0xFFFFE000  }
0x2fa: {  	_ =	sfence.sel $0x180000  }
0x2fb: {  	[bflag:$0x0] =	sbarrier.arrive $0xFFFF  }
0x2fc: {  	_ =	strace $0x90000047  }
0x2fd: {  	s0 =	stileid.u32;
	[bflag:$0x2] =	sbarrier.arrive $0xFFFF  }
0x2fe: {  	p0 =	sne.s32 s0, $0x0;
	s0 =	rddreg [dreg:$0x2]  }
0x2ff: {  	s0 =	sadd.s32 @!p0 $0x100000, s0  }
0x300: {  	[sflag:s0] =	ssyncadd.tile.s32 @!p0 $0x1;
	_ =	shalt  }
.Lfunc_end2:
_tile_overlayer_lowered:
.L_overlay_start_2:
0x301: {  	(tag) =	ssettag $0x2  }
0x302: {  	s0 =	rddreg [dreg:$0x0];
	s2 =	stileid.u32  }
0x303: {  	s1 =	rddreg [dreg:$0x1];
	p0 =	sne.s32 s2, $0x0  }
0x304: {  	s3 =	rddreg [dreg:$0x2];
	[bflag:$0x3] =	sbarrier.arrive $0xFFFF;
	s2 =	simm.s32 @!p0 $0x1C05  }
0x305: {  	[timem:s3], [sflag:s2] =	dma.local @!p0 [hbm:s0], s1  }
0x306: {  	s0 =	simm.s32 @!p0 $0x5  }
0x307: {  	_ =	swait.ge @!p0 [sflag:s0], s1  }
0x308: {  	s1 =	ssub.s32 @!p0 $0x0, s1;
	[sflag:s0] =	ssyncset.done @!p0 $0x0  }
0x309: {  	[sflag:s0] =	ssyncadd.s32 @!p0 s1  }
0x30a: {  	[bflag:$0x3] =	sbarrier.arrive $0xFFFF  }
0x30b: {  	_ =	shalt  }

// kernel: _tok_pos_embed.7.cloned.1.call-start
scs
__scs_entry_jumppad:
0x0: {  	(pc) =	sbr.rel $0x88, $3  }
0x1: {  	(tag) =	ssettag $0x0;
	lr =	simm.s32 $0x1  }
0x2: {  	[smem:$0x3F9E] =	sst lr;
	_ =	strace $0xD0000000  }
0x3: {  	_ = 	snop  }
0x4: {  	_ = 	snop  }
0x5: {  	_ = 	snop  }
0x6: {  	_ = 	snop  }
0x7: {  	_ = 	snop  }
__scs_overlays_trampoline_lowered:
0x8: {  	[smem:$0x3FAD] =	sst s0  }
0x9: {  	[smem:$0x3FAE] =	sst s1  }
0xa: {  	[smem:$0x3FAF] =	sst s2  }
0xb: {  	[smem:$0x3FB0] =	sst s3  }
0xc: {  	[smem:$0x3FB1] =	sst s4  }
0xd: {  	[smem:$0x3FB2] =	sst s5  }
0xe: {  	[smem:$0x3FB3] =	sst s6  }
0xf: {  	[smem:$0x3FB4] =	sst s7  }
0x10: {  	[smem:$0x3FB5] =	sst s8  }
0x11: {  	[smem:$0x3FB6] =	sst s9;
	s0 =	simm.s32 @!p0 $0x0  }
0x12: {  	s1 =	sld [smem:$0x3F9C];
	s0 =	simm.s32 @p0 $0x1  }
0x13: {  	[smem:$0x3FB7] =	sst s0;
	s0 =	simm.s32 @!p1 $0x0  }
0x14: {  	s2 =	sld [smem:$0x3F9B];
	s0 =	simm.s32 @p1 $0x1  }
0x15: {  	[smem:$0x3FB8] =	sst s0;
	s0 =	simm.s32 @!p2 $0x0  }
0x16: {  	s3 =	sld [smem:$0x3FDB];
	s0 =	simm.s32 @p2 $0x1  }
0x17: {  	s4 =	simm.s32 $0x1BF5;
	[smem:$0x3FBA] =	sst s0  }
0x18: {  	s0 =	sld [smem:$0x3F9D];
	_ =	swait.ge [sflag:s4], $0x0  }
0x19: {  	s7 =	sld [smem:$0x3F9E]  }
0x1a: {  	s8 =	sadd.s32 $0xFFFFE003, lr  }
0x1b: {  	s9 =	sadd.s32 $0xFFFFFEF7, lr;
	s5 =	simm.s32 $0xFFFFFFFF;
	p2 =	slt.u32 s8, $0xFFFFF086  }
0x1c: {  	p1 =	slt.u32 s9, $0xF7A;
	s5 =	simm.s32 @!p2 $0x0  }
0x1d: {  	s5 =	simm.s32 @p1 $0x1;
	p0 =	seq.s32 s7, s2  }
0x1e: {  	s7 =	smul.u32 @!p0 $0xF7A, s2;
	p2 =	seq.s32 @!p0 s5, $0x0  }
0x1f: {  	s9 =	smul.u32 $0xF7A, s1;
	s8 =	simm.s32 @!p0 $0x1BF5;
	p2 =	por !p2, p0  }
0x20: {  	[sflag:s8] =	ssyncset.s32 @!p0 $0xFFFFF086;
	s6 =	sadd.s32 @!p0 s3, s7;
	s7 =	simm.s32 @!p0 $0x108  }
0x21: {  	s3 =	sadd.s32 s3, s9;
	s6 =	sadd.s32 @!p0 $0x88, s6;
	s7 =	simm.s32 @p2 $0x1082  }
0x22: {  	[simem:s7], [sflag:s8] =	dma.local @!p0 [hbm:s6], $0xF7A  }
0x23: {  	s9 =	sor.u32 $0xD0000000, s2;
	s6 =	simm.s32 $0x108;
	_ =	swait.ge @!p0 [sflag:s8], $0x0  }
0x24: {  	s3 =	sadd.s32 $0x88, s3;
	s6 =	simm.s32 @!p1 $0x1082;
	[sflag:s4] =	ssyncset.s32 $0xFFFFF086  }
0x25: {  	[simem:s6], [sflag:s4] =	dma.local [hbm:s3], $0xF7A  }
0x26: {  	[smem:$0x3F9E] =	sst s1;
	(tag) =	ssettag s2;
	_ =	strace s9  }
0x27: {  	s1 =	sld [smem:$0x3FAE]  }
0x28: {  	s2 =	sld [smem:$0x3FAF]  }
0x29: {  	s4 =	sld [smem:$0x3FB1]  }
0x2a: {  	p0 =	seq.s32 s5, $0x0;
	s5 =	sld [smem:$0x3FB2]  }
0x2b: {  	s6 =	sld [smem:$0x3FB3]  }
0x2c: {  	s7 =	sld [smem:$0x3FB4]  }
0x2d: {  	s3 =	simm.s32 $0x108;
	s8 =	sld [smem:$0x3FB5]  }
0x2e: {  	s3 =	simm.s32 @!p0 $0x1082;
	s9 =	sld [smem:$0x3FB6]  }
0x2f: {  	lr =	sadd.s32 s0, s3;
	s0 =	sld [smem:$0x3FAD]  }
0x30: {  	s3 =	sld [smem:$0x3FB0]  }
0x31: {  	[smem:$0x3FB9] =	sst s10  }
0x32: {  	s10 =	sld [smem:$0x3FB7];
	_ =	sdelay $0x3  }
0x33: {  	p0 =	seq.s32 s10, $0x1;
	s10 =	sld [smem:$0x3FB9];
	_ =	sdelay $0x3  }
0x34: {  	[smem:$0x3FB9] =	sst s10  }
0x35: {  	s10 =	sld [smem:$0x3FB8];
	_ =	sdelay $0x3  }
0x36: {  	p1 =	seq.s32 s10, $0x1;
	s10 =	sld [smem:$0x3FB9];
	_ =	sdelay $0x3  }
0x37: {  	[smem:$0x3FB9] =	sst s10  }
0x38: {  	s10 =	sld [smem:$0x3FBA]  }
0x39: {  	_ = 	snop;
	(pc) =	sbr.ind lr, $3  }
0x3a: {  	_ = 	snop  }
0x3b: {  	_ = 	snop  }
0x3c: {  	p2 =	seq.s32 s10, $0x1;
	s10 =	sld [smem:$0x3FB9]  }
0x3d: {  	_ =	shalt  }
0x3e: {  	_ =	shalt  }
0x3f: {  	_ =	shalt  }
0x40: {  	_ =	shalt  }
0x41: {  	_ =	shalt  }
0x42: {  	_ =	shalt  }
0x43: {  	_ =	shalt  }
0x44: {  	_ =	shalt  }
0x45: {  	_ =	shalt  }
0x46: {  	_ =	shalt  }
0x47: {  	_ =	shalt  }
0x48: {  	_ =	shalt  }
0x49: {  	_ =	shalt  }
0x4a: {  	_ =	shalt  }
0x4b: {  	_ =	shalt  }
0x4c: {  	_ =	shalt  }
0x4d: {  	_ =	shalt  }
0x4e: {  	_ =	shalt  }
0x4f: {  	_ =	shalt  }
0x50: {  	_ =	shalt  }
0x51: {  	_ =	shalt  }
0x52: {  	_ =	shalt  }
0x53: {  	_ =	shalt  }
0x54: {  	_ =	shalt  }
0x55: {  	_ =	shalt  }
0x56: {  	_ =	shalt  }
0x57: {  	_ =	shalt  }
0x58: {  	_ =	shalt  }
0x59: {  	_ =	shalt  }
0x5a: {  	_ =	shalt  }
0x5b: {  	_ =	shalt  }
0x5c: {  	_ =	shalt  }
0x5d: {  	_ =	shalt  }
0x5e: {  	_ =	shalt  }
0x5f: {  	_ =	shalt  }
0x60: {  	_ =	shalt  }
0x61: {  	_ =	shalt  }
0x62: {  	_ =	shalt  }
0x63: {  	_ =	shalt  }
0x64: {  	_ =	shalt  }
0x65: {  	_ =	shalt  }
0x66: {  	_ =	shalt  }
0x67: {  	_ =	shalt  }
0x68: {  	_ =	shalt  }
0x69: {  	_ =	shalt  }
0x6a: {  	_ =	shalt  }
0x6b: {  	_ =	shalt  }
0x6c: {  	_ =	shalt  }
0x6d: {  	_ =	shalt  }
0x6e: {  	_ =	shalt  }
0x6f: {  	_ =	shalt  }
0x70: {  	_ =	shalt  }
0x71: {  	_ =	shalt  }
0x72: {  	_ =	shalt  }
0x73: {  	_ =	shalt  }
0x74: {  	_ =	shalt  }
0x75: {  	_ =	shalt  }
0x76: {  	_ =	shalt  }
0x77: {  	_ =	shalt  }
0x78: {  	_ =	shalt  }
0x79: {  	_ =	shalt  }
0x7a: {  	_ =	shalt  }
0x7b: {  	_ =	shalt  }
0x7c: {  	_ =	shalt  }
0x7d: {  	_ =	shalt  }
0x7e: {  	_ =	shalt  }
0x7f: {  	_ =	shalt  }
0x80: {  	_ =	shalt  }
0x81: {  	_ =	shalt  }
0x82: {  	_ =	shalt  }
0x83: {  	_ =	shalt  }
0x84: {  	_ =	shalt  }
0x85: {  	_ =	shalt  }
0x86: {  	_ =	shalt  }
0x87: {  	_ =	shalt  }
.Lfunc_end0:
.L_simem_size_0:
called_computation.1_lowered:
.L_overlay_start_0:
0x88: {  	s2 =	sld [smem:$0x3FD9]  }
0x89: {  	s3 =	sld [smem:$0x3FFE];
	_ =	sdelay $0x1  }
0x8a: {  	s1 =	srdreg.scid  }
0x8b: {  	s0 =	sand.u32 $0x1, s1  }
0x8c: {  	s17 =	sshll.u32 s0, $0xA;
	s2 =	sadd.s32 s3, s2  }
0x8d: {  	s2 =	sadd.s32 s2, s17  }
0x8e: {  	[smem:$0x3FC5] =	sst s2  }
0x8f: {  	_ = 	snop  }
0x90: {  	s2 =	sld [smem:$0x3FD0];
	(tm) =	ssettm $0x1  }
0x91: {  	s18 =	sld [smem:$0x3FFB];
	_ =	sdelay $0x3  }
0x92: {  	_ =	strace s18  }
0x93: {  	s3 =	sld [smem:$0x3FFC];
	_ =	sdelay $0x3  }
0x94: {  	_ =	strace s3  }
0x95: {  	s3 =	sld [smem:$0x3FFD];
	_ =	sdelay $0x3  }
0x96: {  	_ =	strace s3  }
0x97: {  	_ =	strace $0x8FFFFFFF  }
0x98: {  	s19 =	sld [smem:$0x3FDB];
	_ =	sdelay $0x1  }
0x99: {  	s4 =	simm.s32 $_scs_section_size  }
0x9a: {  	s5 =	simm.s32 $_size__tile_overlayer_lowered;
	s6 =	simm.s32 $_tile_overlayer_lowered  }
0x9b: {  	s22 =	simm.s32 $0x1BFF;
	s21 =	sshll.u32 s6, $0x1;
	s3 =	sadd.s32 s4, s19  }
0x9c: {  	s7 =	simm.s32 $0x0;
	s20 =	sshll.u32 s5, $0x1;
	s5 =	sadd.s32 s21, s3  }
0x9d: {  	[timem:s7], [sflag:s22] =	dma.local [hbm:s5], s20  }
0x9e: {  	_ =	swait.ge [sflag:s22], s20  }
0x9f: {  	s4 =	ssub.s32 $0x0, s20;
	[sflag:s22] =	ssyncset.done $0x0  }
0xa0: {  	[sflag:s22] =	ssyncadd.s32 s4;
	_ =	sdelay $0x1  }
0xa1: {  	s23 =	simm.s32 $0x1B8B  }
0xa2: {  	_ =	swait.ge [sflag:s23], $0x1  }
0xa3: {  	[sflag:s23] =	ssyncset.done $0x0  }
0xa4: {  	s25 =	simm.s32 $0x1B8E;
	s24 =	sld [smem:$0x3FFE];
	[sflag:s23] =	ssyncadd.s32 $0xFFFFFFFF  }
0xa5: {  	s26 =	simm.s32 $execute0_lowered;
	[smem:$0x3FD2] =	sst s25  }
0xa6: {  	s5 =	sshll.u32 s26, $0x1;
	_ =	strace $0x80000049;
	[dreg:$0x1] =	wrdreg $0xFFFFFFFF  }
0xa7: {  	s28 =	simm.s32 $_size_execute0_lowered;
	s3 =	sadd.s32 s3, s5;
	[dreg:$0x0] =	wrdreg $0x0  }
0xa8: {  	s5 =	sshll.u32 s28, $0x1;
	[dreg:$0x2] =	wrdreg s3  }
0xa9: {  	[dreg:$0x3] =	wrdreg s5  }
0xaa: {  	[dreg:$0x4] =	wrdreg $0xC0  }
0xab: {  	_ =	task [dreg:s7], $0x5FFFF  }
0xac: {  	[dreg:$0x1] =	wrdreg $0xFFFFFFFF  }
0xad: {  	[dreg:$0x0] =	wrdreg $0x60  }
0xae: {  	[dreg:$0x2] =	wrdreg s24  }
0xaf: {  	[dreg:$0x3] =	wrdreg s2  }
0xb0: {  	[dreg:$0x4] =	wrdreg $0x9  }
0xb1: {  	_ =	task.clear_ibuf [dreg:s7], $0x5FFFF;
	_ =	strace $0x90000049  }
0xb2: {  	s29 =	simm.s32 $0x9;
	_ =	strace $0x8000004B  }
0xb3: {  	_ =	swait.ge [sflag:s29], $0x1  }
0xb4: {  	[sflag:s29] =	ssyncadd.s32 $0xFFFFFFFF  }
0xb5: {  	_ =	strace $0x9000004B  }
0xb6: {  	_ =	sfence  }
0xb7: {  	s30 =	sld [smem:$0x0];
	_ =	sdelay $0x2  }
0xb8: {  	s31 =	sshll.u32 s1, $0xD;
	s1 =	sshrl.u32 s1, $0x2  }
0xb9: {  	s3 =	sand.u32 $0x4000, s31;
	s1 =	sadd.s32 s1, s30  }
0xba: {  	s0 =	sor.u32 s3, s0;
	s1 =	sshll.u32 s1, $0x11  }
0xbb: {  	s0 =	sor.u32 s1, s0  }
0xbc: {  	s0 =	sadd.s32 $0x8F2B, s0  }
0xbd: {  	[sflag:s0] =	ssyncadd.remote.s32 $0x1  }
0xbe: {  	_ =	sfence.sel $0xFFFF  }
0xbf: {  	[dreg:$0x0] =	wrdreg $0xFFFFFFFF;
	(pc) =	sbr.abs _section_cstart, $3  }
0xc0: {  	[dreg:$0x1] =	wrdreg $0xFFFFFFFF  }
0xc1: {  	_ =	task.clear_ibuf [dreg:s7], $0x2FFFF;
	_ =	strace $0x9FFFFFFF  }
0xc2: {  	(tm) =	ssettm $0x7FFFFFFF  }
0xc3: {  	_ =	shalt  }
tec
execute0_lowered:
.L_overlay_start_1:
0x0: {  	(tag) =	ssettag $0x1  }
0x1: {  	s0 =	rddreg [dreg:$0x0]  }
0x2: {  	s1 =	rddreg [dreg:$0x1];
	s5 =	stileid.u32  }
0x3: {  	s2 =	srdreg.scid;
	s29 =	simm.s32 $0x2;
	s30 =	simm.s32 $0x8880  }
0x4: {  	s12 =	simm.s32 $0xA7A8;
	s13 =	simm.s32 $0x4;
	s3 =	sshll.u32 s5, $0x1  }
0x5: {  	s4 =	sand.u32 $0x1, s2;
	s5 =	sshrl.u32 s5, $0x2;
	s2 =	simm.s32 $0x0  }
0x6: {  	s10 =	sadd.s32 $0x1800, s1;
	s11 =	sadd.s32 $0x1C00, s1;
	s15 =	smul.u32 $0xC800, s5  }
0x7: {  	s3 =	sand.u32 $0x6, s3;
	[smem:$0x7FF] =	sst s2;
	s16 =	smul.u32 $0x190, s5  }
0x8: {  	s18 =	smul.u32 $0x320000, s5;
	s6 =	sor.u32 s4, s3;
	s4 =	ssub.s32 $0x2, s4  }
0x9: {  	_ =	strace $0x8000004A;
	s7 =	sshll.u32 s6, $0x7;
	s9 =	sshrl.u32 s4, $0x1  }
0xa: {  	s6 =	sshll.u32 s6, $0xA;
	s3 =	sor.u32 s15, s7;
	s17 =	ssub.s32 s4, s9  }
0xb: {  	s4 =	smul.u32 $0x32, s5;
	s20 =	sor.u32 s6, s18;
	s9 =	sadd.s32 $0x1400, s1  }
0xc: {  	s7 =	simm.s32 $0xA578;
	s18 =	simm.s32 $0xA8C0;
	s15 =	simm.s32 $0x0  }
0xd: {  	s3 =	sshrl.u32 s3, $0x3;
	s21 =	sadd.s32 $0x300000, s20;
	s31 =	smax.u32 s17, $0x1  }
0xe: {  	s17 =	simm.s32 $0xA690;
	s8 =	sadd.s32 s3, s0;
	s3 =	sadd.s32 $0x1EFC00, s0  }
0xf: {  	s0 =	sadd.s32 s16, s0;
	[dreg:$0xd] =	wrdreg s31;
	s19 =	sadd.s32 $0x1200, s8  }
0x10: {  	s22 =	sshrl.u32 s21, $0x3;
	s0 =	sadd.s32 $0xA00, s0;
	[dreg:$0x3] =	wrdreg s19  }
0x11: {  	s21 =	simm.s32 $0x80;
	s23 =	sadd.s32 s22, s9;
	[dreg:$0x4] =	wrdreg s0  }
0x12: {  	s8 =	sadd.s32 $0x1000, s1;
	s24 =	sadd.s32 s22, s10;
	[dreg:$0x6] =	wrdreg s23  }
0x13: {  	s1 =	sadd.s32 s22, s11;
	s0 =	sadd.s32 $0x310000, s20;
	[dreg:$0x7] =	wrdreg s24  }
0x14: {  	s5 =	sadd.s32 s22, s8;
	[dreg:$0x8] =	wrdreg s1;
	s0 =	sshrl.u32 s0, $0x3  }
0x15: {  	s16 =	simm.s32 $0xA460;
	[dreg:$0x5] =	wrdreg s5;
	s25 =	sadd.s32 s0, s8  }
0x16: {  	v0 =	vlaneseq.u32;
	s1 =	simm.s32 $0x6580;
	s26 =	sadd.s32 s0, s9;
	[dreg:$0x9] =	wrdreg s25  }
0x17: {  	v0 =	vmul.u32 $0x118, v0;
	s23 =	simm.s32 $0xA348;
	s28 =	sadd.s32 s0, s10;
	[dreg:$0xa] =	wrdreg s26  }
0x18: {  	s19 =	simm.s32 $0xAAF0;
	s0 =	sadd.s32 s0, s11;
	[dreg:$0xb] =	wrdreg s28  }
0x19: {  	v1 =	vadd.s32 $0x1180, v0;
	s5 =	simm.s32 $0xA9D8;
	[dreg:$0xc] =	wrdreg s0;
	s0 =	simm.s32 $0x1  }
.LBB2_1:
0x1a: {  	[dreg:$0xe] =	wrdreg s15  }
0x1b: {  	s14 =	rddreg [dreg:$0x3];
	s26 =	simm.s32 $0x400;
	s28 =	simm.s32 $0x5  }
0x1c: {  	[tilespmem:s2], [sflag:$0x5] =	stream.strided.gather [hbm4b:s14+s21], $0x1900, s26, s21, $0x38;
	[tilespmem:$0xAB80] =	vst v63  }
0x1d: {  	_ =	swait.ge [sflag:s28], $0x1900  }
0x1e: {  	[sflag:s28] =	ssyncset.done $0x0  }
0x1f: {  	s20 =	simm.s32 $0x1900;
	s31 =	rddreg [dreg:$0x4];
	[sflag:s28] =	ssyncadd.s32 $0xFFFFE700  }
0x20: {  	[tilespmem:s20], [sflag:$0x5] =	stream.linear.gather [hbm4b:s31+s2], $0xC80, $0x38;
	[tilespmem:$0xAB80] =	vst v63  }
0x21: {  	_ =	swait.ge [sflag:s28], $0xC80  }
0x22: {  	[sflag:s28] =	ssyncset.done $0x0  }
0x23: {  	s22 =	simm.s32 $0x2580;
	[sflag:s28] =	ssyncadd.s32 $0xFFFFF380  }
0x24: {  	[tilespmem:s22], [sflag:$0x1] =	stream.indirect.gather [hbm4b:s3+s21], $0x20, s2, s21, $0xb8;
	[tilespmem:$0xAB80] =	vst v63  }
0x25: {  	s24 =	simm.s32 $0x3580  }
0x26: {  	[tilespmem:s24], [sflag:$0x1] =	stream.indirect.gather [hbm4b:s3+s21], $0x20, s21, s21, $0xb8;
	[tilespmem:$0xAB80] =	vst v63  }
0x27: {  	s25 =	simm.s32 $0x100;
	s26 =	simm.s32 $0x4580  }
0x28: {  	[tilespmem:s26], [sflag:$0x2] =	stream.indirect.gather [hbm4b:s3+s21], $0x20, s25, s21, $0xb8;
	[tilespmem:$0xAB80] =	vst v63  }
0x29: {  	s31 =	simm.s32 $0x5580;
	s28 =	simm.s32 $0x180;
	s25 =	simm.s32 $0x0  }
0x2a: {  	[tilespmem:s31], [sflag:$0x2] =	stream.indirect.gather [hbm4b:s3+s21], $0x20, s28, s21, $0xb8;
	[tilespmem:$0xAB80] =	vst v63  }
.LBB2_2:
0x2b: {  	_ =	swait.ge [sflag:s0], $0x2000;
	s14 =	sshll.u32 s25, $0x9  }
0x2c: {  	s15 =	simm.s32 $0x2580;
	[sflag:s0] =	ssyncset.done $0x0;
	s26 =	sand.u32 $0x3FFFFE00, s14  }
0x2d: {  	p0 =	seq.s32 s25, $0x0;
	[sflag:s0] =	ssyncadd.s32 $0xFFFFE000;
	s14 =	sadd.s32 $0x200, s26  }
0x2e: {  	[tilespmem:s15], [sflag:$0x1] =	stream.indirect.gather [hbm4b:s3+s21], $0x20, s14, s21, $0xb8;
	[tilespmem:$0xAB80] =	vst v63  }
0x2f: {  	s28 =	simm.s32 $0x3580;
	s24 =	sadd.s32 $0x280, s26;
	s14 =	simm.s32 @!p0 $0x3  }
0x30: {  	[tilespmem:s28], [sflag:$0x1] =	stream.indirect.gather [hbm4b:s3+s21], $0x20, s24, s21, $0xb8;
	[tilespmem:$0xAB80] =	vst v63  }
0x31: {  	_ =	swait.ge @!p0 [sflag:s14], $0x2000  }
0x32: {  	s20 =	sshll.u32 s25, $0x8;
	[sflag:s14] =	ssyncset.done @!p0 $0x0  }
0x33: {  	[sflag:s14] =	ssyncadd.s32 @!p0 $0xFFFFE000;
	s14 =	sand.u32 $0x3FFFFF00, s20  }
0x34: {  	s31 =	simm.s32 $0x3;
	s24 =	simm.s32 $0x25C0;
	v3 =	vld [tilespmem:s14+$0x1910]  }
0x35: {  	v2 =	vmov s31;
	v4 =	vld [tilespmem:s24+$0x20]  }
0x36: {  	v7 =	vand.u32 $0x7F, v2  }
0x37: {  	s22 =	simm.s32 $0x1;
	v5 =	vadd.s32 v0, v7  }
0x38: {  	v2 =	vmov s22;
	v8 =	vld [tilespmem:s24+$0xFFFFFFC0]  }
0x39: {  	s15 =	simm.s32 $0x0;
	v15 =	vand.u32 $0x7D, v2;
	v9 =	vld [tilespmem:s24+$0xFFFFFFE0]  }
0x3a: {  	v24 =	vadd.s32 v1, v7;
	v6 =	vmov s15;
	s28 =	simm.s32 $0x2;
	v11 =	vld [tilespmem:s24+$0x0];
	v4 =	vadd.f32 v4, v3  }
0x3b: {  	v12 =	vadd.s32 v0, v15;
	s15 =	simm.s32 $0x7;
	v6 =	vand.u32 $0x7C, v6;
	v10 =	vmov s28;
	v2 =	vld [tilespmem:s14+$0x1920];
	s14 =	simm.s32 $0x2640  }
0x3c: {  	v16 =	vadd.s32 v0, v6;
	v18 =	vand.u32 $0x7E, v10;
	v14 =	vld [tilespmem:s14+$0x20];
	[tilespmem:v5+s1+$0x0] =	vst.idx.msk $0xffff, v4;
	v5 =	vmov s15  }
0x3d: {  	s31 =	simm.s32 $0x4;
	v15 =	vadd.s32 v1, v15;
	v13 =	vadd.s32 v0, v18;
	v5 =	vand.u32 $0x7F, v5;
	v20 =	vld [tilespmem:s24+$0x30]  }
0x3e: {  	v10 =	vmov s31;
	v21 =	vld [tilespmem:s14+$0xFFFFFFC0];
	v9 =	vadd.f32 v9, v3;
	v22 =	vadd.s32 v0, v5  }
0x3f: {  	s28 =	simm.s32 $0x5;
	v18 =	vadd.s32 v1, v18;
	v23 =	vld [tilespmem:s14+$0xFFFFFFE0];
	v8 =	vadd.f32 v8, v3;
	v4 =	vand.u32 $0x7C, v10  }
0x40: {  	s31 =	simm.s32 $0x6;
	s20 =	simm.s32 $0x26C0;
	v19 =	vld [tilespmem:s14+$0x0];
	v10 =	vadd.f32 v11, v3;
	v11 =	vmov s28;
	[tilespmem:v12+s1+$0x0] =	vst.idx.msk $0xffff, v9;
	v17 =	vadd.s32 v0, v4  }
0x41: {  	v14 =	vadd.f32 v14, v3;
	v9 =	vmov s31;
	[tilespmem:v16+s1+$0x0] =	vst.idx.msk $0xffff, v8;
	v16 =	vld [tilespmem:s20+$0x20];
	v7 =	vand.u32 $0x7D, v11  }
0x42: {  	s22 =	simm.s32 $0x8;
	v9 =	vand.u32 $0x7E, v9;
	[tilespmem:v13+s1+$0x0] =	vst.idx.msk $0xffff, v10;
	v10 =	vadd.s32 v0, v7;
	v13 =	vld [tilespmem:s24+$0xFFFFFFF0];
	v25 =	vadd.f32 v20, v2  }
0x43: {  	v8 =	vmov s22;
	s28 =	simm.s32 $0xB;
	v12 =	vadd.s32 v0, v9;
	v11 =	vld [tilespmem:s24+$0x10];
	v20 =	vadd.f32 v21, v3;
	[tilespmem:v22+s1+$0x0] =	vst.idx.msk $0xffff, v14  }
0x44: {  	v8 =	vand.u32 $0x7C, v8;
	v21 =	vadd.f32 v23, v3;
	v14 =	vld [tilespmem:s24+$0xFFFFFFD0];
	v22 =	vmov s28;
	s24 =	simm.s32 $0xC;
	[tilespmem:v24+s1+$0x0] =	vst.idx.msk $0xffff, v25  }
.LBB2_3:
0x45: {  	v22 =	vand.u32 $0x7F, v22;
	[tilespmem:v17+s1+$0x0] =	vst.idx.msk $0xffff, v20  }
0x46: {  	p0 =	slt.u32 s24, $0x7C;
	s28 =	sadd.s32 $0x1, s22;
	v17 =	vadd.f32 v19, v3;
	v20 =	vld [tilespmem:s14+$0x30];
	v23 =	vadd.s32 v1, v6;
	v24 =	vmovc v9;
	v6 =	vmovc v4;
	v4 =	vmov v8  }
0x47: {  	v25 =	vld [tilespmem:s20+$0xFFFFFFC0];
	v8 =	vmov s28;
	s28 =	sadd.s32 $0x2, s22;
	v26 =	vadd.s32 v0, v22;
	[tilespmem:v10+s1+$0x0] =	vst.idx.msk $0xffff, v21;
	v9 =	vadd.f32 v13, v2;
	s22 =	smov.u32 s24  }
0x48: {  	v27 =	vadd.s32 v1, v5;
	v5 =	vmovc v22;
	v21 =	vld [tilespmem:s20+$0xFFFFFFE0];
	v13 =	vmov s28;
	[tilespmem:v12+s1+$0x0] =	vst.idx.msk $0xffff, v17;
	v11 =	vadd.f32 v11, v2  }
.Ltmp0:
0x49: {  	v17 =	vadd.s32 v0, v4;
	v28 =	vand.u32 $0x7D, v8;
	v19 =	vld [tilespmem:s20+$0x0];
	v8 =	vadd.f32 v14, v2;
	[tilespmem:v15+s1+$0x0] =	vst.idx.msk $0xffff, v9;
	(pc) =	sbr.rel @p0 .LBB2_3-.Ltmp0, $4  }
0x4a: {  	v10 =	vadd.s32 v0, v28;
	v9 =	vand.u32 $0x7E, v13;
	v14 =	vadd.f32 v16, v3;
	v13 =	vld [tilespmem:s14+$0xFFFFFFF0];
	[tilespmem:v18+s1+$0x0] =	vst.idx.msk $0xffff, v11  }
0x4b: {  	v15 =	vmov s24;
	v12 =	vadd.s32 v0, v9;
	v11 =	vld [tilespmem:s14+$0x10];
	v29 =	vadd.f32 v20, v2;
	[tilespmem:v23+s1+$0x0] =	vst.idx.msk $0xffff, v8  }
0x4c: {  	s28 =	sadd.s32 $0x3, s24;
	v8 =	vand.u32 $0x7C, v15;
	v15 =	vadd.s32 v1, v7;
	v20 =	vadd.f32 v25, v3;
	[tilespmem:v26+s1+$0x0] =	vst.idx.msk $0xffff, v14;
	v14 =	vld [tilespmem:s14+$0xFFFFFFD0];
	s14 =	smov.u32 s20;
	s20 =	sadd.s32 $0x80, s20  }
0x4d: {  	v22 =	vmov s28;
	s24 =	sadd.s32 $0x4, s24;
	v18 =	vadd.s32 v1, v24;
	v7 =	vmovc v28;
	v16 =	vld [tilespmem:s20+$0x20];
	v21 =	vadd.f32 v21, v3;
	[tilespmem:v27+s1+$0x0] =	vst.idx.msk $0xffff, v29  }
0x4e: {  	_ =	sdelay $0x2  }
0x4f: {  	s24 =	sadd.s32 $0x1, s22;
	v22 =	vand.u32 $0x7F, v22;
	v19 =	vadd.f32 v19, v3  }
0x50: {  	[tilespmem:v17+s1+$0x0] =	vst.idx.msk $0xffff, v20;
	v6 =	vadd.s32 v1, v6;
	s15 =	sadd.s32 $0x2, s22;
	v23 =	vld [tilespmem:s20+$0xFFFFFFE0];
	v17 =	vmov s24;
	v20 =	vadd.s32 v0, v22  }
0x51: {  	v60 =	vld [tilespmem:s20+$0x0];
	[tilespmem:v10+s1+$0x0] =	vst.idx.msk $0xffff, v21;
	v10 =	vadd.f32 v13, v2;
	v13 =	vmov s15;
	v17 =	vand.u32 $0x7D, v17  }
0x52: {  	v24 =	vld [tilespmem:s20+$0xFFFFFFC0];
	[tilespmem:v12+s1+$0x0] =	vst.idx.msk $0xffff, v19;
	v11 =	vadd.f32 v11, v2;
	v13 =	vand.u32 $0x7E, v13;
	v12 =	vadd.s32 v0, v17  }
0x53: {  	v19 =	vld [tilespmem:s14+$0x30];
	v14 =	vadd.f32 v14, v2;
	[tilespmem:v15+s1+$0x0] =	vst.idx.msk $0xffff, v10;
	v10 =	vadd.s32 v0, v13  }
0x54: {  	v15 =	vadd.s32 v0, v8;
	v16 =	vadd.f32 v16, v3;
	[tilespmem:v18+s1+$0x0] =	vst.idx.msk $0xffff, v11;
	v11 =	vld [tilespmem:s14+$0xFFFFFFF0]  }
0x55: {  	v5 =	vadd.s32 v1, v5;
	v18 =	vld [tilespmem:s14+$0x10];
	[tilespmem:v6+s1+$0x0] =	vst.idx.msk $0xffff, v14;
	v6 =	vadd.f32 v23, v3  }
0x56: {  	v7 =	vadd.s32 v1, v7;
	v14 =	vld [tilespmem:s14+$0xFFFFFFD0];
	[tilespmem:v20+s1+$0x0] =	vst.idx.msk $0xffff, v16;
	v16 =	vadd.f32 v60, v3  }
0x57: {  	v9 =	vadd.s32 v1, v9;
	v3 =	vadd.f32 v24, v3;
	v20 =	vld [tilespmem:s20+$0x30];
	[tilespmem:v12+s1+$0x0] =	vst.idx.msk $0xffff, v6  }
0x58: {  	v4 =	vadd.s32 v1, v4;
	v6 =	vadd.f32 v19, v2;
	[tilespmem:v10+s1+$0x0] =	vst.idx.msk $0xffff, v16;
	v10 =	vld [tilespmem:s20+$0xFFFFFFF0]  }
0x59: {  	[tilespmem:v15+s1+$0x0] =	vst.idx.msk $0xffff, v3;
	v3 =	vadd.f32 v11, v2;
	v11 =	vadd.s32 v1, v22;
	v12 =	vld [tilespmem:s20+$0x10]  }
0x5a: {  	v15 =	vadd.s32 v1, v17;
	[tilespmem:v5+s1+$0x0] =	vst.idx.msk $0xffff, v6;
	v5 =	vadd.f32 v18, v2;
	v6 =	vld [tilespmem:s20+$0xFFFFFFD0]  }
0x5b: {  	v14 =	vadd.f32 v14, v2;
	[tilespmem:v7+s1+$0x0] =	vst.idx.msk $0xffff, v3;
	v3 =	vadd.s32 v1, v13  }
0x5c: {  	s20 =	sshll.u32 s25, $0x2;
	v7 =	vadd.s32 v1, v8;
	[tilespmem:v9+s1+$0x0] =	vst.idx.msk $0xffff, v5;
	v5 =	vadd.f32 v20, v2  }
0x5d: {  	s22 =	sadd.s32 s4, s20;
	[tilespmem:v4+s1+$0x0] =	vst.idx.msk $0xffff, v14;
	v4 =	vadd.f32 v10, v2  }
0x5e: {  	s14 =	sshll.u32 s22, $0x10;
	[tilespmem:v11+s1+$0x0] =	vst.idx.msk $0xffff, v5;
	v5 =	vadd.f32 v12, v2  }
0x5f: {  	s14 =	sor.u32 s6, s14;
	v2 =	vadd.f32 v6, v2;
	[tilespmem:v15+s1+$0x0] =	vst.idx.msk $0xffff, v4  }
0x60: {  	s14 =	sshrl.u32 s14, $0x3;
	[tilespmem:v3+s1+$0x0] =	vst.idx.msk $0xffff, v5  }
0x61: {  	s22 =	simm.s32 $0x0;
	s24 =	sadd.s32 s14, s8;
	[tilespmem:v7+s1+$0x0] =	vst.idx.msk $0xffff, v2  }
0x62: {  	[hbm4b:s24+s22] =	stream.linear.scatter [tilespmem:s1], [sflag:$0x3], $0x80, $0x38;
	[tilespmem:$0xAB80] =	vst v63  }
0x63: {  	s15 =	simm.s32 $0x6698;
	s28 =	sadd.s32 $0x10, s24  }
0x64: {  	[hbm4b:s28+s22] =	stream.linear.scatter [tilespmem:s15], [sflag:$0x3], $0x80, $0x38;
	[tilespmem:$0xAB80] =	vst v63  }
0x65: {  	s28 =	sadd.s32 $0x20, s24;
	s15 =	simm.s32 $0x67B0  }
0x66: {  	[hbm4b:s28+s22] =	stream.linear.scatter [tilespmem:s15], [sflag:$0x3], $0x80, $0x38;
	[tilespmem:$0xAB80] =	vst v63  }
0x67: {  	s28 =	sadd.s32 $0x30, s24;
	s15 =	simm.s32 $0x68C8  }
0x68: {  	[hbm4b:s28+s22] =	stream.linear.scatter [tilespmem:s15], [sflag:$0x3], $0x80, $0x38;
	[tilespmem:$0xAB80] =	vst v63  }
0x69: {  	s28 =	sadd.s32 $0x40, s24;
	s15 =	simm.s32 $0x69E0  }
0x6a: {  	[hbm4b:s28+s22] =	stream.linear.scatter [tilespmem:s15], [sflag:$0x3], $0x80, $0x38;
	[tilespmem:$0xAB80] =	vst v63  }
0x6b: {  	s28 =	sadd.s32 $0x50, s24;
	s15 =	simm.s32 $0x6AF8  }
0x6c: {  	[hbm4b:s28+s22] =	stream.linear.scatter [tilespmem:s15], [sflag:$0x3], $0x80, $0x38;
	[tilespmem:$0xAB80] =	vst v63  }
0x6d: {  	s28 =	sadd.s32 $0x60, s24;
	s15 =	simm.s32 $0x6C10  }
0x6e: {  	[hbm4b:s28+s22] =	stream.linear.scatter [tilespmem:s15], [sflag:$0x3], $0x80, $0x38;
	[tilespmem:$0xAB80] =	vst v63  }
0x6f: {  	s24 =	sadd.s32 $0x70, s24;
	s15 =	simm.s32 $0x6D28  }
0x70: {  	[hbm4b:s24+s22] =	stream.linear.scatter [tilespmem:s15], [sflag:$0x3], $0x80, $0x38;
	[tilespmem:$0xAB80] =	vst v63  }
0x71: {  	s24 =	sadd.s32 s14, s9;
	s15 =	simm.s32 $0x6E40  }
0x72: {  	[hbm4b:s24+s22] =	stream.linear.scatter [tilespmem:s15], [sflag:$0x3], $0x80, $0x38;
	[tilespmem:$0xAB80] =	vst v63  }
0x73: {  	s28 =	sadd.s32 $0x10, s24;
	s15 =	simm.s32 $0x6F58  }
0x74: {  	[hbm4b:s28+s22] =	stream.linear.scatter [tilespmem:s15], [sflag:$0x3], $0x80, $0x38;
	[tilespmem:$0xAB80] =	vst v63  }
0x75: {  	s28 =	sadd.s32 $0x20, s24;
	s15 =	simm.s32 $0x7070  }
0x76: {  	[hbm4b:s28+s22] =	stream.linear.scatter [tilespmem:s15], [sflag:$0x3], $0x80, $0x38;
	[tilespmem:$0xAB80] =	vst v63  }
0x77: {  	s28 =	sadd.s32 $0x30, s24;
	s15 =	simm.s32 $0x7188  }
0x78: {  	[hbm4b:s28+s22] =	stream.linear.scatter [tilespmem:s15], [sflag:$0x3], $0x80, $0x38;
	[tilespmem:$0xAB80] =	vst v63  }
0x79: {  	s28 =	sadd.s32 $0x40, s24;
	s15 =	simm.s32 $0x72A0  }
0x7a: {  	[hbm4b:s28+s22] =	stream.linear.scatter [tilespmem:s15], [sflag:$0x3], $0x80, $0x38;
	[tilespmem:$0xAB80] =	vst v63  }
0x7b: {  	s28 =	sadd.s32 $0x50, s24;
	s15 =	simm.s32 $0x73B8  }
0x7c: {  	[hbm4b:s28+s22] =	stream.linear.scatter [tilespmem:s15], [sflag:$0x3], $0x80, $0x38;
	[tilespmem:$0xAB80] =	vst v63  }
0x7d: {  	s28 =	sadd.s32 $0x60, s24;
	s15 =	simm.s32 $0x74D0  }
0x7e: {  	[hbm4b:s28+s22] =	stream.linear.scatter [tilespmem:s15], [sflag:$0x3], $0x80, $0x38;
	[tilespmem:$0xAB80] =	vst v63  }
0x7f: {  	s24 =	sadd.s32 $0x70, s24;
	s15 =	simm.s32 $0x75E8  }
0x80: {  	[hbm4b:s24+s22] =	stream.linear.scatter [tilespmem:s15], [sflag:$0x3], $0x80, $0x38;
	[tilespmem:$0xAB80] =	vst v63  }
0x81: {  	s24 =	sadd.s32 s14, s10;
	s15 =	simm.s32 $0x7700  }
0x82: {  	[hbm4b:s24+s22] =	stream.linear.scatter [tilespmem:s15], [sflag:$0x3], $0x80, $0x38;
	[tilespmem:$0xAB80] =	vst v63  }
0x83: {  	s28 =	sadd.s32 $0x10, s24;
	s15 =	simm.s32 $0x7818  }
0x84: {  	[hbm4b:s28+s22] =	stream.linear.scatter [tilespmem:s15], [sflag:$0x3], $0x80, $0x38;
	[tilespmem:$0xAB80] =	vst v63  }
0x85: {  	s28 =	sadd.s32 $0x20, s24;
	s15 =	simm.s32 $0x7930  }
0x86: {  	[hbm4b:s28+s22] =	stream.linear.scatter [tilespmem:s15], [sflag:$0x3], $0x80, $0x38;
	[tilespmem:$0xAB80] =	vst v63  }
0x87: {  	s28 =	sadd.s32 $0x30, s24;
	s15 =	simm.s32 $0x7A48  }
0x88: {  	[hbm4b:s28+s22] =	stream.linear.scatter [tilespmem:s15], [sflag:$0x3], $0x80, $0x38;
	[tilespmem:$0xAB80] =	vst v63  }
0x89: {  	s28 =	sadd.s32 $0x40, s24;
	s15 =	simm.s32 $0x7B60  }
0x8a: {  	[hbm4b:s28+s22] =	stream.linear.scatter [tilespmem:s15], [sflag:$0x3], $0x80, $0x38;
	[tilespmem:$0xAB80] =	vst v63  }
0x8b: {  	s28 =	sadd.s32 $0x50, s24;
	s15 =	simm.s32 $0x7C78  }
0x8c: {  	[hbm4b:s28+s22] =	stream.linear.scatter [tilespmem:s15], [sflag:$0x3], $0x80, $0x38;
	[tilespmem:$0xAB80] =	vst v63  }
0x8d: {  	s28 =	sadd.s32 $0x60, s24;
	s15 =	simm.s32 $0x7D90  }
0x8e: {  	[hbm4b:s28+s22] =	stream.linear.scatter [tilespmem:s15], [sflag:$0x3], $0x80, $0x38;
	[tilespmem:$0xAB80] =	vst v63  }
0x8f: {  	s24 =	sadd.s32 $0x70, s24;
	s15 =	simm.s32 $0x7EA8  }
0x90: {  	[hbm4b:s24+s22] =	stream.linear.scatter [tilespmem:s15], [sflag:$0x3], $0x80, $0x38;
	[tilespmem:$0xAB80] =	vst v63  }
0x91: {  	s14 =	sadd.s32 s14, s11;
	s24 =	simm.s32 $0x7FC0  }
0x92: {  	[hbm4b:s14+s22] =	stream.linear.scatter [tilespmem:s24], [sflag:$0x3], $0x80, $0x38;
	[tilespmem:$0xAB80] =	vst v63  }
0x93: {  	s15 =	simm.s32 $0x80D8;
	s24 =	sadd.s32 $0x10, s14  }
0x94: {  	[hbm4b:s24+s22] =	stream.linear.scatter [tilespmem:s15], [sflag:$0x3], $0x80, $0x38;
	[tilespmem:$0xAB80] =	vst v63  }
0x95: {  	s24 =	sadd.s32 $0x20, s14;
	s15 =	simm.s32 $0x81F0  }
0x96: {  	[hbm4b:s24+s22] =	stream.linear.scatter [tilespmem:s15], [sflag:$0x3], $0x80, $0x38;
	[tilespmem:$0xAB80] =	vst v63  }
0x97: {  	s24 =	sadd.s32 $0x30, s14;
	s15 =	simm.s32 $0x8308  }
0x98: {  	[hbm4b:s24+s22] =	stream.linear.scatter [tilespmem:s15], [sflag:$0x3], $0x80, $0x38;
	[tilespmem:$0xAB80] =	vst v63  }
0x99: {  	s24 =	sadd.s32 $0x40, s14;
	s15 =	simm.s32 $0x8420  }
0x9a: {  	[hbm4b:s24+s22] =	stream.linear.scatter [tilespmem:s15], [sflag:$0x3], $0x80, $0x38;
	[tilespmem:$0xAB80] =	vst v63  }
0x9b: {  	s24 =	sadd.s32 $0x50, s14;
	s15 =	simm.s32 $0x8538  }
0x9c: {  	[hbm4b:s24+s22] =	stream.linear.scatter [tilespmem:s15], [sflag:$0x3], $0x80, $0x38;
	[tilespmem:$0xAB80] =	vst v63  }
0x9d: {  	s24 =	sadd.s32 $0x60, s14;
	s15 =	simm.s32 $0x8650  }
0x9e: {  	[hbm4b:s24+s22] =	stream.linear.scatter [tilespmem:s15], [sflag:$0x3], $0x80, $0x38;
	[tilespmem:$0xAB80] =	vst v63  }
0x9f: {  	s14 =	sadd.s32 $0x70, s14;
	s24 =	simm.s32 $0x8768;
	s15 =	simm.s32 $0x3  }
0xa0: {  	[hbm4b:s14+s22] =	stream.linear.scatter [tilespmem:s24], [sflag:$0x3], $0x80, $0x38;
	[tilespmem:$0xAB80] =	vst v63  }
0xa1: {  	v2 =	vmov s15;
	s14 =	sor.u32 $0x1, s20  }
0xa2: {  	s31 =	simm.s32 $0x35F0;
	v4 =	vmov s22;
	s15 =	simm.s32 $0x1;
	v2 =	vadd.s32 $0x88, v2;
	s28 =	sshll.u32 s14, $0x6  }
0xa3: {  	v4 =	vadd.s32 $0x88, v4;
	v5 =	vmov s15;
	v2 =	vand.u32 $0x1FF, v2;
	v6 =	vld [tilespmem:s31+$0xFFFFFFF0];
	s24 =	sand.u32 $0x3FFFFF40, s28  }
0xa4: {  	v4 =	vand.u32 $0x1FC, v4;
	v5 =	vadd.s32 $0x88, v5;
	v7 =	vbroadcast v2, $0x0;
	v3 =	vld [tilespmem:s24+$0x1910]  }
0xa5: {  	v8 =	vbroadcast v4, $0x0;
	v4 =	vld [tilespmem:s31+$0xFFFFFF90];
	v5 =	vand.u32 $0x1FD, v5  }
0xa6: {  	v10 =	vbroadcast v5, $0x0;
	v5 =	vadd.s32 v0, v7  }
0xa7: {  	v11 =	vadd.s32 v0, v8;
	s15 =	simm.s32 $0x2;
	v9 =	vld [tilespmem:s31+$0xFFFFFFB0]  }
0xa8: {  	v2 =	vmov s15  }
0xa9: {  	s15 =	simm.s32 $0x4;
	v2 =	vadd.s32 $0x88, v2;
	v14 =	vadd.s32 v0, v10;
	v6 =	vadd.f32 v6, v3  }
0xaa: {  	v12 =	vld [tilespmem:s31+$0xFFFFFFD0];
	v15 =	vmov s15;
	s15 =	simm.s32 $0x5;
	v2 =	vand.u32 $0x1FE, v2;
	v4 =	vadd.f32 v4, v3  }
0xab: {  	v15 =	vadd.s32 $0x88, v15;
	v17 =	vmov s15;
	s15 =	simm.s32 $0x7;
	v13 =	vbroadcast v2, $0x0;
	v2 =	vld [tilespmem:s24+$0x1920];
	[tilespmem:v5+s1+$0x0] =	vst.idx.msk $0xffff, v6  }
0xac: {  	v9 =	vadd.f32 v9, v3;
	v6 =	vand.u32 $0x1FC, v15;
	v15 =	vmov s15;
	[tilespmem:v11+s1+$0x0] =	vst.idx.msk $0xffff, v4;
	v11 =	vld [tilespmem:s31+$0x0]  }
0xad: {  	v20 =	vadd.s32 v1, v8;
	v18 =	vadd.s32 v1, v7;
	s24 =	simm.s32 $0x6;
	v4 =	vadd.s32 $0x88, v15;
	v15 =	vld [tilespmem:s31+$0xFFFFFFA0]  }
0xae: {  	v17 =	vadd.s32 $0x88, v17;
	v16 =	vadd.s32 v0, v13;
	v5 =	vmov s24;
	[tilespmem:v14+s1+$0x0] =	vst.idx.msk $0xffff, v9  }
0xaf: {  	s22 =	simm.s32 $0x3670;
	v12 =	vadd.f32 v12, v3;
	v9 =	vadd.s32 $0x88, v5;
	v14 =	vld [tilespmem:s31+$0xFFFFFFC0];
	v5 =	vand.u32 $0x1FF, v4  }
0xb0: {  	v19 =	vld [tilespmem:s22+$0xFFFFFFF0];
	v4 =	vbroadcast v6, $0x0;
	v6 =	vand.u32 $0x1FD, v17;
	v5 =	vbroadcast v5, $0x0  }
0xb1: {  	v61 =	vld [tilespmem:s22+$0xFFFFFF90];
	v7 =	vand.u32 $0x1FE, v9;
	v17 =	vadd.s32 v1, v10;
	v6 =	vbroadcast v6, $0x0  }
0xb2: {  	v62 =	vld [tilespmem:s22+$0xFFFFFFB0];
	v63 =	vadd.s32 v0, v5;
	v9 =	vadd.f32 v11, v2;
	v11 =	vadd.f32 v15, v2  }
0xb3: {  	[tilespmem:v16+s1+$0x0] =	vst.idx.msk $0xffff, v12;
	v12 =	vld [tilespmem:s22+$0xFFFFFFD0];
	v7 =	vbroadcast v7, $0x0;
	v10 =	vadd.s32 v0, v4;
	v8 =	vadd.s32 v0, v6  }
0xb4: {  	s15 =	simm.s32 $0x8;
	v15 =	vadd.f32 v14, v2;
	[tilespmem:v20+s1+$0x0] =	vst.idx.msk $0xffff, v11;
	v11 =	vadd.s32 v1, v13;
	v13 =	vld [tilespmem:s31+$0xFFFFFFE0]  }
0xb5: {  	v19 =	vadd.f32 v19, v3;
	v14 =	vmov s15;
	[tilespmem:v18+s1+$0x0] =	vst.idx.msk $0xffff, v9;
	v9 =	vadd.s32 v0, v7  }
0xb6: {  	s28 =	simm.s32 $0xA;
	s15 =	simm.s32 $0x9;
	v16 =	vadd.s32 $0x88, v14;
	v14 =	vadd.f32 v61, v3;
	[tilespmem:v17+s1+$0x0] =	vst.idx.msk $0xffff, v15  }
0xb7: {  	s24 =	simm.s32 $0xC;
	v18 =	vmov s15;
	v17 =	vmov s28;
	s28 =	simm.s32 $0xB;
	v15 =	vadd.f32 v62, v3;
	s31 =	simm.s32 $0x3670;
	[tilespmem:v63+s1+$0x0] =	vst.idx.msk $0xffff, v19  }
.LBB2_5:
0xb8: {  	p0 =	slt.u32 s24, $0x7C;
	v16 =	vand.u32 $0x1FC, v16;
	v19 =	vmov s28;
	[tilespmem:v10+s1+$0x0] =	vst.idx.msk $0xffff, v14;
	v10 =	vadd.f32 v12, v3;
	v12 =	vld [tilespmem:s22+$0x0]  }
0xb9: {  	v14 =	vadd.s32 $0x88, v18;
	v18 =	vadd.s32 $0x88, v19;
	v19 =	vld [tilespmem:s22+$0xFFFFFFA0];
	[tilespmem:v8+s1+$0x0] =	vst.idx.msk $0xffff, v15;
	v8 =	vadd.f32 v13, v2  }
0xba: {  	v13 =	vadd.s32 $0x88, v17;
	s22 =	sadd.s32 $0x80, s22;
	v15 =	vand.u32 $0x1FF, v18;
	v17 =	vld [tilespmem:s31+$0xFFFFFFC0];
	[tilespmem:v9+s1+$0x0] =	vst.idx.msk $0xffff, v10;
	v9 =	vadd.s32 v1, v5  }
0xbb: {  	v18 =	vld [tilespmem:s22+$0xFFFFFFF0];
	v5 =	vbroadcast v15, $0x0;
	v15 =	vadd.s32 v1, v4;
	v4 =	vbroadcast v16, $0x0;
	[tilespmem:v11+s1+$0x0] =	vst.idx.msk $0xffff, v8  }
0xbc: {  	v20 =	vadd.s32 v1, v6;
	v13 =	vand.u32 $0x1FE, v13;
	v8 =	vand.u32 $0x1FD, v14;
	v11 =	vld [tilespmem:s22+$0xFFFFFF90]  }
0xbd: {  	v6 =	vbroadcast v8, $0x0;
	v21 =	vld [tilespmem:s22+$0xFFFFFFB0];
	v22 =	vadd.s32 v0, v5;
	v14 =	vadd.f32 v12, v2  }
.Ltmp1:
0xbe: {  	v23 =	vbroadcast v13, $0x0;
	v10 =	vadd.s32 v0, v4;
	v12 =	vld [tilespmem:s22+$0xFFFFFFD0];
	v16 =	vadd.f32 v19, v2;
	(pc) =	sbr.rel @p0 .LBB2_5-.Ltmp1, $4  }
0xbf: {  	v8 =	vadd.s32 v0, v6;
	v17 =	vadd.f32 v17, v2;
	v13 =	vld [tilespmem:s31+$0xFFFFFFE0];
	[tilespmem:v9+s1+$0x0] =	vst.idx.msk $0xffff, v14;
	s31 =	smov.u32 s22  }
0xc0: {  	v14 =	vmov s24;
	v9 =	vadd.s32 v0, v23;
	v19 =	vadd.f32 v18, v3;
	[tilespmem:v15+s1+$0x0] =	vst.idx.msk $0xffff, v16  }
0xc1: {  	s28 =	sadd.s32 $0x1, s24;
	s15 =	sadd.s32 $0x2, s24;
	v16 =	vadd.s32 $0x88, v14;
	v14 =	vadd.f32 v11, v3;
	[tilespmem:v20+s1+$0x0] =	vst.idx.msk $0xffff, v17;
	v11 =	vadd.s32 v1, v7  }
0xc2: {  	v18 =	vmov s28;
	s28 =	sadd.s32 $0x3, s24;
	s24 =	sadd.s32 $0x4, s24;
	v17 =	vmov s15;
	v7 =	vmovc v23;
	v15 =	vadd.f32 v21, v3;
	[tilespmem:v22+s1+$0x0] =	vst.idx.msk $0xffff, v19  }
0xc3: {  	_ =	sdelay $0x1  }
0xc4: {  	v19 =	vmov s28;
	s15 =	sadd.s32 $0x80, s22;
	v16 =	vand.u32 $0x1FC, v16  }
0xc5: {  	v18 =	vadd.s32 $0x88, v18;
	v19 =	vadd.s32 $0x88, v19;
	v16 =	vbroadcast v16, $0x0;
	v21 =	vld [tilespmem:s15+$0xFFFFFF90]  }
0xc6: {  	v17 =	vadd.s32 $0x88, v17;
	[tilespmem:v10+s1+$0x0] =	vst.idx.msk $0xffff, v14;
	v10 =	vadd.f32 v12, v3;
	v20 =	vld [tilespmem:s15+$0xFFFFFFF0];
	v19 =	vand.u32 $0x1FF, v19  }
0xc7: {  	v18 =	vand.u32 $0x1FD, v18;
	v22 =	vld [tilespmem:s15+$0xFFFFFFB0];
	v19 =	vbroadcast v19, $0x0;
	v12 =	vadd.s32 v0, v16  }
0xc8: {  	v17 =	vand.u32 $0x1FE, v17;
	v14 =	vld [tilespmem:s15+$0xFFFFFFD0];
	[tilespmem:v8+s1+$0x0] =	vst.idx.msk $0xffff, v15;
	v8 =	vadd.f32 v13, v2;
	v18 =	vbroadcast v18, $0x0  }
0xc9: {  	v24 =	vld [tilespmem:s22+$0x0];
	v17 =	vbroadcast v17, $0x0;
	v23 =	vadd.s32 v0, v19  }
0xca: {  	v15 =	vld [tilespmem:s22+$0xFFFFFFA0];
	[tilespmem:v11+s1+$0x0] =	vst.idx.msk $0xffff, v8;
	v13 =	vadd.s32 v0, v18;
	v11 =	vadd.f32 v21, v3  }
0xcb: {  	[tilespmem:v9+s1+$0x0] =	vst.idx.msk $0xffff, v10;
	v8 =	vld [tilespmem:s31+$0xFFFFFFC0];
	v9 =	vadd.s32 v0, v17  }
0xcc: {  	v5 =	vadd.s32 v1, v5;
	v10 =	vadd.f32 v20, v3;
	[tilespmem:v12+s1+$0x0] =	vst.idx.msk $0xffff, v11  }
0xcd: {  	v6 =	vadd.s32 v1, v6;
	v20 =	vadd.f32 v22, v3;
	v3 =	vadd.f32 v14, v3;
	v14 =	vld [tilespmem:s15+$0xFFFFFFA0]  }
0xce: {  	v4 =	vadd.s32 v1, v4;
	[tilespmem:v23+s1+$0x0] =	vst.idx.msk $0xffff, v10;
	v10 =	vld [tilespmem:s31+$0xFFFFFFE0]  }
0xcf: {  	v7 =	vadd.s32 v1, v7;
	v12 =	vadd.f32 v24, v2;
	[tilespmem:v13+s1+$0x0] =	vst.idx.msk $0xffff, v20;
	v11 =	vld [tilespmem:s15+$0x0]  }
0xd0: {  	v8 =	vadd.f32 v8, v2;
	v13 =	vadd.f32 v15, v2;
	[tilespmem:v9+s1+$0x0] =	vst.idx.msk $0xffff, v3;
	v15 =	vld [tilespmem:s15+$0xFFFFFFC0]  }
0xd1: {  	v3 =	vadd.s32 v1, v19;
	[tilespmem:v5+s1+$0x0] =	vst.idx.msk $0xffff, v12;
	v9 =	vld [tilespmem:s15+$0xFFFFFFE0]  }
0xd2: {  	v5 =	vadd.s32 v1, v16;
	[tilespmem:v6+s1+$0x0] =	vst.idx.msk $0xffff, v8  }
0xd3: {  	v8 =	vadd.s32 v1, v17;
	[tilespmem:v4+s1+$0x0] =	vst.idx.msk $0xffff, v13;
	v4 =	vadd.f32 v10, v2  }
0xd4: {  	v10 =	vadd.s32 v1, v18;
	v6 =	vadd.f32 v11, v2  }
0xd5: {  	s14 =	sadd.s32 s4, s14;
	[tilespmem:v7+s1+$0x0] =	vst.idx.msk $0xffff, v4;
	v4 =	vadd.f32 v14, v2  }
0xd6: {  	s14 =	sshll.u32 s14, $0x10;
	v7 =	vadd.f32 v15, v2;
	v2 =	vadd.f32 v9, v2;
	[tilespmem:v3+s1+$0x0] =	vst.idx.msk $0xffff, v6  }
0xd7: {  	s14 =	sor.u32 s6, s14;
	[tilespmem:v5+s1+$0x0] =	vst.idx.msk $0xffff, v4  }
0xd8: {  	s14 =	sshrl.u32 s14, $0x3;
	[tilespmem:v8+s1+$0x0] =	vst.idx.msk $0xffff, v2  }
0xd9: {  	s24 =	simm.s32 $0x6608;
	s15 =	sadd.s32 s14, s8;
	[tilespmem:v10+s1+$0x0] =	vst.idx.msk $0xffff, v7  }
0xda: {  	[hbm4b:s15+s2] =	stream.linear.scatter [tilespmem:s24], [sflag:$0x3], $0x80, $0x38;
	[tilespmem:$0xAB80] =	vst v63  }
0xdb: {  	s28 =	sadd.s32 $0x10, s15;
	s24 =	simm.s32 $0x6720  }
0xdc: {  	[hbm4b:s28+s2] =	stream.linear.scatter [tilespmem:s24], [sflag:$0x3], $0x80, $0x38;
	[tilespmem:$0xAB80] =	vst v63  }
0xdd: {  	s24 =	sadd.s32 $0x20, s15;
	s28 =	simm.s32 $0x6838  }
0xde: {  	[hbm4b:s24+s2] =	stream.linear.scatter [tilespmem:s28], [sflag:$0x3], $0x80, $0x38;
	[tilespmem:$0xAB80] =	vst v63  }
0xdf: {  	s24 =	sadd.s32 $0x30, s15;
	s28 =	simm.s32 $0x6950  }
0xe0: {  	[hbm4b:s24+s2] =	stream.linear.scatter [tilespmem:s28], [sflag:$0x3], $0x80, $0x38;
	[tilespmem:$0xAB80] =	vst v63  }
0xe1: {  	s24 =	sadd.s32 $0x40, s15;
	s28 =	simm.s32 $0x6A68  }
0xe2: {  	[hbm4b:s24+s2] =	stream.linear.scatter [tilespmem:s28], [sflag:$0x3], $0x80, $0x38;
	[tilespmem:$0xAB80] =	vst v63  }
0xe3: {  	s24 =	sadd.s32 $0x50, s15;
	s28 =	simm.s32 $0x6B80  }
0xe4: {  	[hbm4b:s24+s2] =	stream.linear.scatter [tilespmem:s28], [sflag:$0x3], $0x80, $0x38;
	[tilespmem:$0xAB80] =	vst v63  }
0xe5: {  	s24 =	sadd.s32 $0x60, s15;
	s28 =	simm.s32 $0x6C98  }
0xe6: {  	[hbm4b:s24+s2] =	stream.linear.scatter [tilespmem:s28], [sflag:$0x3], $0x80, $0x38;
	[tilespmem:$0xAB80] =	vst v63  }
0xe7: {  	s15 =	sadd.s32 $0x70, s15;
	s24 =	simm.s32 $0x6DB0  }
0xe8: {  	[hbm4b:s15+s2] =	stream.linear.scatter [tilespmem:s24], [sflag:$0x3], $0x80, $0x38;
	[tilespmem:$0xAB80] =	vst v63  }
0xe9: {  	s28 =	simm.s32 $0x6EC8;
	s15 =	sadd.s32 s14, s9  }
0xea: {  	[hbm4b:s15+s2] =	stream.linear.scatter [tilespmem:s28], [sflag:$0x3], $0x80, $0x38;
	[tilespmem:$0xAB80] =	vst v63  }
0xeb: {  	s24 =	sadd.s32 $0x10, s15;
	s28 =	simm.s32 $0x6FE0  }
0xec: {  	[hbm4b:s24+s2] =	stream.linear.scatter [tilespmem:s28], [sflag:$0x3], $0x80, $0x38;
	[tilespmem:$0xAB80] =	vst v63  }
0xed: {  	s24 =	sadd.s32 $0x20, s15;
	s28 =	simm.s32 $0x70F8  }
0xee: {  	[hbm4b:s24+s2] =	stream.linear.scatter [tilespmem:s28], [sflag:$0x3], $0x80, $0x38;
	[tilespmem:$0xAB80] =	vst v63  }
0xef: {  	s24 =	sadd.s32 $0x30, s15;
	s28 =	simm.s32 $0x7210  }
0xf0: {  	[hbm4b:s24+s2] =	stream.linear.scatter [tilespmem:s28], [sflag:$0x3], $0x80, $0x38;
	[tilespmem:$0xAB80] =	vst v63  }
0xf1: {  	s24 =	sadd.s32 $0x40, s15;
	s28 =	simm.s32 $0x7328  }
0xf2: {  	[hbm4b:s24+s2] =	stream.linear.scatter [tilespmem:s28], [sflag:$0x3], $0x80, $0x38;
	[tilespmem:$0xAB80] =	vst v63  }
0xf3: {  	s24 =	sadd.s32 $0x50, s15;
	s28 =	simm.s32 $0x7440  }
0xf4: {  	[hbm4b:s24+s2] =	stream.linear.scatter [tilespmem:s28], [sflag:$0x3], $0x80, $0x38;
	[tilespmem:$0xAB80] =	vst v63  }
0xf5: {  	s24 =	sadd.s32 $0x60, s15;
	s28 =	simm.s32 $0x7558  }
0xf6: {  	[hbm4b:s24+s2] =	stream.linear.scatter [tilespmem:s28], [sflag:$0x3], $0x80, $0x38;
	[tilespmem:$0xAB80] =	vst v63  }
0xf7: {  	s15 =	sadd.s32 $0x70, s15;
	s24 =	simm.s32 $0x7670  }
0xf8: {  	[hbm4b:s15+s2] =	stream.linear.scatter [tilespmem:s24], [sflag:$0x3], $0x80, $0x38;
	[tilespmem:$0xAB80] =	vst v63  }
0xf9: {  	s28 =	simm.s32 $0x7788;
	s15 =	sadd.s32 s14, s10  }
0xfa: {  	[hbm4b:s15+s2] =	stream.linear.scatter [tilespmem:s28], [sflag:$0x3], $0x80, $0x38;
	[tilespmem:$0xAB80] =	vst v63  }
0xfb: {  	s24 =	sadd.s32 $0x10, s15;
	s28 =	simm.s32 $0x78A0  }
0xfc: {  	[hbm4b:s24+s2] =	stream.linear.scatter [tilespmem:s28], [sflag:$0x3], $0x80, $0x38;
	[tilespmem:$0xAB80] =	vst v63  }
0xfd: {  	s24 =	sadd.s32 $0x20, s15;
	s28 =	simm.s32 $0x79B8  }
0xfe: {  	[hbm4b:s24+s2] =	stream.linear.scatter [tilespmem:s28], [sflag:$0x3], $0x80, $0x38;
	[tilespmem:$0xAB80] =	vst v63  }
0xff: {  	s24 =	sadd.s32 $0x30, s15;
	s28 =	simm.s32 $0x7AD0  }
0x100: {  	[hbm4b:s24+s2] =	stream.linear.scatter [tilespmem:s28], [sflag:$0x3], $0x80, $0x38;
	[tilespmem:$0xAB80] =	vst v63  }
0x101: {  	s24 =	sadd.s32 $0x40, s15;
	s28 =	simm.s32 $0x7BE8  }
0x102: {  	[hbm4b:s24+s2] =	stream.linear.scatter [tilespmem:s28], [sflag:$0x3], $0x80, $0x38;
	[tilespmem:$0xAB80] =	vst v63  }
0x103: {  	s24 =	sadd.s32 $0x50, s15;
	s28 =	simm.s32 $0x7D00  }
0x104: {  	[hbm4b:s24+s2] =	stream.linear.scatter [tilespmem:s28], [sflag:$0x3], $0x80, $0x38;
	[tilespmem:$0xAB80] =	vst v63  }
0x105: {  	s24 =	sadd.s32 $0x60, s15;
	s28 =	simm.s32 $0x7E18  }
0x106: {  	[hbm4b:s24+s2] =	stream.linear.scatter [tilespmem:s28], [sflag:$0x3], $0x80, $0x38;
	[tilespmem:$0xAB80] =	vst v63  }
0x107: {  	s15 =	sadd.s32 $0x70, s15;
	s28 =	simm.s32 $0x7F30  }
0x108: {  	[hbm4b:s15+s2] =	stream.linear.scatter [tilespmem:s28], [sflag:$0x3], $0x80, $0x38;
	[tilespmem:$0xAB80] =	vst v63  }
0x109: {  	s22 =	simm.s32 $0x8048;
	s14 =	sadd.s32 s14, s11  }
0x10a: {  	[hbm4b:s14+s2] =	stream.linear.scatter [tilespmem:s22], [sflag:$0x3], $0x80, $0x38;
	[tilespmem:$0xAB80] =	vst v63  }
0x10b: {  	s24 =	sadd.s32 $0x10, s14;
	s28 =	simm.s32 $0x8160  }
0x10c: {  	[hbm4b:s24+s2] =	stream.linear.scatter [tilespmem:s28], [sflag:$0x3], $0x80, $0x38;
	[tilespmem:$0xAB80] =	vst v63  }
0x10d: {  	s24 =	sadd.s32 $0x20, s14;
	s28 =	simm.s32 $0x8278  }
0x10e: {  	[hbm4b:s24+s2] =	stream.linear.scatter [tilespmem:s28], [sflag:$0x3], $0x80, $0x38;
	[tilespmem:$0xAB80] =	vst v63  }
0x10f: {  	s24 =	sadd.s32 $0x30, s14;
	s28 =	simm.s32 $0x8390  }
0x110: {  	[hbm4b:s24+s2] =	stream.linear.scatter [tilespmem:s28], [sflag:$0x3], $0x80, $0x38;
	[tilespmem:$0xAB80] =	vst v63  }
0x111: {  	s24 =	sadd.s32 $0x40, s14;
	s28 =	simm.s32 $0x84A8  }
0x112: {  	[hbm4b:s24+s2] =	stream.linear.scatter [tilespmem:s28], [sflag:$0x3], $0x80, $0x38;
	[tilespmem:$0xAB80] =	vst v63  }
0x113: {  	s24 =	sadd.s32 $0x50, s14;
	s28 =	simm.s32 $0x85C0  }
0x114: {  	[hbm4b:s24+s2] =	stream.linear.scatter [tilespmem:s28], [sflag:$0x3], $0x80, $0x38;
	[tilespmem:$0xAB80] =	vst v63  }
0x115: {  	s24 =	sadd.s32 $0x60, s14;
	s28 =	simm.s32 $0x86D8  }
0x116: {  	[hbm4b:s24+s2] =	stream.linear.scatter [tilespmem:s28], [sflag:$0x3], $0x80, $0x38;
	[tilespmem:$0xAB80] =	vst v63  }
0x117: {  	s14 =	sadd.s32 $0x70, s14;
	s24 =	simm.s32 $0x87F0  }
0x118: {  	[hbm4b:s14+s2] =	stream.linear.scatter [tilespmem:s24], [sflag:$0x3], $0x80, $0x38;
	[tilespmem:$0xAB80] =	vst v63  }
0x119: {  	p0 =	seq.s32 s25, $0xB;
	_ =	swait.ge [sflag:s29], $0x2000  }
0x11a: {  	s15 =	simm.s32 @!p0 $0x80;
	[sflag:s29] =	ssyncset.done $0x0  }
0x11b: {  	s22 =	simm.s32 @!p0 $0x4580;
	s14 =	sadd.s32 @!p0 $0x300, s26;
	[sflag:s29] =	ssyncadd.s32 $0xFFFFE000  }
0x11c: {  	[tilespmem:s22], [sflag:$0x2] =	stream.indirect.gather @!p0 [hbm4b:s3+s15], $0x20, s14, s15, $0xb8;
	[tilespmem:$0xAB80] =	vst v63  }
0x11d: {  	p1 =	seq.s32 @!p0 s25, $0x0;
	s14 =	sadd.s32 @!p0 $0x380, s26;
	s22 =	simm.s32 @!p0 $0x5580  }
0x11e: {  	[tilespmem:s22], [sflag:$0x2] =	stream.indirect.gather @!p0 [hbm4b:s3+s15], $0x20, s14, s15, $0xb8;
	[tilespmem:$0xAB80] =	vst v63  }
0x11f: {  	p0 =	por p0, !p1  }
0x120: {  	s14 =	sor.u32 $0x2, s20;
	_ =	swait.ge @p0 [sflag:s13], $0x2000  }
0x121: {  	s26 =	sshll.u32 s14, $0x6;
	[sflag:s13] =	ssyncset.done @p0 $0x0  }
0x122: {  	s15 =	sand.u32 $0x3FFFFFC0, s26;
	[sflag:s13] =	ssyncadd.s32 @p0 $0xFFFFE000  }
0x123: {  	s28 =	simm.s32 $0x3;
	s24 =	simm.s32 $0x45C0;
	v3 =	vld [tilespmem:s15+$0x1910]  }
0x124: {  	v2 =	vmov s28;
	v4 =	vld [tilespmem:s24+$0x20]  }
0x125: {  	v7 =	vand.u32 $0x7F, v2  }
0x126: {  	s28 =	simm.s32 $0x1;
	v5 =	vadd.s32 v0, v7  }
0x127: {  	v2 =	vmov s28;
	s28 =	simm.s32 $0x2;
	v8 =	vld [tilespmem:s24+$0xFFFFFFC0]  }
0x128: {  	v10 =	vmov s28;
	s26 =	simm.s32 $0x0;
	v9 =	vld [tilespmem:s24+$0xFFFFFFE0]  }
0x129: {  	v15 =	vand.u32 $0x7D, v2;
	v6 =	vmov s26;
	v11 =	vld [tilespmem:s24+$0x0];
	v4 =	vadd.f32 v4, v3  }
0x12a: {  	s28 =	simm.s32 $0x7;
	v63 =	vadd.s32 v1, v7;
	v12 =	vadd.s32 v0, v15;
	s26 =	simm.s32 $0x4640;
	v2 =	vld [tilespmem:s15+$0x1920];
	v6 =	vand.u32 $0x7C, v6  }
0x12b: {  	v18 =	vand.u32 $0x7E, v10;
	v14 =	vld [tilespmem:s26+$0x20];
	v16 =	vadd.s32 v0, v6;
	[tilespmem:v5+s30+$0x0] =	vst.idx.msk $0xffff, v4;
	v5 =	vmov s28  }
0x12c: {  	v15 =	vadd.s32 v1, v15;
	v13 =	vadd.s32 v0, v18;
	s22 =	simm.s32 $0x4;
	v5 =	vand.u32 $0x7F, v5;
	v20 =	vld [tilespmem:s24+$0x30]  }
0x12d: {  	v10 =	vmov s22;
	v21 =	vld [tilespmem:s26+$0xFFFFFFC0];
	v9 =	vadd.f32 v9, v3;
	v22 =	vadd.s32 v0, v5  }
0x12e: {  	s22 =	simm.s32 $0x6;
	v23 =	vld [tilespmem:s26+$0xFFFFFFE0];
	v8 =	vadd.f32 v8, v3;
	v4 =	vand.u32 $0x7C, v10;
	s28 =	simm.s32 $0x5;
	v10 =	vadd.f32 v11, v3  }
0x12f: {  	v19 =	vld [tilespmem:s26+$0x0];
	[tilespmem:v12+s30+$0x0] =	vst.idx.msk $0xffff, v9;
	v9 =	vmov s22;
	s22 =	simm.s32 $0x46C0;
	v11 =	vmov s28;
	v17 =	vadd.s32 v0, v4  }
0x130: {  	v18 =	vadd.s32 v1, v18;
	v14 =	vadd.f32 v14, v3;
	[tilespmem:v16+s30+$0x0] =	vst.idx.msk $0xffff, v8;
	v16 =	vld [tilespmem:s22+$0x20];
	v7 =	vand.u32 $0x7D, v11  }
0x131: {  	s31 =	simm.s32 $0x8;
	v9 =	vand.u32 $0x7E, v9;
	[tilespmem:v13+s30+$0x0] =	vst.idx.msk $0xffff, v10;
	v13 =	vld [tilespmem:s24+$0xFFFFFFF0];
	v10 =	vadd.s32 v0, v7;
	v25 =	vadd.f32 v20, v2  }
0x132: {  	v8 =	vmov s31;
	s28 =	simm.s32 $0xB;
	v12 =	vadd.s32 v0, v9;
	v11 =	vld [tilespmem:s24+$0x10];
	v20 =	vadd.f32 v21, v3;
	[tilespmem:v22+s30+$0x0] =	vst.idx.msk $0xffff, v14  }
0x133: {  	v8 =	vand.u32 $0x7C, v8;
	v21 =	vadd.f32 v23, v3;
	v14 =	vld [tilespmem:s24+$0xFFFFFFD0];
	v22 =	vmov s28;
	s24 =	simm.s32 $0xC;
	[tilespmem:v63+s30+$0x0] =	vst.idx.msk $0xffff, v25  }
.LBB2_7:
0x134: {  	v22 =	vand.u32 $0x7F, v22;
	[tilespmem:v17+s30+$0x0] =	vst.idx.msk $0xffff, v20  }
0x135: {  	p0 =	slt.u32 s24, $0x7C;
	s15 =	sadd.s32 $0x1, s31;
	v17 =	vadd.f32 v19, v3;
	v20 =	vld [tilespmem:s26+$0x30];
	v23 =	vadd.s32 v1, v6;
	v24 =	vmovc v9;
	v6 =	vmovc v4;
	v4 =	vmov v8  }
0x136: {  	v25 =	vld [tilespmem:s22+$0xFFFFFFC0];
	v8 =	vmov s15;
	s15 =	sadd.s32 $0x2, s31;
	v26 =	vadd.s32 v0, v22;
	[tilespmem:v10+s30+$0x0] =	vst.idx.msk $0xffff, v21;
	v9 =	vadd.f32 v13, v2;
	s31 =	smov.u32 s24  }
0x137: {  	v27 =	vadd.s32 v1, v5;
	v5 =	vmovc v22;
	v21 =	vld [tilespmem:s22+$0xFFFFFFE0];
	v13 =	vmov s15;
	[tilespmem:v12+s30+$0x0] =	vst.idx.msk $0xffff, v17;
	v11 =	vadd.f32 v11, v2  }
.Ltmp2:
0x138: {  	v17 =	vadd.s32 v0, v4;
	v28 =	vand.u32 $0x7D, v8;
	v19 =	vld [tilespmem:s22+$0x0];
	v8 =	vadd.f32 v14, v2;
	[tilespmem:v15+s30+$0x0] =	vst.idx.msk $0xffff, v9;
	(pc) =	sbr.rel @p0 .LBB2_7-.Ltmp2, $4  }
0x139: {  	v10 =	vadd.s32 v0, v28;
	v9 =	vand.u32 $0x7E, v13;
	v14 =	vadd.f32 v16, v3;
	v13 =	vld [tilespmem:s26+$0xFFFFFFF0];
	[tilespmem:v18+s30+$0x0] =	vst.idx.msk $0xffff, v11  }
0x13a: {  	v15 =	vmov s24;
	v12 =	vadd.s32 v0, v9;
	v11 =	vld [tilespmem:s26+$0x10];
	v29 =	vadd.f32 v20, v2;
	[tilespmem:v23+s30+$0x0] =	vst.idx.msk $0xffff, v8  }
0x13b: {  	s15 =	sadd.s32 $0x3, s24;
	v8 =	vand.u32 $0x7C, v15;
	v15 =	vadd.s32 v1, v7;
	v20 =	vadd.f32 v25, v3;
	[tilespmem:v26+s30+$0x0] =	vst.idx.msk $0xffff, v14;
	v14 =	vld [tilespmem:s26+$0xFFFFFFD0];
	s26 =	smov.u32 s22;
	s22 =	sadd.s32 $0x80, s22  }
0x13c: {  	v22 =	vmov s15;
	s24 =	sadd.s32 $0x4, s24;
	v18 =	vadd.s32 v1, v24;
	v7 =	vmovc v28;
	v16 =	vld [tilespmem:s22+$0x20];
	v21 =	vadd.f32 v21, v3;
	[tilespmem:v27+s30+$0x0] =	vst.idx.msk $0xffff, v29  }
0x13d: {  	_ =	sdelay $0x3  }
0x13e: {  	s15 =	sadd.s32 $0x1, s31;
	v22 =	vand.u32 $0x7F, v22;
	[tilespmem:v17+s30+$0x0] =	vst.idx.msk $0xffff, v20;
	v17 =	vadd.f32 v19, v3  }
0x13f: {  	v6 =	vadd.s32 v1, v6;
	s28 =	sadd.s32 $0x2, s31;
	v20 =	vld [tilespmem:s22+$0xFFFFFFE0];
	v23 =	vmov s15;
	v19 =	vadd.s32 v0, v22  }
0x140: {  	v60 =	vld [tilespmem:s22+$0x0];
	[tilespmem:v10+s30+$0x0] =	vst.idx.msk $0xffff, v21;
	v10 =	vadd.f32 v13, v2;
	v13 =	vmov s28;
	v59 =	vand.u32 $0x7D, v23  }
0x141: {  	v24 =	vld [tilespmem:s22+$0xFFFFFFC0];
	[tilespmem:v12+s30+$0x0] =	vst.idx.msk $0xffff, v17;
	v11 =	vadd.f32 v11, v2;
	v13 =	vand.u32 $0x7E, v13;
	v12 =	vadd.s32 v0, v59  }
0x142: {  	v17 =	vld [tilespmem:s26+$0x30];
	v14 =	vadd.f32 v14, v2;
	[tilespmem:v15+s30+$0x0] =	vst.idx.msk $0xffff, v10;
	v10 =	vadd.s32 v0, v13  }
0x143: {  	v15 =	vadd.s32 v0, v8;
	v16 =	vadd.f32 v16, v3;
	[tilespmem:v18+s30+$0x0] =	vst.idx.msk $0xffff, v11;
	v11 =	vld [tilespmem:s26+$0xFFFFFFF0]  }
0x144: {  	v5 =	vadd.s32 v1, v5;
	v18 =	vld [tilespmem:s26+$0x10];
	[tilespmem:v6+s30+$0x0] =	vst.idx.msk $0xffff, v14;
	v6 =	vadd.f32 v20, v3  }
0x145: {  	v7 =	vadd.s32 v1, v7;
	v14 =	vld [tilespmem:s26+$0xFFFFFFD0];
	[tilespmem:v19+s30+$0x0] =	vst.idx.msk $0xffff, v16;
	v16 =	vadd.f32 v60, v3  }
0x146: {  	v9 =	vadd.s32 v1, v9;
	v3 =	vadd.f32 v24, v3;
	v19 =	vld [tilespmem:s22+$0x30];
	[tilespmem:v12+s30+$0x0] =	vst.idx.msk $0xffff, v6  }
0x147: {  	v4 =	vadd.s32 v1, v4;
	v6 =	vadd.f32 v17, v2;
	[tilespmem:v10+s30+$0x0] =	vst.idx.msk $0xffff, v16;
	v10 =	vld [tilespmem:s22+$0xFFFFFFF0]  }
0x148: {  	[tilespmem:v15+s30+$0x0] =	vst.idx.msk $0xffff, v3;
	v3 =	vadd.f32 v11, v2;
	v11 =	vadd.s32 v1, v22;
	v12 =	vld [tilespmem:s22+$0x10]  }
0x149: {  	v15 =	vadd.s32 v1, v59;
	[tilespmem:v5+s30+$0x0] =	vst.idx.msk $0xffff, v6;
	v5 =	vadd.f32 v18, v2;
	v6 =	vld [tilespmem:s22+$0xFFFFFFD0]  }
0x14a: {  	v14 =	vadd.f32 v14, v2;
	[tilespmem:v7+s30+$0x0] =	vst.idx.msk $0xffff, v3;
	v3 =	vadd.s32 v1, v13  }
0x14b: {  	v7 =	vadd.s32 v1, v8;
	[tilespmem:v9+s30+$0x0] =	vst.idx.msk $0xffff, v5;
	v5 =	vadd.f32 v19, v2  }
0x14c: {  	s14 =	sadd.s32 s4, s14;
	[tilespmem:v4+s30+$0x0] =	vst.idx.msk $0xffff, v14;
	v4 =	vadd.f32 v10, v2  }
0x14d: {  	s14 =	sshll.u32 s14, $0x10;
	[tilespmem:v11+s30+$0x0] =	vst.idx.msk $0xffff, v5;
	v5 =	vadd.f32 v12, v2  }
0x14e: {  	s14 =	sor.u32 s6, s14;
	v2 =	vadd.f32 v6, v2;
	[tilespmem:v15+s30+$0x0] =	vst.idx.msk $0xffff, v4  }
0x14f: {  	s14 =	sshrl.u32 s14, $0x3;
	[tilespmem:v3+s30+$0x0] =	vst.idx.msk $0xffff, v5  }
0x150: {  	s15 =	sadd.s32 s14, s8;
	s22 =	simm.s32 $0x0;
	[tilespmem:v7+s30+$0x0] =	vst.idx.msk $0xffff, v2  }
0x151: {  	[hbm4b:s15+s22] =	stream.linear.scatter [tilespmem:s30], [sflag:$0x4], $0x80, $0x38;
	[tilespmem:$0xAB80] =	vst v63  }
0x152: {  	s31 =	simm.s32 $0x8998;
	s24 =	sadd.s32 $0x10, s15  }
0x153: {  	[hbm4b:s24+s22] =	stream.linear.scatter [tilespmem:s31], [sflag:$0x4], $0x80, $0x38;
	[tilespmem:$0xAB80] =	vst v63  }
0x154: {  	s28 =	sadd.s32 $0x20, s15;
	s31 =	simm.s32 $0x8AB0  }
0x155: {  	[hbm4b:s28+s22] =	stream.linear.scatter [tilespmem:s31], [sflag:$0x4], $0x80, $0x38;
	[tilespmem:$0xAB80] =	vst v63  }
0x156: {  	s28 =	sadd.s32 $0x30, s15;
	s31 =	simm.s32 $0x8BC8  }
0x157: {  	[hbm4b:s28+s22] =	stream.linear.scatter [tilespmem:s31], [sflag:$0x4], $0x80, $0x38;
	[tilespmem:$0xAB80] =	vst v63  }
0x158: {  	s28 =	sadd.s32 $0x40, s15;
	s31 =	simm.s32 $0x8CE0  }
0x159: {  	[hbm4b:s28+s22] =	stream.linear.scatter [tilespmem:s31], [sflag:$0x4], $0x80, $0x38;
	[tilespmem:$0xAB80] =	vst v63  }
0x15a: {  	s28 =	sadd.s32 $0x50, s15;
	s31 =	simm.s32 $0x8DF8  }
0x15b: {  	[hbm4b:s28+s22] =	stream.linear.scatter [tilespmem:s31], [sflag:$0x4], $0x80, $0x38;
	[tilespmem:$0xAB80] =	vst v63  }
0x15c: {  	s26 =	sadd.s32 $0x60, s15;
	s28 =	simm.s32 $0x8F10  }
0x15d: {  	[hbm4b:s26+s22] =	stream.linear.scatter [tilespmem:s28], [sflag:$0x4], $0x80, $0x38;
	[tilespmem:$0xAB80] =	vst v63  }
0x15e: {  	s15 =	sadd.s32 $0x70, s15;
	s31 =	simm.s32 $0x9028  }
0x15f: {  	[hbm4b:s15+s22] =	stream.linear.scatter [tilespmem:s31], [sflag:$0x4], $0x80, $0x38;
	[tilespmem:$0xAB80] =	vst v63  }
0x160: {  	s26 =	simm.s32 $0x9140;
	s15 =	sadd.s32 s14, s9  }
0x161: {  	[hbm4b:s15+s22] =	stream.linear.scatter [tilespmem:s26], [sflag:$0x4], $0x80, $0x38;
	[tilespmem:$0xAB80] =	vst v63  }
0x162: {  	s31 =	simm.s32 $0x9258;
	s28 =	sadd.s32 $0x10, s15  }
0x163: {  	[hbm4b:s28+s22] =	stream.linear.scatter [tilespmem:s31], [sflag:$0x4], $0x80, $0x38;
	[tilespmem:$0xAB80] =	vst v63  }
0x164: {  	s28 =	sadd.s32 $0x20, s15;
	s31 =	simm.s32 $0x9370  }
0x165: {  	[hbm4b:s28+s22] =	stream.linear.scatter [tilespmem:s31], [sflag:$0x4], $0x80, $0x38;
	[tilespmem:$0xAB80] =	vst v63  }
0x166: {  	s28 =	sadd.s32 $0x30, s15;
	s31 =	simm.s32 $0x9488  }
0x167: {  	[hbm4b:s28+s22] =	stream.linear.scatter [tilespmem:s31], [sflag:$0x4], $0x80, $0x38;
	[tilespmem:$0xAB80] =	vst v63  }
0x168: {  	s28 =	sadd.s32 $0x40, s15;
	s31 =	simm.s32 $0x95A0  }
0x169: {  	[hbm4b:s28+s22] =	stream.linear.scatter [tilespmem:s31], [sflag:$0x4], $0x80, $0x38;
	[tilespmem:$0xAB80] =	vst v63  }
0x16a: {  	s28 =	sadd.s32 $0x50, s15;
	s31 =	simm.s32 $0x96B8  }
0x16b: {  	[hbm4b:s28+s22] =	stream.linear.scatter [tilespmem:s31], [sflag:$0x4], $0x80, $0x38;
	[tilespmem:$0xAB80] =	vst v63  }
0x16c: {  	s26 =	sadd.s32 $0x60, s15;
	s28 =	simm.s32 $0x97D0  }
0x16d: {  	[hbm4b:s26+s22] =	stream.linear.scatter [tilespmem:s28], [sflag:$0x4], $0x80, $0x38;
	[tilespmem:$0xAB80] =	vst v63  }
0x16e: {  	s15 =	sadd.s32 $0x70, s15;
	s31 =	simm.s32 $0x98E8  }
0x16f: {  	[hbm4b:s15+s22] =	stream.linear.scatter [tilespmem:s31], [sflag:$0x4], $0x80, $0x38;
	[tilespmem:$0xAB80] =	vst v63  }
0x170: {  	s26 =	simm.s32 $0x9A00;
	s15 =	sadd.s32 s14, s10  }
0x171: {  	[hbm4b:s15+s22] =	stream.linear.scatter [tilespmem:s26], [sflag:$0x4], $0x80, $0x38;
	[tilespmem:$0xAB80] =	vst v63  }
0x172: {  	s31 =	simm.s32 $0x9B18;
	s28 =	sadd.s32 $0x10, s15  }
0x173: {  	[hbm4b:s28+s22] =	stream.linear.scatter [tilespmem:s31], [sflag:$0x4], $0x80, $0x38;
	[tilespmem:$0xAB80] =	vst v63  }
0x174: {  	s28 =	sadd.s32 $0x20, s15;
	s31 =	simm.s32 $0x9C30  }
0x175: {  	[hbm4b:s28+s22] =	stream.linear.scatter [tilespmem:s31], [sflag:$0x4], $0x80, $0x38;
	[tilespmem:$0xAB80] =	vst v63  }
0x176: {  	s28 =	sadd.s32 $0x30, s15;
	s31 =	simm.s32 $0x9D48  }
0x177: {  	[hbm4b:s28+s22] =	stream.linear.scatter [tilespmem:s31], [sflag:$0x4], $0x80, $0x38;
	[tilespmem:$0xAB80] =	vst v63  }
0x178: {  	s28 =	sadd.s32 $0x40, s15;
	s31 =	simm.s32 $0x9E60  }
0x179: {  	[hbm4b:s28+s22] =	stream.linear.scatter [tilespmem:s31], [sflag:$0x4], $0x80, $0x38;
	[tilespmem:$0xAB80] =	vst v63  }
0x17a: {  	s28 =	sadd.s32 $0x50, s15;
	s31 =	simm.s32 $0x9F78  }
0x17b: {  	[hbm4b:s28+s22] =	stream.linear.scatter [tilespmem:s31], [sflag:$0x4], $0x80, $0x38;
	[tilespmem:$0xAB80] =	vst v63  }
0x17c: {  	s28 =	sadd.s32 $0x60, s15;
	s31 =	simm.s32 $0xA090  }
0x17d: {  	[hbm4b:s28+s22] =	stream.linear.scatter [tilespmem:s31], [sflag:$0x4], $0x80, $0x38;
	[tilespmem:$0xAB80] =	vst v63  }
0x17e: {  	s15 =	sadd.s32 $0x70, s15;
	s28 =	simm.s32 $0xA1A8  }
0x17f: {  	[hbm4b:s15+s22] =	stream.linear.scatter [tilespmem:s28], [sflag:$0x4], $0x80, $0x38;
	[tilespmem:$0xAB80] =	vst v63  }
0x180: {  	s14 =	sadd.s32 s14, s11;
	s31 =	simm.s32 $0xA2C0  }
0x181: {  	[hbm4b:s14+s22] =	stream.linear.scatter [tilespmem:s31], [sflag:$0x4], $0x80, $0x38;
	[tilespmem:$0xAB80] =	vst v63  }
0x182: {  	s24 =	sadd.s32 $0x10, s14;
	s26 =	simm.s32 $0xA3D8  }
0x183: {  	[hbm4b:s24+s22] =	stream.linear.scatter [tilespmem:s26], [sflag:$0x4], $0x80, $0x38;
	[tilespmem:$0xAB80] =	vst v63  }
0x184: {  	s28 =	sadd.s32 $0x20, s14;
	s31 =	simm.s32 $0xA4F0  }
0x185: {  	[hbm4b:s28+s22] =	stream.linear.scatter [tilespmem:s31], [sflag:$0x4], $0x80, $0x38;
	[tilespmem:$0xAB80] =	vst v63  }
0x186: {  	s24 =	sadd.s32 $0x30, s14;
	s26 =	simm.s32 $0xA608  }
0x187: {  	[hbm4b:s24+s22] =	stream.linear.scatter [tilespmem:s26], [sflag:$0x4], $0x80, $0x38;
	[tilespmem:$0xAB80] =	vst v63  }
0x188: {  	s28 =	sadd.s32 $0x40, s14;
	s31 =	simm.s32 $0xA720  }
0x189: {  	[hbm4b:s28+s22] =	stream.linear.scatter [tilespmem:s31], [sflag:$0x4], $0x80, $0x38;
	[tilespmem:$0xAB80] =	vst v63  }
0x18a: {  	s24 =	sadd.s32 $0x50, s14;
	s26 =	simm.s32 $0xA838  }
0x18b: {  	[hbm4b:s24+s22] =	stream.linear.scatter [tilespmem:s26], [sflag:$0x4], $0x80, $0x38;
	[tilespmem:$0xAB80] =	vst v63  }
0x18c: {  	s28 =	sadd.s32 $0x60, s14;
	s31 =	simm.s32 $0xA950  }
0x18d: {  	[hbm4b:s28+s22] =	stream.linear.scatter [tilespmem:s31], [sflag:$0x4], $0x80, $0x38;
	[tilespmem:$0xAB80] =	vst v63  }
0x18e: {  	s14 =	sadd.s32 $0x70, s14;
	s24 =	simm.s32 $0xAA68;
	s26 =	simm.s32 $0x3  }
0x18f: {  	[hbm4b:s14+s22] =	stream.linear.scatter [tilespmem:s24], [sflag:$0x4], $0x80, $0x38;
	[tilespmem:$0xAB80] =	vst v63  }
0x190: {  	v2 =	vmov s26;
	s14 =	sor.u32 $0x3, s20  }
0x191: {  	v4 =	vmov s22;
	s31 =	simm.s32 $0x1;
	v2 =	vadd.s32 $0x88, v2;
	s22 =	simm.s32 $0x55F0;
	s20 =	sshll.u32 s14, $0x6  }
0x192: {  	v4 =	vadd.s32 $0x88, v4;
	v5 =	vmov s31;
	v2 =	vand.u32 $0x1FF, v2;
	v6 =	vld [tilespmem:s22+$0xFFFFFFF0];
	s28 =	sand.u32 $0x3FFFFFC0, s20  }
0x193: {  	v4 =	vand.u32 $0x1FC, v4;
	v5 =	vadd.s32 $0x88, v5;
	v7 =	vbroadcast v2, $0x0;
	v3 =	vld [tilespmem:s28+$0x1910]  }
0x194: {  	v8 =	vbroadcast v4, $0x0;
	v4 =	vld [tilespmem:s22+$0xFFFFFF90];
	v5 =	vand.u32 $0x1FD, v5  }
0x195: {  	v10 =	vbroadcast v5, $0x0;
	v5 =	vadd.s32 v0, v7  }
0x196: {  	v11 =	vadd.s32 v0, v8;
	s24 =	simm.s32 $0x2;
	v9 =	vld [tilespmem:s22+$0xFFFFFFB0]  }
0x197: {  	v2 =	vmov s24  }
0x198: {  	s26 =	simm.s32 $0x4;
	v2 =	vadd.s32 $0x88, v2;
	v14 =	vadd.s32 v0, v10;
	v6 =	vadd.f32 v6, v3  }
0x199: {  	v15 =	vmov s26;
	v12 =	vld [tilespmem:s22+$0xFFFFFFD0];
	v2 =	vand.u32 $0x1FE, v2;
	v4 =	vadd.f32 v4, v3  }
0x19a: {  	v20 =	vadd.s32 v1, v8;
	v15 =	vadd.s32 $0x88, v15;
	s24 =	simm.s32 $0x7;
	v13 =	vbroadcast v2, $0x0;
	v2 =	vld [tilespmem:s28+$0x1920];
	[tilespmem:v5+s30+$0x0] =	vst.idx.msk $0xffff, v6  }
0x19b: {  	s28 =	simm.s32 $0x5;
	v9 =	vadd.f32 v9, v3;
	v6 =	vand.u32 $0x1FC, v15;
	v15 =	vmov s24;
	[tilespmem:v11+s30+$0x0] =	vst.idx.msk $0xffff, v4;
	v11 =	vld [tilespmem:s22+$0x0]  }
0x19c: {  	s31 =	simm.s32 $0x6;
	v18 =	vadd.s32 v1, v7;
	v17 =	vmov s28;
	v4 =	vadd.s32 $0x88, v15;
	v15 =	vld [tilespmem:s22+$0xFFFFFFA0]  }
0x19d: {  	v16 =	vadd.s32 v0, v13;
	v17 =	vadd.s32 $0x88, v17;
	v5 =	vmov s31;
	[tilespmem:v14+s30+$0x0] =	vst.idx.msk $0xffff, v9  }
0x19e: {  	s20 =	simm.s32 $0x5670;
	v12 =	vadd.f32 v12, v3;
	v9 =	vadd.s32 $0x88, v5;
	v14 =	vld [tilespmem:s22+$0xFFFFFFC0];
	v5 =	vand.u32 $0x1FF, v4  }
0x19f: {  	v19 =	vld [tilespmem:s20+$0xFFFFFFF0];
	v4 =	vbroadcast v6, $0x0;
	v6 =	vand.u32 $0x1FD, v17;
	v5 =	vbroadcast v5, $0x0  }
0x1a0: {  	v61 =	vld [tilespmem:s20+$0xFFFFFF90];
	v7 =	vand.u32 $0x1FE, v9;
	v17 =	vadd.s32 v1, v10;
	v6 =	vbroadcast v6, $0x0  }
0x1a1: {  	v62 =	vld [tilespmem:s20+$0xFFFFFFB0];
	v63 =	vadd.s32 v0, v5;
	v9 =	vadd.f32 v11, v2;
	v11 =	vadd.f32 v15, v2  }
0x1a2: {  	[tilespmem:v16+s30+$0x0] =	vst.idx.msk $0xffff, v12;
	v12 =	vld [tilespmem:s20+$0xFFFFFFD0];
	v7 =	vbroadcast v7, $0x0;
	v10 =	vadd.s32 v0, v4;
	v8 =	vadd.s32 v0, v6  }
0x1a3: {  	s26 =	simm.s32 $0x8;
	v15 =	vadd.f32 v14, v2;
	[tilespmem:v20+s30+$0x0] =	vst.idx.msk $0xffff, v11;
	v11 =	vadd.s32 v1, v13;
	v13 =	vld [tilespmem:s22+$0xFFFFFFE0]  }
0x1a4: {  	v19 =	vadd.f32 v19, v3;
	v14 =	vmov s26;
	[tilespmem:v18+s30+$0x0] =	vst.idx.msk $0xffff, v9;
	v9 =	vadd.s32 v0, v7  }
0x1a5: {  	s28 =	simm.s32 $0x9;
	s31 =	simm.s32 $0xA;
	v16 =	vadd.s32 $0x88, v14;
	v14 =	vadd.f32 v61, v3;
	[tilespmem:v17+s30+$0x0] =	vst.idx.msk $0xffff, v15  }
0x1a6: {  	s24 =	simm.s32 $0xC;
	s26 =	simm.s32 $0xB;
	v18 =	vmov s28;
	v17 =	vmov s31;
	v15 =	vadd.f32 v62, v3;
	s22 =	simm.s32 $0x5670;
	[tilespmem:v63+s30+$0x0] =	vst.idx.msk $0xffff, v19  }
.LBB2_9:
0x1a7: {  	p0 =	slt.u32 s24, $0x7C;
	v16 =	vand.u32 $0x1FC, v16;
	v19 =	vmov s26;
	[tilespmem:v10+s30+$0x0] =	vst.idx.msk $0xffff, v14;
	v10 =	vadd.f32 v12, v3;
	v12 =	vld [tilespmem:s20+$0x0]  }
0x1a8: {  	v14 =	vadd.s32 $0x88, v18;
	v18 =	vadd.s32 $0x88, v19;
	v19 =	vld [tilespmem:s20+$0xFFFFFFA0];
	[tilespmem:v8+s30+$0x0] =	vst.idx.msk $0xffff, v15;
	v8 =	vadd.f32 v13, v2  }
0x1a9: {  	v13 =	vadd.s32 $0x88, v17;
	s20 =	sadd.s32 $0x80, s20;
	v15 =	vand.u32 $0x1FF, v18;
	v17 =	vld [tilespmem:s22+$0xFFFFFFC0];
	[tilespmem:v9+s30+$0x0] =	vst.idx.msk $0xffff, v10;
	v9 =	vadd.s32 v1, v5  }
0x1aa: {  	v18 =	vld [tilespmem:s20+$0xFFFFFFF0];
	v5 =	vbroadcast v15, $0x0;
	v15 =	vadd.s32 v1, v4;
	v4 =	vbroadcast v16, $0x0;
	[tilespmem:v11+s30+$0x0] =	vst.idx.msk $0xffff, v8  }
0x1ab: {  	v20 =	vadd.s32 v1, v6;
	v13 =	vand.u32 $0x1FE, v13;
	v8 =	vand.u32 $0x1FD, v14;
	v11 =	vld [tilespmem:s20+$0xFFFFFF90]  }
0x1ac: {  	v6 =	vbroadcast v8, $0x0;
	v21 =	vld [tilespmem:s20+$0xFFFFFFB0];
	v22 =	vadd.s32 v0, v5;
	v14 =	vadd.f32 v12, v2  }
.Ltmp3:
0x1ad: {  	v23 =	vbroadcast v13, $0x0;
	v10 =	vadd.s32 v0, v4;
	v12 =	vld [tilespmem:s20+$0xFFFFFFD0];
	v16 =	vadd.f32 v19, v2;
	(pc) =	sbr.rel @p0 .LBB2_9-.Ltmp3, $4  }
0x1ae: {  	v8 =	vadd.s32 v0, v6;
	v17 =	vadd.f32 v17, v2;
	v13 =	vld [tilespmem:s22+$0xFFFFFFE0];
	[tilespmem:v9+s30+$0x0] =	vst.idx.msk $0xffff, v14;
	s22 =	smov.u32 s20  }
0x1af: {  	v14 =	vmov s24;
	v9 =	vadd.s32 v0, v23;
	v19 =	vadd.f32 v18, v3;
	[tilespmem:v15+s30+$0x0] =	vst.idx.msk $0xffff, v16  }
0x1b0: {  	s15 =	sadd.s32 $0x1, s24;
	s26 =	sadd.s32 $0x2, s24;
	v16 =	vadd.s32 $0x88, v14;
	v14 =	vadd.f32 v11, v3;
	[tilespmem:v20+s30+$0x0] =	vst.idx.msk $0xffff, v17;
	v11 =	vadd.s32 v1, v7  }
0x1b1: {  	v18 =	vmov s15;
	v17 =	vmov s26;
	s26 =	sadd.s32 $0x3, s24;
	s24 =	sadd.s32 $0x4, s24;
	v7 =	vmovc v23;
	v15 =	vadd.f32 v21, v3;
	[tilespmem:v22+s30+$0x0] =	vst.idx.msk $0xffff, v19  }
0x1b2: {  	v19 =	vmov s26;
	s15 =	sadd.s32 $0x80, s20;
	v16 =	vand.u32 $0x1FC, v16;
	v18 =	vadd.s32 $0x88, v18  }
0x1b3: {  	v19 =	vadd.s32 $0x88, v19;
	v16 =	vbroadcast v16, $0x0;
	v21 =	vld [tilespmem:s15+$0xFFFFFF90];
	v18 =	vand.u32 $0x1FD, v18  }
0x1b4: {  	v17 =	vadd.s32 $0x88, v17;
	v22 =	vld [tilespmem:s15+$0xFFFFFFB0];
	v19 =	vand.u32 $0x1FF, v19;
	v18 =	vbroadcast v18, $0x0  }
0x1b5: {  	v20 =	vld [tilespmem:s15+$0xFFFFFFF0];
	v17 =	vand.u32 $0x1FE, v17;
	v19 =	vbroadcast v19, $0x0;
	v41 =	vadd.s32 v0, v16  }
0x1b6: {  	[tilespmem:v10+s30+$0x0] =	vst.idx.msk $0xffff, v14;
	v40 =	vadd.f32 v12, v3;
	v42 =	vld [tilespmem:s15+$0xFFFFFFD0];
	v17 =	vbroadcast v17, $0x0;
	v44 =	vadd.s32 v0, v18  }
0x1b7: {  	v24 =	vld [tilespmem:s20+$0x0];
	[tilespmem:v8+s30+$0x0] =	vst.idx.msk $0xffff, v15;
	v43 =	vadd.f32 v13, v2;
	v23 =	vadd.s32 v0, v19  }
0x1b8: {  	v45 =	vld [tilespmem:s20+$0xFFFFFFA0];
	[tilespmem:v9+s30+$0x0] =	vst.idx.msk $0xffff, v40;
	v46 =	vadd.s32 v0, v17;
	v49 =	vadd.f32 v21, v3  }
0x1b9: {  	v5 =	vadd.s32 v1, v5;
	v48 =	vld [tilespmem:s22+$0xFFFFFFC0];
	[tilespmem:v11+s30+$0x0] =	vst.idx.msk $0xffff, v43;
	v51 =	vadd.f32 v22, v3  }
0x1ba: {  	v4 =	vadd.s32 v1, v4;
	v50 =	vld [tilespmem:s22+$0xFFFFFFE0];
	v47 =	vadd.f32 v20, v3;
	[tilespmem:v41+s30+$0x0] =	vst.idx.msk $0xffff, v49  }
0x1bb: {  	v6 =	vadd.s32 v1, v6;
	v3 =	vadd.f32 v42, v3;
	v54 =	vld [tilespmem:s15+$0xFFFFFFA0];
	[tilespmem:v44+s30+$0x0] =	vst.idx.msk $0xffff, v51  }
0x1bc: {  	v7 =	vadd.s32 v1, v7;
	v53 =	vadd.f32 v24, v2;
	[tilespmem:v23+s30+$0x0] =	vst.idx.msk $0xffff, v47;
	v56 =	vld [tilespmem:s15+$0xFFFFFFC0]  }
0x1bd: {  	v57 =	vadd.s32 v1, v16;
	v55 =	vadd.f32 v45, v2;
	[tilespmem:v46+s30+$0x0] =	vst.idx.msk $0xffff, v3;
	v52 =	vld [tilespmem:s15+$0x0]  }
0x1be: {  	v59 =	vadd.s32 v1, v18;
	v8 =	vadd.f32 v48, v2;
	[tilespmem:v5+s30+$0x0] =	vst.idx.msk $0xffff, v53;
	v9 =	vld [tilespmem:s15+$0xFFFFFFE0]  }
0x1bf: {  	[tilespmem:v4+s30+$0x0] =	vst.idx.msk $0xffff, v55;
	v58 =	vadd.f32 v50, v2;
	v3 =	vadd.s32 v1, v19  }
0x1c0: {  	v61 =	vadd.s32 v1, v17;
	[tilespmem:v6+s30+$0x0] =	vst.idx.msk $0xffff, v8;
	v62 =	vadd.f32 v54, v2  }
0x1c1: {  	s14 =	sadd.s32 s4, s14;
	[tilespmem:v7+s30+$0x0] =	vst.idx.msk $0xffff, v58;
	v63 =	vadd.f32 v56, v2  }
0x1c2: {  	s14 =	sshll.u32 s14, $0x10;
	v60 =	vadd.f32 v52, v2;
	[tilespmem:v57+s30+$0x0] =	vst.idx.msk $0xffff, v62  }
0x1c3: {  	s14 =	sor.u32 s6, s14;
	v2 =	vadd.f32 v9, v2;
	[tilespmem:v59+s30+$0x0] =	vst.idx.msk $0xffff, v63  }
0x1c4: {  	s14 =	sshrl.u32 s14, $0x3;
	[tilespmem:v3+s30+$0x0] =	vst.idx.msk $0xffff, v60  }
0x1c5: {  	s22 =	simm.s32 $0x8908;
	s15 =	sadd.s32 s14, s8;
	[tilespmem:v61+s30+$0x0] =	vst.idx.msk $0xffff, v2  }
0x1c6: {  	[hbm4b:s15+s2] =	stream.linear.scatter [tilespmem:s22], [sflag:$0x4], $0x80, $0x38;
	[tilespmem:$0xAB80] =	vst v63  }
0x1c7: {  	s26 =	simm.s32 $0x8A20;
	s24 =	sadd.s32 $0x10, s15  }
0x1c8: {  	[hbm4b:s24+s2] =	stream.linear.scatter [tilespmem:s26], [sflag:$0x4], $0x80, $0x38;
	[tilespmem:$0xAB80] =	vst v63  }
0x1c9: {  	s31 =	simm.s32 $0x8B38;
	s28 =	sadd.s32 $0x20, s15  }
0x1ca: {  	[hbm4b:s28+s2] =	stream.linear.scatter [tilespmem:s31], [sflag:$0x4], $0x80, $0x38;
	[tilespmem:$0xAB80] =	vst v63  }
0x1cb: {  	s24 =	sadd.s32 $0x30, s15;
	s26 =	simm.s32 $0x8C50  }
0x1cc: {  	[hbm4b:s24+s2] =	stream.linear.scatter [tilespmem:s26], [sflag:$0x4], $0x80, $0x38;
	[tilespmem:$0xAB80] =	vst v63  }
0x1cd: {  	s28 =	sadd.s32 $0x40, s15;
	s31 =	simm.s32 $0x8D68  }
0x1ce: {  	[hbm4b:s28+s2] =	stream.linear.scatter [tilespmem:s31], [sflag:$0x4], $0x80, $0x38;
	[tilespmem:$0xAB80] =	vst v63  }
0x1cf: {  	s22 =	sadd.s32 $0x50, s15;
	s24 =	simm.s32 $0x8E80  }
0x1d0: {  	[hbm4b:s22+s2] =	stream.linear.scatter [tilespmem:s24], [sflag:$0x4], $0x80, $0x38;
	[tilespmem:$0xAB80] =	vst v63  }
0x1d1: {  	s26 =	sadd.s32 $0x60, s15;
	s28 =	simm.s32 $0x8F98  }
0x1d2: {  	[hbm4b:s26+s2] =	stream.linear.scatter [tilespmem:s28], [sflag:$0x4], $0x80, $0x38;
	[tilespmem:$0xAB80] =	vst v63  }
0x1d3: {  	s15 =	sadd.s32 $0x70, s15;
	s31 =	simm.s32 $0x90B0  }
0x1d4: {  	[hbm4b:s15+s2] =	stream.linear.scatter [tilespmem:s31], [sflag:$0x4], $0x80, $0x38;
	[tilespmem:$0xAB80] =	vst v63  }
0x1d5: {  	s22 =	simm.s32 $0x91C8;
	s15 =	sadd.s32 s14, s9  }
0x1d6: {  	[hbm4b:s15+s2] =	stream.linear.scatter [tilespmem:s22], [sflag:$0x4], $0x80, $0x38;
	[tilespmem:$0xAB80] =	vst v63  }
0x1d7: {  	s26 =	simm.s32 $0x92E0;
	s24 =	sadd.s32 $0x10, s15  }
0x1d8: {  	[hbm4b:s24+s2] =	stream.linear.scatter [tilespmem:s26], [sflag:$0x4], $0x80, $0x38;
	[tilespmem:$0xAB80] =	vst v63  }
0x1d9: {  	s31 =	simm.s32 $0x93F8;
	s28 =	sadd.s32 $0x20, s15  }
0x1da: {  	[hbm4b:s28+s2] =	stream.linear.scatter [tilespmem:s31], [sflag:$0x4], $0x80, $0x38;
	[tilespmem:$0xAB80] =	vst v63  }
0x1db: {  	s24 =	sadd.s32 $0x30, s15;
	s26 =	simm.s32 $0x9510  }
0x1dc: {  	[hbm4b:s24+s2] =	stream.linear.scatter [tilespmem:s26], [sflag:$0x4], $0x80, $0x38;
	[tilespmem:$0xAB80] =	vst v63  }
0x1dd: {  	s28 =	sadd.s32 $0x40, s15;
	s31 =	simm.s32 $0x9628  }
0x1de: {  	[hbm4b:s28+s2] =	stream.linear.scatter [tilespmem:s31], [sflag:$0x4], $0x80, $0x38;
	[tilespmem:$0xAB80] =	vst v63  }
0x1df: {  	s22 =	sadd.s32 $0x50, s15;
	s24 =	simm.s32 $0x9740  }
0x1e0: {  	[hbm4b:s22+s2] =	stream.linear.scatter [tilespmem:s24], [sflag:$0x4], $0x80, $0x38;
	[tilespmem:$0xAB80] =	vst v63  }
0x1e1: {  	s26 =	sadd.s32 $0x60, s15;
	s28 =	simm.s32 $0x9858  }
0x1e2: {  	[hbm4b:s26+s2] =	stream.linear.scatter [tilespmem:s28], [sflag:$0x4], $0x80, $0x38;
	[tilespmem:$0xAB80] =	vst v63  }
0x1e3: {  	s15 =	sadd.s32 $0x70, s15;
	s31 =	simm.s32 $0x9970  }
0x1e4: {  	[hbm4b:s15+s2] =	stream.linear.scatter [tilespmem:s31], [sflag:$0x4], $0x80, $0x38;
	[tilespmem:$0xAB80] =	vst v63  }
0x1e5: {  	s22 =	simm.s32 $0x9A88;
	s15 =	sadd.s32 s14, s10  }
0x1e6: {  	[hbm4b:s15+s2] =	stream.linear.scatter [tilespmem:s22], [sflag:$0x4], $0x80, $0x38;
	[tilespmem:$0xAB80] =	vst v63  }
0x1e7: {  	s26 =	simm.s32 $0x9BA0;
	s24 =	sadd.s32 $0x10, s15  }
0x1e8: {  	[hbm4b:s24+s2] =	stream.linear.scatter [tilespmem:s26], [sflag:$0x4], $0x80, $0x38;
	[tilespmem:$0xAB80] =	vst v63  }
0x1e9: {  	s31 =	simm.s32 $0x9CB8;
	s28 =	sadd.s32 $0x20, s15  }
0x1ea: {  	[hbm4b:s28+s2] =	stream.linear.scatter [tilespmem:s31], [sflag:$0x4], $0x80, $0x38;
	[tilespmem:$0xAB80] =	vst v63  }
0x1eb: {  	s24 =	sadd.s32 $0x30, s15;
	s26 =	simm.s32 $0x9DD0  }
0x1ec: {  	[hbm4b:s24+s2] =	stream.linear.scatter [tilespmem:s26], [sflag:$0x4], $0x80, $0x38;
	[tilespmem:$0xAB80] =	vst v63  }
0x1ed: {  	s28 =	sadd.s32 $0x40, s15;
	s31 =	simm.s32 $0x9EE8  }
0x1ee: {  	[hbm4b:s28+s2] =	stream.linear.scatter [tilespmem:s31], [sflag:$0x4], $0x80, $0x38;
	[tilespmem:$0xAB80] =	vst v63  }
0x1ef: {  	s22 =	sadd.s32 $0x50, s15;
	s24 =	simm.s32 $0xA000  }
0x1f0: {  	[hbm4b:s22+s2] =	stream.linear.scatter [tilespmem:s24], [sflag:$0x4], $0x80, $0x38;
	[tilespmem:$0xAB80] =	vst v63  }
0x1f1: {  	s26 =	sadd.s32 $0x60, s15;
	s28 =	simm.s32 $0xA118  }
0x1f2: {  	[hbm4b:s26+s2] =	stream.linear.scatter [tilespmem:s28], [sflag:$0x4], $0x80, $0x38;
	[tilespmem:$0xAB80] =	vst v63  }
0x1f3: {  	s15 =	sadd.s32 $0x70, s15;
	s31 =	simm.s32 $0xA230  }
0x1f4: {  	[hbm4b:s15+s2] =	stream.linear.scatter [tilespmem:s31], [sflag:$0x4], $0x80, $0x38;
	[tilespmem:$0xAB80] =	vst v63  }
0x1f5: {  	s14 =	sadd.s32 s14, s11  }
0x1f6: {  	[hbm4b:s14+s2] =	stream.linear.scatter [tilespmem:s23], [sflag:$0x4], $0x80, $0x38;
	[tilespmem:$0xAB80] =	vst v63  }
0x1f7: {  	s20 =	sadd.s32 $0x10, s14  }
0x1f8: {  	[hbm4b:s20+s2] =	stream.linear.scatter [tilespmem:s16], [sflag:$0x4], $0x80, $0x38;
	[tilespmem:$0xAB80] =	vst v63  }
0x1f9: {  	s22 =	sadd.s32 $0x20, s14  }
0x1fa: {  	[hbm4b:s22+s2] =	stream.linear.scatter [tilespmem:s7], [sflag:$0x4], $0x80, $0x38;
	[tilespmem:$0xAB80] =	vst v63  }
0x1fb: {  	s24 =	sadd.s32 $0x30, s14  }
0x1fc: {  	[hbm4b:s24+s2] =	stream.linear.scatter [tilespmem:s17], [sflag:$0x4], $0x80, $0x38;
	[tilespmem:$0xAB80] =	vst v63  }
0x1fd: {  	s25 =	sadd.s32 $0x1, s25;
	s26 =	sadd.s32 $0x40, s14  }
0x1fe: {  	[hbm4b:s26+s2] =	stream.linear.scatter [tilespmem:s12], [sflag:$0x4], $0x80, $0x38;
	[tilespmem:$0xAB80] =	vst v63  }
0x1ff: {  	p0 =	sne.s32 s25, $0xC;
	s28 =	sadd.s32 $0x50, s14  }
0x200: {  	[hbm4b:s28+s2] =	stream.linear.scatter [tilespmem:s18], [sflag:$0x4], $0x80, $0x38;
	[tilespmem:$0xAB80] =	vst v63  }
.Ltmp4:
0x201: {  	_ = 	snop;
	(pc) =	sbr.rel @p0 .LBB2_2-.Ltmp4, $4  }
0x202: {  	s31 =	sadd.s32 $0x60, s14  }
0x203: {  	[hbm4b:s31+s2] =	stream.linear.scatter [tilespmem:s5], [sflag:$0x4], $0x80, $0x38;
	[tilespmem:$0xAB80] =	vst v63  }
0x204: {  	s14 =	sadd.s32 $0x70, s14  }
0x205: {  	[hbm4b:s14+s2] =	stream.linear.scatter [tilespmem:s19], [sflag:$0x4], $0x80, $0x38;
	[tilespmem:$0xAB80] =	vst v63  }
0x206: {  	_ =	swait.ge [sflag:s0], $0x2000  }
0x207: {  	[sflag:s0] =	ssyncset.done $0x0  }
0x208: {  	s25 =	simm.s32 $0x3;
	[sflag:s0] =	ssyncadd.s32 $0xFFFFE000  }
0x209: {  	_ =	swait.ge [sflag:s25], $0x2000  }
0x20a: {  	[sflag:s25] =	ssyncset.done $0x0  }
0x20b: {  	[sflag:s25] =	ssyncadd.s32 $0xFFFFE000  }
0x20c: {  	s24 =	simm.s32 $0x25C0;
	s14 =	simm.s32 $0x3;
	v3 =	vld [tilespmem:$0x2510]  }
0x20d: {  	v2 =	vmov s14;
	v4 =	vld [tilespmem:s24+$0x20]  }
0x20e: {  	v7 =	vand.u32 $0x7F, v2  }
0x20f: {  	v5 =	vadd.s32 v0, v7  }
0x210: {  	s31 =	simm.s32 $0x0;
	s15 =	simm.s32 $0x1;
	v8 =	vld [tilespmem:s24+$0xFFFFFFC0]  }
0x211: {  	s20 =	simm.s32 $0x2;
	v6 =	vmov s31;
	v2 =	vmov s15;
	v9 =	vld [tilespmem:s24+$0xFFFFFFE0]  }
0x212: {  	v10 =	vmov s20;
	v15 =	vand.u32 $0x7D, v2;
	v11 =	vld [tilespmem:s24+$0x0];
	v4 =	vadd.f32 v4, v3  }
0x213: {  	s22 =	simm.s32 $0x4;
	s20 =	simm.s32 $0x7;
	s14 =	simm.s32 $0x2640;
	v6 =	vand.u32 $0x7C, v6;
	v18 =	vand.u32 $0x7E, v10;
	v12 =	vadd.s32 v0, v15;
	v2 =	vld [tilespmem:$0x2520]  }
0x214: {  	v10 =	vmov s22;
	v16 =	vadd.s32 v0, v6;
	v14 =	vld [tilespmem:s14+$0x20];
	[tilespmem:v5+s1+$0x0] =	vst.idx.msk $0xffff, v4;
	v5 =	vmov s20  }
0x215: {  	v13 =	vadd.s32 v0, v18;
	v24 =	vadd.s32 v1, v7;
	v5 =	vand.u32 $0x7F, v5;
	v20 =	vld [tilespmem:s24+$0x30]  }
0x216: {  	v18 =	vadd.s32 v1, v18;
	v21 =	vld [tilespmem:s14+$0xFFFFFFC0];
	v9 =	vadd.f32 v9, v3;
	v22 =	vadd.s32 v0, v5  }
0x217: {  	s26 =	simm.s32 $0x5;
	v15 =	vadd.s32 v1, v15;
	v23 =	vld [tilespmem:s14+$0xFFFFFFE0];
	v8 =	vadd.f32 v8, v3;
	v4 =	vand.u32 $0x7C, v10  }
0x218: {  	s28 =	simm.s32 $0x6;
	v19 =	vld [tilespmem:s14+$0x0];
	v10 =	vadd.f32 v11, v3;
	v11 =	vmov s26;
	[tilespmem:v12+s1+$0x0] =	vst.idx.msk $0xffff, v9;
	s20 =	simm.s32 $0x26C0;
	v17 =	vadd.s32 v0, v4  }
0x219: {  	v14 =	vadd.f32 v14, v3;
	v9 =	vmov s28;
	[tilespmem:v16+s1+$0x0] =	vst.idx.msk $0xffff, v8;
	v7 =	vand.u32 $0x7D, v11;
	v16 =	vld [tilespmem:s20+$0x20]  }
0x21a: {  	s22 =	simm.s32 $0x8;
	v9 =	vand.u32 $0x7E, v9;
	[tilespmem:v13+s1+$0x0] =	vst.idx.msk $0xffff, v10;
	v10 =	vadd.s32 v0, v7;
	v13 =	vld [tilespmem:s24+$0xFFFFFFF0];
	v25 =	vadd.f32 v20, v2  }
0x21b: {  	s31 =	simm.s32 $0xB;
	v8 =	vmov s22;
	v12 =	vadd.s32 v0, v9;
	v11 =	vld [tilespmem:s24+$0x10];
	v20 =	vadd.f32 v21, v3;
	[tilespmem:v22+s1+$0x0] =	vst.idx.msk $0xffff, v14  }
0x21c: {  	v8 =	vand.u32 $0x7C, v8;
	v21 =	vadd.f32 v23, v3;
	v14 =	vld [tilespmem:s24+$0xFFFFFFD0];
	v22 =	vmov s31;
	s24 =	simm.s32 $0xC;
	[tilespmem:v24+s1+$0x0] =	vst.idx.msk $0xffff, v25  }
.LBB2_12:
0x21d: {  	v22 =	vand.u32 $0x7F, v22;
	[tilespmem:v17+s1+$0x0] =	vst.idx.msk $0xffff, v20  }
0x21e: {  	p0 =	slt.u32 s24, $0x7C;
	s15 =	sadd.s32 $0x1, s22;
	v17 =	vadd.f32 v19, v3;
	v20 =	vld [tilespmem:s14+$0x30];
	v23 =	vadd.s32 v1, v6;
	v24 =	vmovc v9;
	v6 =	vmovc v4;
	v4 =	vmov v8  }
0x21f: {  	v25 =	vld [tilespmem:s20+$0xFFFFFFC0];
	v8 =	vmov s15;
	s15 =	sadd.s32 $0x2, s22;
	v26 =	vadd.s32 v0, v22;
	[tilespmem:v10+s1+$0x0] =	vst.idx.msk $0xffff, v21;
	v9 =	vadd.f32 v13, v2;
	s22 =	smov.u32 s24  }
0x220: {  	v27 =	vadd.s32 v1, v5;
	v5 =	vmovc v22;
	v21 =	vld [tilespmem:s20+$0xFFFFFFE0];
	v13 =	vmov s15;
	[tilespmem:v12+s1+$0x0] =	vst.idx.msk $0xffff, v17;
	v11 =	vadd.f32 v11, v2  }
.Ltmp5:
0x221: {  	v17 =	vadd.s32 v0, v4;
	v28 =	vand.u32 $0x7D, v8;
	v19 =	vld [tilespmem:s20+$0x0];
	v8 =	vadd.f32 v14, v2;
	[tilespmem:v15+s1+$0x0] =	vst.idx.msk $0xffff, v9;
	(pc) =	sbr.rel @p0 .LBB2_12-.Ltmp5, $4  }
0x222: {  	v10 =	vadd.s32 v0, v28;
	v9 =	vand.u32 $0x7E, v13;
	v14 =	vadd.f32 v16, v3;
	v13 =	vld [tilespmem:s14+$0xFFFFFFF0];
	[tilespmem:v18+s1+$0x0] =	vst.idx.msk $0xffff, v11  }
0x223: {  	v15 =	vmov s24;
	v12 =	vadd.s32 v0, v9;
	v11 =	vld [tilespmem:s14+$0x10];
	v29 =	vadd.f32 v20, v2;
	[tilespmem:v23+s1+$0x0] =	vst.idx.msk $0xffff, v8  }
0x224: {  	s15 =	sadd.s32 $0x3, s24;
	v8 =	vand.u32 $0x7C, v15;
	v15 =	vadd.s32 v1, v7;
	v20 =	vadd.f32 v25, v3;
	[tilespmem:v26+s1+$0x0] =	vst.idx.msk $0xffff, v14;
	v14 =	vld [tilespmem:s14+$0xFFFFFFD0];
	s14 =	smov.u32 s20;
	s20 =	sadd.s32 $0x80, s20  }
0x225: {  	v22 =	vmov s15;
	s24 =	sadd.s32 $0x4, s24;
	v18 =	vadd.s32 v1, v24;
	v7 =	vmovc v28;
	v16 =	vld [tilespmem:s20+$0x20];
	v21 =	vadd.f32 v21, v3;
	[tilespmem:v27+s1+$0x0] =	vst.idx.msk $0xffff, v29  }
0x226: {  	_ =	sdelay $0x2  }
0x227: {  	s15 =	sadd.s32 $0x1, s22;
	v22 =	vand.u32 $0x7F, v22;
	v19 =	vadd.f32 v19, v3  }
0x228: {  	[tilespmem:v17+s1+$0x0] =	vst.idx.msk $0xffff, v20;
	v6 =	vadd.s32 v1, v6;
	s22 =	sadd.s32 $0x2, s22;
	v23 =	vld [tilespmem:s20+$0xFFFFFFE0];
	v17 =	vmov s15;
	v20 =	vadd.s32 v0, v22  }
0x229: {  	v60 =	vld [tilespmem:s20+$0x0];
	[tilespmem:v10+s1+$0x0] =	vst.idx.msk $0xffff, v21;
	v10 =	vadd.f32 v13, v2;
	v13 =	vmov s22;
	v17 =	vand.u32 $0x7D, v17  }
0x22a: {  	v24 =	vld [tilespmem:s20+$0xFFFFFFC0];
	[tilespmem:v12+s1+$0x0] =	vst.idx.msk $0xffff, v19;
	v11 =	vadd.f32 v11, v2;
	v13 =	vand.u32 $0x7E, v13;
	v12 =	vadd.s32 v0, v17  }
0x22b: {  	v19 =	vld [tilespmem:s14+$0x30];
	v14 =	vadd.f32 v14, v2;
	[tilespmem:v15+s1+$0x0] =	vst.idx.msk $0xffff, v10;
	v10 =	vadd.s32 v0, v13  }
0x22c: {  	v15 =	vadd.s32 v0, v8;
	v16 =	vadd.f32 v16, v3;
	[tilespmem:v18+s1+$0x0] =	vst.idx.msk $0xffff, v11;
	v11 =	vld [tilespmem:s14+$0xFFFFFFF0]  }
0x22d: {  	v5 =	vadd.s32 v1, v5;
	v18 =	vld [tilespmem:s14+$0x10];
	[tilespmem:v6+s1+$0x0] =	vst.idx.msk $0xffff, v14;
	v6 =	vadd.f32 v23, v3  }
0x22e: {  	v7 =	vadd.s32 v1, v7;
	v14 =	vld [tilespmem:s14+$0xFFFFFFD0];
	[tilespmem:v20+s1+$0x0] =	vst.idx.msk $0xffff, v16;
	v16 =	vadd.f32 v60, v3  }
0x22f: {  	v9 =	vadd.s32 v1, v9;
	v3 =	vadd.f32 v24, v3;
	v20 =	vld [tilespmem:s20+$0x30];
	[tilespmem:v12+s1+$0x0] =	vst.idx.msk $0xffff, v6  }
0x230: {  	v4 =	vadd.s32 v1, v4;
	v6 =	vadd.f32 v19, v2;
	[tilespmem:v10+s1+$0x0] =	vst.idx.msk $0xffff, v16;
	v10 =	vld [tilespmem:s20+$0xFFFFFFF0]  }
0x231: {  	[tilespmem:v15+s1+$0x0] =	vst.idx.msk $0xffff, v3;
	v3 =	vadd.f32 v11, v2;
	v11 =	vadd.s32 v1, v22;
	v12 =	vld [tilespmem:s20+$0x10]  }
0x232: {  	v15 =	vadd.s32 v1, v17;
	[tilespmem:v5+s1+$0x0] =	vst.idx.msk $0xffff, v6;
	v5 =	vadd.f32 v18, v2;
	v6 =	vld [tilespmem:s20+$0xFFFFFFD0]  }
0x233: {  	v14 =	vadd.f32 v14, v2;
	[tilespmem:v7+s1+$0x0] =	vst.idx.msk $0xffff, v3;
	v3 =	vadd.s32 v1, v13  }
0x234: {  	v7 =	vadd.s32 v1, v8;
	[tilespmem:v9+s1+$0x0] =	vst.idx.msk $0xffff, v5;
	v5 =	vadd.f32 v20, v2  }
0x235: {  	[tilespmem:v4+s1+$0x0] =	vst.idx.msk $0xffff, v14;
	v4 =	vadd.f32 v10, v2  }
0x236: {  	[tilespmem:v11+s1+$0x0] =	vst.idx.msk $0xffff, v5;
	v5 =	vadd.f32 v12, v2  }
0x237: {  	v2 =	vadd.f32 v6, v2;
	[tilespmem:v15+s1+$0x0] =	vst.idx.msk $0xffff, v4  }
0x238: {  	[tilespmem:v3+s1+$0x0] =	vst.idx.msk $0xffff, v5  }
0x239: {  	[tilespmem:v7+s1+$0x0] =	vst.idx.msk $0xffff, v2  }
0x23a: {  	s14 =	simm.s32 $0x0;
	s20 =	rddreg [dreg:$0x5]  }
0x23b: {  	[hbm4b:s20+s14] =	stream.linear.scatter [tilespmem:s1], [sflag:$0x3], $0x80, $0x38;
	[tilespmem:$0xAB80] =	vst v63  }
0x23c: {  	s26 =	simm.s32 $0x6698;
	s24 =	sadd.s32 $0x10, s20  }
0x23d: {  	[hbm4b:s24+s14] =	stream.linear.scatter [tilespmem:s26], [sflag:$0x3], $0x80, $0x38;
	[tilespmem:$0xAB80] =	vst v63  }
0x23e: {  	s31 =	simm.s32 $0x67B0;
	s28 =	sadd.s32 $0x20, s20  }
0x23f: {  	[hbm4b:s28+s14] =	stream.linear.scatter [tilespmem:s31], [sflag:$0x3], $0x80, $0x38;
	[tilespmem:$0xAB80] =	vst v63  }
0x240: {  	s24 =	sadd.s32 $0x30, s20;
	s26 =	simm.s32 $0x68C8  }
0x241: {  	[hbm4b:s24+s14] =	stream.linear.scatter [tilespmem:s26], [sflag:$0x3], $0x80, $0x38;
	[tilespmem:$0xAB80] =	vst v63  }
0x242: {  	s28 =	sadd.s32 $0x40, s20;
	s31 =	simm.s32 $0x69E0  }
0x243: {  	[hbm4b:s28+s14] =	stream.linear.scatter [tilespmem:s31], [sflag:$0x3], $0x80, $0x38;
	[tilespmem:$0xAB80] =	vst v63  }
0x244: {  	s24 =	sadd.s32 $0x50, s20;
	s26 =	simm.s32 $0x6AF8  }
0x245: {  	[hbm4b:s24+s14] =	stream.linear.scatter [tilespmem:s26], [sflag:$0x3], $0x80, $0x38;
	[tilespmem:$0xAB80] =	vst v63  }
0x246: {  	s28 =	sadd.s32 $0x60, s20;
	s31 =	simm.s32 $0x6C10  }
0x247: {  	[hbm4b:s28+s14] =	stream.linear.scatter [tilespmem:s31], [sflag:$0x3], $0x80, $0x38;
	[tilespmem:$0xAB80] =	vst v63  }
0x248: {  	s22 =	sadd.s32 $0x70, s20;
	s24 =	simm.s32 $0x6D28  }
0x249: {  	[hbm4b:s22+s14] =	stream.linear.scatter [tilespmem:s24], [sflag:$0x3], $0x80, $0x38;
	[tilespmem:$0xAB80] =	vst v63  }
0x24a: {  	s20 =	rddreg [dreg:$0x6];
	s26 =	simm.s32 $0x6E40  }
0x24b: {  	[hbm4b:s20+s14] =	stream.linear.scatter [tilespmem:s26], [sflag:$0x3], $0x80, $0x38;
	[tilespmem:$0xAB80] =	vst v63  }
0x24c: {  	s28 =	sadd.s32 $0x10, s20;
	s31 =	simm.s32 $0x6F58  }
0x24d: {  	[hbm4b:s28+s14] =	stream.linear.scatter [tilespmem:s31], [sflag:$0x3], $0x80, $0x38;
	[tilespmem:$0xAB80] =	vst v63  }
0x24e: {  	s24 =	sadd.s32 $0x20, s20;
	s26 =	simm.s32 $0x7070  }
0x24f: {  	[hbm4b:s24+s14] =	stream.linear.scatter [tilespmem:s26], [sflag:$0x3], $0x80, $0x38;
	[tilespmem:$0xAB80] =	vst v63  }
0x250: {  	s28 =	sadd.s32 $0x30, s20;
	s31 =	simm.s32 $0x7188  }
0x251: {  	[hbm4b:s28+s14] =	stream.linear.scatter [tilespmem:s31], [sflag:$0x3], $0x80, $0x38;
	[tilespmem:$0xAB80] =	vst v63  }
0x252: {  	s24 =	sadd.s32 $0x40, s20;
	s26 =	simm.s32 $0x72A0  }
0x253: {  	[hbm4b:s24+s14] =	stream.linear.scatter [tilespmem:s26], [sflag:$0x3], $0x80, $0x38;
	[tilespmem:$0xAB80] =	vst v63  }
0x254: {  	s28 =	sadd.s32 $0x50, s20;
	s31 =	simm.s32 $0x73B8  }
0x255: {  	[hbm4b:s28+s14] =	stream.linear.scatter [tilespmem:s31], [sflag:$0x3], $0x80, $0x38;
	[tilespmem:$0xAB80] =	vst v63  }
0x256: {  	s24 =	sadd.s32 $0x60, s20;
	s26 =	simm.s32 $0x74D0  }
0x257: {  	[hbm4b:s24+s14] =	stream.linear.scatter [tilespmem:s26], [sflag:$0x3], $0x80, $0x38;
	[tilespmem:$0xAB80] =	vst v63  }
0x258: {  	s28 =	sadd.s32 $0x70, s20;
	s31 =	simm.s32 $0x75E8  }
0x259: {  	[hbm4b:s28+s14] =	stream.linear.scatter [tilespmem:s31], [sflag:$0x3], $0x80, $0x38;
	[tilespmem:$0xAB80] =	vst v63  }
0x25a: {  	s22 =	simm.s32 $0x7700;
	s20 =	rddreg [dreg:$0x7]  }
0x25b: {  	[hbm4b:s20+s14] =	stream.linear.scatter [tilespmem:s22], [sflag:$0x3], $0x80, $0x38;
	[tilespmem:$0xAB80] =	vst v63  }
0x25c: {  	s24 =	sadd.s32 $0x10, s20;
	s26 =	simm.s32 $0x7818  }
0x25d: {  	[hbm4b:s24+s14] =	stream.linear.scatter [tilespmem:s26], [sflag:$0x3], $0x80, $0x38;
	[tilespmem:$0xAB80] =	vst v63  }
0x25e: {  	s28 =	sadd.s32 $0x20, s20;
	s31 =	simm.s32 $0x7930  }
0x25f: {  	[hbm4b:s28+s14] =	stream.linear.scatter [tilespmem:s31], [sflag:$0x3], $0x80, $0x38;
	[tilespmem:$0xAB80] =	vst v63  }
0x260: {  	s24 =	sadd.s32 $0x30, s20;
	s26 =	simm.s32 $0x7A48  }
0x261: {  	[hbm4b:s24+s14] =	stream.linear.scatter [tilespmem:s26], [sflag:$0x3], $0x80, $0x38;
	[tilespmem:$0xAB80] =	vst v63  }
0x262: {  	s28 =	sadd.s32 $0x40, s20;
	s31 =	simm.s32 $0x7B60  }
0x263: {  	[hbm4b:s28+s14] =	stream.linear.scatter [tilespmem:s31], [sflag:$0x3], $0x80, $0x38;
	[tilespmem:$0xAB80] =	vst v63  }
0x264: {  	s24 =	sadd.s32 $0x50, s20;
	s26 =	simm.s32 $0x7C78  }
0x265: {  	[hbm4b:s24+s14] =	stream.linear.scatter [tilespmem:s26], [sflag:$0x3], $0x80, $0x38;
	[tilespmem:$0xAB80] =	vst v63  }
0x266: {  	s28 =	sadd.s32 $0x60, s20;
	s31 =	simm.s32 $0x7D90  }
0x267: {  	[hbm4b:s28+s14] =	stream.linear.scatter [tilespmem:s31], [sflag:$0x3], $0x80, $0x38;
	[tilespmem:$0xAB80] =	vst v63  }
0x268: {  	s22 =	sadd.s32 $0x70, s20;
	s24 =	simm.s32 $0x7EA8  }
0x269: {  	[hbm4b:s22+s14] =	stream.linear.scatter [tilespmem:s24], [sflag:$0x3], $0x80, $0x38;
	[tilespmem:$0xAB80] =	vst v63  }
0x26a: {  	s20 =	rddreg [dreg:$0x8];
	s26 =	simm.s32 $0x7FC0  }
0x26b: {  	[hbm4b:s20+s14] =	stream.linear.scatter [tilespmem:s26], [sflag:$0x3], $0x80, $0x38;
	[tilespmem:$0xAB80] =	vst v63  }
0x26c: {  	s28 =	sadd.s32 $0x10, s20;
	s31 =	simm.s32 $0x80D8  }
0x26d: {  	[hbm4b:s28+s14] =	stream.linear.scatter [tilespmem:s31], [sflag:$0x3], $0x80, $0x38;
	[tilespmem:$0xAB80] =	vst v63  }
0x26e: {  	s24 =	sadd.s32 $0x20, s20;
	s26 =	simm.s32 $0x81F0  }
0x26f: {  	[hbm4b:s24+s14] =	stream.linear.scatter [tilespmem:s26], [sflag:$0x3], $0x80, $0x38;
	[tilespmem:$0xAB80] =	vst v63  }
0x270: {  	s28 =	sadd.s32 $0x30, s20;
	s31 =	simm.s32 $0x8308  }
0x271: {  	[hbm4b:s28+s14] =	stream.linear.scatter [tilespmem:s31], [sflag:$0x3], $0x80, $0x38;
	[tilespmem:$0xAB80] =	vst v63  }
0x272: {  	s24 =	sadd.s32 $0x40, s20;
	s26 =	simm.s32 $0x8420  }
0x273: {  	[hbm4b:s24+s14] =	stream.linear.scatter [tilespmem:s26], [sflag:$0x3], $0x80, $0x38;
	[tilespmem:$0xAB80] =	vst v63  }
0x274: {  	s28 =	sadd.s32 $0x50, s20;
	s31 =	simm.s32 $0x8538  }
0x275: {  	[hbm4b:s28+s14] =	stream.linear.scatter [tilespmem:s31], [sflag:$0x3], $0x80, $0x38;
	[tilespmem:$0xAB80] =	vst v63  }
0x276: {  	s24 =	sadd.s32 $0x60, s20;
	s26 =	simm.s32 $0x8650;
	s31 =	simm.s32 $0x3  }
0x277: {  	[hbm4b:s24+s14] =	stream.linear.scatter [tilespmem:s26], [sflag:$0x3], $0x80, $0x38;
	[tilespmem:$0xAB80] =	vst v63  }
0x278: {  	s28 =	sadd.s32 $0x70, s20;
	v2 =	vmov s31;
	s24 =	simm.s32 $0x8768  }
0x279: {  	v3 =	vmov s14;
	v4 =	vadd.s32 $0x88, v2;
	[hbm4b:s28+s14] =	stream.linear.scatter [tilespmem:s24], [sflag:$0x3], $0x80, $0x38;
	[tilespmem:$0xAB80] =	vst v63  }
0x27a: {  	v3 =	vadd.s32 $0x88, v3;
	s20 =	simm.s32 $0x35F0;
	s26 =	simm.s32 $0x1;
	v4 =	vand.u32 $0x1FF, v4;
	v2 =	vld [tilespmem:$0x2550]  }
0x27b: {  	v3 =	vand.u32 $0x1FC, v3;
	v5 =	vmov s26;
	s28 =	simm.s32 $0x2;
	v4 =	vbroadcast v4, $0x0;
	v6 =	vld [tilespmem:s20+$0xFFFFFFF0]  }
0x27c: {  	v8 =	vbroadcast v3, $0x0;
	v5 =	vadd.s32 $0x88, v5;
	v7 =	vmov s28;
	v9 =	vld [tilespmem:s20+$0xFFFFFF90]  }
0x27d: {  	v3 =	vand.u32 $0x1FD, v5;
	v5 =	vadd.s32 $0x88, v7;
	v11 =	vadd.s32 v0, v4  }
0x27e: {  	v10 =	vbroadcast v3, $0x0;
	v3 =	vand.u32 $0x1FE, v5;
	v5 =	vadd.s32 v0, v8  }
0x27f: {  	v7 =	vld [tilespmem:s20+$0xFFFFFFB0]  }
0x280: {  	s31 =	simm.s32 $0x4;
	v6 =	vadd.f32 v6, v2  }
0x281: {  	v15 =	vmov s31;
	v12 =	vld [tilespmem:s20+$0xFFFFFFD0];
	v14 =	vadd.s32 v0, v10;
	v9 =	vadd.f32 v9, v2  }
0x282: {  	s15 =	simm.s32 $0x5;
	v15 =	vadd.s32 $0x88, v15;
	s24 =	simm.s32 $0x7;
	v13 =	vbroadcast v3, $0x0;
	v3 =	vld [tilespmem:$0x2560];
	[tilespmem:v11+s1+$0x0] =	vst.idx.msk $0xffff, v6  }
0x283: {  	v17 =	vmov s15;
	v11 =	vand.u32 $0x1FC, v15;
	v15 =	vmov s24;
	[tilespmem:v5+s1+$0x0] =	vst.idx.msk $0xffff, v9  }
0x284: {  	v16 =	vadd.s32 v0, v13;
	v7 =	vadd.f32 v7, v2;
	v5 =	vadd.s32 $0x88, v15;
	v15 =	vld [tilespmem:s20+$0xFFFFFFA0]  }
0x285: {  	v17 =	vadd.s32 $0x88, v17;
	v19 =	vadd.s32 v1, v8;
	s22 =	simm.s32 $0x6;
	s14 =	simm.s32 $0x3670;
	v9 =	vld [tilespmem:s20+$0x0]  }
0x286: {  	v18 =	vadd.s32 v1, v4;
	v6 =	vmov s22;
	[tilespmem:v14+s1+$0x0] =	vst.idx.msk $0xffff, v7;
	v4 =	vbroadcast v11, $0x0;
	v11 =	vld [tilespmem:s14+$0xFFFFFFF0]  }
0x287: {  	v12 =	vadd.f32 v12, v2;
	v6 =	vadd.s32 $0x88, v6;
	v5 =	vand.u32 $0x1FF, v5;
	v14 =	vld [tilespmem:s20+$0xFFFFFFC0]  }
0x288: {  	v7 =	vand.u32 $0x1FD, v17;
	v17 =	vadd.s32 v1, v10;
	v5 =	vbroadcast v5, $0x0  }
0x289: {  	v20 =	vld [tilespmem:s14+$0xFFFFFF90];
	v8 =	vand.u32 $0x1FE, v6;
	v6 =	vbroadcast v7, $0x0;
	[tilespmem:v16+s1+$0x0] =	vst.idx.msk $0xffff, v12;
	v12 =	vadd.f32 v15, v3  }
0x28a: {  	v61 =	vld [tilespmem:s14+$0xFFFFFFB0];
	v10 =	vadd.s32 v0, v4;
	v62 =	vadd.s32 v0, v5  }
0x28b: {  	v7 =	vbroadcast v8, $0x0;
	v8 =	vadd.s32 v0, v6;
	v9 =	vadd.f32 v9, v3;
	[tilespmem:v19+s1+$0x0] =	vst.idx.msk $0xffff, v12;
	v12 =	vld [tilespmem:s14+$0xFFFFFFD0]  }
0x28c: {  	s26 =	simm.s32 $0x8;
	v63 =	vadd.f32 v11, v2;
	v11 =	vadd.s32 v1, v13;
	v13 =	vld [tilespmem:s20+$0xFFFFFFE0];
	v15 =	vadd.f32 v14, v3  }
0x28d: {  	v14 =	vmov s26;
	[tilespmem:v18+s1+$0x0] =	vst.idx.msk $0xffff, v9;
	v9 =	vadd.s32 v0, v7  }
0x28e: {  	s31 =	simm.s32 $0xA;
	s28 =	simm.s32 $0x9;
	v16 =	vadd.s32 $0x88, v14;
	v14 =	vadd.f32 v20, v2;
	[tilespmem:v17+s1+$0x0] =	vst.idx.msk $0xffff, v15  }
0x28f: {  	s24 =	simm.s32 $0xB;
	s22 =	simm.s32 $0xC;
	s20 =	simm.s32 $0x3670;
	v18 =	vmov s28;
	v17 =	vmov s31;
	v15 =	vadd.f32 v61, v2;
	[tilespmem:v62+s1+$0x0] =	vst.idx.msk $0xffff, v63  }
.LBB2_14:
0x290: {  	p0 =	slt.u32 s22, $0x7C;
	v16 =	vand.u32 $0x1FC, v16;
	v19 =	vmov s24;
	[tilespmem:v10+s1+$0x0] =	vst.idx.msk $0xffff, v14;
	v10 =	vadd.f32 v12, v2;
	v12 =	vld [tilespmem:s14+$0x0]  }
0x291: {  	v14 =	vadd.s32 $0x88, v18;
	v18 =	vadd.s32 $0x88, v19;
	v19 =	vld [tilespmem:s14+$0xFFFFFFA0];
	[tilespmem:v8+s1+$0x0] =	vst.idx.msk $0xffff, v15;
	v8 =	vadd.f32 v13, v3  }
0x292: {  	v13 =	vadd.s32 $0x88, v17;
	s14 =	sadd.s32 $0x80, s14;
	v15 =	vand.u32 $0x1FF, v18;
	v17 =	vld [tilespmem:s20+$0xFFFFFFC0];
	[tilespmem:v9+s1+$0x0] =	vst.idx.msk $0xffff, v10;
	v9 =	vadd.s32 v1, v5  }
0x293: {  	v18 =	vld [tilespmem:s14+$0xFFFFFFF0];
	v5 =	vbroadcast v15, $0x0;
	v15 =	vadd.s32 v1, v4;
	v4 =	vbroadcast v16, $0x0;
	[tilespmem:v11+s1+$0x0] =	vst.idx.msk $0xffff, v8  }
0x294: {  	v20 =	vadd.s32 v1, v6;
	v13 =	vand.u32 $0x1FE, v13;
	v8 =	vand.u32 $0x1FD, v14;
	v11 =	vld [tilespmem:s14+$0xFFFFFF90]  }
0x295: {  	v6 =	vbroadcast v8, $0x0;
	v21 =	vld [tilespmem:s14+$0xFFFFFFB0];
	v22 =	vadd.s32 v0, v5;
	v14 =	vadd.f32 v12, v3  }
.Ltmp6:
0x296: {  	v23 =	vbroadcast v13, $0x0;
	v10 =	vadd.s32 v0, v4;
	v12 =	vld [tilespmem:s14+$0xFFFFFFD0];
	v16 =	vadd.f32 v19, v3;
	(pc) =	sbr.rel @p0 .LBB2_14-.Ltmp6, $4  }
0x297: {  	v8 =	vadd.s32 v0, v6;
	v17 =	vadd.f32 v17, v3;
	v13 =	vld [tilespmem:s20+$0xFFFFFFE0];
	[tilespmem:v9+s1+$0x0] =	vst.idx.msk $0xffff, v14;
	s20 =	smov.u32 s14  }
0x298: {  	v14 =	vmov s22;
	v9 =	vadd.s32 v0, v23;
	v19 =	vadd.f32 v18, v2;
	[tilespmem:v15+s1+$0x0] =	vst.idx.msk $0xffff, v16  }
0x299: {  	s15 =	sadd.s32 $0x1, s22;
	s24 =	sadd.s32 $0x2, s22;
	v16 =	vadd.s32 $0x88, v14;
	v14 =	vadd.f32 v11, v2;
	[tilespmem:v20+s1+$0x0] =	vst.idx.msk $0xffff, v17;
	v11 =	vadd.s32 v1, v7  }
0x29a: {  	v18 =	vmov s15;
	v17 =	vmov s24;
	s24 =	sadd.s32 $0x3, s22;
	s22 =	sadd.s32 $0x4, s22;
	v7 =	vmovc v23;
	v15 =	vadd.f32 v21, v2;
	[tilespmem:v22+s1+$0x0] =	vst.idx.msk $0xffff, v19  }
0x29b: {  	v19 =	vmov s24  }
0x29c: {  	s15 =	sadd.s32 $0x80, s14;
	v16 =	vand.u32 $0x1FC, v16;
	v19 =	vadd.s32 $0x88, v19  }
0x29d: {  	v18 =	vadd.s32 $0x88, v18;
	v16 =	vbroadcast v16, $0x0;
	v21 =	vld [tilespmem:s15+$0xFFFFFF90];
	v19 =	vand.u32 $0x1FF, v19  }
0x29e: {  	v17 =	vadd.s32 $0x88, v17;
	v20 =	vld [tilespmem:s15+$0xFFFFFFF0];
	v18 =	vand.u32 $0x1FD, v18;
	v19 =	vbroadcast v19, $0x0  }
0x29f: {  	v17 =	vand.u32 $0x1FE, v17;
	v22 =	vld [tilespmem:s15+$0xFFFFFFB0];
	v18 =	vbroadcast v18, $0x0;
	v42 =	vadd.s32 v0, v16  }
0x2a0: {  	[tilespmem:v10+s1+$0x0] =	vst.idx.msk $0xffff, v14;
	v41 =	vadd.f32 v12, v2;
	v43 =	vld [tilespmem:s15+$0xFFFFFFD0];
	v17 =	vbroadcast v17, $0x0;
	v23 =	vadd.s32 v0, v19  }
0x2a1: {  	v24 =	vld [tilespmem:s14+$0x0];
	[tilespmem:v8+s1+$0x0] =	vst.idx.msk $0xffff, v15;
	v44 =	vadd.f32 v13, v3;
	v45 =	vadd.s32 v0, v18  }
0x2a2: {  	v46 =	vld [tilespmem:s14+$0xFFFFFFA0];
	[tilespmem:v9+s1+$0x0] =	vst.idx.msk $0xffff, v41;
	v47 =	vadd.s32 v0, v17;
	v50 =	vadd.f32 v21, v2  }
0x2a3: {  	v5 =	vadd.s32 v1, v5;
	v49 =	vld [tilespmem:s20+$0xFFFFFFC0];
	[tilespmem:v11+s1+$0x0] =	vst.idx.msk $0xffff, v44;
	v48 =	vadd.f32 v20, v2  }
0x2a4: {  	v4 =	vadd.s32 v1, v4;
	v51 =	vld [tilespmem:s20+$0xFFFFFFE0];
	v52 =	vadd.f32 v22, v2;
	[tilespmem:v42+s1+$0x0] =	vst.idx.msk $0xffff, v50  }
0x2a5: {  	v6 =	vadd.s32 v1, v6;
	v2 =	vadd.f32 v43, v2;
	v55 =	vld [tilespmem:s15+$0xFFFFFFA0];
	[tilespmem:v23+s1+$0x0] =	vst.idx.msk $0xffff, v48  }
0x2a6: {  	v7 =	vadd.s32 v1, v7;
	v54 =	vadd.f32 v24, v3;
	[tilespmem:v45+s1+$0x0] =	vst.idx.msk $0xffff, v52;
	v53 =	vld [tilespmem:s15+$0x0]  }
0x2a7: {  	v57 =	vadd.s32 v1, v16;
	v56 =	vadd.f32 v46, v3;
	[tilespmem:v47+s1+$0x0] =	vst.idx.msk $0xffff, v2;
	v13 =	vld [tilespmem:s15+$0xFFFFFFC0]  }
0x2a8: {  	v8 =	vadd.f32 v49, v3;
	[tilespmem:v5+s1+$0x0] =	vst.idx.msk $0xffff, v54;
	v2 =	vadd.s32 v1, v19;
	v9 =	vld [tilespmem:s15+$0xFFFFFFE0]  }
0x2a9: {  	v59 =	vadd.s32 v1, v18;
	[tilespmem:v4+s1+$0x0] =	vst.idx.msk $0xffff, v56;
	v58 =	vadd.f32 v51, v3  }
0x2aa: {  	v61 =	vadd.s32 v1, v17;
	[tilespmem:v6+s1+$0x0] =	vst.idx.msk $0xffff, v8;
	v62 =	vadd.f32 v55, v3  }
0x2ab: {  	[tilespmem:v7+s1+$0x0] =	vst.idx.msk $0xffff, v58;
	v60 =	vadd.f32 v53, v3  }
0x2ac: {  	v63 =	vadd.f32 v13, v3;
	[tilespmem:v57+s1+$0x0] =	vst.idx.msk $0xffff, v62  }
0x2ad: {  	[tilespmem:v2+s1+$0x0] =	vst.idx.msk $0xffff, v60;
	v2 =	vadd.f32 v9, v3  }
0x2ae: {  	[tilespmem:v59+s1+$0x0] =	vst.idx.msk $0xffff, v63  }
0x2af: {  	[tilespmem:v61+s1+$0x0] =	vst.idx.msk $0xffff, v2  }
0x2b0: {  	s31 =	simm.s32 $0x6608;
	s15 =	rddreg [dreg:$0x9]  }
0x2b1: {  	[hbm4b:s15+s2] =	stream.linear.scatter [tilespmem:s31], [sflag:$0x3], $0x80, $0x38;
	[tilespmem:$0xAB80] =	vst v63  }
0x2b2: {  	s22 =	simm.s32 $0x6720;
	s20 =	sadd.s32 $0x10, s15  }
0x2b3: {  	[hbm4b:s20+s2] =	stream.linear.scatter [tilespmem:s22], [sflag:$0x3], $0x80, $0x38;
	[tilespmem:$0xAB80] =	vst v63  }
0x2b4: {  	s26 =	simm.s32 $0x6838;
	s24 =	sadd.s32 $0x20, s15  }
0x2b5: {  	[hbm4b:s24+s2] =	stream.linear.scatter [tilespmem:s26], [sflag:$0x3], $0x80, $0x38;
	[tilespmem:$0xAB80] =	vst v63  }
0x2b6: {  	s28 =	sadd.s32 $0x30, s15;
	s31 =	simm.s32 $0x6950  }
0x2b7: {  	[hbm4b:s28+s2] =	stream.linear.scatter [tilespmem:s31], [sflag:$0x3], $0x80, $0x38;
	[tilespmem:$0xAB80] =	vst v63  }
0x2b8: {  	s20 =	sadd.s32 $0x40, s15;
	s22 =	simm.s32 $0x6A68  }
0x2b9: {  	[hbm4b:s20+s2] =	stream.linear.scatter [tilespmem:s22], [sflag:$0x3], $0x80, $0x38;
	[tilespmem:$0xAB80] =	vst v63  }
0x2ba: {  	s24 =	sadd.s32 $0x50, s15;
	s26 =	simm.s32 $0x6B80  }
0x2bb: {  	[hbm4b:s24+s2] =	stream.linear.scatter [tilespmem:s26], [sflag:$0x3], $0x80, $0x38;
	[tilespmem:$0xAB80] =	vst v63  }
0x2bc: {  	s28 =	sadd.s32 $0x60, s15;
	s31 =	simm.s32 $0x6C98  }
0x2bd: {  	[hbm4b:s28+s2] =	stream.linear.scatter [tilespmem:s31], [sflag:$0x3], $0x80, $0x38;
	[tilespmem:$0xAB80] =	vst v63  }
0x2be: {  	s15 =	sadd.s32 $0x70, s15;
	s20 =	simm.s32 $0x6DB0  }
0x2bf: {  	[hbm4b:s15+s2] =	stream.linear.scatter [tilespmem:s20], [sflag:$0x3], $0x80, $0x38;
	[tilespmem:$0xAB80] =	vst v63  }
0x2c0: {  	s22 =	simm.s32 $0x6EC8;
	s15 =	rddreg [dreg:$0xa]  }
0x2c1: {  	[hbm4b:s15+s2] =	stream.linear.scatter [tilespmem:s22], [sflag:$0x3], $0x80, $0x38;
	[tilespmem:$0xAB80] =	vst v63  }
0x2c2: {  	s26 =	simm.s32 $0x6FE0;
	s24 =	sadd.s32 $0x10, s15  }
0x2c3: {  	[hbm4b:s24+s2] =	stream.linear.scatter [tilespmem:s26], [sflag:$0x3], $0x80, $0x38;
	[tilespmem:$0xAB80] =	vst v63  }
0x2c4: {  	s31 =	simm.s32 $0x70F8;
	s28 =	sadd.s32 $0x20, s15  }
0x2c5: {  	[hbm4b:s28+s2] =	stream.linear.scatter [tilespmem:s31], [sflag:$0x3], $0x80, $0x38;
	[tilespmem:$0xAB80] =	vst v63  }
0x2c6: {  	s20 =	sadd.s32 $0x30, s15;
	s22 =	simm.s32 $0x7210  }
0x2c7: {  	[hbm4b:s20+s2] =	stream.linear.scatter [tilespmem:s22], [sflag:$0x3], $0x80, $0x38;
	[tilespmem:$0xAB80] =	vst v63  }
0x2c8: {  	s24 =	sadd.s32 $0x40, s15;
	s26 =	simm.s32 $0x7328  }
0x2c9: {  	[hbm4b:s24+s2] =	stream.linear.scatter [tilespmem:s26], [sflag:$0x3], $0x80, $0x38;
	[tilespmem:$0xAB80] =	vst v63  }
0x2ca: {  	s28 =	sadd.s32 $0x50, s15;
	s31 =	simm.s32 $0x7440  }
0x2cb: {  	[hbm4b:s28+s2] =	stream.linear.scatter [tilespmem:s31], [sflag:$0x3], $0x80, $0x38;
	[tilespmem:$0xAB80] =	vst v63  }
0x2cc: {  	s22 =	sadd.s32 $0x60, s15;
	s24 =	simm.s32 $0x7558  }
0x2cd: {  	[hbm4b:s22+s2] =	stream.linear.scatter [tilespmem:s24], [sflag:$0x3], $0x80, $0x38;
	[tilespmem:$0xAB80] =	vst v63  }
0x2ce: {  	s26 =	sadd.s32 $0x70, s15;
	s28 =	simm.s32 $0x7670  }
0x2cf: {  	[hbm4b:s26+s2] =	stream.linear.scatter [tilespmem:s28], [sflag:$0x3], $0x80, $0x38;
	[tilespmem:$0xAB80] =	vst v63  }
0x2d0: {  	s15 =	rddreg [dreg:$0xb];
	s31 =	simm.s32 $0x7788  }
0x2d1: {  	[hbm4b:s15+s2] =	stream.linear.scatter [tilespmem:s31], [sflag:$0x3], $0x80, $0x38;
	[tilespmem:$0xAB80] =	vst v63  }
0x2d2: {  	s20 =	sadd.s32 $0x10, s15;
	s22 =	simm.s32 $0x78A0  }
0x2d3: {  	[hbm4b:s20+s2] =	stream.linear.scatter [tilespmem:s22], [sflag:$0x3], $0x80, $0x38;
	[tilespmem:$0xAB80] =	vst v63  }
0x2d4: {  	s24 =	sadd.s32 $0x20, s15;
	s26 =	simm.s32 $0x79B8  }
0x2d5: {  	[hbm4b:s24+s2] =	stream.linear.scatter [tilespmem:s26], [sflag:$0x3], $0x80, $0x38;
	[tilespmem:$0xAB80] =	vst v63  }
0x2d6: {  	s28 =	sadd.s32 $0x30, s15;
	s31 =	simm.s32 $0x7AD0  }
0x2d7: {  	[hbm4b:s28+s2] =	stream.linear.scatter [tilespmem:s31], [sflag:$0x3], $0x80, $0x38;
	[tilespmem:$0xAB80] =	vst v63  }
0x2d8: {  	s20 =	sadd.s32 $0x40, s15;
	s22 =	simm.s32 $0x7BE8  }
0x2d9: {  	[hbm4b:s20+s2] =	stream.linear.scatter [tilespmem:s22], [sflag:$0x3], $0x80, $0x38;
	[tilespmem:$0xAB80] =	vst v63  }
0x2da: {  	s24 =	sadd.s32 $0x50, s15;
	s26 =	simm.s32 $0x7D00  }
0x2db: {  	[hbm4b:s24+s2] =	stream.linear.scatter [tilespmem:s26], [sflag:$0x3], $0x80, $0x38;
	[tilespmem:$0xAB80] =	vst v63  }
0x2dc: {  	s28 =	sadd.s32 $0x60, s15;
	s31 =	simm.s32 $0x7E18  }
0x2dd: {  	[hbm4b:s28+s2] =	stream.linear.scatter [tilespmem:s31], [sflag:$0x3], $0x80, $0x38;
	[tilespmem:$0xAB80] =	vst v63  }
0x2de: {  	s15 =	sadd.s32 $0x70, s15;
	s20 =	simm.s32 $0x7F30  }
0x2df: {  	[hbm4b:s15+s2] =	stream.linear.scatter [tilespmem:s20], [sflag:$0x3], $0x80, $0x38;
	[tilespmem:$0xAB80] =	vst v63  }
0x2e0: {  	s22 =	simm.s32 $0x8048;
	s15 =	rddreg [dreg:$0xc]  }
0x2e1: {  	[hbm4b:s15+s2] =	stream.linear.scatter [tilespmem:s22], [sflag:$0x3], $0x80, $0x38;
	[tilespmem:$0xAB80] =	vst v63  }
0x2e2: {  	s26 =	simm.s32 $0x8160;
	s24 =	sadd.s32 $0x10, s15  }
0x2e3: {  	[hbm4b:s24+s2] =	stream.linear.scatter [tilespmem:s26], [sflag:$0x3], $0x80, $0x38;
	[tilespmem:$0xAB80] =	vst v63  }
0x2e4: {  	s31 =	simm.s32 $0x8278;
	s28 =	sadd.s32 $0x20, s15  }
0x2e5: {  	[hbm4b:s28+s2] =	stream.linear.scatter [tilespmem:s31], [sflag:$0x3], $0x80, $0x38;
	[tilespmem:$0xAB80] =	vst v63  }
0x2e6: {  	s20 =	sadd.s32 $0x30, s15;
	s22 =	simm.s32 $0x8390  }
0x2e7: {  	[hbm4b:s20+s2] =	stream.linear.scatter [tilespmem:s22], [sflag:$0x3], $0x80, $0x38;
	[tilespmem:$0xAB80] =	vst v63  }
0x2e8: {  	s24 =	sadd.s32 $0x40, s15;
	s26 =	simm.s32 $0x84A8  }
0x2e9: {  	[hbm4b:s24+s2] =	stream.linear.scatter [tilespmem:s26], [sflag:$0x3], $0x80, $0x38;
	[tilespmem:$0xAB80] =	vst v63  }
0x2ea: {  	s28 =	sadd.s32 $0x50, s15;
	s31 =	simm.s32 $0x85C0  }
0x2eb: {  	[hbm4b:s28+s2] =	stream.linear.scatter [tilespmem:s31], [sflag:$0x3], $0x80, $0x38;
	[tilespmem:$0xAB80] =	vst v63  }
0x2ec: {  	s20 =	sadd.s32 $0x60, s15;
	s22 =	simm.s32 $0x86D8  }
0x2ed: {  	[hbm4b:s20+s2] =	stream.linear.scatter [tilespmem:s22], [sflag:$0x3], $0x80, $0x38;
	[tilespmem:$0xAB80] =	vst v63  }
0x2ee: {  	s24 =	sadd.s32 $0x70, s15;
	s26 =	simm.s32 $0x87F0  }
0x2ef: {  	[hbm4b:s24+s2] =	stream.linear.scatter [tilespmem:s26], [sflag:$0x3], $0x80, $0x38;
	[tilespmem:$0xAB80] =	vst v63  }
0x2f0: {  	_ =	swait.ge [sflag:s13], $0x2000  }
0x2f1: {  	[sflag:s13] =	ssyncset.done $0x0  }
0x2f2: {  	[sflag:s13] =	ssyncadd.s32 $0xFFFFE000  }
0x2f3: {  	_ =	swait.ge [sflag:s25], $0x2000  }
0x2f4: {  	s28 =	rddreg [dreg:$0xe]  }
0x2f5: {  	s31 =	rddreg [dreg:$0xd];
	s15 =	sadd.s32 $0x1, s28  }
0x2f6: {  	p0 =	sne.s32 s15, s31  }
.Ltmp7:
0x2f7: {  	_ = 	snop;
	(pc) =	sbr.rel @p0 .LBB2_1-.Ltmp7, $3  }
0x2f8: {  	_ =	sdelay $0x1  }
0x2f9: {  	[sflag:s25] =	ssyncset.done $0x0  }
0x2fa: {  	[sflag:s25] =	ssyncadd.s32 $0xFFFFE000  }
0x2fb: {  	_ =	sfence.sel $0x180000  }
0x2fc: {  	[bflag:$0x0] =	sbarrier.arrive $0xFFFF  }
0x2fd: {  	_ =	strace $0x9000004A  }
0x2fe: {  	s0 =	stileid.u32;
	[bflag:$0x2] =	sbarrier.arrive $0xFFFF  }
0x2ff: {  	p0 =	sne.s32 s0, $0x0;
	s0 =	rddreg [dreg:$0x2]  }
0x300: {  	s0 =	sadd.s32 @!p0 $0x100000, s0  }
0x301: {  	[sflag:s0] =	ssyncadd.tile.s32 @!p0 $0x1;
	_ =	shalt  }
.Lfunc_end2:
_tile_overlayer_lowered:
.L_overlay_start_2:
0x302: {  	(tag) =	ssettag $0x2  }
0x303: {  	s0 =	rddreg [dreg:$0x0];
	s2 =	stileid.u32  }
0x304: {  	s1 =	rddreg [dreg:$0x1];
	p0 =	sne.s32 s2, $0x0  }
0x305: {  	s3 =	rddreg [dreg:$0x2];
	[bflag:$0x3] =	sbarrier.arrive $0xFFFF;
	s2 =	simm.s32 @!p0 $0x1C05  }
0x306: {  	[timem:s3], [sflag:s2] =	dma.local @!p0 [hbm:s0], s1  }
0x307: {  	s0 =	simm.s32 @!p0 $0x5  }
0x308: {  	_ =	swait.ge @!p0 [sflag:s0], s1  }
0x309: {  	s1 =	ssub.s32 @!p0 $0x0, s1;
	[sflag:s0] =	ssyncset.done @!p0 $0x0  }
0x30a: {  	[sflag:s0] =	ssyncadd.s32 @!p0 s1  }
0x30b: {  	[bflag:$0x3] =	sbarrier.arrive $0xFFFF  }
0x30c: {  	_ =	shalt  }

</sc_bundles>
